<compile_context>
chip_gen: v7x
topology: tpu7x:2x2x1
jax: 0.10.2.dev20260603
libtpu: 0.0.44.dev20260713+nightly
codegen_flags: <defaults>
</compile_context>

<pallas_src>
import functools

import jax
import jax.numpy as jnp
from jax import lax
from jax.experimental import pallas as pl
from jax.experimental.pallas import tpu as pltpu
from jax.experimental.pallas import tpu_sc as plsc

N = 10000
NP = 10240
D_IN = 128
HID = 256
NCLS = 16
E = 320000
NW = 32
K = 128
CH = 80
EP = NW * CH * K
ROWS = NP // 16
BM = 1024

_mesh = plsc.VectorSubcoreMesh(core_axis_name="c", subcore_axis_name="s")
_sc_params = pltpu.CompilerParams(use_tc_tiling_on_sc=False,
                                  needs_layout_passes=False)


@functools.partial(
    pl.kernel,
    out_type=jax.ShapeDtypeStruct((2, NP // 128, 128), jnp.float32),
    mesh=_mesh,
    scratch_types=[
        pltpu.VMEM((CH, K), jnp.int32),
        pltpu.VMEM((K, 8), jnp.float32),
        pltpu.VMEM((ROWS, 8), jnp.float32),
        pltpu.VMEM((ROWS // 128, 128), jnp.float32),
        pltpu.VMEM_SHARED((NP, 8), jnp.float32),
        pltpu.SemaphoreType.DMA,
        pltpu.SemaphoreType.DMA,
        pltpu.SemaphoreType.DMA,
        pltpu.SemaphoreType.DMA,
    ],
    compiler_params=_sc_params,
)
def _deg_kernel(dst_hbm, ones_hbm, z8_hbm, out_hbm, idx_v, ones_v, dbuf, cbuf,
                acc_sh, *sems):
    c = lax.axis_index("c")
    s = lax.axis_index("s")
    w = 2 * s + c
    sl = pl.ds(s * ROWS, ROWS)
    pltpu.sync_copy(z8_hbm.at[sl], acc_sh.at[sl])
    pltpu.sync_copy(dst_hbm.at[w], idx_v)
    pltpu.sync_copy(ones_hbm, ones_v)
    plsc.subcore_barrier()

    def body(t, carry):
        for b in range(4):
            j = 4 * t + b

            @pl.when(j >= 4)
            def _():
                pltpu.make_async_copy(
                    ones_v, acc_sh.at[idx_v.at[j - 4]], sems[b]).wait()

            pltpu.async_copy(ones_v, acc_sh.at[idx_v.at[j]], sems[b], add=True)
        return carry

    lax.fori_loop(0, CH // 4, body, 0)
    for b in range(4):
        pltpu.make_async_copy(ones_v, acc_sh.at[idx_v.at[CH - 4 + b]], sems[b]).wait()
    plsc.subcore_barrier()
    pltpu.sync_copy(acc_sh.at[sl], dbuf)
    zero16 = jnp.zeros((16,), jnp.int32)
    iota16 = lax.iota(jnp.int32, 16)
    for t in range(ROWS // 16):
        v = plsc.load_gather(dbuf, [iota16 + 16 * t, zero16])
        cbuf[t // 8, pl.ds((t % 8) * 16, 16)] = v
    pltpu.sync_copy(cbuf, out_hbm.at[c, pl.ds(s * (ROWS // 128), ROWS // 128)])


def _make_agg(d, nh):

    NB = 8
    G = NB // 2

    @functools.partial(
        pl.kernel,
        out_type=jax.ShapeDtypeStruct((2, NP, nh * d), jnp.float32),
        mesh=_mesh,
        scratch_types=[
            pltpu.VMEM((CH, K), jnp.int32),
            pltpu.VMEM((CH, K), jnp.int32),
            [pltpu.VMEM((K, d), jnp.float32) for _ in range(NB)],
            [pltpu.SemaphoreType.DMA for _ in range(NB)],
            [pltpu.SemaphoreType.DMA for _ in range(NB)],
            pltpu.VMEM_SHARED((NP, d), jnp.float32),
        ],
        compiler_params=_sc_params,
    )
    def agg(y_hbm, src_hbm, dst_hbm, zd_hbm, out_hbm,
            src_v, dst_v, bufs, gsems, ssems, acc_sh):
        c = lax.axis_index("c")
        s = lax.axis_index("s")
        w = 2 * s + c
        sl = pl.ds(s * ROWS, ROWS)
        pltpu.sync_copy(dst_hbm.at[w], dst_v)

        for g in range(nh):
            pltpu.sync_copy(src_hbm.at[g, w], src_v)
            pltpu.sync_copy(zd_hbm.at[sl], acc_sh.at[sl])
            plsc.subcore_barrier()
            for j0 in range(G):
                pltpu.async_copy(y_hbm.at[src_v.at[j0]], bufs[j0], gsems[j0])

            def body(t, carry):
                for b in range(NB):
                    j = NB * t + b
                    pltpu.make_async_copy(
                        y_hbm.at[src_v.at[j]], bufs[b], gsems[b]).wait()
                    pltpu.async_copy(
                        bufs[b], acc_sh.at[dst_v.at[j]], ssems[b], add=True)
                    jg = j + G

                    @pl.when(jg < CH)
                    def _():
                        bg = (b + G) % NB
                        @pl.when(j >= NB - G)
                        def _():
                            pltpu.make_async_copy(
                                bufs[bg], acc_sh.at[dst_v.at[jg - NB]],
                                ssems[bg]).wait()

                        pltpu.async_copy(
                            y_hbm.at[src_v.at[jg]], bufs[bg], gsems[bg])
                return carry

            lax.fori_loop(0, CH // NB, body, 0)
            for b in range(NB):
                pltpu.make_async_copy(
                    bufs[b], acc_sh.at[dst_v.at[CH - NB + b]], ssems[b]).wait()

            plsc.subcore_barrier()
            pltpu.sync_copy(acc_sh.at[sl], out_hbm.at[c, sl, pl.ds(g * d, d)])

    return agg


_agg64x2 = _make_agg(D_IN // 2, 2)
_agg16 = _make_agg(NCLS, 1)


def _expand(dinv_c):
    rows = 128 * dinv_c.shape[0]
    sel = (lax.broadcasted_iota(jnp.int32, (rows, dinv_c.shape[0]), 0) // 128
           == lax.broadcasted_iota(jnp.int32, (rows, dinv_c.shape[0]), 1))
    full = jnp.dot(sel.astype(jnp.float32), dinv_c,
                   preferred_element_type=jnp.float32)
    cm = (lax.broadcasted_iota(jnp.int32, (rows, 128), 1)
          == lax.broadcasted_iota(jnp.int32, (rows, 128), 0) % 128)
    return jnp.sum(jnp.where(cm, full, 0.0), axis=1, keepdims=True)


def _scale_body(p_ref, x_ref, dinvc_ref, y1_ref):
    deg = p_ref[0] + p_ref[1] + 1.0
    i = pl.program_id(0)
    nid = (i * BM
           + 128 * lax.broadcasted_iota(jnp.int32, (BM // 128, 128), 0)
           + lax.broadcasted_iota(jnp.int32, (BM // 128, 128), 1))
    dinv_c = jnp.where(nid < N, lax.rsqrt(deg), 0.0)
    dinvc_ref[...] = dinv_c
    y1_ref[...] = x_ref[...] * _expand(dinv_c)


def _mlp_body(dinvc_ref, sp_ref, y1_ref, w1_ref, b1_ref, w2_ref, y2_ref):
    dinv = _expand(dinvc_ref[...])
    agg = (sp_ref[0] + sp_ref[1] + y1_ref[...]) * dinv
    h = jnp.dot(agg, w1_ref[...], preferred_element_type=jnp.float32)
    h = jnp.maximum(h + b1_ref[...], 0.0)
    z = jnp.dot(h, w2_ref[...], preferred_element_type=jnp.float32)
    y2_ref[...] = z * dinv


def _out_body(dinvc_ref, sp_ref, y2_ref, b2_ref, o_ref):
    dinv = _expand(dinvc_ref[...])
    o_ref[...] = (sp_ref[0] + sp_ref[1] + y2_ref[...]) * dinv + b2_ref[...]


_scale_call = pl.pallas_call(
    _scale_body,
    grid=(NP // BM,),
    in_specs=[
        pl.BlockSpec((2, BM // 128, 128), lambda i: (0, i, 0)),
        pl.BlockSpec((BM, D_IN), lambda i: (i, 0)),
    ],
    out_specs=[
        pl.BlockSpec((BM // 128, 128), lambda i: (i, 0)),
        pl.BlockSpec((BM, D_IN), lambda i: (i, 0)),
    ],
    out_shape=[
        jax.ShapeDtypeStruct((NP // 128, 128), jnp.float32),
        jax.ShapeDtypeStruct((NP, D_IN), jnp.float32),
    ],
)

_mlp_call = pl.pallas_call(
    _mlp_body,
    grid=(NP // BM,),
    in_specs=[
        pl.BlockSpec((BM // 128, 128), lambda i: (i, 0)),
        pl.BlockSpec((2, BM, D_IN), lambda i: (0, i, 0)),
        pl.BlockSpec((BM, D_IN), lambda i: (i, 0)),
        pl.BlockSpec((D_IN, HID), lambda i: (0, 0)),
        pl.BlockSpec((1, HID), lambda i: (0, 0)),
        pl.BlockSpec((HID, NCLS), lambda i: (0, 0)),
    ],
    out_specs=pl.BlockSpec((BM, NCLS), lambda i: (i, 0)),
    out_shape=jax.ShapeDtypeStruct((NP, NCLS), jnp.float32),
)

_out_call = pl.pallas_call(
    _out_body,
    out_shape=jax.ShapeDtypeStruct((NP, NCLS), jnp.float32),
)


def kernel(x, edge_index, W1, b1, W2, b2):
    ei = edge_index.astype(jnp.int32)
    pad = N + (jnp.arange(EP - E, dtype=jnp.int32) % (NP - N))
    srcp = jnp.concatenate([ei[0], pad]).reshape(NW, CH, K)
    dstp = jnp.concatenate([ei[1], pad]).reshape(NW, CH, K)
    srcp2 = jnp.stack([2 * srcp, 2 * srcp + 1])
    xp = jnp.pad(x, ((0, NP - N), (0, 0)))

    ones = jnp.ones((K, 8), jnp.float32)
    z8 = jnp.zeros((NP, 8), jnp.float32)
    z16 = jnp.zeros((NP, NCLS), jnp.float32)
    z64 = jnp.zeros((NP, D_IN // 2), jnp.float32)

    deg_p = _deg_kernel(dstp, ones, z8)

    dinv_c, y1 = _scale_call(deg_p, xp)

    s1 = _agg64x2(y1.reshape(2 * NP, D_IN // 2), srcp2, dstp, z64)

    y2 = _mlp_call(dinv_c, s1, y1, W1, b1.reshape(1, HID), W2)

    s2 = _agg16(y2, srcp.reshape(1, NW, CH, K), dstp, z16)

    outp = _out_call(dinv_c, s2, y2, b2.reshape(1, NCLS))

    return outp[:N]

# --- scband reference (transcript-rebuilt; emitter-appended) ---
"""Pipeline reference for scband-gcn-36026185679243 (READ-ONLY COPY).

The authoritative reference and input builder live on the scoring server;
editing this copy changes nothing except your own understanding.
"""

import jax, jax.numpy as jnp
import numpy as np

N_NODES = 10000
D_IN = 128
HIDDEN = 256
N_CLASSES = 16
N_EDGES = 320000


def gcn_conv(x, edge_index, W, b):
    n = x.shape[0]
    src = edge_index[0]
    dst = edge_index[1]
    loop = jnp.arange(n, dtype=src.dtype)
    src2 = jnp.concatenate([src, loop])
    dst2 = jnp.concatenate([dst, loop])
    deg = jnp.zeros((n,), dtype=x.dtype).at[dst2].add(1.0)
    dinv = jnp.where(deg > 0, 1.0 / jnp.sqrt(deg), 0.0)
    norm = dinv[src2] * dinv[dst2]
    h = x @ W
    msg = h[src2] * norm[:, None]
    out = jnp.zeros((n, W.shape[1]), dtype=x.dtype).at[dst2].add(msg)
    return out + b


def setup_inputs(seed: int = 0) -> dict:
    key = jax.random.key(seed)
    k1, k2, k3, k4, k5, k6 = jax.random.split(key, 6)
    x = jax.random.normal(k1, (N_NODES, D_IN), dtype=jnp.float32)
    edge_index = jax.random.randint(k2, (2, N_EDGES), 0, N_NODES, dtype=jnp.int64)
    s1 = 1.0 / np.sqrt(D_IN)
    s2 = 1.0 / np.sqrt(HIDDEN)
    W1 = jax.random.uniform(k3, (D_IN, HIDDEN), dtype=jnp.float32, minval=-s1, maxval=s1)
    b1 = jnp.zeros((HIDDEN,), dtype=jnp.float32)
    W2 = jax.random.uniform(k4, (HIDDEN, N_CLASSES), dtype=jnp.float32, minval=-s2, maxval=s2)
    b2 = jnp.zeros((N_CLASSES,), dtype=jnp.float32)
    return {"x": x, "edge_index": edge_index, "W1": W1, "b1": b1, "W2": W2, "b2": b2}


def reference(x, edge_index, W1, b1, W2, b2):
    # GCN forward (eval mode: dropout is identity)
    h = gcn_conv(x, edge_index, W1, b1)
    h = jax.nn.relu(h)
    out = gcn_conv(h, edge_index, W2, b2)
    return out

if __name__ == "__main__":
    import jax
    _d = setup_inputs()
    print(jax.jit(kernel)(*tuple(_d.values())))

</pallas_src>

<mosaic_0001>
#map = affine_map<(d0, d1) -> (0, 0, 0)>
#map1 = affine_map<(d0, d1) -> (0, 0)>
module attributes {stable_mosaic.version = 14 : i64} {
  func.func @_deg_kernel(%arg0: i32, %arg1: i32, %arg2: memref<32x80x128xi32, #tpu.memory_space<hbm>>, %arg3: memref<128x8xf32, #tpu.memory_space<hbm>>, %arg4: memref<10240x8xf32, #tpu.memory_space<hbm>>, %arg5: memref<2x80x128xf32, #tpu.memory_space<hbm>>, %arg6: memref<80x128xi32, #tpu.memory_space<vmem>>, %arg7: memref<128x8xf32, #tpu.memory_space<vmem>>, %arg8: memref<640x8xf32, #tpu.memory_space<vmem>>, %arg9: memref<5x128xf32, #tpu.memory_space<vmem>>, %arg10: memref<10240x8xf32, #tpu.memory_space<vmem_shared>>, %arg11: memref<!tpu.dma_semaphore, #tpu.memory_space<semaphore_mem>>, %arg12: memref<!tpu.dma_semaphore, #tpu.memory_space<semaphore_mem>>, %arg13: memref<!tpu.dma_semaphore, #tpu.memory_space<semaphore_mem>>, %arg14: memref<!tpu.dma_semaphore, #tpu.memory_space<semaphore_mem>>) attributes {dimension_semantics = [#tpu.dimension_semantics<core_parallel>, #tpu.dimension_semantics<subcore_parallel>], iteration_bounds = array<i64: 2, 16>, scalar_prefetch = 0 : i64, scratch_operands = 9 : i64, tpu.core_type = #tpu.core_type<sc_vector_subcore>, window_params = [{transform_indices = #map}, {transform_indices = #map1}, {transform_indices = #map1}, {transform_indices = #map}]} {
    %mul3A = arith.constant 2 : i32
    %mul3A_0 = arith.muli %mul3A, %arg1 : i32
    %add3A = arith.addi %mul3A_0, %arg0 : i32
    %mul3A_1 = arith.constant 640 : i32
    %mul3A_2 = arith.muli %arg1, %mul3A_1 : i32
    "tpu.region"() ({
      %run_scoped3A = tpu.sem_alloc : memref<!tpu.dma_semaphore, #tpu.memory_space<semaphore_mem>>
      %dma_start3A = arith.constant 0 : i32
      %dma_start3A_357 = tpu.memref_slice %arg10[%mul3A_2, %dma_start3A] : memref<10240x8xf32, #tpu.memory_space<vmem_shared>> -> memref<640x8xf32, #tpu.memory_space<vmem_shared>>
      %dma_start3A_358 = arith.constant 0 : i32
      %dma_start3A_359 = tpu.memref_slice %arg4[%mul3A_2, %dma_start3A_358] : memref<10240x8xf32, #tpu.memory_space<hbm>> -> memref<640x8xf32, #tpu.memory_space<hbm>>
      tpu.enqueue_dma source(%dma_start3A_359 : memref<640x8xf32, #tpu.memory_space<hbm>>) target(%dma_start3A_357 : memref<640x8xf32, #tpu.memory_space<vmem_shared>>) target_semaphore(%run_scoped3A : memref<!tpu.dma_semaphore, #tpu.memory_space<semaphore_mem>>)
      %dma_wait3A_360 = arith.constant 0 : i32
      %dma_wait3A_361 = tpu.memref_slice %arg10[%mul3A_2, %dma_wait3A_360] : memref<10240x8xf32, #tpu.memory_space<vmem_shared>> -> memref<640x8xf32, #tpu.memory_space<vmem_shared>>
      %dma_wait3A_362 = arith.constant 0 : i32
      %dma_wait3A_363 = tpu.memref_slice %arg4[%mul3A_2, %dma_wait3A_362] : memref<10240x8xf32, #tpu.memory_space<hbm>> -> memref<640x8xf32, #tpu.memory_space<hbm>>
      tpu.wait_dma2 semaphore(%run_scoped3A : memref<!tpu.dma_semaphore, #tpu.memory_space<semaphore_mem>>) src(%dma_wait3A_363 : memref<640x8xf32, #tpu.memory_space<hbm>>) dst(%dma_wait3A_361 : memref<640x8xf32, #tpu.memory_space<vmem_shared>>)
      tpu.yield
    }) : () -> ()
    "tpu.region"() ({
      %run_scoped3A = tpu.sem_alloc : memref<!tpu.dma_semaphore, #tpu.memory_space<semaphore_mem>>
      %dma_start3A = arith.constant 0 : i32
      %dma_start3A_357 = arith.constant 0 : i32
      %dma_start3A_358 = tpu.memref_slice %arg2[%add3A, %dma_start3A, %dma_start3A_357] : memref<32x80x128xi32, #tpu.memory_space<hbm>> -> memref<1x80x128xi32, #tpu.memory_space<hbm>>
      %dma_start3A_359 = tpu.memref_squeeze %dma_start3A_358 : memref<1x80x128xi32, #tpu.memory_space<hbm>> -> memref<80x128xi32, #tpu.memory_space<hbm>>
      %dma_start3A_360 = arith.constant 0 : i32
      %dma_start3A_361 = arith.constant 0 : i32
      %dma_start3A_362 = tpu.memref_slice %arg2[%add3A, %dma_start3A_360, %dma_start3A_361] : memref<32x80x128xi32, #tpu.memory_space<hbm>> -> memref<1x80x128xi32, #tpu.memory_space<hbm>>
      %dma_start3A_363 = tpu.memref_squeeze %dma_start3A_362 : memref<1x80x128xi32, #tpu.memory_space<hbm>> -> memref<80x128xi32, #tpu.memory_space<hbm>>
      tpu.enqueue_dma source(%dma_start3A_363 : memref<80x128xi32, #tpu.memory_space<hbm>>) target(%arg6 : memref<80x128xi32, #tpu.memory_space<vmem>>) target_semaphore(%run_scoped3A : memref<!tpu.dma_semaphore, #tpu.memory_space<semaphore_mem>>)
      %dma_wait3A_364 = arith.constant 0 : i32
      %dma_wait3A_365 = arith.constant 0 : i32
      %dma_wait3A_366 = tpu.memref_slice %arg2[%add3A, %dma_wait3A_364, %dma_wait3A_365] : memref<32x80x128xi32, #tpu.memory_space<hbm>> -> memref<1x80x128xi32, #tpu.memory_space<hbm>>
      %dma_wait3A_367 = tpu.memref_squeeze %dma_wait3A_366 : memref<1x80x128xi32, #tpu.memory_space<hbm>> -> memref<80x128xi32, #tpu.memory_space<hbm>>
      %dma_wait3A_368 = arith.constant 0 : i32
      %dma_wait3A_369 = arith.constant 0 : i32
      %dma_wait3A_370 = tpu.memref_slice %arg2[%add3A, %dma_wait3A_368, %dma_wait3A_369] : memref<32x80x128xi32, #tpu.memory_space<hbm>> -> memref<1x80x128xi32, #tpu.memory_space<hbm>>
      %dma_wait3A_371 = tpu.memref_squeeze %dma_wait3A_370 : memref<1x80x128xi32, #tpu.memory_space<hbm>> -> memref<80x128xi32, #tpu.memory_space<hbm>>
      tpu.wait_dma2 semaphore(%run_scoped3A : memref<!tpu.dma_semaphore, #tpu.memory_space<semaphore_mem>>) src(%dma_wait3A_371 : memref<80x128xi32, #tpu.memory_space<hbm>>) dst(%arg6 : memref<80x128xi32, #tpu.memory_space<vmem>>)
      tpu.yield
    }) : () -> ()
    "tpu.region"() ({
      %run_scoped3A = tpu.sem_alloc : memref<!tpu.dma_semaphore, #tpu.memory_space<semaphore_mem>>
      tpu.enqueue_dma source(%arg3 : memref<128x8xf32, #tpu.memory_space<hbm>>) target(%arg7 : memref<128x8xf32, #tpu.memory_space<vmem>>) target_semaphore(%run_scoped3A : memref<!tpu.dma_semaphore, #tpu.memory_space<semaphore_mem>>)
      tpu.wait_dma2 semaphore(%run_scoped3A : memref<!tpu.dma_semaphore, #tpu.memory_space<semaphore_mem>>) src(%arg3 : memref<128x8xf32, #tpu.memory_space<hbm>>) dst(%arg7 : memref<128x8xf32, #tpu.memory_space<vmem>>)
      tpu.yield
    }) : () -> ()
    %barrier3A = arith.constant 0 : index
    tpu.barrier barrier_id(%barrier3A)
    %scan3A = arith.constant 0 : i32
    %scan3A_3 = arith.constant 0 : i32
    %scan3A_4 = arith.constant 20 : i32
    %scan3A_5 = arith.addi %scan3A_3, %scan3A_4 : i32
    %scan3A_6 = arith.constant 1 : i32
    scf.for %scan3A_357 = %scan3A_3 to %scan3A_5 step %scan3A_6  : i32 {
      %mul3A_358 = arith.constant 4 : i32
      %mul3A_359 = arith.muli %mul3A_358, %scan3A_357 : i32
      %add3A_360 = arith.constant 0 : i32
      %add3A_361 = arith.addi %mul3A_359, %add3A_360 : i32
      %ge3A = arith.constant 4 : i32
      %ge3A_362 = arith.cmpi sge, %add3A_361, %ge3A : i32
      %convert_element_type3A = arith.extui %ge3A_362 : i1 to i32
      %cond3A = arith.constant 0 : i32
      %cond3A_363 = arith.cmpi ne, %convert_element_type3A, %cond3A : i32
      scf.if %cond3A_363 {
        %sub3A = arith.constant 4 : i32
        %sub3A_414 = arith.subi %add3A_361, %sub3A : i32
        %dma_wait3A_415 = arith.constant 0 : i32
        %dma_wait3A_416 = tpu.memref_slice %arg6[%sub3A_414, %dma_wait3A_415] : memref<80x128xi32, #tpu.memory_space<vmem>> -> memref<1x128xi32, #tpu.memory_space<vmem>>
        %dma_wait3A_417 = tpu.memref_squeeze %dma_wait3A_416 : memref<1x128xi32, #tpu.memory_space<vmem>> -> memref<128xi32, #tpu.memory_space<vmem>>
        %dma_wait3A_418 = arith.constant 0 : i32
        %dma_wait3A_419 = arith.constant 0 : i32
        %dma_wait3A_420 = tpu.memref_slice %arg10[%dma_wait3A_418, %dma_wait3A_419] : memref<10240x8xf32, #tpu.memory_space<vmem_shared>> -> memref<10240x8xf32, #tpu.memory_space<vmem_shared>>
        tpu.wait_indirect_dma semaphore(%arg11 : memref<!tpu.dma_semaphore, #tpu.memory_space<semaphore_mem>>) src(%arg7 : memref<128x8xf32, #tpu.memory_space<vmem>>) dst(%dma_wait3A_420 : memref<10240x8xf32, #tpu.memory_space<vmem_shared>>)
      } else {
      }
      %dma_start3A = arith.constant 0 : i32
      %dma_start3A_364 = tpu.memref_slice %arg6[%add3A_361, %dma_start3A] : memref<80x128xi32, #tpu.memory_space<vmem>> -> memref<1x128xi32, #tpu.memory_space<vmem>>
      %dma_start3A_365 = tpu.memref_squeeze %dma_start3A_364 : memref<1x128xi32, #tpu.memory_space<vmem>> -> memref<128xi32, #tpu.memory_space<vmem>>
      %dma_start3A_366 = arith.constant 0 : i32
      %dma_start3A_367 = arith.constant 0 : i32
      %dma_start3A_368 = tpu.memref_slice %arg10[%dma_start3A_366, %dma_start3A_367] : memref<10240x8xf32, #tpu.memory_space<vmem_shared>> -> memref<10240x8xf32, #tpu.memory_space<vmem_shared>>
      tpu.enqueue_indirect_dma source(%arg7 : memref<128x8xf32, #tpu.memory_space<vmem>>) target(%dma_start3A_368 : memref<10240x8xf32, #tpu.memory_space<vmem_shared>>) offsets(%dma_start3A_365 : memref<128xi32, #tpu.memory_space<vmem>>) semaphore(%arg11 : memref<!tpu.dma_semaphore, #tpu.memory_space<semaphore_mem>>) {add = true}
      %mul3A_369 = arith.constant 4 : i32
      %mul3A_370 = arith.muli %mul3A_369, %scan3A_357 : i32
      %add3A_371 = arith.constant 1 : i32
      %add3A_372 = arith.addi %mul3A_370, %add3A_371 : i32
      %ge3A_373 = arith.constant 4 : i32
      %ge3A_374 = arith.cmpi sge, %add3A_372, %ge3A_373 : i32
      %convert_element_type3A_375 = arith.extui %ge3A_374 : i1 to i32
      %cond3A_376 = arith.constant 0 : i32
      %cond3A_377 = arith.cmpi ne, %convert_element_type3A_375, %cond3A_376 : i32
      scf.if %cond3A_377 {
        %sub3A = arith.constant 4 : i32
        %sub3A_414 = arith.subi %add3A_372, %sub3A : i32
        %dma_wait3A_415 = arith.constant 0 : i32
        %dma_wait3A_416 = tpu.memref_slice %arg6[%sub3A_414, %dma_wait3A_415] : memref<80x128xi32, #tpu.memory_space<vmem>> -> memref<1x128xi32, #tpu.memory_space<vmem>>
        %dma_wait3A_417 = tpu.memref_squeeze %dma_wait3A_416 : memref<1x128xi32, #tpu.memory_space<vmem>> -> memref<128xi32, #tpu.memory_space<vmem>>
        %dma_wait3A_418 = arith.constant 0 : i32
        %dma_wait3A_419 = arith.constant 0 : i32
        %dma_wait3A_420 = tpu.memref_slice %arg10[%dma_wait3A_418, %dma_wait3A_419] : memref<10240x8xf32, #tpu.memory_space<vmem_shared>> -> memref<10240x8xf32, #tpu.memory_space<vmem_shared>>
        tpu.wait_indirect_dma semaphore(%arg12 : memref<!tpu.dma_semaphore, #tpu.memory_space<semaphore_mem>>) src(%arg7 : memref<128x8xf32, #tpu.memory_space<vmem>>) dst(%dma_wait3A_420 : memref<10240x8xf32, #tpu.memory_space<vmem_shared>>)
      } else {
      }
      %dma_start3A_378 = arith.constant 0 : i32
      %dma_start3A_379 = tpu.memref_slice %arg6[%add3A_372, %dma_start3A_378] : memref<80x128xi32, #tpu.memory_space<vmem>> -> memref<1x128xi32, #tpu.memory_space<vmem>>
      %dma_start3A_380 = tpu.memref_squeeze %dma_start3A_379 : memref<1x128xi32, #tpu.memory_space<vmem>> -> memref<128xi32, #tpu.memory_space<vmem>>
      %dma_start3A_381 = arith.constant 0 : i32
      %dma_start3A_382 = arith.constant 0 : i32
      %dma_start3A_383 = tpu.memref_slice %arg10[%dma_start3A_381, %dma_start3A_382] : memref<10240x8xf32, #tpu.memory_space<vmem_shared>> -> memref<10240x8xf32, #tpu.memory_space<vmem_shared>>
      tpu.enqueue_indirect_dma source(%arg7 : memref<128x8xf32, #tpu.memory_space<vmem>>) target(%dma_start3A_383 : memref<10240x8xf32, #tpu.memory_space<vmem_shared>>) offsets(%dma_start3A_380 : memref<128xi32, #tpu.memory_space<vmem>>) semaphore(%arg12 : memref<!tpu.dma_semaphore, #tpu.memory_space<semaphore_mem>>) {add = true}
      %mul3A_384 = arith.constant 4 : i32
      %mul3A_385 = arith.muli %mul3A_384, %scan3A_357 : i32
      %add3A_386 = arith.constant 2 : i32
      %add3A_387 = arith.addi %mul3A_385, %add3A_386 : i32
      %ge3A_388 = arith.constant 4 : i32
      %ge3A_389 = arith.cmpi sge, %add3A_387, %ge3A_388 : i32
      %convert_element_type3A_390 = arith.extui %ge3A_389 : i1 to i32
      %cond3A_391 = arith.constant 0 : i32
      %cond3A_392 = arith.cmpi ne, %convert_element_type3A_390, %cond3A_391 : i32
      scf.if %cond3A_392 {
        %sub3A = arith.constant 4 : i32
        %sub3A_414 = arith.subi %add3A_387, %sub3A : i32
        %dma_wait3A_415 = arith.constant 0 : i32
        %dma_wait3A_416 = tpu.memref_slice %arg6[%sub3A_414, %dma_wait3A_415] : memref<80x128xi32, #tpu.memory_space<vmem>> -> memref<1x128xi32, #tpu.memory_space<vmem>>
        %dma_wait3A_417 = tpu.memref_squeeze %dma_wait3A_416 : memref<1x128xi32, #tpu.memory_space<vmem>> -> memref<128xi32, #tpu.memory_space<vmem>>
        %dma_wait3A_418 = arith.constant 0 : i32
        %dma_wait3A_419 = arith.constant 0 : i32
        %dma_wait3A_420 = tpu.memref_slice %arg10[%dma_wait3A_418, %dma_wait3A_419] : memref<10240x8xf32, #tpu.memory_space<vmem_shared>> -> memref<10240x8xf32, #tpu.memory_space<vmem_shared>>
        tpu.wait_indirect_dma semaphore(%arg13 : memref<!tpu.dma_semaphore, #tpu.memory_space<semaphore_mem>>) src(%arg7 : memref<128x8xf32, #tpu.memory_space<vmem>>) dst(%dma_wait3A_420 : memref<10240x8xf32, #tpu.memory_space<vmem_shared>>)
      } else {
      }
      %dma_start3A_393 = arith.constant 0 : i32
      %dma_start3A_394 = tpu.memref_slice %arg6[%add3A_387, %dma_start3A_393] : memref<80x128xi32, #tpu.memory_space<vmem>> -> memref<1x128xi32, #tpu.memory_space<vmem>>
      %dma_start3A_395 = tpu.memref_squeeze %dma_start3A_394 : memref<1x128xi32, #tpu.memory_space<vmem>> -> memref<128xi32, #tpu.memory_space<vmem>>
      %dma_start3A_396 = arith.constant 0 : i32
      %dma_start3A_397 = arith.constant 0 : i32
      %dma_start3A_398 = tpu.memref_slice %arg10[%dma_start3A_396, %dma_start3A_397] : memref<10240x8xf32, #tpu.memory_space<vmem_shared>> -> memref<10240x8xf32, #tpu.memory_space<vmem_shared>>
      tpu.enqueue_indirect_dma source(%arg7 : memref<128x8xf32, #tpu.memory_space<vmem>>) target(%dma_start3A_398 : memref<10240x8xf32, #tpu.memory_space<vmem_shared>>) offsets(%dma_start3A_395 : memref<128xi32, #tpu.memory_space<vmem>>) semaphore(%arg13 : memref<!tpu.dma_semaphore, #tpu.memory_space<semaphore_mem>>) {add = true}
      %mul3A_399 = arith.constant 4 : i32
      %mul3A_400 = arith.muli %mul3A_399, %scan3A_357 : i32
      %add3A_401 = arith.constant 3 : i32
      %add3A_402 = arith.addi %mul3A_400, %add3A_401 : i32
      %ge3A_403 = arith.constant 4 : i32
      %ge3A_404 = arith.cmpi sge, %add3A_402, %ge3A_403 : i32
      %convert_element_type3A_405 = arith.extui %ge3A_404 : i1 to i32
      %cond3A_406 = arith.constant 0 : i32
      %cond3A_407 = arith.cmpi ne, %convert_element_type3A_405, %cond3A_406 : i32
      scf.if %cond3A_407 {
        %sub3A = arith.constant 4 : i32
        %sub3A_414 = arith.subi %add3A_402, %sub3A : i32
        %dma_wait3A_415 = arith.constant 0 : i32
        %dma_wait3A_416 = tpu.memref_slice %arg6[%sub3A_414, %dma_wait3A_415] : memref<80x128xi32, #tpu.memory_space<vmem>> -> memref<1x128xi32, #tpu.memory_space<vmem>>
        %dma_wait3A_417 = tpu.memref_squeeze %dma_wait3A_416 : memref<1x128xi32, #tpu.memory_space<vmem>> -> memref<128xi32, #tpu.memory_space<vmem>>
        %dma_wait3A_418 = arith.constant 0 : i32
        %dma_wait3A_419 = arith.constant 0 : i32
        %dma_wait3A_420 = tpu.memref_slice %arg10[%dma_wait3A_418, %dma_wait3A_419] : memref<10240x8xf32, #tpu.memory_space<vmem_shared>> -> memref<10240x8xf32, #tpu.memory_space<vmem_shared>>
        tpu.wait_indirect_dma semaphore(%arg14 : memref<!tpu.dma_semaphore, #tpu.memory_space<semaphore_mem>>) src(%arg7 : memref<128x8xf32, #tpu.memory_space<vmem>>) dst(%dma_wait3A_420 : memref<10240x8xf32, #tpu.memory_space<vmem_shared>>)
      } else {
      }
      %dma_start3A_408 = arith.constant 0 : i32
      %dma_start3A_409 = tpu.memref_slice %arg6[%add3A_402, %dma_start3A_408] : memref<80x128xi32, #tpu.memory_space<vmem>> -> memref<1x128xi32, #tpu.memory_space<vmem>>
      %dma_start3A_410 = tpu.memref_squeeze %dma_start3A_409 : memref<1x128xi32, #tpu.memory_space<vmem>> -> memref<128xi32, #tpu.memory_space<vmem>>
      %dma_start3A_411 = arith.constant 0 : i32
      %dma_start3A_412 = arith.constant 0 : i32
      %dma_start3A_413 = tpu.memref_slice %arg10[%dma_start3A_411, %dma_start3A_412] : memref<10240x8xf32, #tpu.memory_space<vmem_shared>> -> memref<10240x8xf32, #tpu.memory_space<vmem_shared>>
      tpu.enqueue_indirect_dma source(%arg7 : memref<128x8xf32, #tpu.memory_space<vmem>>) target(%dma_start3A_413 : memref<10240x8xf32, #tpu.memory_space<vmem_shared>>) offsets(%dma_start3A_410 : memref<128xi32, #tpu.memory_space<vmem>>) semaphore(%arg14 : memref<!tpu.dma_semaphore, #tpu.memory_space<semaphore_mem>>) {add = true}
    }
    %scan3A_7 = arith.constant 20 : i32
    %dma_wait3A = arith.constant 76 : i32
    %dma_wait3A_8 = arith.constant 0 : i32
    %dma_wait3A_9 = tpu.memref_slice %arg6[%dma_wait3A, %dma_wait3A_8] : memref<80x128xi32, #tpu.memory_space<vmem>> -> memref<1x128xi32, #tpu.memory_space<vmem>>
    %dma_wait3A_10 = tpu.memref_squeeze %dma_wait3A_9 : memref<1x128xi32, #tpu.memory_space<vmem>> -> memref<128xi32, #tpu.memory_space<vmem>>
    %dma_wait3A_11 = arith.constant 0 : i32
    %dma_wait3A_12 = arith.constant 0 : i32
    %dma_wait3A_13 = tpu.memref_slice %arg10[%dma_wait3A_11, %dma_wait3A_12] : memref<10240x8xf32, #tpu.memory_space<vmem_shared>> -> memref<10240x8xf32, #tpu.memory_space<vmem_shared>>
    tpu.wait_indirect_dma semaphore(%arg11 : memref<!tpu.dma_semaphore, #tpu.memory_space<semaphore_mem>>) src(%arg7 : memref<128x8xf32, #tpu.memory_space<vmem>>) dst(%dma_wait3A_13 : memref<10240x8xf32, #tpu.memory_space<vmem_shared>>)
    %dma_wait3A_14 = arith.constant 77 : i32
    %dma_wait3A_15 = arith.constant 0 : i32
    %dma_wait3A_16 = tpu.memref_slice %arg6[%dma_wait3A_14, %dma_wait3A_15] : memref<80x128xi32, #tpu.memory_space<vmem>> -> memref<1x128xi32, #tpu.memory_space<vmem>>
    %dma_wait3A_17 = tpu.memref_squeeze %dma_wait3A_16 : memref<1x128xi32, #tpu.memory_space<vmem>> -> memref<128xi32, #tpu.memory_space<vmem>>
    %dma_wait3A_18 = arith.constant 0 : i32
    %dma_wait3A_19 = arith.constant 0 : i32
    %dma_wait3A_20 = tpu.memref_slice %arg10[%dma_wait3A_18, %dma_wait3A_19] : memref<10240x8xf32, #tpu.memory_space<vmem_shared>> -> memref<10240x8xf32, #tpu.memory_space<vmem_shared>>
    tpu.wait_indirect_dma semaphore(%arg12 : memref<!tpu.dma_semaphore, #tpu.memory_space<semaphore_mem>>) src(%arg7 : memref<128x8xf32, #tpu.memory_space<vmem>>) dst(%dma_wait3A_20 : memref<10240x8xf32, #tpu.memory_space<vmem_shared>>)
    %dma_wait3A_21 = arith.constant 78 : i32
    %dma_wait3A_22 = arith.constant 0 : i32
    %dma_wait3A_23 = tpu.memref_slice %arg6[%dma_wait3A_21, %dma_wait3A_22] : memref<80x128xi32, #tpu.memory_space<vmem>> -> memref<1x128xi32, #tpu.memory_space<vmem>>
    %dma_wait3A_24 = tpu.memref_squeeze %dma_wait3A_23 : memref<1x128xi32, #tpu.memory_space<vmem>> -> memref<128xi32, #tpu.memory_space<vmem>>
    %dma_wait3A_25 = arith.constant 0 : i32
    %dma_wait3A_26 = arith.constant 0 : i32
    %dma_wait3A_27 = tpu.memref_slice %arg10[%dma_wait3A_25, %dma_wait3A_26] : memref<10240x8xf32, #tpu.memory_space<vmem_shared>> -> memref<10240x8xf32, #tpu.memory_space<vmem_shared>>
    tpu.wait_indirect_dma semaphore(%arg13 : memref<!tpu.dma_semaphore, #tpu.memory_space<semaphore_mem>>) src(%arg7 : memref<128x8xf32, #tpu.memory_space<vmem>>) dst(%dma_wait3A_27 : memref<10240x8xf32, #tpu.memory_space<vmem_shared>>)
    %dma_wait3A_28 = arith.constant 79 : i32
    %dma_wait3A_29 = arith.constant 0 : i32
    %dma_wait3A_30 = tpu.memref_slice %arg6[%dma_wait3A_28, %dma_wait3A_29] : memref<80x128xi32, #tpu.memory_space<vmem>> -> memref<1x128xi32, #tpu.memory_space<vmem>>
    %dma_wait3A_31 = tpu.memref_squeeze %dma_wait3A_30 : memref<1x128xi32, #tpu.memory_space<vmem>> -> memref<128xi32, #tpu.memory_space<vmem>>
    %dma_wait3A_32 = arith.constant 0 : i32
    %dma_wait3A_33 = arith.constant 0 : i32
    %dma_wait3A_34 = tpu.memref_slice %arg10[%dma_wait3A_32, %dma_wait3A_33] : memref<10240x8xf32, #tpu.memory_space<vmem_shared>> -> memref<10240x8xf32, #tpu.memory_space<vmem_shared>>
    tpu.wait_indirect_dma semaphore(%arg14 : memref<!tpu.dma_semaphore, #tpu.memory_space<semaphore_mem>>) src(%arg7 : memref<128x8xf32, #tpu.memory_space<vmem>>) dst(%dma_wait3A_34 : memref<10240x8xf32, #tpu.memory_space<vmem_shared>>)
    %barrier3A_35 = arith.constant 0 : index
    tpu.barrier barrier_id(%barrier3A_35)
    "tpu.region"() ({
      %run_scoped3A = tpu.sem_alloc : memref<!tpu.dma_semaphore, #tpu.memory_space<semaphore_mem>>
      %dma_start3A = arith.constant 0 : i32
      %dma_start3A_357 = tpu.memref_slice %arg10[%mul3A_2, %dma_start3A] : memref<10240x8xf32, #tpu.memory_space<vmem_shared>> -> memref<640x8xf32, #tpu.memory_space<vmem_shared>>
      %dma_start3A_358 = arith.constant 0 : i32
      %dma_start3A_359 = tpu.memref_slice %arg10[%mul3A_2, %dma_start3A_358] : memref<10240x8xf32, #tpu.memory_space<vmem_shared>> -> memref<640x8xf32, #tpu.memory_space<vmem_shared>>
      tpu.enqueue_dma source(%dma_start3A_359 : memref<640x8xf32, #tpu.memory_space<vmem_shared>>) target(%arg8 : memref<640x8xf32, #tpu.memory_space<vmem>>) target_semaphore(%run_scoped3A : memref<!tpu.dma_semaphore, #tpu.memory_space<semaphore_mem>>)
      %dma_wait3A_360 = arith.constant 0 : i32
      %dma_wait3A_361 = tpu.memref_slice %arg10[%mul3A_2, %dma_wait3A_360] : memref<10240x8xf32, #tpu.memory_space<vmem_shared>> -> memref<640x8xf32, #tpu.memory_space<vmem_shared>>
      %dma_wait3A_362 = arith.constant 0 : i32
      %dma_wait3A_363 = tpu.memref_slice %arg10[%mul3A_2, %dma_wait3A_362] : memref<10240x8xf32, #tpu.memory_space<vmem_shared>> -> memref<640x8xf32, #tpu.memory_space<vmem_shared>>
      tpu.wait_dma2 semaphore(%run_scoped3A : memref<!tpu.dma_semaphore, #tpu.memory_space<semaphore_mem>>) src(%dma_wait3A_363 : memref<640x8xf32, #tpu.memory_space<vmem_shared>>) dst(%arg8 : memref<640x8xf32, #tpu.memory_space<vmem>>)
      tpu.yield
    }) : () -> ()
    %broadcast_in_dim3A = arith.constant 0 : i32
    %broadcast_in_dim3A_36 = vector.broadcast %broadcast_in_dim3A : i32 to vector<16xi32>
    %iota3A = tpu.iota {dimensions = array<i32: 0>} : vector<16xi32>
    %add3A_37 = arith.constant 0 : i32
    %add3A_38 = vector.broadcast %add3A_37 : i32 to vector<16xi32>
    %add3A_39 = arith.addi %iota3A, %add3A_38 : vector<16xi32>
    %gather3A = tpu.vector_load_idx %arg8[%add3A_39, %broadcast_in_dim3A_36] : memref<640x8xf32, #tpu.memory_space<vmem>>[vector<16xi32>, vector<16xi32>], vector<16xf32>,
    %swap3A = arith.constant 0 : i32
    %swap3A_40 = arith.index_cast %swap3A : i32 to index
    %swap3A_41 = arith.constant 0 : index
    %swap3A_42 = tpu.vector_load %arg9[%swap3A_40, %swap3A_41] {strides = array<i32>} : memref<5x128xf32, #tpu.memory_space<vmem>>, vector<16xf32>,
    tpu.vector_store %arg9[%swap3A_40, %swap3A_41], %gather3A {strides = array<i32>} : memref<5x128xf32, #tpu.memory_space<vmem>>, vector<16xf32>,
    %add3A_43 = arith.constant 16 : i32
    %add3A_44 = vector.broadcast %add3A_43 : i32 to vector<16xi32>
    %add3A_45 = arith.addi %iota3A, %add3A_44 : vector<16xi32>
    %gather3A_46 = tpu.vector_load_idx %arg8[%add3A_45, %broadcast_in_dim3A_36] : memref<640x8xf32, #tpu.memory_space<vmem>>[vector<16xi32>, vector<16xi32>], vector<16xf32>,
    %swap3A_47 = arith.constant 0 : i32
    %swap3A_48 = arith.index_cast %swap3A_47 : i32 to index
    %swap3A_49 = arith.constant 16 : index
    %swap3A_50 = tpu.vector_load %arg9[%swap3A_48, %swap3A_49] {strides = array<i32>} : memref<5x128xf32, #tpu.memory_space<vmem>>, vector<16xf32>,
    tpu.vector_store %arg9[%swap3A_48, %swap3A_49], %gather3A_46 {strides = array<i32>} : memref<5x128xf32, #tpu.memory_space<vmem>>, vector<16xf32>,
    %add3A_51 = arith.constant 32 : i32
    %add3A_52 = vector.broadcast %add3A_51 : i32 to vector<16xi32>
    %add3A_53 = arith.addi %iota3A, %add3A_52 : vector<16xi32>
    %gather3A_54 = tpu.vector_load_idx %arg8[%add3A_53, %broadcast_in_dim3A_36] : memref<640x8xf32, #tpu.memory_space<vmem>>[vector<16xi32>, vector<16xi32>], vector<16xf32>,
    %swap3A_55 = arith.constant 0 : i32
    %swap3A_56 = arith.index_cast %swap3A_55 : i32 to index
    %swap3A_57 = arith.constant 32 : index
    %swap3A_58 = tpu.vector_load %arg9[%swap3A_56, %swap3A_57] {strides = array<i32>} : memref<5x128xf32, #tpu.memory_space<vmem>>, vector<16xf32>,
    tpu.vector_store %arg9[%swap3A_56, %swap3A_57], %gather3A_54 {strides = array<i32>} : memref<5x128xf32, #tpu.memory_space<vmem>>, vector<16xf32>,
    %add3A_59 = arith.constant 48 : i32
    %add3A_60 = vector.broadcast %add3A_59 : i32 to vector<16xi32>
    %add3A_61 = arith.addi %iota3A, %add3A_60 : vector<16xi32>
    %gather3A_62 = tpu.vector_load_idx %arg8[%add3A_61, %broadcast_in_dim3A_36] : memref<640x8xf32, #tpu.memory_space<vmem>>[vector<16xi32>, vector<16xi32>], vector<16xf32>,
    %swap3A_63 = arith.constant 0 : i32
    %swap3A_64 = arith.index_cast %swap3A_63 : i32 to index
    %swap3A_65 = arith.constant 48 : index
    %swap3A_66 = tpu.vector_load %arg9[%swap3A_64, %swap3A_65] {strides = array<i32>} : memref<5x128xf32, #tpu.memory_space<vmem>>, vector<16xf32>,
    tpu.vector_store %arg9[%swap3A_64, %swap3A_65], %gather3A_62 {strides = array<i32>} : memref<5x128xf32, #tpu.memory_space<vmem>>, vector<16xf32>,
    %add3A_67 = arith.constant 64 : i32
    %add3A_68 = vector.broadcast %add3A_67 : i32 to vector<16xi32>
    %add3A_69 = arith.addi %iota3A, %add3A_68 : vector<16xi32>
    %gather3A_70 = tpu.vector_load_idx %arg8[%add3A_69, %broadcast_in_dim3A_36] : memref<640x8xf32, #tpu.memory_space<vmem>>[vector<16xi32>, vector<16xi32>], vector<16xf32>,
    %swap3A_71 = arith.constant 0 : i32
    %swap3A_72 = arith.index_cast %swap3A_71 : i32 to index
    %swap3A_73 = arith.constant 64 : index
    %swap3A_74 = tpu.vector_load %arg9[%swap3A_72, %swap3A_73] {strides = array<i32>} : memref<5x128xf32, #tpu.memory_space<vmem>>, vector<16xf32>,
    tpu.vector_store %arg9[%swap3A_72, %swap3A_73], %gather3A_70 {strides = array<i32>} : memref<5x128xf32, #tpu.memory_space<vmem>>, vector<16xf32>,
    %add3A_75 = arith.constant 80 : i32
    %add3A_76 = vector.broadcast %add3A_75 : i32 to vector<16xi32>
    %add3A_77 = arith.addi %iota3A, %add3A_76 : vector<16xi32>
    %gather3A_78 = tpu.vector_load_idx %arg8[%add3A_77, %broadcast_in_dim3A_36] : memref<640x8xf32, #tpu.memory_space<vmem>>[vector<16xi32>, vector<16xi32>], vector<16xf32>,
    %swap3A_79 = arith.constant 0 : i32
    %swap3A_80 = arith.index_cast %swap3A_79 : i32 to index
    %swap3A_81 = arith.constant 80 : index
    %swap3A_82 = tpu.vector_load %arg9[%swap3A_80, %swap3A_81] {strides = array<i32>} : memref<5x128xf32, #tpu.memory_space<vmem>>, vector<16xf32>,
    tpu.vector_store %arg9[%swap3A_80, %swap3A_81], %gather3A_78 {strides = array<i32>} : memref<5x128xf32, #tpu.memory_space<vmem>>, vector<16xf32>,
    %add3A_83 = arith.constant 96 : i32
    %add3A_84 = vector.broadcast %add3A_83 : i32 to vector<16xi32>
    %add3A_85 = arith.addi %iota3A, %add3A_84 : vector<16xi32>
    %gather3A_86 = tpu.vector_load_idx %arg8[%add3A_85, %broadcast_in_dim3A_36] : memref<640x8xf32, #tpu.memory_space<vmem>>[vector<16xi32>, vector<16xi32>], vector<16xf32>,
    %swap3A_87 = arith.constant 0 : i32
    %swap3A_88 = arith.index_cast %swap3A_87 : i32 to index
    %swap3A_89 = arith.constant 96 : index
    %swap3A_90 = tpu.vector_load %arg9[%swap3A_88, %swap3A_89] {strides = array<i32>} : memref<5x128xf32, #tpu.memory_space<vmem>>, vector<16xf32>,
    tpu.vector_store %arg9[%swap3A_88, %swap3A_89], %gather3A_86 {strides = array<i32>} : memref<5x128xf32, #tpu.memory_space<vmem>>, vector<16xf32>,
    %add3A_91 = arith.constant 112 : i32
    %add3A_92 = vector.broadcast %add3A_91 : i32 to vector<16xi32>
    %add3A_93 = arith.addi %iota3A, %add3A_92 : vector<16xi32>
    %gather3A_94 = tpu.vector_load_idx %arg8[%add3A_93, %broadcast_in_dim3A_36] : memref<640x8xf32, #tpu.memory_space<vmem>>[vector<16xi32>, vector<16xi32>], vector<16xf32>,
    %swap3A_95 = arith.constant 0 : i32
    %swap3A_96 = arith.index_cast %swap3A_95 : i32 to index
    %swap3A_97 = arith.constant 112 : index
    %swap3A_98 = tpu.vector_load %arg9[%swap3A_96, %swap3A_97] {strides = array<i32>} : memref<5x128xf32, #tpu.memory_space<vmem>>, vector<16xf32>,
    tpu.vector_store %arg9[%swap3A_96, %swap3A_97], %gather3A_94 {strides = array<i32>} : memref<5x128xf32, #tpu.memory_space<vmem>>, vector<16xf32>,
    %add3A_99 = arith.constant 128 : i32
    %add3A_100 = vector.broadcast %add3A_99 : i32 to vector<16xi32>
    %add3A_101 = arith.addi %iota3A, %add3A_100 : vector<16xi32>
    %gather3A_102 = tpu.vector_load_idx %arg8[%add3A_101, %broadcast_in_dim3A_36] : memref<640x8xf32, #tpu.memory_space<vmem>>[vector<16xi32>, vector<16xi32>], vector<16xf32>,
    %swap3A_103 = arith.constant 1 : i32
    %swap3A_104 = arith.index_cast %swap3A_103 : i32 to index
    %swap3A_105 = arith.constant 0 : index
    %swap3A_106 = tpu.vector_load %arg9[%swap3A_104, %swap3A_105] {strides = array<i32>} : memref<5x128xf32, #tpu.memory_space<vmem>>, vector<16xf32>,
    tpu.vector_store %arg9[%swap3A_104, %swap3A_105], %gather3A_102 {strides = array<i32>} : memref<5x128xf32, #tpu.memory_space<vmem>>, vector<16xf32>,
    %add3A_107 = arith.constant 144 : i32
    %add3A_108 = vector.broadcast %add3A_107 : i32 to vector<16xi32>
    %add3A_109 = arith.addi %iota3A, %add3A_108 : vector<16xi32>
    %gather3A_110 = tpu.vector_load_idx %arg8[%add3A_109, %broadcast_in_dim3A_36] : memref<640x8xf32, #tpu.memory_space<vmem>>[vector<16xi32>, vector<16xi32>], vector<16xf32>,
    %swap3A_111 = arith.constant 1 : i32
    %swap3A_112 = arith.index_cast %swap3A_111 : i32 to index
    %swap3A_113 = arith.constant 16 : index
    %swap3A_114 = tpu.vector_load %arg9[%swap3A_112, %swap3A_113] {strides = array<i32>} : memref<5x128xf32, #tpu.memory_space<vmem>>, vector<16xf32>,
    tpu.vector_store %arg9[%swap3A_112, %swap3A_113], %gather3A_110 {strides = array<i32>} : memref<5x128xf32, #tpu.memory_space<vmem>>, vector<16xf32>,
    %add3A_115 = arith.constant 160 : i32
    %add3A_116 = vector.broadcast %add3A_115 : i32 to vector<16xi32>
    %add3A_117 = arith.addi %iota3A, %add3A_116 : vector<16xi32>
    %gather3A_118 = tpu.vector_load_idx %arg8[%add3A_117, %broadcast_in_dim3A_36] : memref<640x8xf32, #tpu.memory_space<vmem>>[vector<16xi32>, vector<16xi32>], vector<16xf32>,
    %swap3A_119 = arith.constant 1 : i32
    %swap3A_120 = arith.index_cast %swap3A_119 : i32 to index
    %swap3A_121 = arith.constant 32 : index
    %swap3A_122 = tpu.vector_load %arg9[%swap3A_120, %swap3A_121] {strides = array<i32>} : memref<5x128xf32, #tpu.memory_space<vmem>>, vector<16xf32>,
    tpu.vector_store %arg9[%swap3A_120, %swap3A_121], %gather3A_118 {strides = array<i32>} : memref<5x128xf32, #tpu.memory_space<vmem>>, vector<16xf32>,
    %add3A_123 = arith.constant 176 : i32
    %add3A_124 = vector.broadcast %add3A_123 : i32 to vector<16xi32>
    %add3A_125 = arith.addi %iota3A, %add3A_124 : vector<16xi32>
    %gather3A_126 = tpu.vector_load_idx %arg8[%add3A_125, %broadcast_in_dim3A_36] : memref<640x8xf32, #tpu.memory_space<vmem>>[vector<16xi32>, vector<16xi32>], vector<16xf32>,
    %swap3A_127 = arith.constant 1 : i32
    %swap3A_128 = arith.index_cast %swap3A_127 : i32 to index
    %swap3A_129 = arith.constant 48 : index
    %swap3A_130 = tpu.vector_load %arg9[%swap3A_128, %swap3A_129] {strides = array<i32>} : memref<5x128xf32, #tpu.memory_space<vmem>>, vector<16xf32>,
    tpu.vector_store %arg9[%swap3A_128, %swap3A_129], %gather3A_126 {strides = array<i32>} : memref<5x128xf32, #tpu.memory_space<vmem>>, vector<16xf32>,
    %add3A_131 = arith.constant 192 : i32
    %add3A_132 = vector.broadcast %add3A_131 : i32 to vector<16xi32>
    %add3A_133 = arith.addi %iota3A, %add3A_132 : vector<16xi32>
    %gather3A_134 = tpu.vector_load_idx %arg8[%add3A_133, %broadcast_in_dim3A_36] : memref<640x8xf32, #tpu.memory_space<vmem>>[vector<16xi32>, vector<16xi32>], vector<16xf32>,
    %swap3A_135 = arith.constant 1 : i32
    %swap3A_136 = arith.index_cast %swap3A_135 : i32 to index
    %swap3A_137 = arith.constant 64 : index
    %swap3A_138 = tpu.vector_load %arg9[%swap3A_136, %swap3A_137] {strides = array<i32>} : memref<5x128xf32, #tpu.memory_space<vmem>>, vector<16xf32>,
    tpu.vector_store %arg9[%swap3A_136, %swap3A_137], %gather3A_134 {strides = array<i32>} : memref<5x128xf32, #tpu.memory_space<vmem>>, vector<16xf32>,
    %add3A_139 = arith.constant 208 : i32
    %add3A_140 = vector.broadcast %add3A_139 : i32 to vector<16xi32>
    %add3A_141 = arith.addi %iota3A, %add3A_140 : vector<16xi32>
    %gather3A_142 = tpu.vector_load_idx %arg8[%add3A_141, %broadcast_in_dim3A_36] : memref<640x8xf32, #tpu.memory_space<vmem>>[vector<16xi32>, vector<16xi32>], vector<16xf32>,
    %swap3A_143 = arith.constant 1 : i32
    %swap3A_144 = arith.index_cast %swap3A_143 : i32 to index
    %swap3A_145 = arith.constant 80 : index
    %swap3A_146 = tpu.vector_load %arg9[%swap3A_144, %swap3A_145] {strides = array<i32>} : memref<5x128xf32, #tpu.memory_space<vmem>>, vector<16xf32>,
    tpu.vector_store %arg9[%swap3A_144, %swap3A_145], %gather3A_142 {strides = array<i32>} : memref<5x128xf32, #tpu.memory_space<vmem>>, vector<16xf32>,
    %add3A_147 = arith.constant 224 : i32
    %add3A_148 = vector.broadcast %add3A_147 : i32 to vector<16xi32>
    %add3A_149 = arith.addi %iota3A, %add3A_148 : vector<16xi32>
    %gather3A_150 = tpu.vector_load_idx %arg8[%add3A_149, %broadcast_in_dim3A_36] : memref<640x8xf32, #tpu.memory_space<vmem>>[vector<16xi32>, vector<16xi32>], vector<16xf32>,
    %swap3A_151 = arith.constant 1 : i32
    %swap3A_152 = arith.index_cast %swap3A_151 : i32 to index
    %swap3A_153 = arith.constant 96 : index
    %swap3A_154 = tpu.vector_load %arg9[%swap3A_152, %swap3A_153] {strides = array<i32>} : memref<5x128xf32, #tpu.memory_space<vmem>>, vector<16xf32>,
    tpu.vector_store %arg9[%swap3A_152, %swap3A_153], %gather3A_150 {strides = array<i32>} : memref<5x128xf32, #tpu.memory_space<vmem>>, vector<16xf32>,
    %add3A_155 = arith.constant 240 : i32
    %add3A_156 = vector.broadcast %add3A_155 : i32 to vector<16xi32>
    %add3A_157 = arith.addi %iota3A, %add3A_156 : vector<16xi32>
    %gather3A_158 = tpu.vector_load_idx %arg8[%add3A_157, %broadcast_in_dim3A_36] : memref<640x8xf32, #tpu.memory_space<vmem>>[vector<16xi32>, vector<16xi32>], vector<16xf32>,
    %swap3A_159 = arith.constant 1 : i32
    %swap3A_160 = arith.index_cast %swap3A_159 : i32 to index
    %swap3A_161 = arith.constant 112 : index
    %swap3A_162 = tpu.vector_load %arg9[%swap3A_160, %swap3A_161] {strides = array<i32>} : memref<5x128xf32, #tpu.memory_space<vmem>>, vector<16xf32>,
    tpu.vector_store %arg9[%swap3A_160, %swap3A_161], %gather3A_158 {strides = array<i32>} : memref<5x128xf32, #tpu.memory_space<vmem>>, vector<16xf32>,
    %add3A_163 = arith.constant 256 : i32
    %add3A_164 = vector.broadcast %add3A_163 : i32 to vector<16xi32>
    %add3A_165 = arith.addi %iota3A, %add3A_164 : vector<16xi32>
    %gather3A_166 = tpu.vector_load_idx %arg8[%add3A_165, %broadcast_in_dim3A_36] : memref<640x8xf32, #tpu.memory_space<vmem>>[vector<16xi32>, vector<16xi32>], vector<16xf32>,
    %swap3A_167 = arith.constant 2 : i32
    %swap3A_168 = arith.index_cast %swap3A_167 : i32 to index
    %swap3A_169 = arith.constant 0 : index
    %swap3A_170 = tpu.vector_load %arg9[%swap3A_168, %swap3A_169] {strides = array<i32>} : memref<5x128xf32, #tpu.memory_space<vmem>>, vector<16xf32>,
    tpu.vector_store %arg9[%swap3A_168, %swap3A_169], %gather3A_166 {strides = array<i32>} : memref<5x128xf32, #tpu.memory_space<vmem>>, vector<16xf32>,
    %add3A_171 = arith.constant 272 : i32
    %add3A_172 = vector.broadcast %add3A_171 : i32 to vector<16xi32>
    %add3A_173 = arith.addi %iota3A, %add3A_172 : vector<16xi32>
    %gather3A_174 = tpu.vector_load_idx %arg8[%add3A_173, %broadcast_in_dim3A_36] : memref<640x8xf32, #tpu.memory_space<vmem>>[vector<16xi32>, vector<16xi32>], vector<16xf32>,
    %swap3A_175 = arith.constant 2 : i32
    %swap3A_176 = arith.index_cast %swap3A_175 : i32 to index
    %swap3A_177 = arith.constant 16 : index
    %swap3A_178 = tpu.vector_load %arg9[%swap3A_176, %swap3A_177] {strides = array<i32>} : memref<5x128xf32, #tpu.memory_space<vmem>>, vector<16xf32>,
    tpu.vector_store %arg9[%swap3A_176, %swap3A_177], %gather3A_174 {strides = array<i32>} : memref<5x128xf32, #tpu.memory_space<vmem>>, vector<16xf32>,
    %add3A_179 = arith.constant 288 : i32
    %add3A_180 = vector.broadcast %add3A_179 : i32 to vector<16xi32>
    %add3A_181 = arith.addi %iota3A, %add3A_180 : vector<16xi32>
    %gather3A_182 = tpu.vector_load_idx %arg8[%add3A_181, %broadcast_in_dim3A_36] : memref<640x8xf32, #tpu.memory_space<vmem>>[vector<16xi32>, vector<16xi32>], vector<16xf32>,
    %swap3A_183 = arith.constant 2 : i32
    %swap3A_184 = arith.index_cast %swap3A_183 : i32 to index
    %swap3A_185 = arith.constant 32 : index
    %swap3A_186 = tpu.vector_load %arg9[%swap3A_184, %swap3A_185] {strides = array<i32>} : memref<5x128xf32, #tpu.memory_space<vmem>>, vector<16xf32>,
    tpu.vector_store %arg9[%swap3A_184, %swap3A_185], %gather3A_182 {strides = array<i32>} : memref<5x128xf32, #tpu.memory_space<vmem>>, vector<16xf32>,
    %add3A_187 = arith.constant 304 : i32
    %add3A_188 = vector.broadcast %add3A_187 : i32 to vector<16xi32>
    %add3A_189 = arith.addi %iota3A, %add3A_188 : vector<16xi32>
    %gather3A_190 = tpu.vector_load_idx %arg8[%add3A_189, %broadcast_in_dim3A_36] : memref<640x8xf32, #tpu.memory_space<vmem>>[vector<16xi32>, vector<16xi32>], vector<16xf32>,
    %swap3A_191 = arith.constant 2 : i32
    %swap3A_192 = arith.index_cast %swap3A_191 : i32 to index
    %swap3A_193 = arith.constant 48 : index
    %swap3A_194 = tpu.vector_load %arg9[%swap3A_192, %swap3A_193] {strides = array<i32>} : memref<5x128xf32, #tpu.memory_space<vmem>>, vector<16xf32>,
    tpu.vector_store %arg9[%swap3A_192, %swap3A_193], %gather3A_190 {strides = array<i32>} : memref<5x128xf32, #tpu.memory_space<vmem>>, vector<16xf32>,
    %add3A_195 = arith.constant 320 : i32
    %add3A_196 = vector.broadcast %add3A_195 : i32 to vector<16xi32>
    %add3A_197 = arith.addi %iota3A, %add3A_196 : vector<16xi32>
    %gather3A_198 = tpu.vector_load_idx %arg8[%add3A_197, %broadcast_in_dim3A_36] : memref<640x8xf32, #tpu.memory_space<vmem>>[vector<16xi32>, vector<16xi32>], vector<16xf32>,
    %swap3A_199 = arith.constant 2 : i32
    %swap3A_200 = arith.index_cast %swap3A_199 : i32 to index
    %swap3A_201 = arith.constant 64 : index
    %swap3A_202 = tpu.vector_load %arg9[%swap3A_200, %swap3A_201] {strides = array<i32>} : memref<5x128xf32, #tpu.memory_space<vmem>>, vector<16xf32>,
    tpu.vector_store %arg9[%swap3A_200, %swap3A_201], %gather3A_198 {strides = array<i32>} : memref<5x128xf32, #tpu.memory_space<vmem>>, vector<16xf32>,
    %add3A_203 = arith.constant 336 : i32
    %add3A_204 = vector.broadcast %add3A_203 : i32 to vector<16xi32>
    %add3A_205 = arith.addi %iota3A, %add3A_204 : vector<16xi32>
    %gather3A_206 = tpu.vector_load_idx %arg8[%add3A_205, %broadcast_in_dim3A_36] : memref<640x8xf32, #tpu.memory_space<vmem>>[vector<16xi32>, vector<16xi32>], vector<16xf32>,
    %swap3A_207 = arith.constant 2 : i32
    %swap3A_208 = arith.index_cast %swap3A_207 : i32 to index
    %swap3A_209 = arith.constant 80 : index
    %swap3A_210 = tpu.vector_load %arg9[%swap3A_208, %swap3A_209] {strides = array<i32>} : memref<5x128xf32, #tpu.memory_space<vmem>>, vector<16xf32>,
    tpu.vector_store %arg9[%swap3A_208, %swap3A_209], %gather3A_206 {strides = array<i32>} : memref<5x128xf32, #tpu.memory_space<vmem>>, vector<16xf32>,
    %add3A_211 = arith.constant 352 : i32
    %add3A_212 = vector.broadcast %add3A_211 : i32 to vector<16xi32>
    %add3A_213 = arith.addi %iota3A, %add3A_212 : vector<16xi32>
    %gather3A_214 = tpu.vector_load_idx %arg8[%add3A_213, %broadcast_in_dim3A_36] : memref<640x8xf32, #tpu.memory_space<vmem>>[vector<16xi32>, vector<16xi32>], vector<16xf32>,
    %swap3A_215 = arith.constant 2 : i32
    %swap3A_216 = arith.index_cast %swap3A_215 : i32 to index
    %swap3A_217 = arith.constant 96 : index
    %swap3A_218 = tpu.vector_load %arg9[%swap3A_216, %swap3A_217] {strides = array<i32>} : memref<5x128xf32, #tpu.memory_space<vmem>>, vector<16xf32>,
    tpu.vector_store %arg9[%swap3A_216, %swap3A_217], %gather3A_214 {strides = array<i32>} : memref<5x128xf32, #tpu.memory_space<vmem>>, vector<16xf32>,
    %add3A_219 = arith.constant 368 : i32
    %add3A_220 = vector.broadcast %add3A_219 : i32 to vector<16xi32>
    %add3A_221 = arith.addi %iota3A, %add3A_220 : vector<16xi32>
    %gather3A_222 = tpu.vector_load_idx %arg8[%add3A_221, %broadcast_in_dim3A_36] : memref<640x8xf32, #tpu.memory_space<vmem>>[vector<16xi32>, vector<16xi32>], vector<16xf32>,
    %swap3A_223 = arith.constant 2 : i32
    %swap3A_224 = arith.index_cast %swap3A_223 : i32 to index
    %swap3A_225 = arith.constant 112 : index
    %swap3A_226 = tpu.vector_load %arg9[%swap3A_224, %swap3A_225] {strides = array<i32>} : memref<5x128xf32, #tpu.memory_space<vmem>>, vector<16xf32>,
    tpu.vector_store %arg9[%swap3A_224, %swap3A_225], %gather3A_222 {strides = array<i32>} : memref<5x128xf32, #tpu.memory_space<vmem>>, vector<16xf32>,
    %add3A_227 = arith.constant 384 : i32
    %add3A_228 = vector.broadcast %add3A_227 : i32 to vector<16xi32>
    %add3A_229 = arith.addi %iota3A, %add3A_228 : vector<16xi32>
    %gather3A_230 = tpu.vector_load_idx %arg8[%add3A_229, %broadcast_in_dim3A_36] : memref<640x8xf32, #tpu.memory_space<vmem>>[vector<16xi32>, vector<16xi32>], vector<16xf32>,
    %swap3A_231 = arith.constant 3 : i32
    %swap3A_232 = arith.index_cast %swap3A_231 : i32 to index
    %swap3A_233 = arith.constant 0 : index
    %swap3A_234 = tpu.vector_load %arg9[%swap3A_232, %swap3A_233] {strides = array<i32>} : memref<5x128xf32, #tpu.memory_space<vmem>>, vector<16xf32>,
    tpu.vector_store %arg9[%swap3A_232, %swap3A_233], %gather3A_230 {strides = array<i32>} : memref<5x128xf32, #tpu.memory_space<vmem>>, vector<16xf32>,
    %add3A_235 = arith.constant 400 : i32
    %add3A_236 = vector.broadcast %add3A_235 : i32 to vector<16xi32>
    %add3A_237 = arith.addi %iota3A, %add3A_236 : vector<16xi32>
    %gather3A_238 = tpu.vector_load_idx %arg8[%add3A_237, %broadcast_in_dim3A_36] : memref<640x8xf32, #tpu.memory_space<vmem>>[vector<16xi32>, vector<16xi32>], vector<16xf32>,
    %swap3A_239 = arith.constant 3 : i32
    %swap3A_240 = arith.index_cast %swap3A_239 : i32 to index
    %swap3A_241 = arith.constant 16 : index
    %swap3A_242 = tpu.vector_load %arg9[%swap3A_240, %swap3A_241] {strides = array<i32>} : memref<5x128xf32, #tpu.memory_space<vmem>>, vector<16xf32>,
    tpu.vector_store %arg9[%swap3A_240, %swap3A_241], %gather3A_238 {strides = array<i32>} : memref<5x128xf32, #tpu.memory_space<vmem>>, vector<16xf32>,
    %add3A_243 = arith.constant 416 : i32
    %add3A_244 = vector.broadcast %add3A_243 : i32 to vector<16xi32>
    %add3A_245 = arith.addi %iota3A, %add3A_244 : vector<16xi32>
    %gather3A_246 = tpu.vector_load_idx %arg8[%add3A_245, %broadcast_in_dim3A_36] : memref<640x8xf32, #tpu.memory_space<vmem>>[vector<16xi32>, vector<16xi32>], vector<16xf32>,
    %swap3A_247 = arith.constant 3 : i32
    %swap3A_248 = arith.index_cast %swap3A_247 : i32 to index
    %swap3A_249 = arith.constant 32 : index
    %swap3A_250 = tpu.vector_load %arg9[%swap3A_248, %swap3A_249] {strides = array<i32>} : memref<5x128xf32, #tpu.memory_space<vmem>>, vector<16xf32>,
    tpu.vector_store %arg9[%swap3A_248, %swap3A_249], %gather3A_246 {strides = array<i32>} : memref<5x128xf32, #tpu.memory_space<vmem>>, vector<16xf32>,
    %add3A_251 = arith.constant 432 : i32
    %add3A_252 = vector.broadcast %add3A_251 : i32 to vector<16xi32>
    %add3A_253 = arith.addi %iota3A, %add3A_252 : vector<16xi32>
    %gather3A_254 = tpu.vector_load_idx %arg8[%add3A_253, %broadcast_in_dim3A_36] : memref<640x8xf32, #tpu.memory_space<vmem>>[vector<16xi32>, vector<16xi32>], vector<16xf32>,
    %swap3A_255 = arith.constant 3 : i32
    %swap3A_256 = arith.index_cast %swap3A_255 : i32 to index
    %swap3A_257 = arith.constant 48 : index
    %swap3A_258 = tpu.vector_load %arg9[%swap3A_256, %swap3A_257] {strides = array<i32>} : memref<5x128xf32, #tpu.memory_space<vmem>>, vector<16xf32>,
    tpu.vector_store %arg9[%swap3A_256, %swap3A_257], %gather3A_254 {strides = array<i32>} : memref<5x128xf32, #tpu.memory_space<vmem>>, vector<16xf32>,
    %add3A_259 = arith.constant 448 : i32
    %add3A_260 = vector.broadcast %add3A_259 : i32 to vector<16xi32>
    %add3A_261 = arith.addi %iota3A, %add3A_260 : vector<16xi32>
    %gather3A_262 = tpu.vector_load_idx %arg8[%add3A_261, %broadcast_in_dim3A_36] : memref<640x8xf32, #tpu.memory_space<vmem>>[vector<16xi32>, vector<16xi32>], vector<16xf32>,
    %swap3A_263 = arith.constant 3 : i32
    %swap3A_264 = arith.index_cast %swap3A_263 : i32 to index
    %swap3A_265 = arith.constant 64 : index
    %swap3A_266 = tpu.vector_load %arg9[%swap3A_264, %swap3A_265] {strides = array<i32>} : memref<5x128xf32, #tpu.memory_space<vmem>>, vector<16xf32>,
    tpu.vector_store %arg9[%swap3A_264, %swap3A_265], %gather3A_262 {strides = array<i32>} : memref<5x128xf32, #tpu.memory_space<vmem>>, vector<16xf32>,
    %add3A_267 = arith.constant 464 : i32
    %add3A_268 = vector.broadcast %add3A_267 : i32 to vector<16xi32>
    %add3A_269 = arith.addi %iota3A, %add3A_268 : vector<16xi32>
    %gather3A_270 = tpu.vector_load_idx %arg8[%add3A_269, %broadcast_in_dim3A_36] : memref<640x8xf32, #tpu.memory_space<vmem>>[vector<16xi32>, vector<16xi32>], vector<16xf32>,
    %swap3A_271 = arith.constant 3 : i32
    %swap3A_272 = arith.index_cast %swap3A_271 : i32 to index
    %swap3A_273 = arith.constant 80 : index
    %swap3A_274 = tpu.vector_load %arg9[%swap3A_272, %swap3A_273] {strides = array<i32>} : memref<5x128xf32, #tpu.memory_space<vmem>>, vector<16xf32>,
    tpu.vector_store %arg9[%swap3A_272, %swap3A_273], %gather3A_270 {strides = array<i32>} : memref<5x128xf32, #tpu.memory_space<vmem>>, vector<16xf32>,
    %add3A_275 = arith.constant 480 : i32
    %add3A_276 = vector.broadcast %add3A_275 : i32 to vector<16xi32>
    %add3A_277 = arith.addi %iota3A, %add3A_276 : vector<16xi32>
    %gather3A_278 = tpu.vector_load_idx %arg8[%add3A_277, %broadcast_in_dim3A_36] : memref<640x8xf32, #tpu.memory_space<vmem>>[vector<16xi32>, vector<16xi32>], vector<16xf32>,
    %swap3A_279 = arith.constant 3 : i32
    %swap3A_280 = arith.index_cast %swap3A_279 : i32 to index
    %swap3A_281 = arith.constant 96 : index
    %swap3A_282 = tpu.vector_load %arg9[%swap3A_280, %swap3A_281] {strides = array<i32>} : memref<5x128xf32, #tpu.memory_space<vmem>>, vector<16xf32>,
    tpu.vector_store %arg9[%swap3A_280, %swap3A_281], %gather3A_278 {strides = array<i32>} : memref<5x128xf32, #tpu.memory_space<vmem>>, vector<16xf32>,
    %add3A_283 = arith.constant 496 : i32
    %add3A_284 = vector.broadcast %add3A_283 : i32 to vector<16xi32>
    %add3A_285 = arith.addi %iota3A, %add3A_284 : vector<16xi32>
    %gather3A_286 = tpu.vector_load_idx %arg8[%add3A_285, %broadcast_in_dim3A_36] : memref<640x8xf32, #tpu.memory_space<vmem>>[vector<16xi32>, vector<16xi32>], vector<16xf32>,
    %swap3A_287 = arith.constant 3 : i32
    %swap3A_288 = arith.index_cast %swap3A_287 : i32 to index
    %swap3A_289 = arith.constant 112 : index
    %swap3A_290 = tpu.vector_load %arg9[%swap3A_288, %swap3A_289] {strides = array<i32>} : memref<5x128xf32, #tpu.memory_space<vmem>>, vector<16xf32>,
    tpu.vector_store %arg9[%swap3A_288, %swap3A_289], %gather3A_286 {strides = array<i32>} : memref<5x128xf32, #tpu.memory_space<vmem>>, vector<16xf32>,
    %add3A_291 = arith.constant 512 : i32
    %add3A_292 = vector.broadcast %add3A_291 : i32 to vector<16xi32>
    %add3A_293 = arith.addi %iota3A, %add3A_292 : vector<16xi32>
    %gather3A_294 = tpu.vector_load_idx %arg8[%add3A_293, %broadcast_in_dim3A_36] : memref<640x8xf32, #tpu.memory_space<vmem>>[vector<16xi32>, vector<16xi32>], vector<16xf32>,
    %swap3A_295 = arith.constant 4 : i32
    %swap3A_296 = arith.index_cast %swap3A_295 : i32 to index
    %swap3A_297 = arith.constant 0 : index
    %swap3A_298 = tpu.vector_load %arg9[%swap3A_296, %swap3A_297] {strides = array<i32>} : memref<5x128xf32, #tpu.memory_space<vmem>>, vector<16xf32>,
    tpu.vector_store %arg9[%swap3A_296, %swap3A_297], %gather3A_294 {strides = array<i32>} : memref<5x128xf32, #tpu.memory_space<vmem>>, vector<16xf32>,
    %add3A_299 = arith.constant 528 : i32
    %add3A_300 = vector.broadcast %add3A_299 : i32 to vector<16xi32>
    %add3A_301 = arith.addi %iota3A, %add3A_300 : vector<16xi32>
    %gather3A_302 = tpu.vector_load_idx %arg8[%add3A_301, %broadcast_in_dim3A_36] : memref<640x8xf32, #tpu.memory_space<vmem>>[vector<16xi32>, vector<16xi32>], vector<16xf32>,
    %swap3A_303 = arith.constant 4 : i32
    %swap3A_304 = arith.index_cast %swap3A_303 : i32 to index
    %swap3A_305 = arith.constant 16 : index
    %swap3A_306 = tpu.vector_load %arg9[%swap3A_304, %swap3A_305] {strides = array<i32>} : memref<5x128xf32, #tpu.memory_space<vmem>>, vector<16xf32>,
    tpu.vector_store %arg9[%swap3A_304, %swap3A_305], %gather3A_302 {strides = array<i32>} : memref<5x128xf32, #tpu.memory_space<vmem>>, vector<16xf32>,
    %add3A_307 = arith.constant 544 : i32
    %add3A_308 = vector.broadcast %add3A_307 : i32 to vector<16xi32>
    %add3A_309 = arith.addi %iota3A, %add3A_308 : vector<16xi32>
    %gather3A_310 = tpu.vector_load_idx %arg8[%add3A_309, %broadcast_in_dim3A_36] : memref<640x8xf32, #tpu.memory_space<vmem>>[vector<16xi32>, vector<16xi32>], vector<16xf32>,
    %swap3A_311 = arith.constant 4 : i32
    %swap3A_312 = arith.index_cast %swap3A_311 : i32 to index
    %swap3A_313 = arith.constant 32 : index
    %swap3A_314 = tpu.vector_load %arg9[%swap3A_312, %swap3A_313] {strides = array<i32>} : memref<5x128xf32, #tpu.memory_space<vmem>>, vector<16xf32>,
    tpu.vector_store %arg9[%swap3A_312, %swap3A_313], %gather3A_310 {strides = array<i32>} : memref<5x128xf32, #tpu.memory_space<vmem>>, vector<16xf32>,
    %add3A_315 = arith.constant 560 : i32
    %add3A_316 = vector.broadcast %add3A_315 : i32 to vector<16xi32>
    %add3A_317 = arith.addi %iota3A, %add3A_316 : vector<16xi32>
    %gather3A_318 = tpu.vector_load_idx %arg8[%add3A_317, %broadcast_in_dim3A_36] : memref<640x8xf32, #tpu.memory_space<vmem>>[vector<16xi32>, vector<16xi32>], vector<16xf32>,
    %swap3A_319 = arith.constant 4 : i32
    %swap3A_320 = arith.index_cast %swap3A_319 : i32 to index
    %swap3A_321 = arith.constant 48 : index
    %swap3A_322 = tpu.vector_load %arg9[%swap3A_320, %swap3A_321] {strides = array<i32>} : memref<5x128xf32, #tpu.memory_space<vmem>>, vector<16xf32>,
    tpu.vector_store %arg9[%swap3A_320, %swap3A_321], %gather3A_318 {strides = array<i32>} : memref<5x128xf32, #tpu.memory_space<vmem>>, vector<16xf32>,
    %add3A_323 = arith.constant 576 : i32
    %add3A_324 = vector.broadcast %add3A_323 : i32 to vector<16xi32>
    %add3A_325 = arith.addi %iota3A, %add3A_324 : vector<16xi32>
    %gather3A_326 = tpu.vector_load_idx %arg8[%add3A_325, %broadcast_in_dim3A_36] : memref<640x8xf32, #tpu.memory_space<vmem>>[vector<16xi32>, vector<16xi32>], vector<16xf32>,
    %swap3A_327 = arith.constant 4 : i32
    %swap3A_328 = arith.index_cast %swap3A_327 : i32 to index
    %swap3A_329 = arith.constant 64 : index
    %swap3A_330 = tpu.vector_load %arg9[%swap3A_328, %swap3A_329] {strides = array<i32>} : memref<5x128xf32, #tpu.memory_space<vmem>>, vector<16xf32>,
    tpu.vector_store %arg9[%swap3A_328, %swap3A_329], %gather3A_326 {strides = array<i32>} : memref<5x128xf32, #tpu.memory_space<vmem>>, vector<16xf32>,
    %add3A_331 = arith.constant 592 : i32
    %add3A_332 = vector.broadcast %add3A_331 : i32 to vector<16xi32>
    %add3A_333 = arith.addi %iota3A, %add3A_332 : vector<16xi32>
    %gather3A_334 = tpu.vector_load_idx %arg8[%add3A_333, %broadcast_in_dim3A_36] : memref<640x8xf32, #tpu.memory_space<vmem>>[vector<16xi32>, vector<16xi32>], vector<16xf32>,
    %swap3A_335 = arith.constant 4 : i32
    %swap3A_336 = arith.index_cast %swap3A_335 : i32 to index
    %swap3A_337 = arith.constant 80 : index
    %swap3A_338 = tpu.vector_load %arg9[%swap3A_336, %swap3A_337] {strides = array<i32>} : memref<5x128xf32, #tpu.memory_space<vmem>>, vector<16xf32>,
    tpu.vector_store %arg9[%swap3A_336, %swap3A_337], %gather3A_334 {strides = array<i32>} : memref<5x128xf32, #tpu.memory_space<vmem>>, vector<16xf32>,
    %add3A_339 = arith.constant 608 : i32
    %add3A_340 = vector.broadcast %add3A_339 : i32 to vector<16xi32>
    %add3A_341 = arith.addi %iota3A, %add3A_340 : vector<16xi32>
    %gather3A_342 = tpu.vector_load_idx %arg8[%add3A_341, %broadcast_in_dim3A_36] : memref<640x8xf32, #tpu.memory_space<vmem>>[vector<16xi32>, vector<16xi32>], vector<16xf32>,
    %swap3A_343 = arith.constant 4 : i32
    %swap3A_344 = arith.index_cast %swap3A_343 : i32 to index
    %swap3A_345 = arith.constant 96 : index
    %swap3A_346 = tpu.vector_load %arg9[%swap3A_344, %swap3A_345] {strides = array<i32>} : memref<5x128xf32, #tpu.memory_space<vmem>>, vector<16xf32>,
    tpu.vector_store %arg9[%swap3A_344, %swap3A_345], %gather3A_342 {strides = array<i32>} : memref<5x128xf32, #tpu.memory_space<vmem>>, vector<16xf32>,
    %add3A_347 = arith.constant 624 : i32
    %add3A_348 = vector.broadcast %add3A_347 : i32 to vector<16xi32>
    %add3A_349 = arith.addi %iota3A, %add3A_348 : vector<16xi32>
    %gather3A_350 = tpu.vector_load_idx %arg8[%add3A_349, %broadcast_in_dim3A_36] : memref<640x8xf32, #tpu.memory_space<vmem>>[vector<16xi32>, vector<16xi32>], vector<16xf32>,
    %swap3A_351 = arith.constant 4 : i32
    %swap3A_352 = arith.index_cast %swap3A_351 : i32 to index
    %swap3A_353 = arith.constant 112 : index
    %swap3A_354 = tpu.vector_load %arg9[%swap3A_352, %swap3A_353] {strides = array<i32>} : memref<5x128xf32, #tpu.memory_space<vmem>>, vector<16xf32>,
    tpu.vector_store %arg9[%swap3A_352, %swap3A_353], %gather3A_350 {strides = array<i32>} : memref<5x128xf32, #tpu.memory_space<vmem>>, vector<16xf32>,
    %mul3A_355 = arith.constant 5 : i32
    %mul3A_356 = arith.muli %arg1, %mul3A_355 : i32
    "tpu.region"() ({
      %run_scoped3A = tpu.sem_alloc : memref<!tpu.dma_semaphore, #tpu.memory_space<semaphore_mem>>
      %dma_start3A = arith.constant 0 : i32
      %dma_start3A_357 = tpu.memref_slice %arg5[%arg0, %mul3A_356, %dma_start3A] : memref<2x80x128xf32, #tpu.memory_space<hbm>> -> memref<1x5x128xf32, #tpu.memory_space<hbm>>
      %dma_start3A_358 = tpu.memref_squeeze %dma_start3A_357 : memref<1x5x128xf32, #tpu.memory_space<hbm>> -> memref<5x128xf32, #tpu.memory_space<hbm>>
      %dma_start3A_359 = arith.constant 0 : i32
      %dma_start3A_360 = tpu.memref_slice %arg5[%arg0, %mul3A_356, %dma_start3A_359] : memref<2x80x128xf32, #tpu.memory_space<hbm>> -> memref<1x5x128xf32, #tpu.memory_space<hbm>>
      %dma_start3A_361 = tpu.memref_squeeze %dma_start3A_360 : memref<1x5x128xf32, #tpu.memory_space<hbm>> -> memref<5x128xf32, #tpu.memory_space<hbm>>
      tpu.enqueue_dma source(%arg9 : memref<5x128xf32, #tpu.memory_space<vmem>>) target(%dma_start3A_361 : memref<5x128xf32, #tpu.memory_space<hbm>>) target_semaphore(%run_scoped3A : memref<!tpu.dma_semaphore, #tpu.memory_space<semaphore_mem>>)
      %dma_wait3A_362 = arith.constant 0 : i32
      %dma_wait3A_363 = tpu.memref_slice %arg5[%arg0, %mul3A_356, %dma_wait3A_362] : memref<2x80x128xf32, #tpu.memory_space<hbm>> -> memref<1x5x128xf32, #tpu.memory_space<hbm>>
      %dma_wait3A_364 = tpu.memref_squeeze %dma_wait3A_363 : memref<1x5x128xf32, #tpu.memory_space<hbm>> -> memref<5x128xf32, #tpu.memory_space<hbm>>
      %dma_wait3A_365 = arith.constant 0 : i32
      %dma_wait3A_366 = tpu.memref_slice %arg5[%arg0, %mul3A_356, %dma_wait3A_365] : memref<2x80x128xf32, #tpu.memory_space<hbm>> -> memref<1x5x128xf32, #tpu.memory_space<hbm>>
      %dma_wait3A_367 = tpu.memref_squeeze %dma_wait3A_366 : memref<1x5x128xf32, #tpu.memory_space<hbm>> -> memref<5x128xf32, #tpu.memory_space<hbm>>
      tpu.wait_dma2 semaphore(%run_scoped3A : memref<!tpu.dma_semaphore, #tpu.memory_space<semaphore_mem>>) src(%arg9 : memref<5x128xf32, #tpu.memory_space<vmem>>) dst(%dma_wait3A_367 : memref<5x128xf32, #tpu.memory_space<hbm>>)
      tpu.yield
    }) : () -> ()
    return
  }
}

#map = affine_map<(d0, d1) -> (0, 0)>
#map1 = affine_map<(d0, d1) -> (0, 0, 0, 0)>
#map2 = affine_map<(d0, d1) -> (0, 0, 0)>
module attributes {stable_mosaic.version = 14 : i64} {
  func.func @agg(%arg0: i32, %arg1: i32, %arg2: memref<10240x16xf32, #tpu.memory_space<hbm>>, %arg3: memref<1x32x80x128xi32, #tpu.memory_space<hbm>>, %arg4: memref<32x80x128xi32, #tpu.memory_space<hbm>>, %arg5: memref<10240x16xf32, #tpu.memory_space<hbm>>, %arg6: memref<2x10240x16xf32, #tpu.memory_space<hbm>>, %arg7: memref<80x128xi32, #tpu.memory_space<vmem>>, %arg8: memref<80x128xi32, #tpu.memory_space<vmem>>, %arg9: memref<128x16xf32, #tpu.memory_space<vmem>>, %arg10: memref<128x16xf32, #tpu.memory_space<vmem>>, %arg11: memref<128x16xf32, #tpu.memory_space<vmem>>, %arg12: memref<128x16xf32, #tpu.memory_space<vmem>>, %arg13: memref<128x16xf32, #tpu.memory_space<vmem>>, %arg14: memref<128x16xf32, #tpu.memory_space<vmem>>, %arg15: memref<128x16xf32, #tpu.memory_space<vmem>>, %arg16: memref<128x16xf32, #tpu.memory_space<vmem>>, %arg17: memref<!tpu.dma_semaphore, #tpu.memory_space<semaphore_mem>>, %arg18: memref<!tpu.dma_semaphore, #tpu.memory_space<semaphore_mem>>, %arg19: memref<!tpu.dma_semaphore, #tpu.memory_space<semaphore_mem>>, %arg20: memref<!tpu.dma_semaphore, #tpu.memory_space<semaphore_mem>>, %arg21: memref<!tpu.dma_semaphore, #tpu.memory_space<semaphore_mem>>, %arg22: memref<!tpu.dma_semaphore, #tpu.memory_space<semaphore_mem>>, %arg23: memref<!tpu.dma_semaphore, #tpu.memory_space<semaphore_mem>>, %arg24: memref<!tpu.dma_semaphore, #tpu.memory_space<semaphore_mem>>, %arg25: memref<!tpu.dma_semaphore, #tpu.memory_space<semaphore_mem>>, %arg26: memref<!tpu.dma_semaphore, #tpu.memory_space<semaphore_mem>>, %arg27: memref<!tpu.dma_semaphore, #tpu.memory_space<semaphore_mem>>, %arg28: memref<!tpu.dma_semaphore, #tpu.memory_space<semaphore_mem>>, %arg29: memref<!tpu.dma_semaphore, #tpu.memory_space<semaphore_mem>>, %arg30: memref<!tpu.dma_semaphore, #tpu.memory_space<semaphore_mem>>, %arg31: memref<!tpu.dma_semaphore, #tpu.memory_space<semaphore_mem>>, %arg32: memref<!tpu.dma_semaphore, #tpu.memory_space<semaphore_mem>>, %arg33: memref<10240x16xf32, #tpu.memory_space<vmem_shared>>) attributes {dimension_semantics = [#tpu.dimension_semantics<core_parallel>, #tpu.dimension_semantics<subcore_parallel>], iteration_bounds = array<i64: 2, 16>, scalar_prefetch = 0 : i64, scratch_operands = 27 : i64, tpu.core_type = #tpu.core_type<sc_vector_subcore>, window_params = [{transform_indices = #map}, {transform_indices = #map1}, {transform_indices = #map2}, {transform_indices = #map}, {transform_indices = #map2}]} {
    %mul3A = arith.constant 2 : i32
    %mul3A_0 = arith.muli %mul3A, %arg1 : i32
    %add3A = arith.addi %mul3A_0, %arg0 : i32
    %mul3A_1 = arith.constant 640 : i32
    %mul3A_2 = arith.muli %arg1, %mul3A_1 : i32
    "tpu.region"() ({
      %run_scoped3A_91 = tpu.sem_alloc : memref<!tpu.dma_semaphore, #tpu.memory_space<semaphore_mem>>
      %dma_start3A_92 = arith.constant 0 : i32
      %dma_start3A_93 = arith.constant 0 : i32
      %dma_start3A_94 = tpu.memref_slice %arg4[%add3A, %dma_start3A_92, %dma_start3A_93] : memref<32x80x128xi32, #tpu.memory_space<hbm>> -> memref<1x80x128xi32, #tpu.memory_space<hbm>>
      %dma_start3A_95 = tpu.memref_squeeze %dma_start3A_94 : memref<1x80x128xi32, #tpu.memory_space<hbm>> -> memref<80x128xi32, #tpu.memory_space<hbm>>
      %dma_start3A_96 = arith.constant 0 : i32
      %dma_start3A_97 = arith.constant 0 : i32
      %dma_start3A_98 = tpu.memref_slice %arg4[%add3A, %dma_start3A_96, %dma_start3A_97] : memref<32x80x128xi32, #tpu.memory_space<hbm>> -> memref<1x80x128xi32, #tpu.memory_space<hbm>>
      %dma_start3A_99 = tpu.memref_squeeze %dma_start3A_98 : memref<1x80x128xi32, #tpu.memory_space<hbm>> -> memref<80x128xi32, #tpu.memory_space<hbm>>
      tpu.enqueue_dma source(%dma_start3A_99 : memref<80x128xi32, #tpu.memory_space<hbm>>) target(%arg8 : memref<80x128xi32, #tpu.memory_space<vmem>>) target_semaphore(%run_scoped3A_91 : memref<!tpu.dma_semaphore, #tpu.memory_space<semaphore_mem>>)
      %dma_wait3A_100 = arith.constant 0 : i32
      %dma_wait3A_101 = arith.constant 0 : i32
      %dma_wait3A_102 = tpu.memref_slice %arg4[%add3A, %dma_wait3A_100, %dma_wait3A_101] : memref<32x80x128xi32, #tpu.memory_space<hbm>> -> memref<1x80x128xi32, #tpu.memory_space<hbm>>
      %dma_wait3A_103 = tpu.memref_squeeze %dma_wait3A_102 : memref<1x80x128xi32, #tpu.memory_space<hbm>> -> memref<80x128xi32, #tpu.memory_space<hbm>>
      %dma_wait3A_104 = arith.constant 0 : i32
      %dma_wait3A_105 = arith.constant 0 : i32
      %dma_wait3A_106 = tpu.memref_slice %arg4[%add3A, %dma_wait3A_104, %dma_wait3A_105] : memref<32x80x128xi32, #tpu.memory_space<hbm>> -> memref<1x80x128xi32, #tpu.memory_space<hbm>>
      %dma_wait3A_107 = tpu.memref_squeeze %dma_wait3A_106 : memref<1x80x128xi32, #tpu.memory_space<hbm>> -> memref<80x128xi32, #tpu.memory_space<hbm>>
      tpu.wait_dma2 semaphore(%run_scoped3A_91 : memref<!tpu.dma_semaphore, #tpu.memory_space<semaphore_mem>>) src(%dma_wait3A_107 : memref<80x128xi32, #tpu.memory_space<hbm>>) dst(%arg8 : memref<80x128xi32, #tpu.memory_space<vmem>>)
      tpu.yield
    }) : () -> ()
    %run_scoped3A = arith.constant 0 : i32
    "tpu.region"() ({
      %run_scoped3A_91 = tpu.sem_alloc : memref<!tpu.dma_semaphore, #tpu.memory_space<semaphore_mem>>
      %dma_start3A_92 = arith.constant 0 : i32
      %dma_start3A_93 = arith.constant 0 : i32
      %dma_start3A_94 = tpu.memref_slice %arg3[%run_scoped3A, %add3A, %dma_start3A_92, %dma_start3A_93] : memref<1x32x80x128xi32, #tpu.memory_space<hbm>> -> memref<1x1x80x128xi32, #tpu.memory_space<hbm>>
      %dma_start3A_95 = tpu.memref_squeeze %dma_start3A_94 : memref<1x1x80x128xi32, #tpu.memory_space<hbm>> -> memref<80x128xi32, #tpu.memory_space<hbm>>
      %dma_start3A_96 = arith.constant 0 : i32
      %dma_start3A_97 = arith.constant 0 : i32
      %dma_start3A_98 = tpu.memref_slice %arg3[%run_scoped3A, %add3A, %dma_start3A_96, %dma_start3A_97] : memref<1x32x80x128xi32, #tpu.memory_space<hbm>> -> memref<1x1x80x128xi32, #tpu.memory_space<hbm>>
      %dma_start3A_99 = tpu.memref_squeeze %dma_start3A_98 : memref<1x1x80x128xi32, #tpu.memory_space<hbm>> -> memref<80x128xi32, #tpu.memory_space<hbm>>
      tpu.enqueue_dma source(%dma_start3A_99 : memref<80x128xi32, #tpu.memory_space<hbm>>) target(%arg7 : memref<80x128xi32, #tpu.memory_space<vmem>>) target_semaphore(%run_scoped3A_91 : memref<!tpu.dma_semaphore, #tpu.memory_space<semaphore_mem>>)
      %dma_wait3A_100 = arith.constant 0 : i32
      %dma_wait3A_101 = arith.constant 0 : i32
      %dma_wait3A_102 = tpu.memref_slice %arg3[%run_scoped3A, %add3A, %dma_wait3A_100, %dma_wait3A_101] : memref<1x32x80x128xi32, #tpu.memory_space<hbm>> -> memref<1x1x80x128xi32, #tpu.memory_space<hbm>>
      %dma_wait3A_103 = tpu.memref_squeeze %dma_wait3A_102 : memref<1x1x80x128xi32, #tpu.memory_space<hbm>> -> memref<80x128xi32, #tpu.memory_space<hbm>>
      %dma_wait3A_104 = arith.constant 0 : i32
      %dma_wait3A_105 = arith.constant 0 : i32
      %dma_wait3A_106 = tpu.memref_slice %arg3[%run_scoped3A, %add3A, %dma_wait3A_104, %dma_wait3A_105] : memref<1x32x80x128xi32, #tpu.memory_space<hbm>> -> memref<1x1x80x128xi32, #tpu.memory_space<hbm>>
      %dma_wait3A_107 = tpu.memref_squeeze %dma_wait3A_106 : memref<1x1x80x128xi32, #tpu.memory_space<hbm>> -> memref<80x128xi32, #tpu.memory_space<hbm>>
      tpu.wait_dma2 semaphore(%run_scoped3A_91 : memref<!tpu.dma_semaphore, #tpu.memory_space<semaphore_mem>>) src(%dma_wait3A_107 : memref<80x128xi32, #tpu.memory_space<hbm>>) dst(%arg7 : memref<80x128xi32, #tpu.memory_space<vmem>>)
      tpu.yield
    }) : () -> ()
    "tpu.region"() ({
      %run_scoped3A_91 = tpu.sem_alloc : memref<!tpu.dma_semaphore, #tpu.memory_space<semaphore_mem>>
      %dma_start3A_92 = arith.constant 0 : i32
      %dma_start3A_93 = tpu.memref_slice %arg33[%mul3A_2, %dma_start3A_92] : memref<10240x16xf32, #tpu.memory_space<vmem_shared>> -> memref<640x16xf32, #tpu.memory_space<vmem_shared>>
      %dma_start3A_94 = arith.constant 0 : i32
      %dma_start3A_95 = tpu.memref_slice %arg5[%mul3A_2, %dma_start3A_94] : memref<10240x16xf32, #tpu.memory_space<hbm>> -> memref<640x16xf32, #tpu.memory_space<hbm>>
      tpu.enqueue_dma source(%dma_start3A_95 : memref<640x16xf32, #tpu.memory_space<hbm>>) target(%dma_start3A_93 : memref<640x16xf32, #tpu.memory_space<vmem_shared>>) target_semaphore(%run_scoped3A_91 : memref<!tpu.dma_semaphore, #tpu.memory_space<semaphore_mem>>)
      %dma_wait3A_96 = arith.constant 0 : i32
      %dma_wait3A_97 = tpu.memref_slice %arg33[%mul3A_2, %dma_wait3A_96] : memref<10240x16xf32, #tpu.memory_space<vmem_shared>> -> memref<640x16xf32, #tpu.memory_space<vmem_shared>>
      %dma_wait3A_98 = arith.constant 0 : i32
      %dma_wait3A_99 = tpu.memref_slice %arg5[%mul3A_2, %dma_wait3A_98] : memref<10240x16xf32, #tpu.memory_space<hbm>> -> memref<640x16xf32, #tpu.memory_space<hbm>>
      tpu.wait_dma2 semaphore(%run_scoped3A_91 : memref<!tpu.dma_semaphore, #tpu.memory_space<semaphore_mem>>) src(%dma_wait3A_99 : memref<640x16xf32, #tpu.memory_space<hbm>>) dst(%dma_wait3A_97 : memref<640x16xf32, #tpu.memory_space<vmem_shared>>)
      tpu.yield
    }) : () -> ()
    %barrier3A = arith.constant 0 : index
    tpu.barrier barrier_id(%barrier3A)
    %dma_start3A = arith.constant 0 : i32
    %dma_start3A_3 = arith.constant 0 : i32
    %dma_start3A_4 = tpu.memref_slice %arg7[%dma_start3A, %dma_start3A_3] : memref<80x128xi32, #tpu.memory_space<vmem>> -> memref<1x128xi32, #tpu.memory_space<vmem>>
    %dma_start3A_5 = tpu.memref_squeeze %dma_start3A_4 : memref<1x128xi32, #tpu.memory_space<vmem>> -> memref<128xi32, #tpu.memory_space<vmem>>
    %dma_start3A_6 = arith.constant 0 : i32
    %dma_start3A_7 = arith.constant 0 : i32
    %dma_start3A_8 = tpu.memref_slice %arg2[%dma_start3A_6, %dma_start3A_7] : memref<10240x16xf32, #tpu.memory_space<hbm>> -> memref<10240x16xf32, #tpu.memory_space<hbm>>
    tpu.enqueue_indirect_dma source(%dma_start3A_8 : memref<10240x16xf32, #tpu.memory_space<hbm>>) target(%arg9 : memref<128x16xf32, #tpu.memory_space<vmem>>) offsets(%dma_start3A_5 : memref<128xi32, #tpu.memory_space<vmem>>) semaphore(%arg17 : memref<!tpu.dma_semaphore, #tpu.memory_space<semaphore_mem>>)
    %dma_start3A_9 = arith.constant 1 : i32
    %dma_start3A_10 = arith.constant 0 : i32
    %dma_start3A_11 = tpu.memref_slice %arg7[%dma_start3A_9, %dma_start3A_10] : memref<80x128xi32, #tpu.memory_space<vmem>> -> memref<1x128xi32, #tpu.memory_space<vmem>>
    %dma_start3A_12 = tpu.memref_squeeze %dma_start3A_11 : memref<1x128xi32, #tpu.memory_space<vmem>> -> memref<128xi32, #tpu.memory_space<vmem>>
    %dma_start3A_13 = arith.constant 0 : i32
    %dma_start3A_14 = arith.constant 0 : i32
    %dma_start3A_15 = tpu.memref_slice %arg2[%dma_start3A_13, %dma_start3A_14] : memref<10240x16xf32, #tpu.memory_space<hbm>> -> memref<10240x16xf32, #tpu.memory_space<hbm>>
    tpu.enqueue_indirect_dma source(%dma_start3A_15 : memref<10240x16xf32, #tpu.memory_space<hbm>>) target(%arg10 : memref<128x16xf32, #tpu.memory_space<vmem>>) offsets(%dma_start3A_12 : memref<128xi32, #tpu.memory_space<vmem>>) semaphore(%arg18 : memref<!tpu.dma_semaphore, #tpu.memory_space<semaphore_mem>>)
    %dma_start3A_16 = arith.constant 2 : i32
    %dma_start3A_17 = arith.constant 0 : i32
    %dma_start3A_18 = tpu.memref_slice %arg7[%dma_start3A_16, %dma_start3A_17] : memref<80x128xi32, #tpu.memory_space<vmem>> -> memref<1x128xi32, #tpu.memory_space<vmem>>
    %dma_start3A_19 = tpu.memref_squeeze %dma_start3A_18 : memref<1x128xi32, #tpu.memory_space<vmem>> -> memref<128xi32, #tpu.memory_space<vmem>>
    %dma_start3A_20 = arith.constant 0 : i32
    %dma_start3A_21 = arith.constant 0 : i32
    %dma_start3A_22 = tpu.memref_slice %arg2[%dma_start3A_20, %dma_start3A_21] : memref<10240x16xf32, #tpu.memory_space<hbm>> -> memref<10240x16xf32, #tpu.memory_space<hbm>>
    tpu.enqueue_indirect_dma source(%dma_start3A_22 : memref<10240x16xf32, #tpu.memory_space<hbm>>) target(%arg11 : memref<128x16xf32, #tpu.memory_space<vmem>>) offsets(%dma_start3A_19 : memref<128xi32, #tpu.memory_space<vmem>>) semaphore(%arg19 : memref<!tpu.dma_semaphore, #tpu.memory_space<semaphore_mem>>)
    %dma_start3A_23 = arith.constant 3 : i32
    %dma_start3A_24 = arith.constant 0 : i32
    %dma_start3A_25 = tpu.memref_slice %arg7[%dma_start3A_23, %dma_start3A_24] : memref<80x128xi32, #tpu.memory_space<vmem>> -> memref<1x128xi32, #tpu.memory_space<vmem>>
    %dma_start3A_26 = tpu.memref_squeeze %dma_start3A_25 : memref<1x128xi32, #tpu.memory_space<vmem>> -> memref<128xi32, #tpu.memory_space<vmem>>
    %dma_start3A_27 = arith.constant 0 : i32
    %dma_start3A_28 = arith.constant 0 : i32
    %dma_start3A_29 = tpu.memref_slice %arg2[%dma_start3A_27, %dma_start3A_28] : memref<10240x16xf32, #tpu.memory_space<hbm>> -> memref<10240x16xf32, #tpu.memory_space<hbm>>
    tpu.enqueue_indirect_dma source(%dma_start3A_29 : memref<10240x16xf32, #tpu.memory_space<hbm>>) target(%arg12 : memref<128x16xf32, #tpu.memory_space<vmem>>) offsets(%dma_start3A_26 : memref<128xi32, #tpu.memory_space<vmem>>) semaphore(%arg20 : memref<!tpu.dma_semaphore, #tpu.memory_space<semaphore_mem>>)
    %scan3A = arith.constant 0 : i32
    %scan3A_30 = arith.constant 0 : i32
    %scan3A_31 = arith.constant 10 : i32
    %scan3A_32 = arith.addi %scan3A_30, %scan3A_31 : i32
    %scan3A_33 = arith.constant 1 : i32
    scf.for %scan3A_91 = %scan3A_30 to %scan3A_32 step %scan3A_33  : i32 {
      %mul3A_92 = arith.constant 8 : i32
      %mul3A_93 = arith.muli %mul3A_92, %scan3A_91 : i32
      %add3A_94 = arith.constant 0 : i32
      %add3A_95 = arith.addi %mul3A_93, %add3A_94 : i32
      %dma_wait3A_96 = arith.constant 0 : i32
      %dma_wait3A_97 = tpu.memref_slice %arg7[%add3A_95, %dma_wait3A_96] : memref<80x128xi32, #tpu.memory_space<vmem>> -> memref<1x128xi32, #tpu.memory_space<vmem>>
      %dma_wait3A_98 = tpu.memref_squeeze %dma_wait3A_97 : memref<1x128xi32, #tpu.memory_space<vmem>> -> memref<128xi32, #tpu.memory_space<vmem>>
      %dma_wait3A_99 = arith.constant 0 : i32
      %dma_wait3A_100 = arith.constant 0 : i32
      %dma_wait3A_101 = tpu.memref_slice %arg2[%dma_wait3A_99, %dma_wait3A_100] : memref<10240x16xf32, #tpu.memory_space<hbm>> -> memref<10240x16xf32, #tpu.memory_space<hbm>>
      tpu.wait_indirect_dma semaphore(%arg17 : memref<!tpu.dma_semaphore, #tpu.memory_space<semaphore_mem>>) src(%dma_wait3A_101 : memref<10240x16xf32, #tpu.memory_space<hbm>>) dst(%arg9 : memref<128x16xf32, #tpu.memory_space<vmem>>)
      %dma_start3A_102 = arith.constant 0 : i32
      %dma_start3A_103 = tpu.memref_slice %arg8[%add3A_95, %dma_start3A_102] : memref<80x128xi32, #tpu.memory_space<vmem>> -> memref<1x128xi32, #tpu.memory_space<vmem>>
      %dma_start3A_104 = tpu.memref_squeeze %dma_start3A_103 : memref<1x128xi32, #tpu.memory_space<vmem>> -> memref<128xi32, #tpu.memory_space<vmem>>
      %dma_start3A_105 = arith.constant 0 : i32
      %dma_start3A_106 = arith.constant 0 : i32
      %dma_start3A_107 = tpu.memref_slice %arg33[%dma_start3A_105, %dma_start3A_106] : memref<10240x16xf32, #tpu.memory_space<vmem_shared>> -> memref<10240x16xf32, #tpu.memory_space<vmem_shared>>
      tpu.enqueue_indirect_dma source(%arg9 : memref<128x16xf32, #tpu.memory_space<vmem>>) target(%dma_start3A_107 : memref<10240x16xf32, #tpu.memory_space<vmem_shared>>) offsets(%dma_start3A_104 : memref<128xi32, #tpu.memory_space<vmem>>) semaphore(%arg25 : memref<!tpu.dma_semaphore, #tpu.memory_space<semaphore_mem>>) {add = true}
      %add3A_108 = arith.constant 4 : i32
      %add3A_109 = arith.addi %add3A_95, %add3A_108 : i32
      %lt3A = arith.constant 80 : i32
      %lt3A_110 = arith.cmpi slt, %add3A_109, %lt3A : i32
      %convert_element_type3A = arith.extui %lt3A_110 : i1 to i32
      %cond3A = arith.constant 0 : i32
      %cond3A_111 = arith.cmpi ne, %convert_element_type3A, %cond3A : i32
      scf.if %cond3A_111 {
        %ge3A = arith.constant 4 : i32
        %ge3A_273 = arith.cmpi sge, %add3A_95, %ge3A : i32
        %convert_element_type3A_274 = arith.extui %ge3A_273 : i1 to i32
        %cond3A_275 = arith.constant 0 : i32
        %cond3A_276 = arith.cmpi ne, %convert_element_type3A_274, %cond3A_275 : i32
        scf.if %cond3A_276 {
          %sub3A = arith.constant 8 : i32
          %sub3A_283 = arith.subi %add3A_109, %sub3A : i32
          %dma_wait3A_284 = arith.constant 0 : i32
          %dma_wait3A_285 = tpu.memref_slice %arg8[%sub3A_283, %dma_wait3A_284] : memref<80x128xi32, #tpu.memory_space<vmem>> -> memref<1x128xi32, #tpu.memory_space<vmem>>
          %dma_wait3A_286 = tpu.memref_squeeze %dma_wait3A_285 : memref<1x128xi32, #tpu.memory_space<vmem>> -> memref<128xi32, #tpu.memory_space<vmem>>
          %dma_wait3A_287 = arith.constant 0 : i32
          %dma_wait3A_288 = arith.constant 0 : i32
          %dma_wait3A_289 = tpu.memref_slice %arg33[%dma_wait3A_287, %dma_wait3A_288] : memref<10240x16xf32, #tpu.memory_space<vmem_shared>> -> memref<10240x16xf32, #tpu.memory_space<vmem_shared>>
          tpu.wait_indirect_dma semaphore(%arg29 : memref<!tpu.dma_semaphore, #tpu.memory_space<semaphore_mem>>) src(%arg13 : memref<128x16xf32, #tpu.memory_space<vmem>>) dst(%dma_wait3A_289 : memref<10240x16xf32, #tpu.memory_space<vmem_shared>>)
        } else {
        }
        %dma_start3A_277 = arith.constant 0 : i32
        %dma_start3A_278 = tpu.memref_slice %arg7[%add3A_109, %dma_start3A_277] : memref<80x128xi32, #tpu.memory_space<vmem>> -> memref<1x128xi32, #tpu.memory_space<vmem>>
        %dma_start3A_279 = tpu.memref_squeeze %dma_start3A_278 : memref<1x128xi32, #tpu.memory_space<vmem>> -> memref<128xi32, #tpu.memory_space<vmem>>
        %dma_start3A_280 = arith.constant 0 : i32
        %dma_start3A_281 = arith.constant 0 : i32
        %dma_start3A_282 = tpu.memref_slice %arg2[%dma_start3A_280, %dma_start3A_281] : memref<10240x16xf32, #tpu.memory_space<hbm>> -> memref<10240x16xf32, #tpu.memory_space<hbm>>
        tpu.enqueue_indirect_dma source(%dma_start3A_282 : memref<10240x16xf32, #tpu.memory_space<hbm>>) target(%arg13 : memref<128x16xf32, #tpu.memory_space<vmem>>) offsets(%dma_start3A_279 : memref<128xi32, #tpu.memory_space<vmem>>) semaphore(%arg21 : memref<!tpu.dma_semaphore, #tpu.memory_space<semaphore_mem>>)
      } else {
      }
      %mul3A_112 = arith.constant 8 : i32
      %mul3A_113 = arith.muli %mul3A_112, %scan3A_91 : i32
      %add3A_114 = arith.constant 1 : i32
      %add3A_115 = arith.addi %mul3A_113, %add3A_114 : i32
      %dma_wait3A_116 = arith.constant 0 : i32
      %dma_wait3A_117 = tpu.memref_slice %arg7[%add3A_115, %dma_wait3A_116] : memref<80x128xi32, #tpu.memory_space<vmem>> -> memref<1x128xi32, #tpu.memory_space<vmem>>
      %dma_wait3A_118 = tpu.memref_squeeze %dma_wait3A_117 : memref<1x128xi32, #tpu.memory_space<vmem>> -> memref<128xi32, #tpu.memory_space<vmem>>
      %dma_wait3A_119 = arith.constant 0 : i32
      %dma_wait3A_120 = arith.constant 0 : i32
      %dma_wait3A_121 = tpu.memref_slice %arg2[%dma_wait3A_119, %dma_wait3A_120] : memref<10240x16xf32, #tpu.memory_space<hbm>> -> memref<10240x16xf32, #tpu.memory_space<hbm>>
      tpu.wait_indirect_dma semaphore(%arg18 : memref<!tpu.dma_semaphore, #tpu.memory_space<semaphore_mem>>) src(%dma_wait3A_121 : memref<10240x16xf32, #tpu.memory_space<hbm>>) dst(%arg10 : memref<128x16xf32, #tpu.memory_space<vmem>>)
      %dma_start3A_122 = arith.constant 0 : i32
      %dma_start3A_123 = tpu.memref_slice %arg8[%add3A_115, %dma_start3A_122] : memref<80x128xi32, #tpu.memory_space<vmem>> -> memref<1x128xi32, #tpu.memory_space<vmem>>
      %dma_start3A_124 = tpu.memref_squeeze %dma_start3A_123 : memref<1x128xi32, #tpu.memory_space<vmem>> -> memref<128xi32, #tpu.memory_space<vmem>>
      %dma_start3A_125 = arith.constant 0 : i32
      %dma_start3A_126 = arith.constant 0 : i32
      %dma_start3A_127 = tpu.memref_slice %arg33[%dma_start3A_125, %dma_start3A_126] : memref<10240x16xf32, #tpu.memory_space<vmem_shared>> -> memref<10240x16xf32, #tpu.memory_space<vmem_shared>>
      tpu.enqueue_indirect_dma source(%arg10 : memref<128x16xf32, #tpu.memory_space<vmem>>) target(%dma_start3A_127 : memref<10240x16xf32, #tpu.memory_space<vmem_shared>>) offsets(%dma_start3A_124 : memref<128xi32, #tpu.memory_space<vmem>>) semaphore(%arg26 : memref<!tpu.dma_semaphore, #tpu.memory_space<semaphore_mem>>) {add = true}
      %add3A_128 = arith.constant 4 : i32
      %add3A_129 = arith.addi %add3A_115, %add3A_128 : i32
      %lt3A_130 = arith.constant 80 : i32
      %lt3A_131 = arith.cmpi slt, %add3A_129, %lt3A_130 : i32
      %convert_element_type3A_132 = arith.extui %lt3A_131 : i1 to i32
      %cond3A_133 = arith.constant 0 : i32
      %cond3A_134 = arith.cmpi ne, %convert_element_type3A_132, %cond3A_133 : i32
      scf.if %cond3A_134 {
        %ge3A = arith.constant 4 : i32
        %ge3A_273 = arith.cmpi sge, %add3A_115, %ge3A : i32
        %convert_element_type3A_274 = arith.extui %ge3A_273 : i1 to i32
        %cond3A_275 = arith.constant 0 : i32
        %cond3A_276 = arith.cmpi ne, %convert_element_type3A_274, %cond3A_275 : i32
        scf.if %cond3A_276 {
          %sub3A = arith.constant 8 : i32
          %sub3A_283 = arith.subi %add3A_129, %sub3A : i32
          %dma_wait3A_284 = arith.constant 0 : i32
          %dma_wait3A_285 = tpu.memref_slice %arg8[%sub3A_283, %dma_wait3A_284] : memref<80x128xi32, #tpu.memory_space<vmem>> -> memref<1x128xi32, #tpu.memory_space<vmem>>
          %dma_wait3A_286 = tpu.memref_squeeze %dma_wait3A_285 : memref<1x128xi32, #tpu.memory_space<vmem>> -> memref<128xi32, #tpu.memory_space<vmem>>
          %dma_wait3A_287 = arith.constant 0 : i32
          %dma_wait3A_288 = arith.constant 0 : i32
          %dma_wait3A_289 = tpu.memref_slice %arg33[%dma_wait3A_287, %dma_wait3A_288] : memref<10240x16xf32, #tpu.memory_space<vmem_shared>> -> memref<10240x16xf32, #tpu.memory_space<vmem_shared>>
          tpu.wait_indirect_dma semaphore(%arg30 : memref<!tpu.dma_semaphore, #tpu.memory_space<semaphore_mem>>) src(%arg14 : memref<128x16xf32, #tpu.memory_space<vmem>>) dst(%dma_wait3A_289 : memref<10240x16xf32, #tpu.memory_space<vmem_shared>>)
        } else {
        }
        %dma_start3A_277 = arith.constant 0 : i32
        %dma_start3A_278 = tpu.memref_slice %arg7[%add3A_129, %dma_start3A_277] : memref<80x128xi32, #tpu.memory_space<vmem>> -> memref<1x128xi32, #tpu.memory_space<vmem>>
        %dma_start3A_279 = tpu.memref_squeeze %dma_start3A_278 : memref<1x128xi32, #tpu.memory_space<vmem>> -> memref<128xi32, #tpu.memory_space<vmem>>
        %dma_start3A_280 = arith.constant 0 : i32
        %dma_start3A_281 = arith.constant 0 : i32
        %dma_start3A_282 = tpu.memref_slice %arg2[%dma_start3A_280, %dma_start3A_281] : memref<10240x16xf32, #tpu.memory_space<hbm>> -> memref<10240x16xf32, #tpu.memory_space<hbm>>
        tpu.enqueue_indirect_dma source(%dma_start3A_282 : memref<10240x16xf32, #tpu.memory_space<hbm>>) target(%arg14 : memref<128x16xf32, #tpu.memory_space<vmem>>) offsets(%dma_start3A_279 : memref<128xi32, #tpu.memory_space<vmem>>) semaphore(%arg22 : memref<!tpu.dma_semaphore, #tpu.memory_space<semaphore_mem>>)
      } else {
      }
      %mul3A_135 = arith.constant 8 : i32
      %mul3A_136 = arith.muli %mul3A_135, %scan3A_91 : i32
      %add3A_137 = arith.constant 2 : i32
      %add3A_138 = arith.addi %mul3A_136, %add3A_137 : i32
      %dma_wait3A_139 = arith.constant 0 : i32
      %dma_wait3A_140 = tpu.memref_slice %arg7[%add3A_138, %dma_wait3A_139] : memref<80x128xi32, #tpu.memory_space<vmem>> -> memref<1x128xi32, #tpu.memory_space<vmem>>
      %dma_wait3A_141 = tpu.memref_squeeze %dma_wait3A_140 : memref<1x128xi32, #tpu.memory_space<vmem>> -> memref<128xi32, #tpu.memory_space<vmem>>
      %dma_wait3A_142 = arith.constant 0 : i32
      %dma_wait3A_143 = arith.constant 0 : i32
      %dma_wait3A_144 = tpu.memref_slice %arg2[%dma_wait3A_142, %dma_wait3A_143] : memref<10240x16xf32, #tpu.memory_space<hbm>> -> memref<10240x16xf32, #tpu.memory_space<hbm>>
      tpu.wait_indirect_dma semaphore(%arg19 : memref<!tpu.dma_semaphore, #tpu.memory_space<semaphore_mem>>) src(%dma_wait3A_144 : memref<10240x16xf32, #tpu.memory_space<hbm>>) dst(%arg11 : memref<128x16xf32, #tpu.memory_space<vmem>>)
      %dma_start3A_145 = arith.constant 0 : i32
      %dma_start3A_146 = tpu.memref_slice %arg8[%add3A_138, %dma_start3A_145] : memref<80x128xi32, #tpu.memory_space<vmem>> -> memref<1x128xi32, #tpu.memory_space<vmem>>
      %dma_start3A_147 = tpu.memref_squeeze %dma_start3A_146 : memref<1x128xi32, #tpu.memory_space<vmem>> -> memref<128xi32, #tpu.memory_space<vmem>>
      %dma_start3A_148 = arith.constant 0 : i32
      %dma_start3A_149 = arith.constant 0 : i32
      %dma_start3A_150 = tpu.memref_slice %arg33[%dma_start3A_148, %dma_start3A_149] : memref<10240x16xf32, #tpu.memory_space<vmem_shared>> -> memref<10240x16xf32, #tpu.memory_space<vmem_shared>>
      tpu.enqueue_indirect_dma source(%arg11 : memref<128x16xf32, #tpu.memory_space<vmem>>) target(%dma_start3A_150 : memref<10240x16xf32, #tpu.memory_space<vmem_shared>>) offsets(%dma_start3A_147 : memref<128xi32, #tpu.memory_space<vmem>>) semaphore(%arg27 : memref<!tpu.dma_semaphore, #tpu.memory_space<semaphore_mem>>) {add = true}
      %add3A_151 = arith.constant 4 : i32
      %add3A_152 = arith.addi %add3A_138, %add3A_151 : i32
      %lt3A_153 = arith.constant 80 : i32
      %lt3A_154 = arith.cmpi slt, %add3A_152, %lt3A_153 : i32
      %convert_element_type3A_155 = arith.extui %lt3A_154 : i1 to i32
      %cond3A_156 = arith.constant 0 : i32
      %cond3A_157 = arith.cmpi ne, %convert_element_type3A_155, %cond3A_156 : i32
      scf.if %cond3A_157 {
        %ge3A = arith.constant 4 : i32
        %ge3A_273 = arith.cmpi sge, %add3A_138, %ge3A : i32
        %convert_element_type3A_274 = arith.extui %ge3A_273 : i1 to i32
        %cond3A_275 = arith.constant 0 : i32
        %cond3A_276 = arith.cmpi ne, %convert_element_type3A_274, %cond3A_275 : i32
        scf.if %cond3A_276 {
          %sub3A = arith.constant 8 : i32
          %sub3A_283 = arith.subi %add3A_152, %sub3A : i32
          %dma_wait3A_284 = arith.constant 0 : i32
          %dma_wait3A_285 = tpu.memref_slice %arg8[%sub3A_283, %dma_wait3A_284] : memref<80x128xi32, #tpu.memory_space<vmem>> -> memref<1x128xi32, #tpu.memory_space<vmem>>
          %dma_wait3A_286 = tpu.memref_squeeze %dma_wait3A_285 : memref<1x128xi32, #tpu.memory_space<vmem>> -> memref<128xi32, #tpu.memory_space<vmem>>
          %dma_wait3A_287 = arith.constant 0 : i32
          %dma_wait3A_288 = arith.constant 0 : i32
          %dma_wait3A_289 = tpu.memref_slice %arg33[%dma_wait3A_287, %dma_wait3A_288] : memref<10240x16xf32, #tpu.memory_space<vmem_shared>> -> memref<10240x16xf32, #tpu.memory_space<vmem_shared>>
          tpu.wait_indirect_dma semaphore(%arg31 : memref<!tpu.dma_semaphore, #tpu.memory_space<semaphore_mem>>) src(%arg15 : memref<128x16xf32, #tpu.memory_space<vmem>>) dst(%dma_wait3A_289 : memref<10240x16xf32, #tpu.memory_space<vmem_shared>>)
        } else {
        }
        %dma_start3A_277 = arith.constant 0 : i32
        %dma_start3A_278 = tpu.memref_slice %arg7[%add3A_152, %dma_start3A_277] : memref<80x128xi32, #tpu.memory_space<vmem>> -> memref<1x128xi32, #tpu.memory_space<vmem>>
        %dma_start3A_279 = tpu.memref_squeeze %dma_start3A_278 : memref<1x128xi32, #tpu.memory_space<vmem>> -> memref<128xi32, #tpu.memory_space<vmem>>
        %dma_start3A_280 = arith.constant 0 : i32
        %dma_start3A_281 = arith.constant 0 : i32
        %dma_start3A_282 = tpu.memref_slice %arg2[%dma_start3A_280, %dma_start3A_281] : memref<10240x16xf32, #tpu.memory_space<hbm>> -> memref<10240x16xf32, #tpu.memory_space<hbm>>
        tpu.enqueue_indirect_dma source(%dma_start3A_282 : memref<10240x16xf32, #tpu.memory_space<hbm>>) target(%arg15 : memref<128x16xf32, #tpu.memory_space<vmem>>) offsets(%dma_start3A_279 : memref<128xi32, #tpu.memory_space<vmem>>) semaphore(%arg23 : memref<!tpu.dma_semaphore, #tpu.memory_space<semaphore_mem>>)
      } else {
      }
      %mul3A_158 = arith.constant 8 : i32
      %mul3A_159 = arith.muli %mul3A_158, %scan3A_91 : i32
      %add3A_160 = arith.constant 3 : i32
      %add3A_161 = arith.addi %mul3A_159, %add3A_160 : i32
      %dma_wait3A_162 = arith.constant 0 : i32
      %dma_wait3A_163 = tpu.memref_slice %arg7[%add3A_161, %dma_wait3A_162] : memref<80x128xi32, #tpu.memory_space<vmem>> -> memref<1x128xi32, #tpu.memory_space<vmem>>
      %dma_wait3A_164 = tpu.memref_squeeze %dma_wait3A_163 : memref<1x128xi32, #tpu.memory_space<vmem>> -> memref<128xi32, #tpu.memory_space<vmem>>
      %dma_wait3A_165 = arith.constant 0 : i32
      %dma_wait3A_166 = arith.constant 0 : i32
      %dma_wait3A_167 = tpu.memref_slice %arg2[%dma_wait3A_165, %dma_wait3A_166] : memref<10240x16xf32, #tpu.memory_space<hbm>> -> memref<10240x16xf32, #tpu.memory_space<hbm>>
      tpu.wait_indirect_dma semaphore(%arg20 : memref<!tpu.dma_semaphore, #tpu.memory_space<semaphore_mem>>) src(%dma_wait3A_167 : memref<10240x16xf32, #tpu.memory_space<hbm>>) dst(%arg12 : memref<128x16xf32, #tpu.memory_space<vmem>>)
      %dma_start3A_168 = arith.constant 0 : i32
      %dma_start3A_169 = tpu.memref_slice %arg8[%add3A_161, %dma_start3A_168] : memref<80x128xi32, #tpu.memory_space<vmem>> -> memref<1x128xi32, #tpu.memory_space<vmem>>
      %dma_start3A_170 = tpu.memref_squeeze %dma_start3A_169 : memref<1x128xi32, #tpu.memory_space<vmem>> -> memref<128xi32, #tpu.memory_space<vmem>>
      %dma_start3A_171 = arith.constant 0 : i32
      %dma_start3A_172 = arith.constant 0 : i32
      %dma_start3A_173 = tpu.memref_slice %arg33[%dma_start3A_171, %dma_start3A_172] : memref<10240x16xf32, #tpu.memory_space<vmem_shared>> -> memref<10240x16xf32, #tpu.memory_space<vmem_shared>>
      tpu.enqueue_indirect_dma source(%arg12 : memref<128x16xf32, #tpu.memory_space<vmem>>) target(%dma_start3A_173 : memref<10240x16xf32, #tpu.memory_space<vmem_shared>>) offsets(%dma_start3A_170 : memref<128xi32, #tpu.memory_space<vmem>>) semaphore(%arg28 : memref<!tpu.dma_semaphore, #tpu.memory_space<semaphore_mem>>) {add = true}
      %add3A_174 = arith.constant 4 : i32
      %add3A_175 = arith.addi %add3A_161, %add3A_174 : i32
      %lt3A_176 = arith.constant 80 : i32
      %lt3A_177 = arith.cmpi slt, %add3A_175, %lt3A_176 : i32
      %convert_element_type3A_178 = arith.extui %lt3A_177 : i1 to i32
      %cond3A_179 = arith.constant 0 : i32
      %cond3A_180 = arith.cmpi ne, %convert_element_type3A_178, %cond3A_179 : i32
      scf.if %cond3A_180 {
        %ge3A = arith.constant 4 : i32
        %ge3A_273 = arith.cmpi sge, %add3A_161, %ge3A : i32
        %convert_element_type3A_274 = arith.extui %ge3A_273 : i1 to i32
        %cond3A_275 = arith.constant 0 : i32
        %cond3A_276 = arith.cmpi ne, %convert_element_type3A_274, %cond3A_275 : i32
        scf.if %cond3A_276 {
          %sub3A = arith.constant 8 : i32
          %sub3A_283 = arith.subi %add3A_175, %sub3A : i32
          %dma_wait3A_284 = arith.constant 0 : i32
          %dma_wait3A_285 = tpu.memref_slice %arg8[%sub3A_283, %dma_wait3A_284] : memref<80x128xi32, #tpu.memory_space<vmem>> -> memref<1x128xi32, #tpu.memory_space<vmem>>
          %dma_wait3A_286 = tpu.memref_squeeze %dma_wait3A_285 : memref<1x128xi32, #tpu.memory_space<vmem>> -> memref<128xi32, #tpu.memory_space<vmem>>
          %dma_wait3A_287 = arith.constant 0 : i32
          %dma_wait3A_288 = arith.constant 0 : i32
          %dma_wait3A_289 = tpu.memref_slice %arg33[%dma_wait3A_287, %dma_wait3A_288] : memref<10240x16xf32, #tpu.memory_space<vmem_shared>> -> memref<10240x16xf32, #tpu.memory_space<vmem_shared>>
          tpu.wait_indirect_dma semaphore(%arg32 : memref<!tpu.dma_semaphore, #tpu.memory_space<semaphore_mem>>) src(%arg16 : memref<128x16xf32, #tpu.memory_space<vmem>>) dst(%dma_wait3A_289 : memref<10240x16xf32, #tpu.memory_space<vmem_shared>>)
        } else {
        }
        %dma_start3A_277 = arith.constant 0 : i32
        %dma_start3A_278 = tpu.memref_slice %arg7[%add3A_175, %dma_start3A_277] : memref<80x128xi32, #tpu.memory_space<vmem>> -> memref<1x128xi32, #tpu.memory_space<vmem>>
        %dma_start3A_279 = tpu.memref_squeeze %dma_start3A_278 : memref<1x128xi32, #tpu.memory_space<vmem>> -> memref<128xi32, #tpu.memory_space<vmem>>
        %dma_start3A_280 = arith.constant 0 : i32
        %dma_start3A_281 = arith.constant 0 : i32
        %dma_start3A_282 = tpu.memref_slice %arg2[%dma_start3A_280, %dma_start3A_281] : memref<10240x16xf32, #tpu.memory_space<hbm>> -> memref<10240x16xf32, #tpu.memory_space<hbm>>
        tpu.enqueue_indirect_dma source(%dma_start3A_282 : memref<10240x16xf32, #tpu.memory_space<hbm>>) target(%arg16 : memref<128x16xf32, #tpu.memory_space<vmem>>) offsets(%dma_start3A_279 : memref<128xi32, #tpu.memory_space<vmem>>) semaphore(%arg24 : memref<!tpu.dma_semaphore, #tpu.memory_space<semaphore_mem>>)
      } else {
      }
      %mul3A_181 = arith.constant 8 : i32
      %mul3A_182 = arith.muli %mul3A_181, %scan3A_91 : i32
      %add3A_183 = arith.constant 4 : i32
      %add3A_184 = arith.addi %mul3A_182, %add3A_183 : i32
      %dma_wait3A_185 = arith.constant 0 : i32
      %dma_wait3A_186 = tpu.memref_slice %arg7[%add3A_184, %dma_wait3A_185] : memref<80x128xi32, #tpu.memory_space<vmem>> -> memref<1x128xi32, #tpu.memory_space<vmem>>
      %dma_wait3A_187 = tpu.memref_squeeze %dma_wait3A_186 : memref<1x128xi32, #tpu.memory_space<vmem>> -> memref<128xi32, #tpu.memory_space<vmem>>
      %dma_wait3A_188 = arith.constant 0 : i32
      %dma_wait3A_189 = arith.constant 0 : i32
      %dma_wait3A_190 = tpu.memref_slice %arg2[%dma_wait3A_188, %dma_wait3A_189] : memref<10240x16xf32, #tpu.memory_space<hbm>> -> memref<10240x16xf32, #tpu.memory_space<hbm>>
      tpu.wait_indirect_dma semaphore(%arg21 : memref<!tpu.dma_semaphore, #tpu.memory_space<semaphore_mem>>) src(%dma_wait3A_190 : memref<10240x16xf32, #tpu.memory_space<hbm>>) dst(%arg13 : memref<128x16xf32, #tpu.memory_space<vmem>>)
      %dma_start3A_191 = arith.constant 0 : i32
      %dma_start3A_192 = tpu.memref_slice %arg8[%add3A_184, %dma_start3A_191] : memref<80x128xi32, #tpu.memory_space<vmem>> -> memref<1x128xi32, #tpu.memory_space<vmem>>
      %dma_start3A_193 = tpu.memref_squeeze %dma_start3A_192 : memref<1x128xi32, #tpu.memory_space<vmem>> -> memref<128xi32, #tpu.memory_space<vmem>>
      %dma_start3A_194 = arith.constant 0 : i32
      %dma_start3A_195 = arith.constant 0 : i32
      %dma_start3A_196 = tpu.memref_slice %arg33[%dma_start3A_194, %dma_start3A_195] : memref<10240x16xf32, #tpu.memory_space<vmem_shared>> -> memref<10240x16xf32, #tpu.memory_space<vmem_shared>>
      tpu.enqueue_indirect_dma source(%arg13 : memref<128x16xf32, #tpu.memory_space<vmem>>) target(%dma_start3A_196 : memref<10240x16xf32, #tpu.memory_space<vmem_shared>>) offsets(%dma_start3A_193 : memref<128xi32, #tpu.memory_space<vmem>>) semaphore(%arg29 : memref<!tpu.dma_semaphore, #tpu.memory_space<semaphore_mem>>) {add = true}
      %add3A_197 = arith.constant 4 : i32
      %add3A_198 = arith.addi %add3A_184, %add3A_197 : i32
      %lt3A_199 = arith.constant 80 : i32
      %lt3A_200 = arith.cmpi slt, %add3A_198, %lt3A_199 : i32
      %convert_element_type3A_201 = arith.extui %lt3A_200 : i1 to i32
      %cond3A_202 = arith.constant 0 : i32
      %cond3A_203 = arith.cmpi ne, %convert_element_type3A_201, %cond3A_202 : i32
      scf.if %cond3A_203 {
        %ge3A = arith.constant 4 : i32
        %ge3A_273 = arith.cmpi sge, %add3A_184, %ge3A : i32
        %convert_element_type3A_274 = arith.extui %ge3A_273 : i1 to i32
        %cond3A_275 = arith.constant 0 : i32
        %cond3A_276 = arith.cmpi ne, %convert_element_type3A_274, %cond3A_275 : i32
        scf.if %cond3A_276 {
          %sub3A = arith.constant 8 : i32
          %sub3A_283 = arith.subi %add3A_198, %sub3A : i32
          %dma_wait3A_284 = arith.constant 0 : i32
          %dma_wait3A_285 = tpu.memref_slice %arg8[%sub3A_283, %dma_wait3A_284] : memref<80x128xi32, #tpu.memory_space<vmem>> -> memref<1x128xi32, #tpu.memory_space<vmem>>
          %dma_wait3A_286 = tpu.memref_squeeze %dma_wait3A_285 : memref<1x128xi32, #tpu.memory_space<vmem>> -> memref<128xi32, #tpu.memory_space<vmem>>
          %dma_wait3A_287 = arith.constant 0 : i32
          %dma_wait3A_288 = arith.constant 0 : i32
          %dma_wait3A_289 = tpu.memref_slice %arg33[%dma_wait3A_287, %dma_wait3A_288] : memref<10240x16xf32, #tpu.memory_space<vmem_shared>> -> memref<10240x16xf32, #tpu.memory_space<vmem_shared>>
          tpu.wait_indirect_dma semaphore(%arg25 : memref<!tpu.dma_semaphore, #tpu.memory_space<semaphore_mem>>) src(%arg9 : memref<128x16xf32, #tpu.memory_space<vmem>>) dst(%dma_wait3A_289 : memref<10240x16xf32, #tpu.memory_space<vmem_shared>>)
        } else {
        }
        %dma_start3A_277 = arith.constant 0 : i32
        %dma_start3A_278 = tpu.memref_slice %arg7[%add3A_198, %dma_start3A_277] : memref<80x128xi32, #tpu.memory_space<vmem>> -> memref<1x128xi32, #tpu.memory_space<vmem>>
        %dma_start3A_279 = tpu.memref_squeeze %dma_start3A_278 : memref<1x128xi32, #tpu.memory_space<vmem>> -> memref<128xi32, #tpu.memory_space<vmem>>
        %dma_start3A_280 = arith.constant 0 : i32
        %dma_start3A_281 = arith.constant 0 : i32
        %dma_start3A_282 = tpu.memref_slice %arg2[%dma_start3A_280, %dma_start3A_281] : memref<10240x16xf32, #tpu.memory_space<hbm>> -> memref<10240x16xf32, #tpu.memory_space<hbm>>
        tpu.enqueue_indirect_dma source(%dma_start3A_282 : memref<10240x16xf32, #tpu.memory_space<hbm>>) target(%arg9 : memref<128x16xf32, #tpu.memory_space<vmem>>) offsets(%dma_start3A_279 : memref<128xi32, #tpu.memory_space<vmem>>) semaphore(%arg17 : memref<!tpu.dma_semaphore, #tpu.memory_space<semaphore_mem>>)
      } else {
      }
      %mul3A_204 = arith.constant 8 : i32
      %mul3A_205 = arith.muli %mul3A_204, %scan3A_91 : i32
      %add3A_206 = arith.constant 5 : i32
      %add3A_207 = arith.addi %mul3A_205, %add3A_206 : i32
      %dma_wait3A_208 = arith.constant 0 : i32
      %dma_wait3A_209 = tpu.memref_slice %arg7[%add3A_207, %dma_wait3A_208] : memref<80x128xi32, #tpu.memory_space<vmem>> -> memref<1x128xi32, #tpu.memory_space<vmem>>
      %dma_wait3A_210 = tpu.memref_squeeze %dma_wait3A_209 : memref<1x128xi32, #tpu.memory_space<vmem>> -> memref<128xi32, #tpu.memory_space<vmem>>
      %dma_wait3A_211 = arith.constant 0 : i32
      %dma_wait3A_212 = arith.constant 0 : i32
      %dma_wait3A_213 = tpu.memref_slice %arg2[%dma_wait3A_211, %dma_wait3A_212] : memref<10240x16xf32, #tpu.memory_space<hbm>> -> memref<10240x16xf32, #tpu.memory_space<hbm>>
      tpu.wait_indirect_dma semaphore(%arg22 : memref<!tpu.dma_semaphore, #tpu.memory_space<semaphore_mem>>) src(%dma_wait3A_213 : memref<10240x16xf32, #tpu.memory_space<hbm>>) dst(%arg14 : memref<128x16xf32, #tpu.memory_space<vmem>>)
      %dma_start3A_214 = arith.constant 0 : i32
      %dma_start3A_215 = tpu.memref_slice %arg8[%add3A_207, %dma_start3A_214] : memref<80x128xi32, #tpu.memory_space<vmem>> -> memref<1x128xi32, #tpu.memory_space<vmem>>
      %dma_start3A_216 = tpu.memref_squeeze %dma_start3A_215 : memref<1x128xi32, #tpu.memory_space<vmem>> -> memref<128xi32, #tpu.memory_space<vmem>>
      %dma_start3A_217 = arith.constant 0 : i32
      %dma_start3A_218 = arith.constant 0 : i32
      %dma_start3A_219 = tpu.memref_slice %arg33[%dma_start3A_217, %dma_start3A_218] : memref<10240x16xf32, #tpu.memory_space<vmem_shared>> -> memref<10240x16xf32, #tpu.memory_space<vmem_shared>>
      tpu.enqueue_indirect_dma source(%arg14 : memref<128x16xf32, #tpu.memory_space<vmem>>) target(%dma_start3A_219 : memref<10240x16xf32, #tpu.memory_space<vmem_shared>>) offsets(%dma_start3A_216 : memref<128xi32, #tpu.memory_space<vmem>>) semaphore(%arg30 : memref<!tpu.dma_semaphore, #tpu.memory_space<semaphore_mem>>) {add = true}
      %add3A_220 = arith.constant 4 : i32
      %add3A_221 = arith.addi %add3A_207, %add3A_220 : i32
      %lt3A_222 = arith.constant 80 : i32
      %lt3A_223 = arith.cmpi slt, %add3A_221, %lt3A_222 : i32
      %convert_element_type3A_224 = arith.extui %lt3A_223 : i1 to i32
      %cond3A_225 = arith.constant 0 : i32
      %cond3A_226 = arith.cmpi ne, %convert_element_type3A_224, %cond3A_225 : i32
      scf.if %cond3A_226 {
        %ge3A = arith.constant 4 : i32
        %ge3A_273 = arith.cmpi sge, %add3A_207, %ge3A : i32
        %convert_element_type3A_274 = arith.extui %ge3A_273 : i1 to i32
        %cond3A_275 = arith.constant 0 : i32
        %cond3A_276 = arith.cmpi ne, %convert_element_type3A_274, %cond3A_275 : i32
        scf.if %cond3A_276 {
          %sub3A = arith.constant 8 : i32
          %sub3A_283 = arith.subi %add3A_221, %sub3A : i32
          %dma_wait3A_284 = arith.constant 0 : i32
          %dma_wait3A_285 = tpu.memref_slice %arg8[%sub3A_283, %dma_wait3A_284] : memref<80x128xi32, #tpu.memory_space<vmem>> -> memref<1x128xi32, #tpu.memory_space<vmem>>
          %dma_wait3A_286 = tpu.memref_squeeze %dma_wait3A_285 : memref<1x128xi32, #tpu.memory_space<vmem>> -> memref<128xi32, #tpu.memory_space<vmem>>
          %dma_wait3A_287 = arith.constant 0 : i32
          %dma_wait3A_288 = arith.constant 0 : i32
          %dma_wait3A_289 = tpu.memref_slice %arg33[%dma_wait3A_287, %dma_wait3A_288] : memref<10240x16xf32, #tpu.memory_space<vmem_shared>> -> memref<10240x16xf32, #tpu.memory_space<vmem_shared>>
          tpu.wait_indirect_dma semaphore(%arg26 : memref<!tpu.dma_semaphore, #tpu.memory_space<semaphore_mem>>) src(%arg10 : memref<128x16xf32, #tpu.memory_space<vmem>>) dst(%dma_wait3A_289 : memref<10240x16xf32, #tpu.memory_space<vmem_shared>>)
        } else {
        }
        %dma_start3A_277 = arith.constant 0 : i32
        %dma_start3A_278 = tpu.memref_slice %arg7[%add3A_221, %dma_start3A_277] : memref<80x128xi32, #tpu.memory_space<vmem>> -> memref<1x128xi32, #tpu.memory_space<vmem>>
        %dma_start3A_279 = tpu.memref_squeeze %dma_start3A_278 : memref<1x128xi32, #tpu.memory_space<vmem>> -> memref<128xi32, #tpu.memory_space<vmem>>
        %dma_start3A_280 = arith.constant 0 : i32
        %dma_start3A_281 = arith.constant 0 : i32
        %dma_start3A_282 = tpu.memref_slice %arg2[%dma_start3A_280, %dma_start3A_281] : memref<10240x16xf32, #tpu.memory_space<hbm>> -> memref<10240x16xf32, #tpu.memory_space<hbm>>
        tpu.enqueue_indirect_dma source(%dma_start3A_282 : memref<10240x16xf32, #tpu.memory_space<hbm>>) target(%arg10 : memref<128x16xf32, #tpu.memory_space<vmem>>) offsets(%dma_start3A_279 : memref<128xi32, #tpu.memory_space<vmem>>) semaphore(%arg18 : memref<!tpu.dma_semaphore, #tpu.memory_space<semaphore_mem>>)
      } else {
      }
      %mul3A_227 = arith.constant 8 : i32
      %mul3A_228 = arith.muli %mul3A_227, %scan3A_91 : i32
      %add3A_229 = arith.constant 6 : i32
      %add3A_230 = arith.addi %mul3A_228, %add3A_229 : i32
      %dma_wait3A_231 = arith.constant 0 : i32
      %dma_wait3A_232 = tpu.memref_slice %arg7[%add3A_230, %dma_wait3A_231] : memref<80x128xi32, #tpu.memory_space<vmem>> -> memref<1x128xi32, #tpu.memory_space<vmem>>
      %dma_wait3A_233 = tpu.memref_squeeze %dma_wait3A_232 : memref<1x128xi32, #tpu.memory_space<vmem>> -> memref<128xi32, #tpu.memory_space<vmem>>
      %dma_wait3A_234 = arith.constant 0 : i32
      %dma_wait3A_235 = arith.constant 0 : i32
      %dma_wait3A_236 = tpu.memref_slice %arg2[%dma_wait3A_234, %dma_wait3A_235] : memref<10240x16xf32, #tpu.memory_space<hbm>> -> memref<10240x16xf32, #tpu.memory_space<hbm>>
      tpu.wait_indirect_dma semaphore(%arg23 : memref<!tpu.dma_semaphore, #tpu.memory_space<semaphore_mem>>) src(%dma_wait3A_236 : memref<10240x16xf32, #tpu.memory_space<hbm>>) dst(%arg15 : memref<128x16xf32, #tpu.memory_space<vmem>>)
      %dma_start3A_237 = arith.constant 0 : i32
      %dma_start3A_238 = tpu.memref_slice %arg8[%add3A_230, %dma_start3A_237] : memref<80x128xi32, #tpu.memory_space<vmem>> -> memref<1x128xi32, #tpu.memory_space<vmem>>
      %dma_start3A_239 = tpu.memref_squeeze %dma_start3A_238 : memref<1x128xi32, #tpu.memory_space<vmem>> -> memref<128xi32, #tpu.memory_space<vmem>>
      %dma_start3A_240 = arith.constant 0 : i32
      %dma_start3A_241 = arith.constant 0 : i32
      %dma_start3A_242 = tpu.memref_slice %arg33[%dma_start3A_240, %dma_start3A_241] : memref<10240x16xf32, #tpu.memory_space<vmem_shared>> -> memref<10240x16xf32, #tpu.memory_space<vmem_shared>>
      tpu.enqueue_indirect_dma source(%arg15 : memref<128x16xf32, #tpu.memory_space<vmem>>) target(%dma_start3A_242 : memref<10240x16xf32, #tpu.memory_space<vmem_shared>>) offsets(%dma_start3A_239 : memref<128xi32, #tpu.memory_space<vmem>>) semaphore(%arg31 : memref<!tpu.dma_semaphore, #tpu.memory_space<semaphore_mem>>) {add = true}
      %add3A_243 = arith.constant 4 : i32
      %add3A_244 = arith.addi %add3A_230, %add3A_243 : i32
      %lt3A_245 = arith.constant 80 : i32
      %lt3A_246 = arith.cmpi slt, %add3A_244, %lt3A_245 : i32
      %convert_element_type3A_247 = arith.extui %lt3A_246 : i1 to i32
      %cond3A_248 = arith.constant 0 : i32
      %cond3A_249 = arith.cmpi ne, %convert_element_type3A_247, %cond3A_248 : i32
      scf.if %cond3A_249 {
        %ge3A = arith.constant 4 : i32
        %ge3A_273 = arith.cmpi sge, %add3A_230, %ge3A : i32
        %convert_element_type3A_274 = arith.extui %ge3A_273 : i1 to i32
        %cond3A_275 = arith.constant 0 : i32
        %cond3A_276 = arith.cmpi ne, %convert_element_type3A_274, %cond3A_275 : i32
        scf.if %cond3A_276 {
          %sub3A = arith.constant 8 : i32
          %sub3A_283 = arith.subi %add3A_244, %sub3A : i32
          %dma_wait3A_284 = arith.constant 0 : i32
          %dma_wait3A_285 = tpu.memref_slice %arg8[%sub3A_283, %dma_wait3A_284] : memref<80x128xi32, #tpu.memory_space<vmem>> -> memref<1x128xi32, #tpu.memory_space<vmem>>
          %dma_wait3A_286 = tpu.memref_squeeze %dma_wait3A_285 : memref<1x128xi32, #tpu.memory_space<vmem>> -> memref<128xi32, #tpu.memory_space<vmem>>
          %dma_wait3A_287 = arith.constant 0 : i32
          %dma_wait3A_288 = arith.constant 0 : i32
          %dma_wait3A_289 = tpu.memref_slice %arg33[%dma_wait3A_287, %dma_wait3A_288] : memref<10240x16xf32, #tpu.memory_space<vmem_shared>> -> memref<10240x16xf32, #tpu.memory_space<vmem_shared>>
          tpu.wait_indirect_dma semaphore(%arg27 : memref<!tpu.dma_semaphore, #tpu.memory_space<semaphore_mem>>) src(%arg11 : memref<128x16xf32, #tpu.memory_space<vmem>>) dst(%dma_wait3A_289 : memref<10240x16xf32, #tpu.memory_space<vmem_shared>>)
        } else {
        }
        %dma_start3A_277 = arith.constant 0 : i32
        %dma_start3A_278 = tpu.memref_slice %arg7[%add3A_244, %dma_start3A_277] : memref<80x128xi32, #tpu.memory_space<vmem>> -> memref<1x128xi32, #tpu.memory_space<vmem>>
        %dma_start3A_279 = tpu.memref_squeeze %dma_start3A_278 : memref<1x128xi32, #tpu.memory_space<vmem>> -> memref<128xi32, #tpu.memory_space<vmem>>
        %dma_start3A_280 = arith.constant 0 : i32
        %dma_start3A_281 = arith.constant 0 : i32
        %dma_start3A_282 = tpu.memref_slice %arg2[%dma_start3A_280, %dma_start3A_281] : memref<10240x16xf32, #tpu.memory_space<hbm>> -> memref<10240x16xf32, #tpu.memory_space<hbm>>
        tpu.enqueue_indirect_dma source(%dma_start3A_282 : memref<10240x16xf32, #tpu.memory_space<hbm>>) target(%arg11 : memref<128x16xf32, #tpu.memory_space<vmem>>) offsets(%dma_start3A_279 : memref<128xi32, #tpu.memory_space<vmem>>) semaphore(%arg19 : memref<!tpu.dma_semaphore, #tpu.memory_space<semaphore_mem>>)
      } else {
      }
      %mul3A_250 = arith.constant 8 : i32
      %mul3A_251 = arith.muli %mul3A_250, %scan3A_91 : i32
      %add3A_252 = arith.constant 7 : i32
      %add3A_253 = arith.addi %mul3A_251, %add3A_252 : i32
      %dma_wait3A_254 = arith.constant 0 : i32
      %dma_wait3A_255 = tpu.memref_slice %arg7[%add3A_253, %dma_wait3A_254] : memref<80x128xi32, #tpu.memory_space<vmem>> -> memref<1x128xi32, #tpu.memory_space<vmem>>
      %dma_wait3A_256 = tpu.memref_squeeze %dma_wait3A_255 : memref<1x128xi32, #tpu.memory_space<vmem>> -> memref<128xi32, #tpu.memory_space<vmem>>
      %dma_wait3A_257 = arith.constant 0 : i32
      %dma_wait3A_258 = arith.constant 0 : i32
      %dma_wait3A_259 = tpu.memref_slice %arg2[%dma_wait3A_257, %dma_wait3A_258] : memref<10240x16xf32, #tpu.memory_space<hbm>> -> memref<10240x16xf32, #tpu.memory_space<hbm>>
      tpu.wait_indirect_dma semaphore(%arg24 : memref<!tpu.dma_semaphore, #tpu.memory_space<semaphore_mem>>) src(%dma_wait3A_259 : memref<10240x16xf32, #tpu.memory_space<hbm>>) dst(%arg16 : memref<128x16xf32, #tpu.memory_space<vmem>>)
      %dma_start3A_260 = arith.constant 0 : i32
      %dma_start3A_261 = tpu.memref_slice %arg8[%add3A_253, %dma_start3A_260] : memref<80x128xi32, #tpu.memory_space<vmem>> -> memref<1x128xi32, #tpu.memory_space<vmem>>
      %dma_start3A_262 = tpu.memref_squeeze %dma_start3A_261 : memref<1x128xi32, #tpu.memory_space<vmem>> -> memref<128xi32, #tpu.memory_space<vmem>>
      %dma_start3A_263 = arith.constant 0 : i32
      %dma_start3A_264 = arith.constant 0 : i32
      %dma_start3A_265 = tpu.memref_slice %arg33[%dma_start3A_263, %dma_start3A_264] : memref<10240x16xf32, #tpu.memory_space<vmem_shared>> -> memref<10240x16xf32, #tpu.memory_space<vmem_shared>>
      tpu.enqueue_indirect_dma source(%arg16 : memref<128x16xf32, #tpu.memory_space<vmem>>) target(%dma_start3A_265 : memref<10240x16xf32, #tpu.memory_space<vmem_shared>>) offsets(%dma_start3A_262 : memref<128xi32, #tpu.memory_space<vmem>>) semaphore(%arg32 : memref<!tpu.dma_semaphore, #tpu.memory_space<semaphore_mem>>) {add = true}
      %add3A_266 = arith.constant 4 : i32
      %add3A_267 = arith.addi %add3A_253, %add3A_266 : i32
      %lt3A_268 = arith.constant 80 : i32
      %lt3A_269 = arith.cmpi slt, %add3A_267, %lt3A_268 : i32
      %convert_element_type3A_270 = arith.extui %lt3A_269 : i1 to i32
      %cond3A_271 = arith.constant 0 : i32
      %cond3A_272 = arith.cmpi ne, %convert_element_type3A_270, %cond3A_271 : i32
      scf.if %cond3A_272 {
        %ge3A = arith.constant 4 : i32
        %ge3A_273 = arith.cmpi sge, %add3A_253, %ge3A : i32
        %convert_element_type3A_274 = arith.extui %ge3A_273 : i1 to i32
        %cond3A_275 = arith.constant 0 : i32
        %cond3A_276 = arith.cmpi ne, %convert_element_type3A_274, %cond3A_275 : i32
        scf.if %cond3A_276 {
          %sub3A = arith.constant 8 : i32
          %sub3A_283 = arith.subi %add3A_267, %sub3A : i32
          %dma_wait3A_284 = arith.constant 0 : i32
          %dma_wait3A_285 = tpu.memref_slice %arg8[%sub3A_283, %dma_wait3A_284] : memref<80x128xi32, #tpu.memory_space<vmem>> -> memref<1x128xi32, #tpu.memory_space<vmem>>
          %dma_wait3A_286 = tpu.memref_squeeze %dma_wait3A_285 : memref<1x128xi32, #tpu.memory_space<vmem>> -> memref<128xi32, #tpu.memory_space<vmem>>
          %dma_wait3A_287 = arith.constant 0 : i32
          %dma_wait3A_288 = arith.constant 0 : i32
          %dma_wait3A_289 = tpu.memref_slice %arg33[%dma_wait3A_287, %dma_wait3A_288] : memref<10240x16xf32, #tpu.memory_space<vmem_shared>> -> memref<10240x16xf32, #tpu.memory_space<vmem_shared>>
          tpu.wait_indirect_dma semaphore(%arg28 : memref<!tpu.dma_semaphore, #tpu.memory_space<semaphore_mem>>) src(%arg12 : memref<128x16xf32, #tpu.memory_space<vmem>>) dst(%dma_wait3A_289 : memref<10240x16xf32, #tpu.memory_space<vmem_shared>>)
        } else {
        }
        %dma_start3A_277 = arith.constant 0 : i32
        %dma_start3A_278 = tpu.memref_slice %arg7[%add3A_267, %dma_start3A_277] : memref<80x128xi32, #tpu.memory_space<vmem>> -> memref<1x128xi32, #tpu.memory_space<vmem>>
        %dma_start3A_279 = tpu.memref_squeeze %dma_start3A_278 : memref<1x128xi32, #tpu.memory_space<vmem>> -> memref<128xi32, #tpu.memory_space<vmem>>
        %dma_start3A_280 = arith.constant 0 : i32
        %dma_start3A_281 = arith.constant 0 : i32
        %dma_start3A_282 = tpu.memref_slice %arg2[%dma_start3A_280, %dma_start3A_281] : memref<10240x16xf32, #tpu.memory_space<hbm>> -> memref<10240x16xf32, #tpu.memory_space<hbm>>
        tpu.enqueue_indirect_dma source(%dma_start3A_282 : memref<10240x16xf32, #tpu.memory_space<hbm>>) target(%arg12 : memref<128x16xf32, #tpu.memory_space<vmem>>) offsets(%dma_start3A_279 : memref<128xi32, #tpu.memory_space<vmem>>) semaphore(%arg20 : memref<!tpu.dma_semaphore, #tpu.memory_space<semaphore_mem>>)
      } else {
      }
    }
    %scan3A_34 = arith.constant 10 : i32
    %dma_wait3A = arith.constant 72 : i32
    %dma_wait3A_35 = arith.constant 0 : i32
    %dma_wait3A_36 = tpu.memref_slice %arg8[%dma_wait3A, %dma_wait3A_35] : memref<80x128xi32, #tpu.memory_space<vmem>> -> memref<1x128xi32, #tpu.memory_space<vmem>>
    %dma_wait3A_37 = tpu.memref_squeeze %dma_wait3A_36 : memref<1x128xi32, #tpu.memory_space<vmem>> -> memref<128xi32, #tpu.memory_space<vmem>>
    %dma_wait3A_38 = arith.constant 0 : i32
    %dma_wait3A_39 = arith.constant 0 : i32
    %dma_wait3A_40 = tpu.memref_slice %arg33[%dma_wait3A_38, %dma_wait3A_39] : memref<10240x16xf32, #tpu.memory_space<vmem_shared>> -> memref<10240x16xf32, #tpu.memory_space<vmem_shared>>
    tpu.wait_indirect_dma semaphore(%arg25 : memref<!tpu.dma_semaphore, #tpu.memory_space<semaphore_mem>>) src(%arg9 : memref<128x16xf32, #tpu.memory_space<vmem>>) dst(%dma_wait3A_40 : memref<10240x16xf32, #tpu.memory_space<vmem_shared>>)
    %dma_wait3A_41 = arith.constant 73 : i32
    %dma_wait3A_42 = arith.constant 0 : i32
    %dma_wait3A_43 = tpu.memref_slice %arg8[%dma_wait3A_41, %dma_wait3A_42] : memref<80x128xi32, #tpu.memory_space<vmem>> -> memref<1x128xi32, #tpu.memory_space<vmem>>
    %dma_wait3A_44 = tpu.memref_squeeze %dma_wait3A_43 : memref<1x128xi32, #tpu.memory_space<vmem>> -> memref<128xi32, #tpu.memory_space<vmem>>
    %dma_wait3A_45 = arith.constant 0 : i32
    %dma_wait3A_46 = arith.constant 0 : i32
    %dma_wait3A_47 = tpu.memref_slice %arg33[%dma_wait3A_45, %dma_wait3A_46] : memref<10240x16xf32, #tpu.memory_space<vmem_shared>> -> memref<10240x16xf32, #tpu.memory_space<vmem_shared>>
    tpu.wait_indirect_dma semaphore(%arg26 : memref<!tpu.dma_semaphore, #tpu.memory_space<semaphore_mem>>) src(%arg10 : memref<128x16xf32, #tpu.memory_space<vmem>>) dst(%dma_wait3A_47 : memref<10240x16xf32, #tpu.memory_space<vmem_shared>>)
    %dma_wait3A_48 = arith.constant 74 : i32
    %dma_wait3A_49 = arith.constant 0 : i32
    %dma_wait3A_50 = tpu.memref_slice %arg8[%dma_wait3A_48, %dma_wait3A_49] : memref<80x128xi32, #tpu.memory_space<vmem>> -> memref<1x128xi32, #tpu.memory_space<vmem>>
    %dma_wait3A_51 = tpu.memref_squeeze %dma_wait3A_50 : memref<1x128xi32, #tpu.memory_space<vmem>> -> memref<128xi32, #tpu.memory_space<vmem>>
    %dma_wait3A_52 = arith.constant 0 : i32
    %dma_wait3A_53 = arith.constant 0 : i32
    %dma_wait3A_54 = tpu.memref_slice %arg33[%dma_wait3A_52, %dma_wait3A_53] : memref<10240x16xf32, #tpu.memory_space<vmem_shared>> -> memref<10240x16xf32, #tpu.memory_space<vmem_shared>>
    tpu.wait_indirect_dma semaphore(%arg27 : memref<!tpu.dma_semaphore, #tpu.memory_space<semaphore_mem>>) src(%arg11 : memref<128x16xf32, #tpu.memory_space<vmem>>) dst(%dma_wait3A_54 : memref<10240x16xf32, #tpu.memory_space<vmem_shared>>)
    %dma_wait3A_55 = arith.constant 75 : i32
    %dma_wait3A_56 = arith.constant 0 : i32
    %dma_wait3A_57 = tpu.memref_slice %arg8[%dma_wait3A_55, %dma_wait3A_56] : memref<80x128xi32, #tpu.memory_space<vmem>> -> memref<1x128xi32, #tpu.memory_space<vmem>>
    %dma_wait3A_58 = tpu.memref_squeeze %dma_wait3A_57 : memref<1x128xi32, #tpu.memory_space<vmem>> -> memref<128xi32, #tpu.memory_space<vmem>>
    %dma_wait3A_59 = arith.constant 0 : i32
    %dma_wait3A_60 = arith.constant 0 : i32
    %dma_wait3A_61 = tpu.memref_slice %arg33[%dma_wait3A_59, %dma_wait3A_60] : memref<10240x16xf32, #tpu.memory_space<vmem_shared>> -> memref<10240x16xf32, #tpu.memory_space<vmem_shared>>
    tpu.wait_indirect_dma semaphore(%arg28 : memref<!tpu.dma_semaphore, #tpu.memory_space<semaphore_mem>>) src(%arg12 : memref<128x16xf32, #tpu.memory_space<vmem>>) dst(%dma_wait3A_61 : memref<10240x16xf32, #tpu.memory_space<vmem_shared>>)
    %dma_wait3A_62 = arith.constant 76 : i32
    %dma_wait3A_63 = arith.constant 0 : i32
    %dma_wait3A_64 = tpu.memref_slice %arg8[%dma_wait3A_62, %dma_wait3A_63] : memref<80x128xi32, #tpu.memory_space<vmem>> -> memref<1x128xi32, #tpu.memory_space<vmem>>
    %dma_wait3A_65 = tpu.memref_squeeze %dma_wait3A_64 : memref<1x128xi32, #tpu.memory_space<vmem>> -> memref<128xi32, #tpu.memory_space<vmem>>
    %dma_wait3A_66 = arith.constant 0 : i32
    %dma_wait3A_67 = arith.constant 0 : i32
    %dma_wait3A_68 = tpu.memref_slice %arg33[%dma_wait3A_66, %dma_wait3A_67] : memref<10240x16xf32, #tpu.memory_space<vmem_shared>> -> memref<10240x16xf32, #tpu.memory_space<vmem_shared>>
    tpu.wait_indirect_dma semaphore(%arg29 : memref<!tpu.dma_semaphore, #tpu.memory_space<semaphore_mem>>) src(%arg13 : memref<128x16xf32, #tpu.memory_space<vmem>>) dst(%dma_wait3A_68 : memref<10240x16xf32, #tpu.memory_space<vmem_shared>>)
    %dma_wait3A_69 = arith.constant 77 : i32
    %dma_wait3A_70 = arith.constant 0 : i32
    %dma_wait3A_71 = tpu.memref_slice %arg8[%dma_wait3A_69, %dma_wait3A_70] : memref<80x128xi32, #tpu.memory_space<vmem>> -> memref<1x128xi32, #tpu.memory_space<vmem>>
    %dma_wait3A_72 = tpu.memref_squeeze %dma_wait3A_71 : memref<1x128xi32, #tpu.memory_space<vmem>> -> memref<128xi32, #tpu.memory_space<vmem>>
    %dma_wait3A_73 = arith.constant 0 : i32
    %dma_wait3A_74 = arith.constant 0 : i32
    %dma_wait3A_75 = tpu.memref_slice %arg33[%dma_wait3A_73, %dma_wait3A_74] : memref<10240x16xf32, #tpu.memory_space<vmem_shared>> -> memref<10240x16xf32, #tpu.memory_space<vmem_shared>>
    tpu.wait_indirect_dma semaphore(%arg30 : memref<!tpu.dma_semaphore, #tpu.memory_space<semaphore_mem>>) src(%arg14 : memref<128x16xf32, #tpu.memory_space<vmem>>) dst(%dma_wait3A_75 : memref<10240x16xf32, #tpu.memory_space<vmem_shared>>)
    %dma_wait3A_76 = arith.constant 78 : i32
    %dma_wait3A_77 = arith.constant 0 : i32
    %dma_wait3A_78 = tpu.memref_slice %arg8[%dma_wait3A_76, %dma_wait3A_77] : memref<80x128xi32, #tpu.memory_space<vmem>> -> memref<1x128xi32, #tpu.memory_space<vmem>>
    %dma_wait3A_79 = tpu.memref_squeeze %dma_wait3A_78 : memref<1x128xi32, #tpu.memory_space<vmem>> -> memref<128xi32, #tpu.memory_space<vmem>>
    %dma_wait3A_80 = arith.constant 0 : i32
    %dma_wait3A_81 = arith.constant 0 : i32
    %dma_wait3A_82 = tpu.memref_slice %arg33[%dma_wait3A_80, %dma_wait3A_81] : memref<10240x16xf32, #tpu.memory_space<vmem_shared>> -> memref<10240x16xf32, #tpu.memory_space<vmem_shared>>
    tpu.wait_indirect_dma semaphore(%arg31 : memref<!tpu.dma_semaphore, #tpu.memory_space<semaphore_mem>>) src(%arg15 : memref<128x16xf32, #tpu.memory_space<vmem>>) dst(%dma_wait3A_82 : memref<10240x16xf32, #tpu.memory_space<vmem_shared>>)
    %dma_wait3A_83 = arith.constant 79 : i32
    %dma_wait3A_84 = arith.constant 0 : i32
    %dma_wait3A_85 = tpu.memref_slice %arg8[%dma_wait3A_83, %dma_wait3A_84] : memref<80x128xi32, #tpu.memory_space<vmem>> -> memref<1x128xi32, #tpu.memory_space<vmem>>
    %dma_wait3A_86 = tpu.memref_squeeze %dma_wait3A_85 : memref<1x128xi32, #tpu.memory_space<vmem>> -> memref<128xi32, #tpu.memory_space<vmem>>
    %dma_wait3A_87 = arith.constant 0 : i32
    %dma_wait3A_88 = arith.constant 0 : i32
    %dma_wait3A_89 = tpu.memref_slice %arg33[%dma_wait3A_87, %dma_wait3A_88] : memref<10240x16xf32, #tpu.memory_space<vmem_shared>> -> memref<10240x16xf32, #tpu.memory_space<vmem_shared>>
    tpu.wait_indirect_dma semaphore(%arg32 : memref<!tpu.dma_semaphore, #tpu.memory_space<semaphore_mem>>) src(%arg16 : memref<128x16xf32, #tpu.memory_space<vmem>>) dst(%dma_wait3A_89 : memref<10240x16xf32, #tpu.memory_space<vmem_shared>>)
    %barrier3A_90 = arith.constant 0 : index
    tpu.barrier barrier_id(%barrier3A_90)
    "tpu.region"() ({
      %run_scoped3A_91 = tpu.sem_alloc : memref<!tpu.dma_semaphore, #tpu.memory_space<semaphore_mem>>
      %dma_start3A_92 = arith.constant 0 : i32
      %dma_start3A_93 = tpu.memref_slice %arg6[%arg0, %mul3A_2, %dma_start3A_92] : memref<2x10240x16xf32, #tpu.memory_space<hbm>> -> memref<1x640x16xf32, #tpu.memory_space<hbm>>
      %dma_start3A_94 = tpu.memref_squeeze %dma_start3A_93 : memref<1x640x16xf32, #tpu.memory_space<hbm>> -> memref<640x16xf32, #tpu.memory_space<hbm>>
      %dma_start3A_95 = arith.constant 0 : i32
      %dma_start3A_96 = tpu.memref_slice %arg33[%mul3A_2, %dma_start3A_95] : memref<10240x16xf32, #tpu.memory_space<vmem_shared>> -> memref<640x16xf32, #tpu.memory_space<vmem_shared>>
      tpu.enqueue_dma source(%dma_start3A_96 : memref<640x16xf32, #tpu.memory_space<vmem_shared>>) target(%dma_start3A_94 : memref<640x16xf32, #tpu.memory_space<hbm>>) target_semaphore(%run_scoped3A_91 : memref<!tpu.dma_semaphore, #tpu.memory_space<semaphore_mem>>)
      %dma_wait3A_97 = arith.constant 0 : i32
      %dma_wait3A_98 = tpu.memref_slice %arg6[%arg0, %mul3A_2, %dma_wait3A_97] : memref<2x10240x16xf32, #tpu.memory_space<hbm>> -> memref<1x640x16xf32, #tpu.memory_space<hbm>>
      %dma_wait3A_99 = tpu.memref_squeeze %dma_wait3A_98 : memref<1x640x16xf32, #tpu.memory_space<hbm>> -> memref<640x16xf32, #tpu.memory_space<hbm>>
      %dma_wait3A_100 = arith.constant 0 : i32
      %dma_wait3A_101 = tpu.memref_slice %arg33[%mul3A_2, %dma_wait3A_100] : memref<10240x16xf32, #tpu.memory_space<vmem_shared>> -> memref<640x16xf32, #tpu.memory_space<vmem_shared>>
      tpu.wait_dma2 semaphore(%run_scoped3A_91 : memref<!tpu.dma_semaphore, #tpu.memory_space<semaphore_mem>>) src(%dma_wait3A_101 : memref<640x16xf32, #tpu.memory_space<vmem_shared>>) dst(%dma_wait3A_99 : memref<640x16xf32, #tpu.memory_space<hbm>>)
      tpu.yield
    }) : () -> ()
    return
  }
}

#map = affine_map<(d0, d1) -> (0, 0)>
#map1 = affine_map<(d0, d1) -> (0, 0, 0, 0)>
#map2 = affine_map<(d0, d1) -> (0, 0, 0)>
module attributes {stable_mosaic.version = 14 : i64} {
  func.func @agg(%arg0: i32, %arg1: i32, %arg2: memref<20480x64xf32, #tpu.memory_space<hbm>>, %arg3: memref<2x32x80x128xi32, #tpu.memory_space<hbm>>, %arg4: memref<32x80x128xi32, #tpu.memory_space<hbm>>, %arg5: memref<10240x64xf32, #tpu.memory_space<hbm>>, %arg6: memref<2x10240x128xf32, #tpu.memory_space<hbm>>, %arg7: memref<80x128xi32, #tpu.memory_space<vmem>>, %arg8: memref<80x128xi32, #tpu.memory_space<vmem>>, %arg9: memref<128x64xf32, #tpu.memory_space<vmem>>, %arg10: memref<128x64xf32, #tpu.memory_space<vmem>>, %arg11: memref<128x64xf32, #tpu.memory_space<vmem>>, %arg12: memref<128x64xf32, #tpu.memory_space<vmem>>, %arg13: memref<128x64xf32, #tpu.memory_space<vmem>>, %arg14: memref<128x64xf32, #tpu.memory_space<vmem>>, %arg15: memref<128x64xf32, #tpu.memory_space<vmem>>, %arg16: memref<128x64xf32, #tpu.memory_space<vmem>>, %arg17: memref<!tpu.dma_semaphore, #tpu.memory_space<semaphore_mem>>, %arg18: memref<!tpu.dma_semaphore, #tpu.memory_space<semaphore_mem>>, %arg19: memref<!tpu.dma_semaphore, #tpu.memory_space<semaphore_mem>>, %arg20: memref<!tpu.dma_semaphore, #tpu.memory_space<semaphore_mem>>, %arg21: memref<!tpu.dma_semaphore, #tpu.memory_space<semaphore_mem>>, %arg22: memref<!tpu.dma_semaphore, #tpu.memory_space<semaphore_mem>>, %arg23: memref<!tpu.dma_semaphore, #tpu.memory_space<semaphore_mem>>, %arg24: memref<!tpu.dma_semaphore, #tpu.memory_space<semaphore_mem>>, %arg25: memref<!tpu.dma_semaphore, #tpu.memory_space<semaphore_mem>>, %arg26: memref<!tpu.dma_semaphore, #tpu.memory_space<semaphore_mem>>, %arg27: memref<!tpu.dma_semaphore, #tpu.memory_space<semaphore_mem>>, %arg28: memref<!tpu.dma_semaphore, #tpu.memory_space<semaphore_mem>>, %arg29: memref<!tpu.dma_semaphore, #tpu.memory_space<semaphore_mem>>, %arg30: memref<!tpu.dma_semaphore, #tpu.memory_space<semaphore_mem>>, %arg31: memref<!tpu.dma_semaphore, #tpu.memory_space<semaphore_mem>>, %arg32: memref<!tpu.dma_semaphore, #tpu.memory_space<semaphore_mem>>, %arg33: memref<10240x64xf32, #tpu.memory_space<vmem_shared>>) attributes {dimension_semantics = [#tpu.dimension_semantics<core_parallel>, #tpu.dimension_semantics<subcore_parallel>], iteration_bounds = array<i64: 2, 16>, scalar_prefetch = 0 : i64, scratch_operands = 27 : i64, tpu.core_type = #tpu.core_type<sc_vector_subcore>, window_params = [{transform_indices = #map}, {transform_indices = #map1}, {transform_indices = #map2}, {transform_indices = #map}, {transform_indices = #map2}]} {
    %mul3A = arith.constant 2 : i32
    %mul3A_0 = arith.muli %mul3A, %arg1 : i32
    %add3A = arith.addi %mul3A_0, %arg0 : i32
    %mul3A_1 = arith.constant 640 : i32
    %mul3A_2 = arith.muli %arg1, %mul3A_1 : i32
    "tpu.region"() ({
      %run_scoped3A_184 = tpu.sem_alloc : memref<!tpu.dma_semaphore, #tpu.memory_space<semaphore_mem>>
      %dma_start3A_185 = arith.constant 0 : i32
      %dma_start3A_186 = arith.constant 0 : i32
      %dma_start3A_187 = tpu.memref_slice %arg4[%add3A, %dma_start3A_185, %dma_start3A_186] : memref<32x80x128xi32, #tpu.memory_space<hbm>> -> memref<1x80x128xi32, #tpu.memory_space<hbm>>
      %dma_start3A_188 = tpu.memref_squeeze %dma_start3A_187 : memref<1x80x128xi32, #tpu.memory_space<hbm>> -> memref<80x128xi32, #tpu.memory_space<hbm>>
      %dma_start3A_189 = arith.constant 0 : i32
      %dma_start3A_190 = arith.constant 0 : i32
      %dma_start3A_191 = tpu.memref_slice %arg4[%add3A, %dma_start3A_189, %dma_start3A_190] : memref<32x80x128xi32, #tpu.memory_space<hbm>> -> memref<1x80x128xi32, #tpu.memory_space<hbm>>
      %dma_start3A_192 = tpu.memref_squeeze %dma_start3A_191 : memref<1x80x128xi32, #tpu.memory_space<hbm>> -> memref<80x128xi32, #tpu.memory_space<hbm>>
      tpu.enqueue_dma source(%dma_start3A_192 : memref<80x128xi32, #tpu.memory_space<hbm>>) target(%arg8 : memref<80x128xi32, #tpu.memory_space<vmem>>) target_semaphore(%run_scoped3A_184 : memref<!tpu.dma_semaphore, #tpu.memory_space<semaphore_mem>>)
      %dma_wait3A_193 = arith.constant 0 : i32
      %dma_wait3A_194 = arith.constant 0 : i32
      %dma_wait3A_195 = tpu.memref_slice %arg4[%add3A, %dma_wait3A_193, %dma_wait3A_194] : memref<32x80x128xi32, #tpu.memory_space<hbm>> -> memref<1x80x128xi32, #tpu.memory_space<hbm>>
      %dma_wait3A_196 = tpu.memref_squeeze %dma_wait3A_195 : memref<1x80x128xi32, #tpu.memory_space<hbm>> -> memref<80x128xi32, #tpu.memory_space<hbm>>
      %dma_wait3A_197 = arith.constant 0 : i32
      %dma_wait3A_198 = arith.constant 0 : i32
      %dma_wait3A_199 = tpu.memref_slice %arg4[%add3A, %dma_wait3A_197, %dma_wait3A_198] : memref<32x80x128xi32, #tpu.memory_space<hbm>> -> memref<1x80x128xi32, #tpu.memory_space<hbm>>
      %dma_wait3A_200 = tpu.memref_squeeze %dma_wait3A_199 : memref<1x80x128xi32, #tpu.memory_space<hbm>> -> memref<80x128xi32, #tpu.memory_space<hbm>>
      tpu.wait_dma2 semaphore(%run_scoped3A_184 : memref<!tpu.dma_semaphore, #tpu.memory_space<semaphore_mem>>) src(%dma_wait3A_200 : memref<80x128xi32, #tpu.memory_space<hbm>>) dst(%arg8 : memref<80x128xi32, #tpu.memory_space<vmem>>)
      tpu.yield
    }) : () -> ()
    %run_scoped3A = arith.constant 0 : i32
    "tpu.region"() ({
      %run_scoped3A_184 = tpu.sem_alloc : memref<!tpu.dma_semaphore, #tpu.memory_space<semaphore_mem>>
      %dma_start3A_185 = arith.constant 0 : i32
      %dma_start3A_186 = arith.constant 0 : i32
      %dma_start3A_187 = tpu.memref_slice %arg3[%run_scoped3A, %add3A, %dma_start3A_185, %dma_start3A_186] : memref<2x32x80x128xi32, #tpu.memory_space<hbm>> -> memref<1x1x80x128xi32, #tpu.memory_space<hbm>>
      %dma_start3A_188 = tpu.memref_squeeze %dma_start3A_187 : memref<1x1x80x128xi32, #tpu.memory_space<hbm>> -> memref<80x128xi32, #tpu.memory_space<hbm>>
      %dma_start3A_189 = arith.constant 0 : i32
      %dma_start3A_190 = arith.constant 0 : i32
      %dma_start3A_191 = tpu.memref_slice %arg3[%run_scoped3A, %add3A, %dma_start3A_189, %dma_start3A_190] : memref<2x32x80x128xi32, #tpu.memory_space<hbm>> -> memref<1x1x80x128xi32, #tpu.memory_space<hbm>>
      %dma_start3A_192 = tpu.memref_squeeze %dma_start3A_191 : memref<1x1x80x128xi32, #tpu.memory_space<hbm>> -> memref<80x128xi32, #tpu.memory_space<hbm>>
      tpu.enqueue_dma source(%dma_start3A_192 : memref<80x128xi32, #tpu.memory_space<hbm>>) target(%arg7 : memref<80x128xi32, #tpu.memory_space<vmem>>) target_semaphore(%run_scoped3A_184 : memref<!tpu.dma_semaphore, #tpu.memory_space<semaphore_mem>>)
      %dma_wait3A_193 = arith.constant 0 : i32
      %dma_wait3A_194 = arith.constant 0 : i32
      %dma_wait3A_195 = tpu.memref_slice %arg3[%run_scoped3A, %add3A, %dma_wait3A_193, %dma_wait3A_194] : memref<2x32x80x128xi32, #tpu.memory_space<hbm>> -> memref<1x1x80x128xi32, #tpu.memory_space<hbm>>
      %dma_wait3A_196 = tpu.memref_squeeze %dma_wait3A_195 : memref<1x1x80x128xi32, #tpu.memory_space<hbm>> -> memref<80x128xi32, #tpu.memory_space<hbm>>
      %dma_wait3A_197 = arith.constant 0 : i32
      %dma_wait3A_198 = arith.constant 0 : i32
      %dma_wait3A_199 = tpu.memref_slice %arg3[%run_scoped3A, %add3A, %dma_wait3A_197, %dma_wait3A_198] : memref<2x32x80x128xi32, #tpu.memory_space<hbm>> -> memref<1x1x80x128xi32, #tpu.memory_space<hbm>>
      %dma_wait3A_200 = tpu.memref_squeeze %dma_wait3A_199 : memref<1x1x80x128xi32, #tpu.memory_space<hbm>> -> memref<80x128xi32, #tpu.memory_space<hbm>>
      tpu.wait_dma2 semaphore(%run_scoped3A_184 : memref<!tpu.dma_semaphore, #tpu.memory_space<semaphore_mem>>) src(%dma_wait3A_200 : memref<80x128xi32, #tpu.memory_space<hbm>>) dst(%arg7 : memref<80x128xi32, #tpu.memory_space<vmem>>)
      tpu.yield
    }) : () -> ()
    "tpu.region"() ({
      %run_scoped3A_184 = tpu.sem_alloc : memref<!tpu.dma_semaphore, #tpu.memory_space<semaphore_mem>>
      %dma_start3A_185 = arith.constant 0 : i32
      %dma_start3A_186 = tpu.memref_slice %arg33[%mul3A_2, %dma_start3A_185] : memref<10240x64xf32, #tpu.memory_space<vmem_shared>> -> memref<640x64xf32, #tpu.memory_space<vmem_shared>>
      %dma_start3A_187 = arith.constant 0 : i32
      %dma_start3A_188 = tpu.memref_slice %arg5[%mul3A_2, %dma_start3A_187] : memref<10240x64xf32, #tpu.memory_space<hbm>> -> memref<640x64xf32, #tpu.memory_space<hbm>>
      tpu.enqueue_dma source(%dma_start3A_188 : memref<640x64xf32, #tpu.memory_space<hbm>>) target(%dma_start3A_186 : memref<640x64xf32, #tpu.memory_space<vmem_shared>>) target_semaphore(%run_scoped3A_184 : memref<!tpu.dma_semaphore, #tpu.memory_space<semaphore_mem>>)
      %dma_wait3A_189 = arith.constant 0 : i32
      %dma_wait3A_190 = tpu.memref_slice %arg33[%mul3A_2, %dma_wait3A_189] : memref<10240x64xf32, #tpu.memory_space<vmem_shared>> -> memref<640x64xf32, #tpu.memory_space<vmem_shared>>
      %dma_wait3A_191 = arith.constant 0 : i32
      %dma_wait3A_192 = tpu.memref_slice %arg5[%mul3A_2, %dma_wait3A_191] : memref<10240x64xf32, #tpu.memory_space<hbm>> -> memref<640x64xf32, #tpu.memory_space<hbm>>
      tpu.wait_dma2 semaphore(%run_scoped3A_184 : memref<!tpu.dma_semaphore, #tpu.memory_space<semaphore_mem>>) src(%dma_wait3A_192 : memref<640x64xf32, #tpu.memory_space<hbm>>) dst(%dma_wait3A_190 : memref<640x64xf32, #tpu.memory_space<vmem_shared>>)
      tpu.yield
    }) : () -> ()
    %barrier3A = arith.constant 0 : index
    tpu.barrier barrier_id(%barrier3A)
    %dma_start3A = arith.constant 0 : i32
    %dma_start3A_3 = arith.constant 0 : i32
    %dma_start3A_4 = tpu.memref_slice %arg7[%dma_start3A, %dma_start3A_3] : memref<80x128xi32, #tpu.memory_space<vmem>> -> memref<1x128xi32, #tpu.memory_space<vmem>>
    %dma_start3A_5 = tpu.memref_squeeze %dma_start3A_4 : memref<1x128xi32, #tpu.memory_space<vmem>> -> memref<128xi32, #tpu.memory_space<vmem>>
    %dma_start3A_6 = arith.constant 0 : i32
    %dma_start3A_7 = arith.constant 0 : i32
    %dma_start3A_8 = tpu.memref_slice %arg2[%dma_start3A_6, %dma_start3A_7] : memref<20480x64xf32, #tpu.memory_space<hbm>> -> memref<20480x64xf32, #tpu.memory_space<hbm>>
    tpu.enqueue_indirect_dma source(%dma_start3A_8 : memref<20480x64xf32, #tpu.memory_space<hbm>>) target(%arg9 : memref<128x64xf32, #tpu.memory_space<vmem>>) offsets(%dma_start3A_5 : memref<128xi32, #tpu.memory_space<vmem>>) semaphore(%arg17 : memref<!tpu.dma_semaphore, #tpu.memory_space<semaphore_mem>>)
    %dma_start3A_9 = arith.constant 1 : i32
    %dma_start3A_10 = arith.constant 0 : i32
    %dma_start3A_11 = tpu.memref_slice %arg7[%dma_start3A_9, %dma_start3A_10] : memref<80x128xi32, #tpu.memory_space<vmem>> -> memref<1x128xi32, #tpu.memory_space<vmem>>
    %dma_start3A_12 = tpu.memref_squeeze %dma_start3A_11 : memref<1x128xi32, #tpu.memory_space<vmem>> -> memref<128xi32, #tpu.memory_space<vmem>>
    %dma_start3A_13 = arith.constant 0 : i32
    %dma_start3A_14 = arith.constant 0 : i32
    %dma_start3A_15 = tpu.memref_slice %arg2[%dma_start3A_13, %dma_start3A_14] : memref<20480x64xf32, #tpu.memory_space<hbm>> -> memref<20480x64xf32, #tpu.memory_space<hbm>>
    tpu.enqueue_indirect_dma source(%dma_start3A_15 : memref<20480x64xf32, #tpu.memory_space<hbm>>) target(%arg10 : memref<128x64xf32, #tpu.memory_space<vmem>>) offsets(%dma_start3A_12 : memref<128xi32, #tpu.memory_space<vmem>>) semaphore(%arg18 : memref<!tpu.dma_semaphore, #tpu.memory_space<semaphore_mem>>)
    %dma_start3A_16 = arith.constant 2 : i32
    %dma_start3A_17 = arith.constant 0 : i32
    %dma_start3A_18 = tpu.memref_slice %arg7[%dma_start3A_16, %dma_start3A_17] : memref<80x128xi32, #tpu.memory_space<vmem>> -> memref<1x128xi32, #tpu.memory_space<vmem>>
    %dma_start3A_19 = tpu.memref_squeeze %dma_start3A_18 : memref<1x128xi32, #tpu.memory_space<vmem>> -> memref<128xi32, #tpu.memory_space<vmem>>
    %dma_start3A_20 = arith.constant 0 : i32
    %dma_start3A_21 = arith.constant 0 : i32
    %dma_start3A_22 = tpu.memref_slice %arg2[%dma_start3A_20, %dma_start3A_21] : memref<20480x64xf32, #tpu.memory_space<hbm>> -> memref<20480x64xf32, #tpu.memory_space<hbm>>
    tpu.enqueue_indirect_dma source(%dma_start3A_22 : memref<20480x64xf32, #tpu.memory_space<hbm>>) target(%arg11 : memref<128x64xf32, #tpu.memory_space<vmem>>) offsets(%dma_start3A_19 : memref<128xi32, #tpu.memory_space<vmem>>) semaphore(%arg19 : memref<!tpu.dma_semaphore, #tpu.memory_space<semaphore_mem>>)
    %dma_start3A_23 = arith.constant 3 : i32
    %dma_start3A_24 = arith.constant 0 : i32
    %dma_start3A_25 = tpu.memref_slice %arg7[%dma_start3A_23, %dma_start3A_24] : memref<80x128xi32, #tpu.memory_space<vmem>> -> memref<1x128xi32, #tpu.memory_space<vmem>>
    %dma_start3A_26 = tpu.memref_squeeze %dma_start3A_25 : memref<1x128xi32, #tpu.memory_space<vmem>> -> memref<128xi32, #tpu.memory_space<vmem>>
    %dma_start3A_27 = arith.constant 0 : i32
    %dma_start3A_28 = arith.constant 0 : i32
    %dma_start3A_29 = tpu.memref_slice %arg2[%dma_start3A_27, %dma_start3A_28] : memref<20480x64xf32, #tpu.memory_space<hbm>> -> memref<20480x64xf32, #tpu.memory_space<hbm>>
    tpu.enqueue_indirect_dma source(%dma_start3A_29 : memref<20480x64xf32, #tpu.memory_space<hbm>>) target(%arg12 : memref<128x64xf32, #tpu.memory_space<vmem>>) offsets(%dma_start3A_26 : memref<128xi32, #tpu.memory_space<vmem>>) semaphore(%arg20 : memref<!tpu.dma_semaphore, #tpu.memory_space<semaphore_mem>>)
    %scan3A = arith.constant 0 : i32
    %scan3A_30 = arith.constant 0 : i32
    %scan3A_31 = arith.constant 10 : i32
    %scan3A_32 = arith.addi %scan3A_30, %scan3A_31 : i32
    %scan3A_33 = arith.constant 1 : i32
    scf.for %scan3A_184 = %scan3A_30 to %scan3A_32 step %scan3A_33  : i32 {
      %mul3A_185 = arith.constant 8 : i32
      %mul3A_186 = arith.muli %mul3A_185, %scan3A_184 : i32
      %add3A_187 = arith.constant 0 : i32
      %add3A_188 = arith.addi %mul3A_186, %add3A_187 : i32
      %dma_wait3A_189 = arith.constant 0 : i32
      %dma_wait3A_190 = tpu.memref_slice %arg7[%add3A_188, %dma_wait3A_189] : memref<80x128xi32, #tpu.memory_space<vmem>> -> memref<1x128xi32, #tpu.memory_space<vmem>>
      %dma_wait3A_191 = tpu.memref_squeeze %dma_wait3A_190 : memref<1x128xi32, #tpu.memory_space<vmem>> -> memref<128xi32, #tpu.memory_space<vmem>>
      %dma_wait3A_192 = arith.constant 0 : i32
      %dma_wait3A_193 = arith.constant 0 : i32
      %dma_wait3A_194 = tpu.memref_slice %arg2[%dma_wait3A_192, %dma_wait3A_193] : memref<20480x64xf32, #tpu.memory_space<hbm>> -> memref<20480x64xf32, #tpu.memory_space<hbm>>
      tpu.wait_indirect_dma semaphore(%arg17 : memref<!tpu.dma_semaphore, #tpu.memory_space<semaphore_mem>>) src(%dma_wait3A_194 : memref<20480x64xf32, #tpu.memory_space<hbm>>) dst(%arg9 : memref<128x64xf32, #tpu.memory_space<vmem>>)
      %dma_start3A_195 = arith.constant 0 : i32
      %dma_start3A_196 = tpu.memref_slice %arg8[%add3A_188, %dma_start3A_195] : memref<80x128xi32, #tpu.memory_space<vmem>> -> memref<1x128xi32, #tpu.memory_space<vmem>>
      %dma_start3A_197 = tpu.memref_squeeze %dma_start3A_196 : memref<1x128xi32, #tpu.memory_space<vmem>> -> memref<128xi32, #tpu.memory_space<vmem>>
      %dma_start3A_198 = arith.constant 0 : i32
      %dma_start3A_199 = arith.constant 0 : i32
      %dma_start3A_200 = tpu.memref_slice %arg33[%dma_start3A_198, %dma_start3A_199] : memref<10240x64xf32, #tpu.memory_space<vmem_shared>> -> memref<10240x64xf32, #tpu.memory_space<vmem_shared>>
      tpu.enqueue_indirect_dma source(%arg9 : memref<128x64xf32, #tpu.memory_space<vmem>>) target(%dma_start3A_200 : memref<10240x64xf32, #tpu.memory_space<vmem_shared>>) offsets(%dma_start3A_197 : memref<128xi32, #tpu.memory_space<vmem>>) semaphore(%arg25 : memref<!tpu.dma_semaphore, #tpu.memory_space<semaphore_mem>>) {add = true}
      %add3A_201 = arith.constant 4 : i32
      %add3A_202 = arith.addi %add3A_188, %add3A_201 : i32
      %lt3A = arith.constant 80 : i32
      %lt3A_203 = arith.cmpi slt, %add3A_202, %lt3A : i32
      %convert_element_type3A = arith.extui %lt3A_203 : i1 to i32
      %cond3A = arith.constant 0 : i32
      %cond3A_204 = arith.cmpi ne, %convert_element_type3A, %cond3A : i32
      scf.if %cond3A_204 {
        %ge3A = arith.constant 4 : i32
        %ge3A_366 = arith.cmpi sge, %add3A_188, %ge3A : i32
        %convert_element_type3A_367 = arith.extui %ge3A_366 : i1 to i32
        %cond3A_368 = arith.constant 0 : i32
        %cond3A_369 = arith.cmpi ne, %convert_element_type3A_367, %cond3A_368 : i32
        scf.if %cond3A_369 {
          %sub3A = arith.constant 8 : i32
          %sub3A_376 = arith.subi %add3A_202, %sub3A : i32
          %dma_wait3A_377 = arith.constant 0 : i32
          %dma_wait3A_378 = tpu.memref_slice %arg8[%sub3A_376, %dma_wait3A_377] : memref<80x128xi32, #tpu.memory_space<vmem>> -> memref<1x128xi32, #tpu.memory_space<vmem>>
          %dma_wait3A_379 = tpu.memref_squeeze %dma_wait3A_378 : memref<1x128xi32, #tpu.memory_space<vmem>> -> memref<128xi32, #tpu.memory_space<vmem>>
          %dma_wait3A_380 = arith.constant 0 : i32
          %dma_wait3A_381 = arith.constant 0 : i32
          %dma_wait3A_382 = tpu.memref_slice %arg33[%dma_wait3A_380, %dma_wait3A_381] : memref<10240x64xf32, #tpu.memory_space<vmem_shared>> -> memref<10240x64xf32, #tpu.memory_space<vmem_shared>>
          tpu.wait_indirect_dma semaphore(%arg29 : memref<!tpu.dma_semaphore, #tpu.memory_space<semaphore_mem>>) src(%arg13 : memref<128x64xf32, #tpu.memory_space<vmem>>) dst(%dma_wait3A_382 : memref<10240x64xf32, #tpu.memory_space<vmem_shared>>)
        } else {
        }
        %dma_start3A_370 = arith.constant 0 : i32
        %dma_start3A_371 = tpu.memref_slice %arg7[%add3A_202, %dma_start3A_370] : memref<80x128xi32, #tpu.memory_space<vmem>> -> memref<1x128xi32, #tpu.memory_space<vmem>>
        %dma_start3A_372 = tpu.memref_squeeze %dma_start3A_371 : memref<1x128xi32, #tpu.memory_space<vmem>> -> memref<128xi32, #tpu.memory_space<vmem>>
        %dma_start3A_373 = arith.constant 0 : i32
        %dma_start3A_374 = arith.constant 0 : i32
        %dma_start3A_375 = tpu.memref_slice %arg2[%dma_start3A_373, %dma_start3A_374] : memref<20480x64xf32, #tpu.memory_space<hbm>> -> memref<20480x64xf32, #tpu.memory_space<hbm>>
        tpu.enqueue_indirect_dma source(%dma_start3A_375 : memref<20480x64xf32, #tpu.memory_space<hbm>>) target(%arg13 : memref<128x64xf32, #tpu.memory_space<vmem>>) offsets(%dma_start3A_372 : memref<128xi32, #tpu.memory_space<vmem>>) semaphore(%arg21 : memref<!tpu.dma_semaphore, #tpu.memory_space<semaphore_mem>>)
      } else {
      }
      %mul3A_205 = arith.constant 8 : i32
      %mul3A_206 = arith.muli %mul3A_205, %scan3A_184 : i32
      %add3A_207 = arith.constant 1 : i32
      %add3A_208 = arith.addi %mul3A_206, %add3A_207 : i32
      %dma_wait3A_209 = arith.constant 0 : i32
      %dma_wait3A_210 = tpu.memref_slice %arg7[%add3A_208, %dma_wait3A_209] : memref<80x128xi32, #tpu.memory_space<vmem>> -> memref<1x128xi32, #tpu.memory_space<vmem>>
      %dma_wait3A_211 = tpu.memref_squeeze %dma_wait3A_210 : memref<1x128xi32, #tpu.memory_space<vmem>> -> memref<128xi32, #tpu.memory_space<vmem>>
      %dma_wait3A_212 = arith.constant 0 : i32
      %dma_wait3A_213 = arith.constant 0 : i32
      %dma_wait3A_214 = tpu.memref_slice %arg2[%dma_wait3A_212, %dma_wait3A_213] : memref<20480x64xf32, #tpu.memory_space<hbm>> -> memref<20480x64xf32, #tpu.memory_space<hbm>>
      tpu.wait_indirect_dma semaphore(%arg18 : memref<!tpu.dma_semaphore, #tpu.memory_space<semaphore_mem>>) src(%dma_wait3A_214 : memref<20480x64xf32, #tpu.memory_space<hbm>>) dst(%arg10 : memref<128x64xf32, #tpu.memory_space<vmem>>)
      %dma_start3A_215 = arith.constant 0 : i32
      %dma_start3A_216 = tpu.memref_slice %arg8[%add3A_208, %dma_start3A_215] : memref<80x128xi32, #tpu.memory_space<vmem>> -> memref<1x128xi32, #tpu.memory_space<vmem>>
      %dma_start3A_217 = tpu.memref_squeeze %dma_start3A_216 : memref<1x128xi32, #tpu.memory_space<vmem>> -> memref<128xi32, #tpu.memory_space<vmem>>
      %dma_start3A_218 = arith.constant 0 : i32
      %dma_start3A_219 = arith.constant 0 : i32
      %dma_start3A_220 = tpu.memref_slice %arg33[%dma_start3A_218, %dma_start3A_219] : memref<10240x64xf32, #tpu.memory_space<vmem_shared>> -> memref<10240x64xf32, #tpu.memory_space<vmem_shared>>
      tpu.enqueue_indirect_dma source(%arg10 : memref<128x64xf32, #tpu.memory_space<vmem>>) target(%dma_start3A_220 : memref<10240x64xf32, #tpu.memory_space<vmem_shared>>) offsets(%dma_start3A_217 : memref<128xi32, #tpu.memory_space<vmem>>) semaphore(%arg26 : memref<!tpu.dma_semaphore, #tpu.memory_space<semaphore_mem>>) {add = true}
      %add3A_221 = arith.constant 4 : i32
      %add3A_222 = arith.addi %add3A_208, %add3A_221 : i32
      %lt3A_223 = arith.constant 80 : i32
      %lt3A_224 = arith.cmpi slt, %add3A_222, %lt3A_223 : i32
      %convert_element_type3A_225 = arith.extui %lt3A_224 : i1 to i32
      %cond3A_226 = arith.constant 0 : i32
      %cond3A_227 = arith.cmpi ne, %convert_element_type3A_225, %cond3A_226 : i32
      scf.if %cond3A_227 {
        %ge3A = arith.constant 4 : i32
        %ge3A_366 = arith.cmpi sge, %add3A_208, %ge3A : i32
        %convert_element_type3A_367 = arith.extui %ge3A_366 : i1 to i32
        %cond3A_368 = arith.constant 0 : i32
        %cond3A_369 = arith.cmpi ne, %convert_element_type3A_367, %cond3A_368 : i32
        scf.if %cond3A_369 {
          %sub3A = arith.constant 8 : i32
          %sub3A_376 = arith.subi %add3A_222, %sub3A : i32
          %dma_wait3A_377 = arith.constant 0 : i32
          %dma_wait3A_378 = tpu.memref_slice %arg8[%sub3A_376, %dma_wait3A_377] : memref<80x128xi32, #tpu.memory_space<vmem>> -> memref<1x128xi32, #tpu.memory_space<vmem>>
          %dma_wait3A_379 = tpu.memref_squeeze %dma_wait3A_378 : memref<1x128xi32, #tpu.memory_space<vmem>> -> memref<128xi32, #tpu.memory_space<vmem>>
          %dma_wait3A_380 = arith.constant 0 : i32
          %dma_wait3A_381 = arith.constant 0 : i32
          %dma_wait3A_382 = tpu.memref_slice %arg33[%dma_wait3A_380, %dma_wait3A_381] : memref<10240x64xf32, #tpu.memory_space<vmem_shared>> -> memref<10240x64xf32, #tpu.memory_space<vmem_shared>>
          tpu.wait_indirect_dma semaphore(%arg30 : memref<!tpu.dma_semaphore, #tpu.memory_space<semaphore_mem>>) src(%arg14 : memref<128x64xf32, #tpu.memory_space<vmem>>) dst(%dma_wait3A_382 : memref<10240x64xf32, #tpu.memory_space<vmem_shared>>)
        } else {
        }
        %dma_start3A_370 = arith.constant 0 : i32
        %dma_start3A_371 = tpu.memref_slice %arg7[%add3A_222, %dma_start3A_370] : memref<80x128xi32, #tpu.memory_space<vmem>> -> memref<1x128xi32, #tpu.memory_space<vmem>>
        %dma_start3A_372 = tpu.memref_squeeze %dma_start3A_371 : memref<1x128xi32, #tpu.memory_space<vmem>> -> memref<128xi32, #tpu.memory_space<vmem>>
        %dma_start3A_373 = arith.constant 0 : i32
        %dma_start3A_374 = arith.constant 0 : i32
        %dma_start3A_375 = tpu.memref_slice %arg2[%dma_start3A_373, %dma_start3A_374] : memref<20480x64xf32, #tpu.memory_space<hbm>> -> memref<20480x64xf32, #tpu.memory_space<hbm>>
        tpu.enqueue_indirect_dma source(%dma_start3A_375 : memref<20480x64xf32, #tpu.memory_space<hbm>>) target(%arg14 : memref<128x64xf32, #tpu.memory_space<vmem>>) offsets(%dma_start3A_372 : memref<128xi32, #tpu.memory_space<vmem>>) semaphore(%arg22 : memref<!tpu.dma_semaphore, #tpu.memory_space<semaphore_mem>>)
      } else {
      }
      %mul3A_228 = arith.constant 8 : i32
      %mul3A_229 = arith.muli %mul3A_228, %scan3A_184 : i32
      %add3A_230 = arith.constant 2 : i32
      %add3A_231 = arith.addi %mul3A_229, %add3A_230 : i32
      %dma_wait3A_232 = arith.constant 0 : i32
      %dma_wait3A_233 = tpu.memref_slice %arg7[%add3A_231, %dma_wait3A_232] : memref<80x128xi32, #tpu.memory_space<vmem>> -> memref<1x128xi32, #tpu.memory_space<vmem>>
      %dma_wait3A_234 = tpu.memref_squeeze %dma_wait3A_233 : memref<1x128xi32, #tpu.memory_space<vmem>> -> memref<128xi32, #tpu.memory_space<vmem>>
      %dma_wait3A_235 = arith.constant 0 : i32
      %dma_wait3A_236 = arith.constant 0 : i32
      %dma_wait3A_237 = tpu.memref_slice %arg2[%dma_wait3A_235, %dma_wait3A_236] : memref<20480x64xf32, #tpu.memory_space<hbm>> -> memref<20480x64xf32, #tpu.memory_space<hbm>>
      tpu.wait_indirect_dma semaphore(%arg19 : memref<!tpu.dma_semaphore, #tpu.memory_space<semaphore_mem>>) src(%dma_wait3A_237 : memref<20480x64xf32, #tpu.memory_space<hbm>>) dst(%arg11 : memref<128x64xf32, #tpu.memory_space<vmem>>)
      %dma_start3A_238 = arith.constant 0 : i32
      %dma_start3A_239 = tpu.memref_slice %arg8[%add3A_231, %dma_start3A_238] : memref<80x128xi32, #tpu.memory_space<vmem>> -> memref<1x128xi32, #tpu.memory_space<vmem>>
      %dma_start3A_240 = tpu.memref_squeeze %dma_start3A_239 : memref<1x128xi32, #tpu.memory_space<vmem>> -> memref<128xi32, #tpu.memory_space<vmem>>
      %dma_start3A_241 = arith.constant 0 : i32
      %dma_start3A_242 = arith.constant 0 : i32
      %dma_start3A_243 = tpu.memref_slice %arg33[%dma_start3A_241, %dma_start3A_242] : memref<10240x64xf32, #tpu.memory_space<vmem_shared>> -> memref<10240x64xf32, #tpu.memory_space<vmem_shared>>
      tpu.enqueue_indirect_dma source(%arg11 : memref<128x64xf32, #tpu.memory_space<vmem>>) target(%dma_start3A_243 : memref<10240x64xf32, #tpu.memory_space<vmem_shared>>) offsets(%dma_start3A_240 : memref<128xi32, #tpu.memory_space<vmem>>) semaphore(%arg27 : memref<!tpu.dma_semaphore, #tpu.memory_space<semaphore_mem>>) {add = true}
      %add3A_244 = arith.constant 4 : i32
      %add3A_245 = arith.addi %add3A_231, %add3A_244 : i32
      %lt3A_246 = arith.constant 80 : i32
      %lt3A_247 = arith.cmpi slt, %add3A_245, %lt3A_246 : i32
      %convert_element_type3A_248 = arith.extui %lt3A_247 : i1 to i32
      %cond3A_249 = arith.constant 0 : i32
      %cond3A_250 = arith.cmpi ne, %convert_element_type3A_248, %cond3A_249 : i32
      scf.if %cond3A_250 {
        %ge3A = arith.constant 4 : i32
        %ge3A_366 = arith.cmpi sge, %add3A_231, %ge3A : i32
        %convert_element_type3A_367 = arith.extui %ge3A_366 : i1 to i32
        %cond3A_368 = arith.constant 0 : i32
        %cond3A_369 = arith.cmpi ne, %convert_element_type3A_367, %cond3A_368 : i32
        scf.if %cond3A_369 {
          %sub3A = arith.constant 8 : i32
          %sub3A_376 = arith.subi %add3A_245, %sub3A : i32
          %dma_wait3A_377 = arith.constant 0 : i32
          %dma_wait3A_378 = tpu.memref_slice %arg8[%sub3A_376, %dma_wait3A_377] : memref<80x128xi32, #tpu.memory_space<vmem>> -> memref<1x128xi32, #tpu.memory_space<vmem>>
          %dma_wait3A_379 = tpu.memref_squeeze %dma_wait3A_378 : memref<1x128xi32, #tpu.memory_space<vmem>> -> memref<128xi32, #tpu.memory_space<vmem>>
          %dma_wait3A_380 = arith.constant 0 : i32
          %dma_wait3A_381 = arith.constant 0 : i32
          %dma_wait3A_382 = tpu.memref_slice %arg33[%dma_wait3A_380, %dma_wait3A_381] : memref<10240x64xf32, #tpu.memory_space<vmem_shared>> -> memref<10240x64xf32, #tpu.memory_space<vmem_shared>>
          tpu.wait_indirect_dma semaphore(%arg31 : memref<!tpu.dma_semaphore, #tpu.memory_space<semaphore_mem>>) src(%arg15 : memref<128x64xf32, #tpu.memory_space<vmem>>) dst(%dma_wait3A_382 : memref<10240x64xf32, #tpu.memory_space<vmem_shared>>)
        } else {
        }
        %dma_start3A_370 = arith.constant 0 : i32
        %dma_start3A_371 = tpu.memref_slice %arg7[%add3A_245, %dma_start3A_370] : memref<80x128xi32, #tpu.memory_space<vmem>> -> memref<1x128xi32, #tpu.memory_space<vmem>>
        %dma_start3A_372 = tpu.memref_squeeze %dma_start3A_371 : memref<1x128xi32, #tpu.memory_space<vmem>> -> memref<128xi32, #tpu.memory_space<vmem>>
        %dma_start3A_373 = arith.constant 0 : i32
        %dma_start3A_374 = arith.constant 0 : i32
        %dma_start3A_375 = tpu.memref_slice %arg2[%dma_start3A_373, %dma_start3A_374] : memref<20480x64xf32, #tpu.memory_space<hbm>> -> memref<20480x64xf32, #tpu.memory_space<hbm>>
        tpu.enqueue_indirect_dma source(%dma_start3A_375 : memref<20480x64xf32, #tpu.memory_space<hbm>>) target(%arg15 : memref<128x64xf32, #tpu.memory_space<vmem>>) offsets(%dma_start3A_372 : memref<128xi32, #tpu.memory_space<vmem>>) semaphore(%arg23 : memref<!tpu.dma_semaphore, #tpu.memory_space<semaphore_mem>>)
      } else {
      }
      %mul3A_251 = arith.constant 8 : i32
      %mul3A_252 = arith.muli %mul3A_251, %scan3A_184 : i32
      %add3A_253 = arith.constant 3 : i32
      %add3A_254 = arith.addi %mul3A_252, %add3A_253 : i32
      %dma_wait3A_255 = arith.constant 0 : i32
      %dma_wait3A_256 = tpu.memref_slice %arg7[%add3A_254, %dma_wait3A_255] : memref<80x128xi32, #tpu.memory_space<vmem>> -> memref<1x128xi32, #tpu.memory_space<vmem>>
      %dma_wait3A_257 = tpu.memref_squeeze %dma_wait3A_256 : memref<1x128xi32, #tpu.memory_space<vmem>> -> memref<128xi32, #tpu.memory_space<vmem>>
      %dma_wait3A_258 = arith.constant 0 : i32
      %dma_wait3A_259 = arith.constant 0 : i32
      %dma_wait3A_260 = tpu.memref_slice %arg2[%dma_wait3A_258, %dma_wait3A_259] : memref<20480x64xf32, #tpu.memory_space<hbm>> -> memref<20480x64xf32, #tpu.memory_space<hbm>>
      tpu.wait_indirect_dma semaphore(%arg20 : memref<!tpu.dma_semaphore, #tpu.memory_space<semaphore_mem>>) src(%dma_wait3A_260 : memref<20480x64xf32, #tpu.memory_space<hbm>>) dst(%arg12 : memref<128x64xf32, #tpu.memory_space<vmem>>)
      %dma_start3A_261 = arith.constant 0 : i32
      %dma_start3A_262 = tpu.memref_slice %arg8[%add3A_254, %dma_start3A_261] : memref<80x128xi32, #tpu.memory_space<vmem>> -> memref<1x128xi32, #tpu.memory_space<vmem>>
      %dma_start3A_263 = tpu.memref_squeeze %dma_start3A_262 : memref<1x128xi32, #tpu.memory_space<vmem>> -> memref<128xi32, #tpu.memory_space<vmem>>
      %dma_start3A_264 = arith.constant 0 : i32
      %dma_start3A_265 = arith.constant 0 : i32
      %dma_start3A_266 = tpu.memref_slice %arg33[%dma_start3A_264, %dma_start3A_265] : memref<10240x64xf32, #tpu.memory_space<vmem_shared>> -> memref<10240x64xf32, #tpu.memory_space<vmem_shared>>
      tpu.enqueue_indirect_dma source(%arg12 : memref<128x64xf32, #tpu.memory_space<vmem>>) target(%dma_start3A_266 : memref<10240x64xf32, #tpu.memory_space<vmem_shared>>) offsets(%dma_start3A_263 : memref<128xi32, #tpu.memory_space<vmem>>) semaphore(%arg28 : memref<!tpu.dma_semaphore, #tpu.memory_space<semaphore_mem>>) {add = true}
      %add3A_267 = arith.constant 4 : i32
      %add3A_268 = arith.addi %add3A_254, %add3A_267 : i32
      %lt3A_269 = arith.constant 80 : i32
      %lt3A_270 = arith.cmpi slt, %add3A_268, %lt3A_269 : i32
      %convert_element_type3A_271 = arith.extui %lt3A_270 : i1 to i32
      %cond3A_272 = arith.constant 0 : i32
      %cond3A_273 = arith.cmpi ne, %convert_element_type3A_271, %cond3A_272 : i32
      scf.if %cond3A_273 {
        %ge3A = arith.constant 4 : i32
        %ge3A_366 = arith.cmpi sge, %add3A_254, %ge3A : i32
        %convert_element_type3A_367 = arith.extui %ge3A_366 : i1 to i32
        %cond3A_368 = arith.constant 0 : i32
        %cond3A_369 = arith.cmpi ne, %convert_element_type3A_367, %cond3A_368 : i32
        scf.if %cond3A_369 {
          %sub3A = arith.constant 8 : i32
          %sub3A_376 = arith.subi %add3A_268, %sub3A : i32
          %dma_wait3A_377 = arith.constant 0 : i32
          %dma_wait3A_378 = tpu.memref_slice %arg8[%sub3A_376, %dma_wait3A_377] : memref<80x128xi32, #tpu.memory_space<vmem>> -> memref<1x128xi32, #tpu.memory_space<vmem>>
          %dma_wait3A_379 = tpu.memref_squeeze %dma_wait3A_378 : memref<1x128xi32, #tpu.memory_space<vmem>> -> memref<128xi32, #tpu.memory_space<vmem>>
          %dma_wait3A_380 = arith.constant 0 : i32
          %dma_wait3A_381 = arith.constant 0 : i32
          %dma_wait3A_382 = tpu.memref_slice %arg33[%dma_wait3A_380, %dma_wait3A_381] : memref<10240x64xf32, #tpu.memory_space<vmem_shared>> -> memref<10240x64xf32, #tpu.memory_space<vmem_shared>>
          tpu.wait_indirect_dma semaphore(%arg32 : memref<!tpu.dma_semaphore, #tpu.memory_space<semaphore_mem>>) src(%arg16 : memref<128x64xf32, #tpu.memory_space<vmem>>) dst(%dma_wait3A_382 : memref<10240x64xf32, #tpu.memory_space<vmem_shared>>)
        } else {
        }
        %dma_start3A_370 = arith.constant 0 : i32
        %dma_start3A_371 = tpu.memref_slice %arg7[%add3A_268, %dma_start3A_370] : memref<80x128xi32, #tpu.memory_space<vmem>> -> memref<1x128xi32, #tpu.memory_space<vmem>>
        %dma_start3A_372 = tpu.memref_squeeze %dma_start3A_371 : memref<1x128xi32, #tpu.memory_space<vmem>> -> memref<128xi32, #tpu.memory_space<vmem>>
        %dma_start3A_373 = arith.constant 0 : i32
        %dma_start3A_374 = arith.constant 0 : i32
        %dma_start3A_375 = tpu.memref_slice %arg2[%dma_start3A_373, %dma_start3A_374] : memref<20480x64xf32, #tpu.memory_space<hbm>> -> memref<20480x64xf32, #tpu.memory_space<hbm>>
        tpu.enqueue_indirect_dma source(%dma_start3A_375 : memref<20480x64xf32, #tpu.memory_space<hbm>>) target(%arg16 : memref<128x64xf32, #tpu.memory_space<vmem>>) offsets(%dma_start3A_372 : memref<128xi32, #tpu.memory_space<vmem>>) semaphore(%arg24 : memref<!tpu.dma_semaphore, #tpu.memory_space<semaphore_mem>>)
      } else {
      }
      %mul3A_274 = arith.constant 8 : i32
      %mul3A_275 = arith.muli %mul3A_274, %scan3A_184 : i32
      %add3A_276 = arith.constant 4 : i32
      %add3A_277 = arith.addi %mul3A_275, %add3A_276 : i32
      %dma_wait3A_278 = arith.constant 0 : i32
      %dma_wait3A_279 = tpu.memref_slice %arg7[%add3A_277, %dma_wait3A_278] : memref<80x128xi32, #tpu.memory_space<vmem>> -> memref<1x128xi32, #tpu.memory_space<vmem>>
      %dma_wait3A_280 = tpu.memref_squeeze %dma_wait3A_279 : memref<1x128xi32, #tpu.memory_space<vmem>> -> memref<128xi32, #tpu.memory_space<vmem>>
      %dma_wait3A_281 = arith.constant 0 : i32
      %dma_wait3A_282 = arith.constant 0 : i32
      %dma_wait3A_283 = tpu.memref_slice %arg2[%dma_wait3A_281, %dma_wait3A_282] : memref<20480x64xf32, #tpu.memory_space<hbm>> -> memref<20480x64xf32, #tpu.memory_space<hbm>>
      tpu.wait_indirect_dma semaphore(%arg21 : memref<!tpu.dma_semaphore, #tpu.memory_space<semaphore_mem>>) src(%dma_wait3A_283 : memref<20480x64xf32, #tpu.memory_space<hbm>>) dst(%arg13 : memref<128x64xf32, #tpu.memory_space<vmem>>)
      %dma_start3A_284 = arith.constant 0 : i32
      %dma_start3A_285 = tpu.memref_slice %arg8[%add3A_277, %dma_start3A_284] : memref<80x128xi32, #tpu.memory_space<vmem>> -> memref<1x128xi32, #tpu.memory_space<vmem>>
      %dma_start3A_286 = tpu.memref_squeeze %dma_start3A_285 : memref<1x128xi32, #tpu.memory_space<vmem>> -> memref<128xi32, #tpu.memory_space<vmem>>
      %dma_start3A_287 = arith.constant 0 : i32
      %dma_start3A_288 = arith.constant 0 : i32
      %dma_start3A_289 = tpu.memref_slice %arg33[%dma_start3A_287, %dma_start3A_288] : memref<10240x64xf32, #tpu.memory_space<vmem_shared>> -> memref<10240x64xf32, #tpu.memory_space<vmem_shared>>
      tpu.enqueue_indirect_dma source(%arg13 : memref<128x64xf32, #tpu.memory_space<vmem>>) target(%dma_start3A_289 : memref<10240x64xf32, #tpu.memory_space<vmem_shared>>) offsets(%dma_start3A_286 : memref<128xi32, #tpu.memory_space<vmem>>) semaphore(%arg29 : memref<!tpu.dma_semaphore, #tpu.memory_space<semaphore_mem>>) {add = true}
      %add3A_290 = arith.constant 4 : i32
      %add3A_291 = arith.addi %add3A_277, %add3A_290 : i32
      %lt3A_292 = arith.constant 80 : i32
      %lt3A_293 = arith.cmpi slt, %add3A_291, %lt3A_292 : i32
      %convert_element_type3A_294 = arith.extui %lt3A_293 : i1 to i32
      %cond3A_295 = arith.constant 0 : i32
      %cond3A_296 = arith.cmpi ne, %convert_element_type3A_294, %cond3A_295 : i32
      scf.if %cond3A_296 {
        %ge3A = arith.constant 4 : i32
        %ge3A_366 = arith.cmpi sge, %add3A_277, %ge3A : i32
        %convert_element_type3A_367 = arith.extui %ge3A_366 : i1 to i32
        %cond3A_368 = arith.constant 0 : i32
        %cond3A_369 = arith.cmpi ne, %convert_element_type3A_367, %cond3A_368 : i32
        scf.if %cond3A_369 {
          %sub3A = arith.constant 8 : i32
          %sub3A_376 = arith.subi %add3A_291, %sub3A : i32
          %dma_wait3A_377 = arith.constant 0 : i32
          %dma_wait3A_378 = tpu.memref_slice %arg8[%sub3A_376, %dma_wait3A_377] : memref<80x128xi32, #tpu.memory_space<vmem>> -> memref<1x128xi32, #tpu.memory_space<vmem>>
          %dma_wait3A_379 = tpu.memref_squeeze %dma_wait3A_378 : memref<1x128xi32, #tpu.memory_space<vmem>> -> memref<128xi32, #tpu.memory_space<vmem>>
          %dma_wait3A_380 = arith.constant 0 : i32
          %dma_wait3A_381 = arith.constant 0 : i32
          %dma_wait3A_382 = tpu.memref_slice %arg33[%dma_wait3A_380, %dma_wait3A_381] : memref<10240x64xf32, #tpu.memory_space<vmem_shared>> -> memref<10240x64xf32, #tpu.memory_space<vmem_shared>>
          tpu.wait_indirect_dma semaphore(%arg25 : memref<!tpu.dma_semaphore, #tpu.memory_space<semaphore_mem>>) src(%arg9 : memref<128x64xf32, #tpu.memory_space<vmem>>) dst(%dma_wait3A_382 : memref<10240x64xf32, #tpu.memory_space<vmem_shared>>)
        } else {
        }
        %dma_start3A_370 = arith.constant 0 : i32
        %dma_start3A_371 = tpu.memref_slice %arg7[%add3A_291, %dma_start3A_370] : memref<80x128xi32, #tpu.memory_space<vmem>> -> memref<1x128xi32, #tpu.memory_space<vmem>>
        %dma_start3A_372 = tpu.memref_squeeze %dma_start3A_371 : memref<1x128xi32, #tpu.memory_space<vmem>> -> memref<128xi32, #tpu.memory_space<vmem>>
        %dma_start3A_373 = arith.constant 0 : i32
        %dma_start3A_374 = arith.constant 0 : i32
        %dma_start3A_375 = tpu.memref_slice %arg2[%dma_start3A_373, %dma_start3A_374] : memref<20480x64xf32, #tpu.memory_space<hbm>> -> memref<20480x64xf32, #tpu.memory_space<hbm>>
        tpu.enqueue_indirect_dma source(%dma_start3A_375 : memref<20480x64xf32, #tpu.memory_space<hbm>>) target(%arg9 : memref<128x64xf32, #tpu.memory_space<vmem>>) offsets(%dma_start3A_372 : memref<128xi32, #tpu.memory_space<vmem>>) semaphore(%arg17 : memref<!tpu.dma_semaphore, #tpu.memory_space<semaphore_mem>>)
      } else {
      }
      %mul3A_297 = arith.constant 8 : i32
      %mul3A_298 = arith.muli %mul3A_297, %scan3A_184 : i32
      %add3A_299 = arith.constant 5 : i32
      %add3A_300 = arith.addi %mul3A_298, %add3A_299 : i32
      %dma_wait3A_301 = arith.constant 0 : i32
      %dma_wait3A_302 = tpu.memref_slice %arg7[%add3A_300, %dma_wait3A_301] : memref<80x128xi32, #tpu.memory_space<vmem>> -> memref<1x128xi32, #tpu.memory_space<vmem>>
      %dma_wait3A_303 = tpu.memref_squeeze %dma_wait3A_302 : memref<1x128xi32, #tpu.memory_space<vmem>> -> memref<128xi32, #tpu.memory_space<vmem>>
      %dma_wait3A_304 = arith.constant 0 : i32
      %dma_wait3A_305 = arith.constant 0 : i32
      %dma_wait3A_306 = tpu.memref_slice %arg2[%dma_wait3A_304, %dma_wait3A_305] : memref<20480x64xf32, #tpu.memory_space<hbm>> -> memref<20480x64xf32, #tpu.memory_space<hbm>>
      tpu.wait_indirect_dma semaphore(%arg22 : memref<!tpu.dma_semaphore, #tpu.memory_space<semaphore_mem>>) src(%dma_wait3A_306 : memref<20480x64xf32, #tpu.memory_space<hbm>>) dst(%arg14 : memref<128x64xf32, #tpu.memory_space<vmem>>)
      %dma_start3A_307 = arith.constant 0 : i32
      %dma_start3A_308 = tpu.memref_slice %arg8[%add3A_300, %dma_start3A_307] : memref<80x128xi32, #tpu.memory_space<vmem>> -> memref<1x128xi32, #tpu.memory_space<vmem>>
      %dma_start3A_309 = tpu.memref_squeeze %dma_start3A_308 : memref<1x128xi32, #tpu.memory_space<vmem>> -> memref<128xi32, #tpu.memory_space<vmem>>
      %dma_start3A_310 = arith.constant 0 : i32
      %dma_start3A_311 = arith.constant 0 : i32
      %dma_start3A_312 = tpu.memref_slice %arg33[%dma_start3A_310, %dma_start3A_311] : memref<10240x64xf32, #tpu.memory_space<vmem_shared>> -> memref<10240x64xf32, #tpu.memory_space<vmem_shared>>
      tpu.enqueue_indirect_dma source(%arg14 : memref<128x64xf32, #tpu.memory_space<vmem>>) target(%dma_start3A_312 : memref<10240x64xf32, #tpu.memory_space<vmem_shared>>) offsets(%dma_start3A_309 : memref<128xi32, #tpu.memory_space<vmem>>) semaphore(%arg30 : memref<!tpu.dma_semaphore, #tpu.memory_space<semaphore_mem>>) {add = true}
      %add3A_313 = arith.constant 4 : i32
      %add3A_314 = arith.addi %add3A_300, %add3A_313 : i32
      %lt3A_315 = arith.constant 80 : i32
      %lt3A_316 = arith.cmpi slt, %add3A_314, %lt3A_315 : i32
      %convert_element_type3A_317 = arith.extui %lt3A_316 : i1 to i32
      %cond3A_318 = arith.constant 0 : i32
      %cond3A_319 = arith.cmpi ne, %convert_element_type3A_317, %cond3A_318 : i32
      scf.if %cond3A_319 {
        %ge3A = arith.constant 4 : i32
        %ge3A_366 = arith.cmpi sge, %add3A_300, %ge3A : i32
        %convert_element_type3A_367 = arith.extui %ge3A_366 : i1 to i32
        %cond3A_368 = arith.constant 0 : i32
        %cond3A_369 = arith.cmpi ne, %convert_element_type3A_367, %cond3A_368 : i32
        scf.if %cond3A_369 {
          %sub3A = arith.constant 8 : i32
          %sub3A_376 = arith.subi %add3A_314, %sub3A : i32
          %dma_wait3A_377 = arith.constant 0 : i32
          %dma_wait3A_378 = tpu.memref_slice %arg8[%sub3A_376, %dma_wait3A_377] : memref<80x128xi32, #tpu.memory_space<vmem>> -> memref<1x128xi32, #tpu.memory_space<vmem>>
          %dma_wait3A_379 = tpu.memref_squeeze %dma_wait3A_378 : memref<1x128xi32, #tpu.memory_space<vmem>> -> memref<128xi32, #tpu.memory_space<vmem>>
          %dma_wait3A_380 = arith.constant 0 : i32
          %dma_wait3A_381 = arith.constant 0 : i32
          %dma_wait3A_382 = tpu.memref_slice %arg33[%dma_wait3A_380, %dma_wait3A_381] : memref<10240x64xf32, #tpu.memory_space<vmem_shared>> -> memref<10240x64xf32, #tpu.memory_space<vmem_shared>>
          tpu.wait_indirect_dma semaphore(%arg26 : memref<!tpu.dma_semaphore, #tpu.memory_space<semaphore_mem>>) src(%arg10 : memref<128x64xf32, #tpu.memory_space<vmem>>) dst(%dma_wait3A_382 : memref<10240x64xf32, #tpu.memory_space<vmem_shared>>)
        } else {
        }
        %dma_start3A_370 = arith.constant 0 : i32
        %dma_start3A_371 = tpu.memref_slice %arg7[%add3A_314, %dma_start3A_370] : memref<80x128xi32, #tpu.memory_space<vmem>> -> memref<1x128xi32, #tpu.memory_space<vmem>>
        %dma_start3A_372 = tpu.memref_squeeze %dma_start3A_371 : memref<1x128xi32, #tpu.memory_space<vmem>> -> memref<128xi32, #tpu.memory_space<vmem>>
        %dma_start3A_373 = arith.constant 0 : i32
        %dma_start3A_374 = arith.constant 0 : i32
        %dma_start3A_375 = tpu.memref_slice %arg2[%dma_start3A_373, %dma_start3A_374] : memref<20480x64xf32, #tpu.memory_space<hbm>> -> memref<20480x64xf32, #tpu.memory_space<hbm>>
        tpu.enqueue_indirect_dma source(%dma_start3A_375 : memref<20480x64xf32, #tpu.memory_space<hbm>>) target(%arg10 : memref<128x64xf32, #tpu.memory_space<vmem>>) offsets(%dma_start3A_372 : memref<128xi32, #tpu.memory_space<vmem>>) semaphore(%arg18 : memref<!tpu.dma_semaphore, #tpu.memory_space<semaphore_mem>>)
      } else {
      }
      %mul3A_320 = arith.constant 8 : i32
      %mul3A_321 = arith.muli %mul3A_320, %scan3A_184 : i32
      %add3A_322 = arith.constant 6 : i32
      %add3A_323 = arith.addi %mul3A_321, %add3A_322 : i32
      %dma_wait3A_324 = arith.constant 0 : i32
      %dma_wait3A_325 = tpu.memref_slice %arg7[%add3A_323, %dma_wait3A_324] : memref<80x128xi32, #tpu.memory_space<vmem>> -> memref<1x128xi32, #tpu.memory_space<vmem>>
      %dma_wait3A_326 = tpu.memref_squeeze %dma_wait3A_325 : memref<1x128xi32, #tpu.memory_space<vmem>> -> memref<128xi32, #tpu.memory_space<vmem>>
      %dma_wait3A_327 = arith.constant 0 : i32
      %dma_wait3A_328 = arith.constant 0 : i32
      %dma_wait3A_329 = tpu.memref_slice %arg2[%dma_wait3A_327, %dma_wait3A_328] : memref<20480x64xf32, #tpu.memory_space<hbm>> -> memref<20480x64xf32, #tpu.memory_space<hbm>>
      tpu.wait_indirect_dma semaphore(%arg23 : memref<!tpu.dma_semaphore, #tpu.memory_space<semaphore_mem>>) src(%dma_wait3A_329 : memref<20480x64xf32, #tpu.memory_space<hbm>>) dst(%arg15 : memref<128x64xf32, #tpu.memory_space<vmem>>)
      %dma_start3A_330 = arith.constant 0 : i32
      %dma_start3A_331 = tpu.memref_slice %arg8[%add3A_323, %dma_start3A_330] : memref<80x128xi32, #tpu.memory_space<vmem>> -> memref<1x128xi32, #tpu.memory_space<vmem>>
      %dma_start3A_332 = tpu.memref_squeeze %dma_start3A_331 : memref<1x128xi32, #tpu.memory_space<vmem>> -> memref<128xi32, #tpu.memory_space<vmem>>
      %dma_start3A_333 = arith.constant 0 : i32
      %dma_start3A_334 = arith.constant 0 : i32
      %dma_start3A_335 = tpu.memref_slice %arg33[%dma_start3A_333, %dma_start3A_334] : memref<10240x64xf32, #tpu.memory_space<vmem_shared>> -> memref<10240x64xf32, #tpu.memory_space<vmem_shared>>
      tpu.enqueue_indirect_dma source(%arg15 : memref<128x64xf32, #tpu.memory_space<vmem>>) target(%dma_start3A_335 : memref<10240x64xf32, #tpu.memory_space<vmem_shared>>) offsets(%dma_start3A_332 : memref<128xi32, #tpu.memory_space<vmem>>) semaphore(%arg31 : memref<!tpu.dma_semaphore, #tpu.memory_space<semaphore_mem>>) {add = true}
      %add3A_336 = arith.constant 4 : i32
      %add3A_337 = arith.addi %add3A_323, %add3A_336 : i32
      %lt3A_338 = arith.constant 80 : i32
      %lt3A_339 = arith.cmpi slt, %add3A_337, %lt3A_338 : i32
      %convert_element_type3A_340 = arith.extui %lt3A_339 : i1 to i32
      %cond3A_341 = arith.constant 0 : i32
      %cond3A_342 = arith.cmpi ne, %convert_element_type3A_340, %cond3A_341 : i32
      scf.if %cond3A_342 {
        %ge3A = arith.constant 4 : i32
        %ge3A_366 = arith.cmpi sge, %add3A_323, %ge3A : i32
        %convert_element_type3A_367 = arith.extui %ge3A_366 : i1 to i32
        %cond3A_368 = arith.constant 0 : i32
        %cond3A_369 = arith.cmpi ne, %convert_element_type3A_367, %cond3A_368 : i32
        scf.if %cond3A_369 {
          %sub3A = arith.constant 8 : i32
          %sub3A_376 = arith.subi %add3A_337, %sub3A : i32
          %dma_wait3A_377 = arith.constant 0 : i32
          %dma_wait3A_378 = tpu.memref_slice %arg8[%sub3A_376, %dma_wait3A_377] : memref<80x128xi32, #tpu.memory_space<vmem>> -> memref<1x128xi32, #tpu.memory_space<vmem>>
          %dma_wait3A_379 = tpu.memref_squeeze %dma_wait3A_378 : memref<1x128xi32, #tpu.memory_space<vmem>> -> memref<128xi32, #tpu.memory_space<vmem>>
          %dma_wait3A_380 = arith.constant 0 : i32
          %dma_wait3A_381 = arith.constant 0 : i32
          %dma_wait3A_382 = tpu.memref_slice %arg33[%dma_wait3A_380, %dma_wait3A_381] : memref<10240x64xf32, #tpu.memory_space<vmem_shared>> -> memref<10240x64xf32, #tpu.memory_space<vmem_shared>>
          tpu.wait_indirect_dma semaphore(%arg27 : memref<!tpu.dma_semaphore, #tpu.memory_space<semaphore_mem>>) src(%arg11 : memref<128x64xf32, #tpu.memory_space<vmem>>) dst(%dma_wait3A_382 : memref<10240x64xf32, #tpu.memory_space<vmem_shared>>)
        } else {
        }
        %dma_start3A_370 = arith.constant 0 : i32
        %dma_start3A_371 = tpu.memref_slice %arg7[%add3A_337, %dma_start3A_370] : memref<80x128xi32, #tpu.memory_space<vmem>> -> memref<1x128xi32, #tpu.memory_space<vmem>>
        %dma_start3A_372 = tpu.memref_squeeze %dma_start3A_371 : memref<1x128xi32, #tpu.memory_space<vmem>> -> memref<128xi32, #tpu.memory_space<vmem>>
        %dma_start3A_373 = arith.constant 0 : i32
        %dma_start3A_374 = arith.constant 0 : i32
        %dma_start3A_375 = tpu.memref_slice %arg2[%dma_start3A_373, %dma_start3A_374] : memref<20480x64xf32, #tpu.memory_space<hbm>> -> memref<20480x64xf32, #tpu.memory_space<hbm>>
        tpu.enqueue_indirect_dma source(%dma_start3A_375 : memref<20480x64xf32, #tpu.memory_space<hbm>>) target(%arg11 : memref<128x64xf32, #tpu.memory_space<vmem>>) offsets(%dma_start3A_372 : memref<128xi32, #tpu.memory_space<vmem>>) semaphore(%arg19 : memref<!tpu.dma_semaphore, #tpu.memory_space<semaphore_mem>>)
      } else {
      }
      %mul3A_343 = arith.constant 8 : i32
      %mul3A_344 = arith.muli %mul3A_343, %scan3A_184 : i32
      %add3A_345 = arith.constant 7 : i32
      %add3A_346 = arith.addi %mul3A_344, %add3A_345 : i32
      %dma_wait3A_347 = arith.constant 0 : i32
      %dma_wait3A_348 = tpu.memref_slice %arg7[%add3A_346, %dma_wait3A_347] : memref<80x128xi32, #tpu.memory_space<vmem>> -> memref<1x128xi32, #tpu.memory_space<vmem>>
      %dma_wait3A_349 = tpu.memref_squeeze %dma_wait3A_348 : memref<1x128xi32, #tpu.memory_space<vmem>> -> memref<128xi32, #tpu.memory_space<vmem>>
      %dma_wait3A_350 = arith.constant 0 : i32
      %dma_wait3A_351 = arith.constant 0 : i32
      %dma_wait3A_352 = tpu.memref_slice %arg2[%dma_wait3A_350, %dma_wait3A_351] : memref<20480x64xf32, #tpu.memory_space<hbm>> -> memref<20480x64xf32, #tpu.memory_space<hbm>>
      tpu.wait_indirect_dma semaphore(%arg24 : memref<!tpu.dma_semaphore, #tpu.memory_space<semaphore_mem>>) src(%dma_wait3A_352 : memref<20480x64xf32, #tpu.memory_space<hbm>>) dst(%arg16 : memref<128x64xf32, #tpu.memory_space<vmem>>)
      %dma_start3A_353 = arith.constant 0 : i32
      %dma_start3A_354 = tpu.memref_slice %arg8[%add3A_346, %dma_start3A_353] : memref<80x128xi32, #tpu.memory_space<vmem>> -> memref<1x128xi32, #tpu.memory_space<vmem>>
      %dma_start3A_355 = tpu.memref_squeeze %dma_start3A_354 : memref<1x128xi32, #tpu.memory_space<vmem>> -> memref<128xi32, #tpu.memory_space<vmem>>
      %dma_start3A_356 = arith.constant 0 : i32
      %dma_start3A_357 = arith.constant 0 : i32
      %dma_start3A_358 = tpu.memref_slice %arg33[%dma_start3A_356, %dma_start3A_357] : memref<10240x64xf32, #tpu.memory_space<vmem_shared>> -> memref<10240x64xf32, #tpu.memory_space<vmem_shared>>
      tpu.enqueue_indirect_dma source(%arg16 : memref<128x64xf32, #tpu.memory_space<vmem>>) target(%dma_start3A_358 : memref<10240x64xf32, #tpu.memory_space<vmem_shared>>) offsets(%dma_start3A_355 : memref<128xi32, #tpu.memory_space<vmem>>) semaphore(%arg32 : memref<!tpu.dma_semaphore, #tpu.memory_space<semaphore_mem>>) {add = true}
      %add3A_359 = arith.constant 4 : i32
      %add3A_360 = arith.addi %add3A_346, %add3A_359 : i32
      %lt3A_361 = arith.constant 80 : i32
      %lt3A_362 = arith.cmpi slt, %add3A_360, %lt3A_361 : i32
      %convert_element_type3A_363 = arith.extui %lt3A_362 : i1 to i32
      %cond3A_364 = arith.constant 0 : i32
      %cond3A_365 = arith.cmpi ne, %convert_element_type3A_363, %cond3A_364 : i32
      scf.if %cond3A_365 {
        %ge3A = arith.constant 4 : i32
        %ge3A_366 = arith.cmpi sge, %add3A_346, %ge3A : i32
        %convert_element_type3A_367 = arith.extui %ge3A_366 : i1 to i32
        %cond3A_368 = arith.constant 0 : i32
        %cond3A_369 = arith.cmpi ne, %convert_element_type3A_367, %cond3A_368 : i32
        scf.if %cond3A_369 {
          %sub3A = arith.constant 8 : i32
          %sub3A_376 = arith.subi %add3A_360, %sub3A : i32
          %dma_wait3A_377 = arith.constant 0 : i32
          %dma_wait3A_378 = tpu.memref_slice %arg8[%sub3A_376, %dma_wait3A_377] : memref<80x128xi32, #tpu.memory_space<vmem>> -> memref<1x128xi32, #tpu.memory_space<vmem>>
          %dma_wait3A_379 = tpu.memref_squeeze %dma_wait3A_378 : memref<1x128xi32, #tpu.memory_space<vmem>> -> memref<128xi32, #tpu.memory_space<vmem>>
          %dma_wait3A_380 = arith.constant 0 : i32
          %dma_wait3A_381 = arith.constant 0 : i32
          %dma_wait3A_382 = tpu.memref_slice %arg33[%dma_wait3A_380, %dma_wait3A_381] : memref<10240x64xf32, #tpu.memory_space<vmem_shared>> -> memref<10240x64xf32, #tpu.memory_space<vmem_shared>>
          tpu.wait_indirect_dma semaphore(%arg28 : memref<!tpu.dma_semaphore, #tpu.memory_space<semaphore_mem>>) src(%arg12 : memref<128x64xf32, #tpu.memory_space<vmem>>) dst(%dma_wait3A_382 : memref<10240x64xf32, #tpu.memory_space<vmem_shared>>)
        } else {
        }
        %dma_start3A_370 = arith.constant 0 : i32
        %dma_start3A_371 = tpu.memref_slice %arg7[%add3A_360, %dma_start3A_370] : memref<80x128xi32, #tpu.memory_space<vmem>> -> memref<1x128xi32, #tpu.memory_space<vmem>>
        %dma_start3A_372 = tpu.memref_squeeze %dma_start3A_371 : memref<1x128xi32, #tpu.memory_space<vmem>> -> memref<128xi32, #tpu.memory_space<vmem>>
        %dma_start3A_373 = arith.constant 0 : i32
        %dma_start3A_374 = arith.constant 0 : i32
        %dma_start3A_375 = tpu.memref_slice %arg2[%dma_start3A_373, %dma_start3A_374] : memref<20480x64xf32, #tpu.memory_space<hbm>> -> memref<20480x64xf32, #tpu.memory_space<hbm>>
        tpu.enqueue_indirect_dma source(%dma_start3A_375 : memref<20480x64xf32, #tpu.memory_space<hbm>>) target(%arg12 : memref<128x64xf32, #tpu.memory_space<vmem>>) offsets(%dma_start3A_372 : memref<128xi32, #tpu.memory_space<vmem>>) semaphore(%arg20 : memref<!tpu.dma_semaphore, #tpu.memory_space<semaphore_mem>>)
      } else {
      }
    }
    %scan3A_34 = arith.constant 10 : i32
    %dma_wait3A = arith.constant 72 : i32
    %dma_wait3A_35 = arith.constant 0 : i32
    %dma_wait3A_36 = tpu.memref_slice %arg8[%dma_wait3A, %dma_wait3A_35] : memref<80x128xi32, #tpu.memory_space<vmem>> -> memref<1x128xi32, #tpu.memory_space<vmem>>
    %dma_wait3A_37 = tpu.memref_squeeze %dma_wait3A_36 : memref<1x128xi32, #tpu.memory_space<vmem>> -> memref<128xi32, #tpu.memory_space<vmem>>
    %dma_wait3A_38 = arith.constant 0 : i32
    %dma_wait3A_39 = arith.constant 0 : i32
    %dma_wait3A_40 = tpu.memref_slice %arg33[%dma_wait3A_38, %dma_wait3A_39] : memref<10240x64xf32, #tpu.memory_space<vmem_shared>> -> memref<10240x64xf32, #tpu.memory_space<vmem_shared>>
    tpu.wait_indirect_dma semaphore(%arg25 : memref<!tpu.dma_semaphore, #tpu.memory_space<semaphore_mem>>) src(%arg9 : memref<128x64xf32, #tpu.memory_space<vmem>>) dst(%dma_wait3A_40 : memref<10240x64xf32, #tpu.memory_space<vmem_shared>>)
    %dma_wait3A_41 = arith.constant 73 : i32
    %dma_wait3A_42 = arith.constant 0 : i32
    %dma_wait3A_43 = tpu.memref_slice %arg8[%dma_wait3A_41, %dma_wait3A_42] : memref<80x128xi32, #tpu.memory_space<vmem>> -> memref<1x128xi32, #tpu.memory_space<vmem>>
    %dma_wait3A_44 = tpu.memref_squeeze %dma_wait3A_43 : memref<1x128xi32, #tpu.memory_space<vmem>> -> memref<128xi32, #tpu.memory_space<vmem>>
    %dma_wait3A_45 = arith.constant 0 : i32
    %dma_wait3A_46 = arith.constant 0 : i32
    %dma_wait3A_47 = tpu.memref_slice %arg33[%dma_wait3A_45, %dma_wait3A_46] : memref<10240x64xf32, #tpu.memory_space<vmem_shared>> -> memref<10240x64xf32, #tpu.memory_space<vmem_shared>>
    tpu.wait_indirect_dma semaphore(%arg26 : memref<!tpu.dma_semaphore, #tpu.memory_space<semaphore_mem>>) src(%arg10 : memref<128x64xf32, #tpu.memory_space<vmem>>) dst(%dma_wait3A_47 : memref<10240x64xf32, #tpu.memory_space<vmem_shared>>)
    %dma_wait3A_48 = arith.constant 74 : i32
    %dma_wait3A_49 = arith.constant 0 : i32
    %dma_wait3A_50 = tpu.memref_slice %arg8[%dma_wait3A_48, %dma_wait3A_49] : memref<80x128xi32, #tpu.memory_space<vmem>> -> memref<1x128xi32, #tpu.memory_space<vmem>>
    %dma_wait3A_51 = tpu.memref_squeeze %dma_wait3A_50 : memref<1x128xi32, #tpu.memory_space<vmem>> -> memref<128xi32, #tpu.memory_space<vmem>>
    %dma_wait3A_52 = arith.constant 0 : i32
    %dma_wait3A_53 = arith.constant 0 : i32
    %dma_wait3A_54 = tpu.memref_slice %arg33[%dma_wait3A_52, %dma_wait3A_53] : memref<10240x64xf32, #tpu.memory_space<vmem_shared>> -> memref<10240x64xf32, #tpu.memory_space<vmem_shared>>
    tpu.wait_indirect_dma semaphore(%arg27 : memref<!tpu.dma_semaphore, #tpu.memory_space<semaphore_mem>>) src(%arg11 : memref<128x64xf32, #tpu.memory_space<vmem>>) dst(%dma_wait3A_54 : memref<10240x64xf32, #tpu.memory_space<vmem_shared>>)
    %dma_wait3A_55 = arith.constant 75 : i32
    %dma_wait3A_56 = arith.constant 0 : i32
    %dma_wait3A_57 = tpu.memref_slice %arg8[%dma_wait3A_55, %dma_wait3A_56] : memref<80x128xi32, #tpu.memory_space<vmem>> -> memref<1x128xi32, #tpu.memory_space<vmem>>
    %dma_wait3A_58 = tpu.memref_squeeze %dma_wait3A_57 : memref<1x128xi32, #tpu.memory_space<vmem>> -> memref<128xi32, #tpu.memory_space<vmem>>
    %dma_wait3A_59 = arith.constant 0 : i32
    %dma_wait3A_60 = arith.constant 0 : i32
    %dma_wait3A_61 = tpu.memref_slice %arg33[%dma_wait3A_59, %dma_wait3A_60] : memref<10240x64xf32, #tpu.memory_space<vmem_shared>> -> memref<10240x64xf32, #tpu.memory_space<vmem_shared>>
    tpu.wait_indirect_dma semaphore(%arg28 : memref<!tpu.dma_semaphore, #tpu.memory_space<semaphore_mem>>) src(%arg12 : memref<128x64xf32, #tpu.memory_space<vmem>>) dst(%dma_wait3A_61 : memref<10240x64xf32, #tpu.memory_space<vmem_shared>>)
    %dma_wait3A_62 = arith.constant 76 : i32
    %dma_wait3A_63 = arith.constant 0 : i32
    %dma_wait3A_64 = tpu.memref_slice %arg8[%dma_wait3A_62, %dma_wait3A_63] : memref<80x128xi32, #tpu.memory_space<vmem>> -> memref<1x128xi32, #tpu.memory_space<vmem>>
    %dma_wait3A_65 = tpu.memref_squeeze %dma_wait3A_64 : memref<1x128xi32, #tpu.memory_space<vmem>> -> memref<128xi32, #tpu.memory_space<vmem>>
    %dma_wait3A_66 = arith.constant 0 : i32
    %dma_wait3A_67 = arith.constant 0 : i32
    %dma_wait3A_68 = tpu.memref_slice %arg33[%dma_wait3A_66, %dma_wait3A_67] : memref<10240x64xf32, #tpu.memory_space<vmem_shared>> -> memref<10240x64xf32, #tpu.memory_space<vmem_shared>>
    tpu.wait_indirect_dma semaphore(%arg29 : memref<!tpu.dma_semaphore, #tpu.memory_space<semaphore_mem>>) src(%arg13 : memref<128x64xf32, #tpu.memory_space<vmem>>) dst(%dma_wait3A_68 : memref<10240x64xf32, #tpu.memory_space<vmem_shared>>)
    %dma_wait3A_69 = arith.constant 77 : i32
    %dma_wait3A_70 = arith.constant 0 : i32
    %dma_wait3A_71 = tpu.memref_slice %arg8[%dma_wait3A_69, %dma_wait3A_70] : memref<80x128xi32, #tpu.memory_space<vmem>> -> memref<1x128xi32, #tpu.memory_space<vmem>>
    %dma_wait3A_72 = tpu.memref_squeeze %dma_wait3A_71 : memref<1x128xi32, #tpu.memory_space<vmem>> -> memref<128xi32, #tpu.memory_space<vmem>>
    %dma_wait3A_73 = arith.constant 0 : i32
    %dma_wait3A_74 = arith.constant 0 : i32
    %dma_wait3A_75 = tpu.memref_slice %arg33[%dma_wait3A_73, %dma_wait3A_74] : memref<10240x64xf32, #tpu.memory_space<vmem_shared>> -> memref<10240x64xf32, #tpu.memory_space<vmem_shared>>
    tpu.wait_indirect_dma semaphore(%arg30 : memref<!tpu.dma_semaphore, #tpu.memory_space<semaphore_mem>>) src(%arg14 : memref<128x64xf32, #tpu.memory_space<vmem>>) dst(%dma_wait3A_75 : memref<10240x64xf32, #tpu.memory_space<vmem_shared>>)
    %dma_wait3A_76 = arith.constant 78 : i32
    %dma_wait3A_77 = arith.constant 0 : i32
    %dma_wait3A_78 = tpu.memref_slice %arg8[%dma_wait3A_76, %dma_wait3A_77] : memref<80x128xi32, #tpu.memory_space<vmem>> -> memref<1x128xi32, #tpu.memory_space<vmem>>
    %dma_wait3A_79 = tpu.memref_squeeze %dma_wait3A_78 : memref<1x128xi32, #tpu.memory_space<vmem>> -> memref<128xi32, #tpu.memory_space<vmem>>
    %dma_wait3A_80 = arith.constant 0 : i32
    %dma_wait3A_81 = arith.constant 0 : i32
    %dma_wait3A_82 = tpu.memref_slice %arg33[%dma_wait3A_80, %dma_wait3A_81] : memref<10240x64xf32, #tpu.memory_space<vmem_shared>> -> memref<10240x64xf32, #tpu.memory_space<vmem_shared>>
    tpu.wait_indirect_dma semaphore(%arg31 : memref<!tpu.dma_semaphore, #tpu.memory_space<semaphore_mem>>) src(%arg15 : memref<128x64xf32, #tpu.memory_space<vmem>>) dst(%dma_wait3A_82 : memref<10240x64xf32, #tpu.memory_space<vmem_shared>>)
    %dma_wait3A_83 = arith.constant 79 : i32
    %dma_wait3A_84 = arith.constant 0 : i32
    %dma_wait3A_85 = tpu.memref_slice %arg8[%dma_wait3A_83, %dma_wait3A_84] : memref<80x128xi32, #tpu.memory_space<vmem>> -> memref<1x128xi32, #tpu.memory_space<vmem>>
    %dma_wait3A_86 = tpu.memref_squeeze %dma_wait3A_85 : memref<1x128xi32, #tpu.memory_space<vmem>> -> memref<128xi32, #tpu.memory_space<vmem>>
    %dma_wait3A_87 = arith.constant 0 : i32
    %dma_wait3A_88 = arith.constant 0 : i32
    %dma_wait3A_89 = tpu.memref_slice %arg33[%dma_wait3A_87, %dma_wait3A_88] : memref<10240x64xf32, #tpu.memory_space<vmem_shared>> -> memref<10240x64xf32, #tpu.memory_space<vmem_shared>>
    tpu.wait_indirect_dma semaphore(%arg32 : memref<!tpu.dma_semaphore, #tpu.memory_space<semaphore_mem>>) src(%arg16 : memref<128x64xf32, #tpu.memory_space<vmem>>) dst(%dma_wait3A_89 : memref<10240x64xf32, #tpu.memory_space<vmem_shared>>)
    %barrier3A_90 = arith.constant 0 : index
    tpu.barrier barrier_id(%barrier3A_90)
    "tpu.region"() ({
      %run_scoped3A_184 = tpu.sem_alloc : memref<!tpu.dma_semaphore, #tpu.memory_space<semaphore_mem>>
      %dma_start3A_185 = arith.constant 0 : i32
      %dma_start3A_186 = tpu.memref_slice %arg6[%arg0, %mul3A_2, %dma_start3A_185] : memref<2x10240x128xf32, #tpu.memory_space<hbm>> -> memref<1x640x64xf32, #tpu.memory_space<hbm>>
      %dma_start3A_187 = tpu.memref_squeeze %dma_start3A_186 : memref<1x640x64xf32, #tpu.memory_space<hbm>> -> memref<640x64xf32, #tpu.memory_space<hbm>>
      %dma_start3A_188 = arith.constant 0 : i32
      %dma_start3A_189 = tpu.memref_slice %arg33[%mul3A_2, %dma_start3A_188] : memref<10240x64xf32, #tpu.memory_space<vmem_shared>> -> memref<640x64xf32, #tpu.memory_space<vmem_shared>>
      tpu.enqueue_dma source(%dma_start3A_189 : memref<640x64xf32, #tpu.memory_space<vmem_shared>>) target(%dma_start3A_187 : memref<640x64xf32, #tpu.memory_space<hbm>>) target_semaphore(%run_scoped3A_184 : memref<!tpu.dma_semaphore, #tpu.memory_space<semaphore_mem>>)
      %dma_wait3A_190 = arith.constant 0 : i32
      %dma_wait3A_191 = tpu.memref_slice %arg6[%arg0, %mul3A_2, %dma_wait3A_190] : memref<2x10240x128xf32, #tpu.memory_space<hbm>> -> memref<1x640x64xf32, #tpu.memory_space<hbm>>
      %dma_wait3A_192 = tpu.memref_squeeze %dma_wait3A_191 : memref<1x640x64xf32, #tpu.memory_space<hbm>> -> memref<640x64xf32, #tpu.memory_space<hbm>>
      %dma_wait3A_193 = arith.constant 0 : i32
      %dma_wait3A_194 = tpu.memref_slice %arg33[%mul3A_2, %dma_wait3A_193] : memref<10240x64xf32, #tpu.memory_space<vmem_shared>> -> memref<640x64xf32, #tpu.memory_space<vmem_shared>>
      tpu.wait_dma2 semaphore(%run_scoped3A_184 : memref<!tpu.dma_semaphore, #tpu.memory_space<semaphore_mem>>) src(%dma_wait3A_194 : memref<640x64xf32, #tpu.memory_space<vmem_shared>>) dst(%dma_wait3A_192 : memref<640x64xf32, #tpu.memory_space<hbm>>)
      tpu.yield
    }) : () -> ()
    %run_scoped3A_91 = arith.constant 1 : i32
    "tpu.region"() ({
      %run_scoped3A_184 = tpu.sem_alloc : memref<!tpu.dma_semaphore, #tpu.memory_space<semaphore_mem>>
      %dma_start3A_185 = arith.constant 0 : i32
      %dma_start3A_186 = arith.constant 0 : i32
      %dma_start3A_187 = tpu.memref_slice %arg3[%run_scoped3A_91, %add3A, %dma_start3A_185, %dma_start3A_186] : memref<2x32x80x128xi32, #tpu.memory_space<hbm>> -> memref<1x1x80x128xi32, #tpu.memory_space<hbm>>
      %dma_start3A_188 = tpu.memref_squeeze %dma_start3A_187 : memref<1x1x80x128xi32, #tpu.memory_space<hbm>> -> memref<80x128xi32, #tpu.memory_space<hbm>>
      %dma_start3A_189 = arith.constant 0 : i32
      %dma_start3A_190 = arith.constant 0 : i32
      %dma_start3A_191 = tpu.memref_slice %arg3[%run_scoped3A_91, %add3A, %dma_start3A_189, %dma_start3A_190] : memref<2x32x80x128xi32, #tpu.memory_space<hbm>> -> memref<1x1x80x128xi32, #tpu.memory_space<hbm>>
      %dma_start3A_192 = tpu.memref_squeeze %dma_start3A_191 : memref<1x1x80x128xi32, #tpu.memory_space<hbm>> -> memref<80x128xi32, #tpu.memory_space<hbm>>
      tpu.enqueue_dma source(%dma_start3A_192 : memref<80x128xi32, #tpu.memory_space<hbm>>) target(%arg7 : memref<80x128xi32, #tpu.memory_space<vmem>>) target_semaphore(%run_scoped3A_184 : memref<!tpu.dma_semaphore, #tpu.memory_space<semaphore_mem>>)
      %dma_wait3A_193 = arith.constant 0 : i32
      %dma_wait3A_194 = arith.constant 0 : i32
      %dma_wait3A_195 = tpu.memref_slice %arg3[%run_scoped3A_91, %add3A, %dma_wait3A_193, %dma_wait3A_194] : memref<2x32x80x128xi32, #tpu.memory_space<hbm>> -> memref<1x1x80x128xi32, #tpu.memory_space<hbm>>
      %dma_wait3A_196 = tpu.memref_squeeze %dma_wait3A_195 : memref<1x1x80x128xi32, #tpu.memory_space<hbm>> -> memref<80x128xi32, #tpu.memory_space<hbm>>
      %dma_wait3A_197 = arith.constant 0 : i32
      %dma_wait3A_198 = arith.constant 0 : i32
      %dma_wait3A_199 = tpu.memref_slice %arg3[%run_scoped3A_91, %add3A, %dma_wait3A_197, %dma_wait3A_198] : memref<2x32x80x128xi32, #tpu.memory_space<hbm>> -> memref<1x1x80x128xi32, #tpu.memory_space<hbm>>
      %dma_wait3A_200 = tpu.memref_squeeze %dma_wait3A_199 : memref<1x1x80x128xi32, #tpu.memory_space<hbm>> -> memref<80x128xi32, #tpu.memory_space<hbm>>
      tpu.wait_dma2 semaphore(%run_scoped3A_184 : memref<!tpu.dma_semaphore, #tpu.memory_space<semaphore_mem>>) src(%dma_wait3A_200 : memref<80x128xi32, #tpu.memory_space<hbm>>) dst(%arg7 : memref<80x128xi32, #tpu.memory_space<vmem>>)
      tpu.yield
    }) : () -> ()
    "tpu.region"() ({
      %run_scoped3A_184 = tpu.sem_alloc : memref<!tpu.dma_semaphore, #tpu.memory_space<semaphore_mem>>
      %dma_start3A_185 = arith.constant 0 : i32
      %dma_start3A_186 = tpu.memref_slice %arg33[%mul3A_2, %dma_start3A_185] : memref<10240x64xf32, #tpu.memory_space<vmem_shared>> -> memref<640x64xf32, #tpu.memory_space<vmem_shared>>
      %dma_start3A_187 = arith.constant 0 : i32
      %dma_start3A_188 = tpu.memref_slice %arg5[%mul3A_2, %dma_start3A_187] : memref<10240x64xf32, #tpu.memory_space<hbm>> -> memref<640x64xf32, #tpu.memory_space<hbm>>
      tpu.enqueue_dma source(%dma_start3A_188 : memref<640x64xf32, #tpu.memory_space<hbm>>) target(%dma_start3A_186 : memref<640x64xf32, #tpu.memory_space<vmem_shared>>) target_semaphore(%run_scoped3A_184 : memref<!tpu.dma_semaphore, #tpu.memory_space<semaphore_mem>>)
      %dma_wait3A_189 = arith.constant 0 : i32
      %dma_wait3A_190 = tpu.memref_slice %arg33[%mul3A_2, %dma_wait3A_189] : memref<10240x64xf32, #tpu.memory_space<vmem_shared>> -> memref<640x64xf32, #tpu.memory_space<vmem_shared>>
      %dma_wait3A_191 = arith.constant 0 : i32
      %dma_wait3A_192 = tpu.memref_slice %arg5[%mul3A_2, %dma_wait3A_191] : memref<10240x64xf32, #tpu.memory_space<hbm>> -> memref<640x64xf32, #tpu.memory_space<hbm>>
      tpu.wait_dma2 semaphore(%run_scoped3A_184 : memref<!tpu.dma_semaphore, #tpu.memory_space<semaphore_mem>>) src(%dma_wait3A_192 : memref<640x64xf32, #tpu.memory_space<hbm>>) dst(%dma_wait3A_190 : memref<640x64xf32, #tpu.memory_space<vmem_shared>>)
      tpu.yield
    }) : () -> ()
    %barrier3A_92 = arith.constant 0 : index
    tpu.barrier barrier_id(%barrier3A_92)
    %dma_start3A_93 = arith.constant 0 : i32
    %dma_start3A_94 = arith.constant 0 : i32
    %dma_start3A_95 = tpu.memref_slice %arg7[%dma_start3A_93, %dma_start3A_94] : memref<80x128xi32, #tpu.memory_space<vmem>> -> memref<1x128xi32, #tpu.memory_space<vmem>>
    %dma_start3A_96 = tpu.memref_squeeze %dma_start3A_95 : memref<1x128xi32, #tpu.memory_space<vmem>> -> memref<128xi32, #tpu.memory_space<vmem>>
    %dma_start3A_97 = arith.constant 0 : i32
    %dma_start3A_98 = arith.constant 0 : i32
    %dma_start3A_99 = tpu.memref_slice %arg2[%dma_start3A_97, %dma_start3A_98] : memref<20480x64xf32, #tpu.memory_space<hbm>> -> memref<20480x64xf32, #tpu.memory_space<hbm>>
    tpu.enqueue_indirect_dma source(%dma_start3A_99 : memref<20480x64xf32, #tpu.memory_space<hbm>>) target(%arg9 : memref<128x64xf32, #tpu.memory_space<vmem>>) offsets(%dma_start3A_96 : memref<128xi32, #tpu.memory_space<vmem>>) semaphore(%arg17 : memref<!tpu.dma_semaphore, #tpu.memory_space<semaphore_mem>>)
    %dma_start3A_100 = arith.constant 1 : i32
    %dma_start3A_101 = arith.constant 0 : i32
    %dma_start3A_102 = tpu.memref_slice %arg7[%dma_start3A_100, %dma_start3A_101] : memref<80x128xi32, #tpu.memory_space<vmem>> -> memref<1x128xi32, #tpu.memory_space<vmem>>
    %dma_start3A_103 = tpu.memref_squeeze %dma_start3A_102 : memref<1x128xi32, #tpu.memory_space<vmem>> -> memref<128xi32, #tpu.memory_space<vmem>>
    %dma_start3A_104 = arith.constant 0 : i32
    %dma_start3A_105 = arith.constant 0 : i32
    %dma_start3A_106 = tpu.memref_slice %arg2[%dma_start3A_104, %dma_start3A_105] : memref<20480x64xf32, #tpu.memory_space<hbm>> -> memref<20480x64xf32, #tpu.memory_space<hbm>>
    tpu.enqueue_indirect_dma source(%dma_start3A_106 : memref<20480x64xf32, #tpu.memory_space<hbm>>) target(%arg10 : memref<128x64xf32, #tpu.memory_space<vmem>>) offsets(%dma_start3A_103 : memref<128xi32, #tpu.memory_space<vmem>>) semaphore(%arg18 : memref<!tpu.dma_semaphore, #tpu.memory_space<semaphore_mem>>)
    %dma_start3A_107 = arith.constant 2 : i32
    %dma_start3A_108 = arith.constant 0 : i32
    %dma_start3A_109 = tpu.memref_slice %arg7[%dma_start3A_107, %dma_start3A_108] : memref<80x128xi32, #tpu.memory_space<vmem>> -> memref<1x128xi32, #tpu.memory_space<vmem>>
    %dma_start3A_110 = tpu.memref_squeeze %dma_start3A_109 : memref<1x128xi32, #tpu.memory_space<vmem>> -> memref<128xi32, #tpu.memory_space<vmem>>
    %dma_start3A_111 = arith.constant 0 : i32
    %dma_start3A_112 = arith.constant 0 : i32
    %dma_start3A_113 = tpu.memref_slice %arg2[%dma_start3A_111, %dma_start3A_112] : memref<20480x64xf32, #tpu.memory_space<hbm>> -> memref<20480x64xf32, #tpu.memory_space<hbm>>
    tpu.enqueue_indirect_dma source(%dma_start3A_113 : memref<20480x64xf32, #tpu.memory_space<hbm>>) target(%arg11 : memref<128x64xf32, #tpu.memory_space<vmem>>) offsets(%dma_start3A_110 : memref<128xi32, #tpu.memory_space<vmem>>) semaphore(%arg19 : memref<!tpu.dma_semaphore, #tpu.memory_space<semaphore_mem>>)
    %dma_start3A_114 = arith.constant 3 : i32
    %dma_start3A_115 = arith.constant 0 : i32
    %dma_start3A_116 = tpu.memref_slice %arg7[%dma_start3A_114, %dma_start3A_115] : memref<80x128xi32, #tpu.memory_space<vmem>> -> memref<1x128xi32, #tpu.memory_space<vmem>>
    %dma_start3A_117 = tpu.memref_squeeze %dma_start3A_116 : memref<1x128xi32, #tpu.memory_space<vmem>> -> memref<128xi32, #tpu.memory_space<vmem>>
    %dma_start3A_118 = arith.constant 0 : i32
    %dma_start3A_119 = arith.constant 0 : i32
    %dma_start3A_120 = tpu.memref_slice %arg2[%dma_start3A_118, %dma_start3A_119] : memref<20480x64xf32, #tpu.memory_space<hbm>> -> memref<20480x64xf32, #tpu.memory_space<hbm>>
    tpu.enqueue_indirect_dma source(%dma_start3A_120 : memref<20480x64xf32, #tpu.memory_space<hbm>>) target(%arg12 : memref<128x64xf32, #tpu.memory_space<vmem>>) offsets(%dma_start3A_117 : memref<128xi32, #tpu.memory_space<vmem>>) semaphore(%arg20 : memref<!tpu.dma_semaphore, #tpu.memory_space<semaphore_mem>>)
    %scan3A_121 = arith.constant 0 : i32
    %scan3A_122 = arith.constant 0 : i32
    %scan3A_123 = arith.constant 10 : i32
    %scan3A_124 = arith.addi %scan3A_122, %scan3A_123 : i32
    %scan3A_125 = arith.constant 1 : i32
    scf.for %scan3A_184 = %scan3A_122 to %scan3A_124 step %scan3A_125  : i32 {
      %mul3A_185 = arith.constant 8 : i32
      %mul3A_186 = arith.muli %mul3A_185, %scan3A_184 : i32
      %add3A_187 = arith.constant 0 : i32
      %add3A_188 = arith.addi %mul3A_186, %add3A_187 : i32
      %dma_wait3A_189 = arith.constant 0 : i32
      %dma_wait3A_190 = tpu.memref_slice %arg7[%add3A_188, %dma_wait3A_189] : memref<80x128xi32, #tpu.memory_space<vmem>> -> memref<1x128xi32, #tpu.memory_space<vmem>>
      %dma_wait3A_191 = tpu.memref_squeeze %dma_wait3A_190 : memref<1x128xi32, #tpu.memory_space<vmem>> -> memref<128xi32, #tpu.memory_space<vmem>>
      %dma_wait3A_192 = arith.constant 0 : i32
      %dma_wait3A_193 = arith.constant 0 : i32
      %dma_wait3A_194 = tpu.memref_slice %arg2[%dma_wait3A_192, %dma_wait3A_193] : memref<20480x64xf32, #tpu.memory_space<hbm>> -> memref<20480x64xf32, #tpu.memory_space<hbm>>
      tpu.wait_indirect_dma semaphore(%arg17 : memref<!tpu.dma_semaphore, #tpu.memory_space<semaphore_mem>>) src(%dma_wait3A_194 : memref<20480x64xf32, #tpu.memory_space<hbm>>) dst(%arg9 : memref<128x64xf32, #tpu.memory_space<vmem>>)
      %dma_start3A_195 = arith.constant 0 : i32
      %dma_start3A_196 = tpu.memref_slice %arg8[%add3A_188, %dma_start3A_195] : memref<80x128xi32, #tpu.memory_space<vmem>> -> memref<1x128xi32, #tpu.memory_space<vmem>>
      %dma_start3A_197 = tpu.memref_squeeze %dma_start3A_196 : memref<1x128xi32, #tpu.memory_space<vmem>> -> memref<128xi32, #tpu.memory_space<vmem>>
      %dma_start3A_198 = arith.constant 0 : i32
      %dma_start3A_199 = arith.constant 0 : i32
      %dma_start3A_200 = tpu.memref_slice %arg33[%dma_start3A_198, %dma_start3A_199] : memref<10240x64xf32, #tpu.memory_space<vmem_shared>> -> memref<10240x64xf32, #tpu.memory_space<vmem_shared>>
      tpu.enqueue_indirect_dma source(%arg9 : memref<128x64xf32, #tpu.memory_space<vmem>>) target(%dma_start3A_200 : memref<10240x64xf32, #tpu.memory_space<vmem_shared>>) offsets(%dma_start3A_197 : memref<128xi32, #tpu.memory_space<vmem>>) semaphore(%arg25 : memref<!tpu.dma_semaphore, #tpu.memory_space<semaphore_mem>>) {add = true}
      %add3A_201 = arith.constant 4 : i32
      %add3A_202 = arith.addi %add3A_188, %add3A_201 : i32
      %lt3A = arith.constant 80 : i32
      %lt3A_203 = arith.cmpi slt, %add3A_202, %lt3A : i32
      %convert_element_type3A = arith.extui %lt3A_203 : i1 to i32
      %cond3A = arith.constant 0 : i32
      %cond3A_204 = arith.cmpi ne, %convert_element_type3A, %cond3A : i32
      scf.if %cond3A_204 {
        %ge3A = arith.constant 4 : i32
        %ge3A_366 = arith.cmpi sge, %add3A_188, %ge3A : i32
        %convert_element_type3A_367 = arith.extui %ge3A_366 : i1 to i32
        %cond3A_368 = arith.constant 0 : i32
        %cond3A_369 = arith.cmpi ne, %convert_element_type3A_367, %cond3A_368 : i32
        scf.if %cond3A_369 {
          %sub3A = arith.constant 8 : i32
          %sub3A_376 = arith.subi %add3A_202, %sub3A : i32
          %dma_wait3A_377 = arith.constant 0 : i32
          %dma_wait3A_378 = tpu.memref_slice %arg8[%sub3A_376, %dma_wait3A_377] : memref<80x128xi32, #tpu.memory_space<vmem>> -> memref<1x128xi32, #tpu.memory_space<vmem>>
          %dma_wait3A_379 = tpu.memref_squeeze %dma_wait3A_378 : memref<1x128xi32, #tpu.memory_space<vmem>> -> memref<128xi32, #tpu.memory_space<vmem>>
          %dma_wait3A_380 = arith.constant 0 : i32
          %dma_wait3A_381 = arith.constant 0 : i32
          %dma_wait3A_382 = tpu.memref_slice %arg33[%dma_wait3A_380, %dma_wait3A_381] : memref<10240x64xf32, #tpu.memory_space<vmem_shared>> -> memref<10240x64xf32, #tpu.memory_space<vmem_shared>>
          tpu.wait_indirect_dma semaphore(%arg29 : memref<!tpu.dma_semaphore, #tpu.memory_space<semaphore_mem>>) src(%arg13 : memref<128x64xf32, #tpu.memory_space<vmem>>) dst(%dma_wait3A_382 : memref<10240x64xf32, #tpu.memory_space<vmem_shared>>)
        } else {
        }
        %dma_start3A_370 = arith.constant 0 : i32
        %dma_start3A_371 = tpu.memref_slice %arg7[%add3A_202, %dma_start3A_370] : memref<80x128xi32, #tpu.memory_space<vmem>> -> memref<1x128xi32, #tpu.memory_space<vmem>>
        %dma_start3A_372 = tpu.memref_squeeze %dma_start3A_371 : memref<1x128xi32, #tpu.memory_space<vmem>> -> memref<128xi32, #tpu.memory_space<vmem>>
        %dma_start3A_373 = arith.constant 0 : i32
        %dma_start3A_374 = arith.constant 0 : i32
        %dma_start3A_375 = tpu.memref_slice %arg2[%dma_start3A_373, %dma_start3A_374] : memref<20480x64xf32, #tpu.memory_space<hbm>> -> memref<20480x64xf32, #tpu.memory_space<hbm>>
        tpu.enqueue_indirect_dma source(%dma_start3A_375 : memref<20480x64xf32, #tpu.memory_space<hbm>>) target(%arg13 : memref<128x64xf32, #tpu.memory_space<vmem>>) offsets(%dma_start3A_372 : memref<128xi32, #tpu.memory_space<vmem>>) semaphore(%arg21 : memref<!tpu.dma_semaphore, #tpu.memory_space<semaphore_mem>>)
      } else {
      }
      %mul3A_205 = arith.constant 8 : i32
      %mul3A_206 = arith.muli %mul3A_205, %scan3A_184 : i32
      %add3A_207 = arith.constant 1 : i32
      %add3A_208 = arith.addi %mul3A_206, %add3A_207 : i32
      %dma_wait3A_209 = arith.constant 0 : i32
      %dma_wait3A_210 = tpu.memref_slice %arg7[%add3A_208, %dma_wait3A_209] : memref<80x128xi32, #tpu.memory_space<vmem>> -> memref<1x128xi32, #tpu.memory_space<vmem>>
      %dma_wait3A_211 = tpu.memref_squeeze %dma_wait3A_210 : memref<1x128xi32, #tpu.memory_space<vmem>> -> memref<128xi32, #tpu.memory_space<vmem>>
      %dma_wait3A_212 = arith.constant 0 : i32
      %dma_wait3A_213 = arith.constant 0 : i32
      %dma_wait3A_214 = tpu.memref_slice %arg2[%dma_wait3A_212, %dma_wait3A_213] : memref<20480x64xf32, #tpu.memory_space<hbm>> -> memref<20480x64xf32, #tpu.memory_space<hbm>>
      tpu.wait_indirect_dma semaphore(%arg18 : memref<!tpu.dma_semaphore, #tpu.memory_space<semaphore_mem>>) src(%dma_wait3A_214 : memref<20480x64xf32, #tpu.memory_space<hbm>>) dst(%arg10 : memref<128x64xf32, #tpu.memory_space<vmem>>)
      %dma_start3A_215 = arith.constant 0 : i32
      %dma_start3A_216 = tpu.memref_slice %arg8[%add3A_208, %dma_start3A_215] : memref<80x128xi32, #tpu.memory_space<vmem>> -> memref<1x128xi32, #tpu.memory_space<vmem>>
      %dma_start3A_217 = tpu.memref_squeeze %dma_start3A_216 : memref<1x128xi32, #tpu.memory_space<vmem>> -> memref<128xi32, #tpu.memory_space<vmem>>
      %dma_start3A_218 = arith.constant 0 : i32
      %dma_start3A_219 = arith.constant 0 : i32
      %dma_start3A_220 = tpu.memref_slice %arg33[%dma_start3A_218, %dma_start3A_219] : memref<10240x64xf32, #tpu.memory_space<vmem_shared>> -> memref<10240x64xf32, #tpu.memory_space<vmem_shared>>
      tpu.enqueue_indirect_dma source(%arg10 : memref<128x64xf32, #tpu.memory_space<vmem>>) target(%dma_start3A_220 : memref<10240x64xf32, #tpu.memory_space<vmem_shared>>) offsets(%dma_start3A_217 : memref<128xi32, #tpu.memory_space<vmem>>) semaphore(%arg26 : memref<!tpu.dma_semaphore, #tpu.memory_space<semaphore_mem>>) {add = true}
      %add3A_221 = arith.constant 4 : i32
      %add3A_222 = arith.addi %add3A_208, %add3A_221 : i32
      %lt3A_223 = arith.constant 80 : i32
      %lt3A_224 = arith.cmpi slt, %add3A_222, %lt3A_223 : i32
      %convert_element_type3A_225 = arith.extui %lt3A_224 : i1 to i32
      %cond3A_226 = arith.constant 0 : i32
      %cond3A_227 = arith.cmpi ne, %convert_element_type3A_225, %cond3A_226 : i32
      scf.if %cond3A_227 {
        %ge3A = arith.constant 4 : i32
        %ge3A_366 = arith.cmpi sge, %add3A_208, %ge3A : i32
        %convert_element_type3A_367 = arith.extui %ge3A_366 : i1 to i32
        %cond3A_368 = arith.constant 0 : i32
        %cond3A_369 = arith.cmpi ne, %convert_element_type3A_367, %cond3A_368 : i32
        scf.if %cond3A_369 {
          %sub3A = arith.constant 8 : i32
          %sub3A_376 = arith.subi %add3A_222, %sub3A : i32
          %dma_wait3A_377 = arith.constant 0 : i32
          %dma_wait3A_378 = tpu.memref_slice %arg8[%sub3A_376, %dma_wait3A_377] : memref<80x128xi32, #tpu.memory_space<vmem>> -> memref<1x128xi32, #tpu.memory_space<vmem>>
          %dma_wait3A_379 = tpu.memref_squeeze %dma_wait3A_378 : memref<1x128xi32, #tpu.memory_space<vmem>> -> memref<128xi32, #tpu.memory_space<vmem>>
          %dma_wait3A_380 = arith.constant 0 : i32
          %dma_wait3A_381 = arith.constant 0 : i32
          %dma_wait3A_382 = tpu.memref_slice %arg33[%dma_wait3A_380, %dma_wait3A_381] : memref<10240x64xf32, #tpu.memory_space<vmem_shared>> -> memref<10240x64xf32, #tpu.memory_space<vmem_shared>>
          tpu.wait_indirect_dma semaphore(%arg30 : memref<!tpu.dma_semaphore, #tpu.memory_space<semaphore_mem>>) src(%arg14 : memref<128x64xf32, #tpu.memory_space<vmem>>) dst(%dma_wait3A_382 : memref<10240x64xf32, #tpu.memory_space<vmem_shared>>)
        } else {
        }
        %dma_start3A_370 = arith.constant 0 : i32
        %dma_start3A_371 = tpu.memref_slice %arg7[%add3A_222, %dma_start3A_370] : memref<80x128xi32, #tpu.memory_space<vmem>> -> memref<1x128xi32, #tpu.memory_space<vmem>>
        %dma_start3A_372 = tpu.memref_squeeze %dma_start3A_371 : memref<1x128xi32, #tpu.memory_space<vmem>> -> memref<128xi32, #tpu.memory_space<vmem>>
        %dma_start3A_373 = arith.constant 0 : i32
        %dma_start3A_374 = arith.constant 0 : i32
        %dma_start3A_375 = tpu.memref_slice %arg2[%dma_start3A_373, %dma_start3A_374] : memref<20480x64xf32, #tpu.memory_space<hbm>> -> memref<20480x64xf32, #tpu.memory_space<hbm>>
        tpu.enqueue_indirect_dma source(%dma_start3A_375 : memref<20480x64xf32, #tpu.memory_space<hbm>>) target(%arg14 : memref<128x64xf32, #tpu.memory_space<vmem>>) offsets(%dma_start3A_372 : memref<128xi32, #tpu.memory_space<vmem>>) semaphore(%arg22 : memref<!tpu.dma_semaphore, #tpu.memory_space<semaphore_mem>>)
      } else {
      }
      %mul3A_228 = arith.constant 8 : i32
      %mul3A_229 = arith.muli %mul3A_228, %scan3A_184 : i32
      %add3A_230 = arith.constant 2 : i32
      %add3A_231 = arith.addi %mul3A_229, %add3A_230 : i32
      %dma_wait3A_232 = arith.constant 0 : i32
      %dma_wait3A_233 = tpu.memref_slice %arg7[%add3A_231, %dma_wait3A_232] : memref<80x128xi32, #tpu.memory_space<vmem>> -> memref<1x128xi32, #tpu.memory_space<vmem>>
      %dma_wait3A_234 = tpu.memref_squeeze %dma_wait3A_233 : memref<1x128xi32, #tpu.memory_space<vmem>> -> memref<128xi32, #tpu.memory_space<vmem>>
      %dma_wait3A_235 = arith.constant 0 : i32
      %dma_wait3A_236 = arith.constant 0 : i32
      %dma_wait3A_237 = tpu.memref_slice %arg2[%dma_wait3A_235, %dma_wait3A_236] : memref<20480x64xf32, #tpu.memory_space<hbm>> -> memref<20480x64xf32, #tpu.memory_space<hbm>>
      tpu.wait_indirect_dma semaphore(%arg19 : memref<!tpu.dma_semaphore, #tpu.memory_space<semaphore_mem>>) src(%dma_wait3A_237 : memref<20480x64xf32, #tpu.memory_space<hbm>>) dst(%arg11 : memref<128x64xf32, #tpu.memory_space<vmem>>)
      %dma_start3A_238 = arith.constant 0 : i32
      %dma_start3A_239 = tpu.memref_slice %arg8[%add3A_231, %dma_start3A_238] : memref<80x128xi32, #tpu.memory_space<vmem>> -> memref<1x128xi32, #tpu.memory_space<vmem>>
      %dma_start3A_240 = tpu.memref_squeeze %dma_start3A_239 : memref<1x128xi32, #tpu.memory_space<vmem>> -> memref<128xi32, #tpu.memory_space<vmem>>
      %dma_start3A_241 = arith.constant 0 : i32
      %dma_start3A_242 = arith.constant 0 : i32
      %dma_start3A_243 = tpu.memref_slice %arg33[%dma_start3A_241, %dma_start3A_242] : memref<10240x64xf32, #tpu.memory_space<vmem_shared>> -> memref<10240x64xf32, #tpu.memory_space<vmem_shared>>
      tpu.enqueue_indirect_dma source(%arg11 : memref<128x64xf32, #tpu.memory_space<vmem>>) target(%dma_start3A_243 : memref<10240x64xf32, #tpu.memory_space<vmem_shared>>) offsets(%dma_start3A_240 : memref<128xi32, #tpu.memory_space<vmem>>) semaphore(%arg27 : memref<!tpu.dma_semaphore, #tpu.memory_space<semaphore_mem>>) {add = true}
      %add3A_244 = arith.constant 4 : i32
      %add3A_245 = arith.addi %add3A_231, %add3A_244 : i32
      %lt3A_246 = arith.constant 80 : i32
      %lt3A_247 = arith.cmpi slt, %add3A_245, %lt3A_246 : i32
      %convert_element_type3A_248 = arith.extui %lt3A_247 : i1 to i32
      %cond3A_249 = arith.constant 0 : i32
      %cond3A_250 = arith.cmpi ne, %convert_element_type3A_248, %cond3A_249 : i32
      scf.if %cond3A_250 {
        %ge3A = arith.constant 4 : i32
        %ge3A_366 = arith.cmpi sge, %add3A_231, %ge3A : i32
        %convert_element_type3A_367 = arith.extui %ge3A_366 : i1 to i32
        %cond3A_368 = arith.constant 0 : i32
        %cond3A_369 = arith.cmpi ne, %convert_element_type3A_367, %cond3A_368 : i32
        scf.if %cond3A_369 {
          %sub3A = arith.constant 8 : i32
          %sub3A_376 = arith.subi %add3A_245, %sub3A : i32
          %dma_wait3A_377 = arith.constant 0 : i32
          %dma_wait3A_378 = tpu.memref_slice %arg8[%sub3A_376, %dma_wait3A_377] : memref<80x128xi32, #tpu.memory_space<vmem>> -> memref<1x128xi32, #tpu.memory_space<vmem>>
          %dma_wait3A_379 = tpu.memref_squeeze %dma_wait3A_378 : memref<1x128xi32, #tpu.memory_space<vmem>> -> memref<128xi32, #tpu.memory_space<vmem>>
          %dma_wait3A_380 = arith.constant 0 : i32
          %dma_wait3A_381 = arith.constant 0 : i32
          %dma_wait3A_382 = tpu.memref_slice %arg33[%dma_wait3A_380, %dma_wait3A_381] : memref<10240x64xf32, #tpu.memory_space<vmem_shared>> -> memref<10240x64xf32, #tpu.memory_space<vmem_shared>>
          tpu.wait_indirect_dma semaphore(%arg31 : memref<!tpu.dma_semaphore, #tpu.memory_space<semaphore_mem>>) src(%arg15 : memref<128x64xf32, #tpu.memory_space<vmem>>) dst(%dma_wait3A_382 : memref<10240x64xf32, #tpu.memory_space<vmem_shared>>)
        } else {
        }
        %dma_start3A_370 = arith.constant 0 : i32
        %dma_start3A_371 = tpu.memref_slice %arg7[%add3A_245, %dma_start3A_370] : memref<80x128xi32, #tpu.memory_space<vmem>> -> memref<1x128xi32, #tpu.memory_space<vmem>>
        %dma_start3A_372 = tpu.memref_squeeze %dma_start3A_371 : memref<1x128xi32, #tpu.memory_space<vmem>> -> memref<128xi32, #tpu.memory_space<vmem>>
        %dma_start3A_373 = arith.constant 0 : i32
        %dma_start3A_374 = arith.constant 0 : i32
        %dma_start3A_375 = tpu.memref_slice %arg2[%dma_start3A_373, %dma_start3A_374] : memref<20480x64xf32, #tpu.memory_space<hbm>> -> memref<20480x64xf32, #tpu.memory_space<hbm>>
        tpu.enqueue_indirect_dma source(%dma_start3A_375 : memref<20480x64xf32, #tpu.memory_space<hbm>>) target(%arg15 : memref<128x64xf32, #tpu.memory_space<vmem>>) offsets(%dma_start3A_372 : memref<128xi32, #tpu.memory_space<vmem>>) semaphore(%arg23 : memref<!tpu.dma_semaphore, #tpu.memory_space<semaphore_mem>>)
      } else {
      }
      %mul3A_251 = arith.constant 8 : i32
      %mul3A_252 = arith.muli %mul3A_251, %scan3A_184 : i32
      %add3A_253 = arith.constant 3 : i32
      %add3A_254 = arith.addi %mul3A_252, %add3A_253 : i32
      %dma_wait3A_255 = arith.constant 0 : i32
      %dma_wait3A_256 = tpu.memref_slice %arg7[%add3A_254, %dma_wait3A_255] : memref<80x128xi32, #tpu.memory_space<vmem>> -> memref<1x128xi32, #tpu.memory_space<vmem>>
      %dma_wait3A_257 = tpu.memref_squeeze %dma_wait3A_256 : memref<1x128xi32, #tpu.memory_space<vmem>> -> memref<128xi32, #tpu.memory_space<vmem>>
      %dma_wait3A_258 = arith.constant 0 : i32
      %dma_wait3A_259 = arith.constant 0 : i32
      %dma_wait3A_260 = tpu.memref_slice %arg2[%dma_wait3A_258, %dma_wait3A_259] : memref<20480x64xf32, #tpu.memory_space<hbm>> -> memref<20480x64xf32, #tpu.memory_space<hbm>>
      tpu.wait_indirect_dma semaphore(%arg20 : memref<!tpu.dma_semaphore, #tpu.memory_space<semaphore_mem>>) src(%dma_wait3A_260 : memref<20480x64xf32, #tpu.memory_space<hbm>>) dst(%arg12 : memref<128x64xf32, #tpu.memory_space<vmem>>)
      %dma_start3A_261 = arith.constant 0 : i32
      %dma_start3A_262 = tpu.memref_slice %arg8[%add3A_254, %dma_start3A_261] : memref<80x128xi32, #tpu.memory_space<vmem>> -> memref<1x128xi32, #tpu.memory_space<vmem>>
      %dma_start3A_263 = tpu.memref_squeeze %dma_start3A_262 : memref<1x128xi32, #tpu.memory_space<vmem>> -> memref<128xi32, #tpu.memory_space<vmem>>
      %dma_start3A_264 = arith.constant 0 : i32
      %dma_start3A_265 = arith.constant 0 : i32
      %dma_start3A_266 = tpu.memref_slice %arg33[%dma_start3A_264, %dma_start3A_265] : memref<10240x64xf32, #tpu.memory_space<vmem_shared>> -> memref<10240x64xf32, #tpu.memory_space<vmem_shared>>
      tpu.enqueue_indirect_dma source(%arg12 : memref<128x64xf32, #tpu.memory_space<vmem>>) target(%dma_start3A_266 : memref<10240x64xf32, #tpu.memory_space<vmem_shared>>) offsets(%dma_start3A_263 : memref<128xi32, #tpu.memory_space<vmem>>) semaphore(%arg28 : memref<!tpu.dma_semaphore, #tpu.memory_space<semaphore_mem>>) {add = true}
      %add3A_267 = arith.constant 4 : i32
      %add3A_268 = arith.addi %add3A_254, %add3A_267 : i32
      %lt3A_269 = arith.constant 80 : i32
      %lt3A_270 = arith.cmpi slt, %add3A_268, %lt3A_269 : i32
      %convert_element_type3A_271 = arith.extui %lt3A_270 : i1 to i32
      %cond3A_272 = arith.constant 0 : i32
      %cond3A_273 = arith.cmpi ne, %convert_element_type3A_271, %cond3A_272 : i32
      scf.if %cond3A_273 {
        %ge3A = arith.constant 4 : i32
        %ge3A_366 = arith.cmpi sge, %add3A_254, %ge3A : i32
        %convert_element_type3A_367 = arith.extui %ge3A_366 : i1 to i32
        %cond3A_368 = arith.constant 0 : i32
        %cond3A_369 = arith.cmpi ne, %convert_element_type3A_367, %cond3A_368 : i32
        scf.if %cond3A_369 {
          %sub3A = arith.constant 8 : i32
          %sub3A_376 = arith.subi %add3A_268, %sub3A : i32
          %dma_wait3A_377 = arith.constant 0 : i32
          %dma_wait3A_378 = tpu.memref_slice %arg8[%sub3A_376, %dma_wait3A_377] : memref<80x128xi32, #tpu.memory_space<vmem>> -> memref<1x128xi32, #tpu.memory_space<vmem>>
          %dma_wait3A_379 = tpu.memref_squeeze %dma_wait3A_378 : memref<1x128xi32, #tpu.memory_space<vmem>> -> memref<128xi32, #tpu.memory_space<vmem>>
          %dma_wait3A_380 = arith.constant 0 : i32
          %dma_wait3A_381 = arith.constant 0 : i32
          %dma_wait3A_382 = tpu.memref_slice %arg33[%dma_wait3A_380, %dma_wait3A_381] : memref<10240x64xf32, #tpu.memory_space<vmem_shared>> -> memref<10240x64xf32, #tpu.memory_space<vmem_shared>>
          tpu.wait_indirect_dma semaphore(%arg32 : memref<!tpu.dma_semaphore, #tpu.memory_space<semaphore_mem>>) src(%arg16 : memref<128x64xf32, #tpu.memory_space<vmem>>) dst(%dma_wait3A_382 : memref<10240x64xf32, #tpu.memory_space<vmem_shared>>)
        } else {
        }
        %dma_start3A_370 = arith.constant 0 : i32
        %dma_start3A_371 = tpu.memref_slice %arg7[%add3A_268, %dma_start3A_370] : memref<80x128xi32, #tpu.memory_space<vmem>> -> memref<1x128xi32, #tpu.memory_space<vmem>>
        %dma_start3A_372 = tpu.memref_squeeze %dma_start3A_371 : memref<1x128xi32, #tpu.memory_space<vmem>> -> memref<128xi32, #tpu.memory_space<vmem>>
        %dma_start3A_373 = arith.constant 0 : i32
        %dma_start3A_374 = arith.constant 0 : i32
        %dma_start3A_375 = tpu.memref_slice %arg2[%dma_start3A_373, %dma_start3A_374] : memref<20480x64xf32, #tpu.memory_space<hbm>> -> memref<20480x64xf32, #tpu.memory_space<hbm>>
        tpu.enqueue_indirect_dma source(%dma_start3A_375 : memref<20480x64xf32, #tpu.memory_space<hbm>>) target(%arg16 : memref<128x64xf32, #tpu.memory_space<vmem>>) offsets(%dma_start3A_372 : memref<128xi32, #tpu.memory_space<vmem>>) semaphore(%arg24 : memref<!tpu.dma_semaphore, #tpu.memory_space<semaphore_mem>>)
      } else {
      }
      %mul3A_274 = arith.constant 8 : i32
      %mul3A_275 = arith.muli %mul3A_274, %scan3A_184 : i32
      %add3A_276 = arith.constant 4 : i32
      %add3A_277 = arith.addi %mul3A_275, %add3A_276 : i32
      %dma_wait3A_278 = arith.constant 0 : i32
      %dma_wait3A_279 = tpu.memref_slice %arg7[%add3A_277, %dma_wait3A_278] : memref<80x128xi32, #tpu.memory_space<vmem>> -> memref<1x128xi32, #tpu.memory_space<vmem>>
      %dma_wait3A_280 = tpu.memref_squeeze %dma_wait3A_279 : memref<1x128xi32, #tpu.memory_space<vmem>> -> memref<128xi32, #tpu.memory_space<vmem>>
      %dma_wait3A_281 = arith.constant 0 : i32
      %dma_wait3A_282 = arith.constant 0 : i32
      %dma_wait3A_283 = tpu.memref_slice %arg2[%dma_wait3A_281, %dma_wait3A_282] : memref<20480x64xf32, #tpu.memory_space<hbm>> -> memref<20480x64xf32, #tpu.memory_space<hbm>>
      tpu.wait_indirect_dma semaphore(%arg21 : memref<!tpu.dma_semaphore, #tpu.memory_space<semaphore_mem>>) src(%dma_wait3A_283 : memref<20480x64xf32, #tpu.memory_space<hbm>>) dst(%arg13 : memref<128x64xf32, #tpu.memory_space<vmem>>)
      %dma_start3A_284 = arith.constant 0 : i32
      %dma_start3A_285 = tpu.memref_slice %arg8[%add3A_277, %dma_start3A_284] : memref<80x128xi32, #tpu.memory_space<vmem>> -> memref<1x128xi32, #tpu.memory_space<vmem>>
      %dma_start3A_286 = tpu.memref_squeeze %dma_start3A_285 : memref<1x128xi32, #tpu.memory_space<vmem>> -> memref<128xi32, #tpu.memory_space<vmem>>
      %dma_start3A_287 = arith.constant 0 : i32
      %dma_start3A_288 = arith.constant 0 : i32
      %dma_start3A_289 = tpu.memref_slice %arg33[%dma_start3A_287, %dma_start3A_288] : memref<10240x64xf32, #tpu.memory_space<vmem_shared>> -> memref<10240x64xf32, #tpu.memory_space<vmem_shared>>
      tpu.enqueue_indirect_dma source(%arg13 : memref<128x64xf32, #tpu.memory_space<vmem>>) target(%dma_start3A_289 : memref<10240x64xf32, #tpu.memory_space<vmem_shared>>) offsets(%dma_start3A_286 : memref<128xi32, #tpu.memory_space<vmem>>) semaphore(%arg29 : memref<!tpu.dma_semaphore, #tpu.memory_space<semaphore_mem>>) {add = true}
      %add3A_290 = arith.constant 4 : i32
      %add3A_291 = arith.addi %add3A_277, %add3A_290 : i32
      %lt3A_292 = arith.constant 80 : i32
      %lt3A_293 = arith.cmpi slt, %add3A_291, %lt3A_292 : i32
      %convert_element_type3A_294 = arith.extui %lt3A_293 : i1 to i32
      %cond3A_295 = arith.constant 0 : i32
      %cond3A_296 = arith.cmpi ne, %convert_element_type3A_294, %cond3A_295 : i32
      scf.if %cond3A_296 {
        %ge3A = arith.constant 4 : i32
        %ge3A_366 = arith.cmpi sge, %add3A_277, %ge3A : i32
        %convert_element_type3A_367 = arith.extui %ge3A_366 : i1 to i32
        %cond3A_368 = arith.constant 0 : i32
        %cond3A_369 = arith.cmpi ne, %convert_element_type3A_367, %cond3A_368 : i32
        scf.if %cond3A_369 {
          %sub3A = arith.constant 8 : i32
          %sub3A_376 = arith.subi %add3A_291, %sub3A : i32
          %dma_wait3A_377 = arith.constant 0 : i32
          %dma_wait3A_378 = tpu.memref_slice %arg8[%sub3A_376, %dma_wait3A_377] : memref<80x128xi32, #tpu.memory_space<vmem>> -> memref<1x128xi32, #tpu.memory_space<vmem>>
          %dma_wait3A_379 = tpu.memref_squeeze %dma_wait3A_378 : memref<1x128xi32, #tpu.memory_space<vmem>> -> memref<128xi32, #tpu.memory_space<vmem>>
          %dma_wait3A_380 = arith.constant 0 : i32
          %dma_wait3A_381 = arith.constant 0 : i32
          %dma_wait3A_382 = tpu.memref_slice %arg33[%dma_wait3A_380, %dma_wait3A_381] : memref<10240x64xf32, #tpu.memory_space<vmem_shared>> -> memref<10240x64xf32, #tpu.memory_space<vmem_shared>>
          tpu.wait_indirect_dma semaphore(%arg25 : memref<!tpu.dma_semaphore, #tpu.memory_space<semaphore_mem>>) src(%arg9 : memref<128x64xf32, #tpu.memory_space<vmem>>) dst(%dma_wait3A_382 : memref<10240x64xf32, #tpu.memory_space<vmem_shared>>)
        } else {
        }
        %dma_start3A_370 = arith.constant 0 : i32
        %dma_start3A_371 = tpu.memref_slice %arg7[%add3A_291, %dma_start3A_370] : memref<80x128xi32, #tpu.memory_space<vmem>> -> memref<1x128xi32, #tpu.memory_space<vmem>>
        %dma_start3A_372 = tpu.memref_squeeze %dma_start3A_371 : memref<1x128xi32, #tpu.memory_space<vmem>> -> memref<128xi32, #tpu.memory_space<vmem>>
        %dma_start3A_373 = arith.constant 0 : i32
        %dma_start3A_374 = arith.constant 0 : i32
        %dma_start3A_375 = tpu.memref_slice %arg2[%dma_start3A_373, %dma_start3A_374] : memref<20480x64xf32, #tpu.memory_space<hbm>> -> memref<20480x64xf32, #tpu.memory_space<hbm>>
        tpu.enqueue_indirect_dma source(%dma_start3A_375 : memref<20480x64xf32, #tpu.memory_space<hbm>>) target(%arg9 : memref<128x64xf32, #tpu.memory_space<vmem>>) offsets(%dma_start3A_372 : memref<128xi32, #tpu.memory_space<vmem>>) semaphore(%arg17 : memref<!tpu.dma_semaphore, #tpu.memory_space<semaphore_mem>>)
      } else {
      }
      %mul3A_297 = arith.constant 8 : i32
      %mul3A_298 = arith.muli %mul3A_297, %scan3A_184 : i32
      %add3A_299 = arith.constant 5 : i32
      %add3A_300 = arith.addi %mul3A_298, %add3A_299 : i32
      %dma_wait3A_301 = arith.constant 0 : i32
      %dma_wait3A_302 = tpu.memref_slice %arg7[%add3A_300, %dma_wait3A_301] : memref<80x128xi32, #tpu.memory_space<vmem>> -> memref<1x128xi32, #tpu.memory_space<vmem>>
      %dma_wait3A_303 = tpu.memref_squeeze %dma_wait3A_302 : memref<1x128xi32, #tpu.memory_space<vmem>> -> memref<128xi32, #tpu.memory_space<vmem>>
      %dma_wait3A_304 = arith.constant 0 : i32
      %dma_wait3A_305 = arith.constant 0 : i32
      %dma_wait3A_306 = tpu.memref_slice %arg2[%dma_wait3A_304, %dma_wait3A_305] : memref<20480x64xf32, #tpu.memory_space<hbm>> -> memref<20480x64xf32, #tpu.memory_space<hbm>>
      tpu.wait_indirect_dma semaphore(%arg22 : memref<!tpu.dma_semaphore, #tpu.memory_space<semaphore_mem>>) src(%dma_wait3A_306 : memref<20480x64xf32, #tpu.memory_space<hbm>>) dst(%arg14 : memref<128x64xf32, #tpu.memory_space<vmem>>)
      %dma_start3A_307 = arith.constant 0 : i32
      %dma_start3A_308 = tpu.memref_slice %arg8[%add3A_300, %dma_start3A_307] : memref<80x128xi32, #tpu.memory_space<vmem>> -> memref<1x128xi32, #tpu.memory_space<vmem>>
      %dma_start3A_309 = tpu.memref_squeeze %dma_start3A_308 : memref<1x128xi32, #tpu.memory_space<vmem>> -> memref<128xi32, #tpu.memory_space<vmem>>
      %dma_start3A_310 = arith.constant 0 : i32
      %dma_start3A_311 = arith.constant 0 : i32
      %dma_start3A_312 = tpu.memref_slice %arg33[%dma_start3A_310, %dma_start3A_311] : memref<10240x64xf32, #tpu.memory_space<vmem_shared>> -> memref<10240x64xf32, #tpu.memory_space<vmem_shared>>
      tpu.enqueue_indirect_dma source(%arg14 : memref<128x64xf32, #tpu.memory_space<vmem>>) target(%dma_start3A_312 : memref<10240x64xf32, #tpu.memory_space<vmem_shared>>) offsets(%dma_start3A_309 : memref<128xi32, #tpu.memory_space<vmem>>) semaphore(%arg30 : memref<!tpu.dma_semaphore, #tpu.memory_space<semaphore_mem>>) {add = true}
      %add3A_313 = arith.constant 4 : i32
      %add3A_314 = arith.addi %add3A_300, %add3A_313 : i32
      %lt3A_315 = arith.constant 80 : i32
      %lt3A_316 = arith.cmpi slt, %add3A_314, %lt3A_315 : i32
      %convert_element_type3A_317 = arith.extui %lt3A_316 : i1 to i32
      %cond3A_318 = arith.constant 0 : i32
      %cond3A_319 = arith.cmpi ne, %convert_element_type3A_317, %cond3A_318 : i32
      scf.if %cond3A_319 {
        %ge3A = arith.constant 4 : i32
        %ge3A_366 = arith.cmpi sge, %add3A_300, %ge3A : i32
        %convert_element_type3A_367 = arith.extui %ge3A_366 : i1 to i32
        %cond3A_368 = arith.constant 0 : i32
        %cond3A_369 = arith.cmpi ne, %convert_element_type3A_367, %cond3A_368 : i32
        scf.if %cond3A_369 {
          %sub3A = arith.constant 8 : i32
          %sub3A_376 = arith.subi %add3A_314, %sub3A : i32
          %dma_wait3A_377 = arith.constant 0 : i32
          %dma_wait3A_378 = tpu.memref_slice %arg8[%sub3A_376, %dma_wait3A_377] : memref<80x128xi32, #tpu.memory_space<vmem>> -> memref<1x128xi32, #tpu.memory_space<vmem>>
          %dma_wait3A_379 = tpu.memref_squeeze %dma_wait3A_378 : memref<1x128xi32, #tpu.memory_space<vmem>> -> memref<128xi32, #tpu.memory_space<vmem>>
          %dma_wait3A_380 = arith.constant 0 : i32
          %dma_wait3A_381 = arith.constant 0 : i32
          %dma_wait3A_382 = tpu.memref_slice %arg33[%dma_wait3A_380, %dma_wait3A_381] : memref<10240x64xf32, #tpu.memory_space<vmem_shared>> -> memref<10240x64xf32, #tpu.memory_space<vmem_shared>>
          tpu.wait_indirect_dma semaphore(%arg26 : memref<!tpu.dma_semaphore, #tpu.memory_space<semaphore_mem>>) src(%arg10 : memref<128x64xf32, #tpu.memory_space<vmem>>) dst(%dma_wait3A_382 : memref<10240x64xf32, #tpu.memory_space<vmem_shared>>)
        } else {
        }
        %dma_start3A_370 = arith.constant 0 : i32
        %dma_start3A_371 = tpu.memref_slice %arg7[%add3A_314, %dma_start3A_370] : memref<80x128xi32, #tpu.memory_space<vmem>> -> memref<1x128xi32, #tpu.memory_space<vmem>>
        %dma_start3A_372 = tpu.memref_squeeze %dma_start3A_371 : memref<1x128xi32, #tpu.memory_space<vmem>> -> memref<128xi32, #tpu.memory_space<vmem>>
        %dma_start3A_373 = arith.constant 0 : i32
        %dma_start3A_374 = arith.constant 0 : i32
        %dma_start3A_375 = tpu.memref_slice %arg2[%dma_start3A_373, %dma_start3A_374] : memref<20480x64xf32, #tpu.memory_space<hbm>> -> memref<20480x64xf32, #tpu.memory_space<hbm>>
        tpu.enqueue_indirect_dma source(%dma_start3A_375 : memref<20480x64xf32, #tpu.memory_space<hbm>>) target(%arg10 : memref<128x64xf32, #tpu.memory_space<vmem>>) offsets(%dma_start3A_372 : memref<128xi32, #tpu.memory_space<vmem>>) semaphore(%arg18 : memref<!tpu.dma_semaphore, #tpu.memory_space<semaphore_mem>>)
      } else {
      }
      %mul3A_320 = arith.constant 8 : i32
      %mul3A_321 = arith.muli %mul3A_320, %scan3A_184 : i32
      %add3A_322 = arith.constant 6 : i32
      %add3A_323 = arith.addi %mul3A_321, %add3A_322 : i32
      %dma_wait3A_324 = arith.constant 0 : i32
      %dma_wait3A_325 = tpu.memref_slice %arg7[%add3A_323, %dma_wait3A_324] : memref<80x128xi32, #tpu.memory_space<vmem>> -> memref<1x128xi32, #tpu.memory_space<vmem>>
      %dma_wait3A_326 = tpu.memref_squeeze %dma_wait3A_325 : memref<1x128xi32, #tpu.memory_space<vmem>> -> memref<128xi32, #tpu.memory_space<vmem>>
      %dma_wait3A_327 = arith.constant 0 : i32
      %dma_wait3A_328 = arith.constant 0 : i32
      %dma_wait3A_329 = tpu.memref_slice %arg2[%dma_wait3A_327, %dma_wait3A_328] : memref<20480x64xf32, #tpu.memory_space<hbm>> -> memref<20480x64xf32, #tpu.memory_space<hbm>>
      tpu.wait_indirect_dma semaphore(%arg23 : memref<!tpu.dma_semaphore, #tpu.memory_space<semaphore_mem>>) src(%dma_wait3A_329 : memref<20480x64xf32, #tpu.memory_space<hbm>>) dst(%arg15 : memref<128x64xf32, #tpu.memory_space<vmem>>)
      %dma_start3A_330 = arith.constant 0 : i32
      %dma_start3A_331 = tpu.memref_slice %arg8[%add3A_323, %dma_start3A_330] : memref<80x128xi32, #tpu.memory_space<vmem>> -> memref<1x128xi32, #tpu.memory_space<vmem>>
      %dma_start3A_332 = tpu.memref_squeeze %dma_start3A_331 : memref<1x128xi32, #tpu.memory_space<vmem>> -> memref<128xi32, #tpu.memory_space<vmem>>
      %dma_start3A_333 = arith.constant 0 : i32
      %dma_start3A_334 = arith.constant 0 : i32
      %dma_start3A_335 = tpu.memref_slice %arg33[%dma_start3A_333, %dma_start3A_334] : memref<10240x64xf32, #tpu.memory_space<vmem_shared>> -> memref<10240x64xf32, #tpu.memory_space<vmem_shared>>
      tpu.enqueue_indirect_dma source(%arg15 : memref<128x64xf32, #tpu.memory_space<vmem>>) target(%dma_start3A_335 : memref<10240x64xf32, #tpu.memory_space<vmem_shared>>) offsets(%dma_start3A_332 : memref<128xi32, #tpu.memory_space<vmem>>) semaphore(%arg31 : memref<!tpu.dma_semaphore, #tpu.memory_space<semaphore_mem>>) {add = true}
      %add3A_336 = arith.constant 4 : i32
      %add3A_337 = arith.addi %add3A_323, %add3A_336 : i32
      %lt3A_338 = arith.constant 80 : i32
      %lt3A_339 = arith.cmpi slt, %add3A_337, %lt3A_338 : i32
      %convert_element_type3A_340 = arith.extui %lt3A_339 : i1 to i32
      %cond3A_341 = arith.constant 0 : i32
      %cond3A_342 = arith.cmpi ne, %convert_element_type3A_340, %cond3A_341 : i32
      scf.if %cond3A_342 {
        %ge3A = arith.constant 4 : i32
        %ge3A_366 = arith.cmpi sge, %add3A_323, %ge3A : i32
        %convert_element_type3A_367 = arith.extui %ge3A_366 : i1 to i32
        %cond3A_368 = arith.constant 0 : i32
        %cond3A_369 = arith.cmpi ne, %convert_element_type3A_367, %cond3A_368 : i32
        scf.if %cond3A_369 {
          %sub3A = arith.constant 8 : i32
          %sub3A_376 = arith.subi %add3A_337, %sub3A : i32
          %dma_wait3A_377 = arith.constant 0 : i32
          %dma_wait3A_378 = tpu.memref_slice %arg8[%sub3A_376, %dma_wait3A_377] : memref<80x128xi32, #tpu.memory_space<vmem>> -> memref<1x128xi32, #tpu.memory_space<vmem>>
          %dma_wait3A_379 = tpu.memref_squeeze %dma_wait3A_378 : memref<1x128xi32, #tpu.memory_space<vmem>> -> memref<128xi32, #tpu.memory_space<vmem>>
          %dma_wait3A_380 = arith.constant 0 : i32
          %dma_wait3A_381 = arith.constant 0 : i32
          %dma_wait3A_382 = tpu.memref_slice %arg33[%dma_wait3A_380, %dma_wait3A_381] : memref<10240x64xf32, #tpu.memory_space<vmem_shared>> -> memref<10240x64xf32, #tpu.memory_space<vmem_shared>>
          tpu.wait_indirect_dma semaphore(%arg27 : memref<!tpu.dma_semaphore, #tpu.memory_space<semaphore_mem>>) src(%arg11 : memref<128x64xf32, #tpu.memory_space<vmem>>) dst(%dma_wait3A_382 : memref<10240x64xf32, #tpu.memory_space<vmem_shared>>)
        } else {
        }
        %dma_start3A_370 = arith.constant 0 : i32
        %dma_start3A_371 = tpu.memref_slice %arg7[%add3A_337, %dma_start3A_370] : memref<80x128xi32, #tpu.memory_space<vmem>> -> memref<1x128xi32, #tpu.memory_space<vmem>>
        %dma_start3A_372 = tpu.memref_squeeze %dma_start3A_371 : memref<1x128xi32, #tpu.memory_space<vmem>> -> memref<128xi32, #tpu.memory_space<vmem>>
        %dma_start3A_373 = arith.constant 0 : i32
        %dma_start3A_374 = arith.constant 0 : i32
        %dma_start3A_375 = tpu.memref_slice %arg2[%dma_start3A_373, %dma_start3A_374] : memref<20480x64xf32, #tpu.memory_space<hbm>> -> memref<20480x64xf32, #tpu.memory_space<hbm>>
        tpu.enqueue_indirect_dma source(%dma_start3A_375 : memref<20480x64xf32, #tpu.memory_space<hbm>>) target(%arg11 : memref<128x64xf32, #tpu.memory_space<vmem>>) offsets(%dma_start3A_372 : memref<128xi32, #tpu.memory_space<vmem>>) semaphore(%arg19 : memref<!tpu.dma_semaphore, #tpu.memory_space<semaphore_mem>>)
      } else {
      }
      %mul3A_343 = arith.constant 8 : i32
      %mul3A_344 = arith.muli %mul3A_343, %scan3A_184 : i32
      %add3A_345 = arith.constant 7 : i32
      %add3A_346 = arith.addi %mul3A_344, %add3A_345 : i32
      %dma_wait3A_347 = arith.constant 0 : i32
      %dma_wait3A_348 = tpu.memref_slice %arg7[%add3A_346, %dma_wait3A_347] : memref<80x128xi32, #tpu.memory_space<vmem>> -> memref<1x128xi32, #tpu.memory_space<vmem>>
      %dma_wait3A_349 = tpu.memref_squeeze %dma_wait3A_348 : memref<1x128xi32, #tpu.memory_space<vmem>> -> memref<128xi32, #tpu.memory_space<vmem>>
      %dma_wait3A_350 = arith.constant 0 : i32
      %dma_wait3A_351 = arith.constant 0 : i32
      %dma_wait3A_352 = tpu.memref_slice %arg2[%dma_wait3A_350, %dma_wait3A_351] : memref<20480x64xf32, #tpu.memory_space<hbm>> -> memref<20480x64xf32, #tpu.memory_space<hbm>>
      tpu.wait_indirect_dma semaphore(%arg24 : memref<!tpu.dma_semaphore, #tpu.memory_space<semaphore_mem>>) src(%dma_wait3A_352 : memref<20480x64xf32, #tpu.memory_space<hbm>>) dst(%arg16 : memref<128x64xf32, #tpu.memory_space<vmem>>)
      %dma_start3A_353 = arith.constant 0 : i32
      %dma_start3A_354 = tpu.memref_slice %arg8[%add3A_346, %dma_start3A_353] : memref<80x128xi32, #tpu.memory_space<vmem>> -> memref<1x128xi32, #tpu.memory_space<vmem>>
      %dma_start3A_355 = tpu.memref_squeeze %dma_start3A_354 : memref<1x128xi32, #tpu.memory_space<vmem>> -> memref<128xi32, #tpu.memory_space<vmem>>
      %dma_start3A_356 = arith.constant 0 : i32
      %dma_start3A_357 = arith.constant 0 : i32
      %dma_start3A_358 = tpu.memref_slice %arg33[%dma_start3A_356, %dma_start3A_357] : memref<10240x64xf32, #tpu.memory_space<vmem_shared>> -> memref<10240x64xf32, #tpu.memory_space<vmem_shared>>
      tpu.enqueue_indirect_dma source(%arg16 : memref<128x64xf32, #tpu.memory_space<vmem>>) target(%dma_start3A_358 : memref<10240x64xf32, #tpu.memory_space<vmem_shared>>) offsets(%dma_start3A_355 : memref<128xi32, #tpu.memory_space<vmem>>) semaphore(%arg32 : memref<!tpu.dma_semaphore, #tpu.memory_space<semaphore_mem>>) {add = true}
      %add3A_359 = arith.constant 4 : i32
      %add3A_360 = arith.addi %add3A_346, %add3A_359 : i32
      %lt3A_361 = arith.constant 80 : i32
      %lt3A_362 = arith.cmpi slt, %add3A_360, %lt3A_361 : i32
      %convert_element_type3A_363 = arith.extui %lt3A_362 : i1 to i32
      %cond3A_364 = arith.constant 0 : i32
      %cond3A_365 = arith.cmpi ne, %convert_element_type3A_363, %cond3A_364 : i32
      scf.if %cond3A_365 {
        %ge3A = arith.constant 4 : i32
        %ge3A_366 = arith.cmpi sge, %add3A_346, %ge3A : i32
        %convert_element_type3A_367 = arith.extui %ge3A_366 : i1 to i32
        %cond3A_368 = arith.constant 0 : i32
        %cond3A_369 = arith.cmpi ne, %convert_element_type3A_367, %cond3A_368 : i32
        scf.if %cond3A_369 {
          %sub3A = arith.constant 8 : i32
          %sub3A_376 = arith.subi %add3A_360, %sub3A : i32
          %dma_wait3A_377 = arith.constant 0 : i32
          %dma_wait3A_378 = tpu.memref_slice %arg8[%sub3A_376, %dma_wait3A_377] : memref<80x128xi32, #tpu.memory_space<vmem>> -> memref<1x128xi32, #tpu.memory_space<vmem>>
          %dma_wait3A_379 = tpu.memref_squeeze %dma_wait3A_378 : memref<1x128xi32, #tpu.memory_space<vmem>> -> memref<128xi32, #tpu.memory_space<vmem>>
          %dma_wait3A_380 = arith.constant 0 : i32
          %dma_wait3A_381 = arith.constant 0 : i32
          %dma_wait3A_382 = tpu.memref_slice %arg33[%dma_wait3A_380, %dma_wait3A_381] : memref<10240x64xf32, #tpu.memory_space<vmem_shared>> -> memref<10240x64xf32, #tpu.memory_space<vmem_shared>>
          tpu.wait_indirect_dma semaphore(%arg28 : memref<!tpu.dma_semaphore, #tpu.memory_space<semaphore_mem>>) src(%arg12 : memref<128x64xf32, #tpu.memory_space<vmem>>) dst(%dma_wait3A_382 : memref<10240x64xf32, #tpu.memory_space<vmem_shared>>)
        } else {
        }
        %dma_start3A_370 = arith.constant 0 : i32
        %dma_start3A_371 = tpu.memref_slice %arg7[%add3A_360, %dma_start3A_370] : memref<80x128xi32, #tpu.memory_space<vmem>> -> memref<1x128xi32, #tpu.memory_space<vmem>>
        %dma_start3A_372 = tpu.memref_squeeze %dma_start3A_371 : memref<1x128xi32, #tpu.memory_space<vmem>> -> memref<128xi32, #tpu.memory_space<vmem>>
        %dma_start3A_373 = arith.constant 0 : i32
        %dma_start3A_374 = arith.constant 0 : i32
        %dma_start3A_375 = tpu.memref_slice %arg2[%dma_start3A_373, %dma_start3A_374] : memref<20480x64xf32, #tpu.memory_space<hbm>> -> memref<20480x64xf32, #tpu.memory_space<hbm>>
        tpu.enqueue_indirect_dma source(%dma_start3A_375 : memref<20480x64xf32, #tpu.memory_space<hbm>>) target(%arg12 : memref<128x64xf32, #tpu.memory_space<vmem>>) offsets(%dma_start3A_372 : memref<128xi32, #tpu.memory_space<vmem>>) semaphore(%arg20 : memref<!tpu.dma_semaphore, #tpu.memory_space<semaphore_mem>>)
      } else {
      }
    }
    %scan3A_126 = arith.constant 10 : i32
    %dma_wait3A_127 = arith.constant 72 : i32
    %dma_wait3A_128 = arith.constant 0 : i32
    %dma_wait3A_129 = tpu.memref_slice %arg8[%dma_wait3A_127, %dma_wait3A_128] : memref<80x128xi32, #tpu.memory_space<vmem>> -> memref<1x128xi32, #tpu.memory_space<vmem>>
    %dma_wait3A_130 = tpu.memref_squeeze %dma_wait3A_129 : memref<1x128xi32, #tpu.memory_space<vmem>> -> memref<128xi32, #tpu.memory_space<vmem>>
    %dma_wait3A_131 = arith.constant 0 : i32
    %dma_wait3A_132 = arith.constant 0 : i32
    %dma_wait3A_133 = tpu.memref_slice %arg33[%dma_wait3A_131, %dma_wait3A_132] : memref<10240x64xf32, #tpu.memory_space<vmem_shared>> -> memref<10240x64xf32, #tpu.memory_space<vmem_shared>>
    tpu.wait_indirect_dma semaphore(%arg25 : memref<!tpu.dma_semaphore, #tpu.memory_space<semaphore_mem>>) src(%arg9 : memref<128x64xf32, #tpu.memory_space<vmem>>) dst(%dma_wait3A_133 : memref<10240x64xf32, #tpu.memory_space<vmem_shared>>)
    %dma_wait3A_134 = arith.constant 73 : i32
    %dma_wait3A_135 = arith.constant 0 : i32
    %dma_wait3A_136 = tpu.memref_slice %arg8[%dma_wait3A_134, %dma_wait3A_135] : memref<80x128xi32, #tpu.memory_space<vmem>> -> memref<1x128xi32, #tpu.memory_space<vmem>>
    %dma_wait3A_137 = tpu.memref_squeeze %dma_wait3A_136 : memref<1x128xi32, #tpu.memory_space<vmem>> -> memref<128xi32, #tpu.memory_space<vmem>>
    %dma_wait3A_138 = arith.constant 0 : i32
    %dma_wait3A_139 = arith.constant 0 : i32
    %dma_wait3A_140 = tpu.memref_slice %arg33[%dma_wait3A_138, %dma_wait3A_139] : memref<10240x64xf32, #tpu.memory_space<vmem_shared>> -> memref<10240x64xf32, #tpu.memory_space<vmem_shared>>
    tpu.wait_indirect_dma semaphore(%arg26 : memref<!tpu.dma_semaphore, #tpu.memory_space<semaphore_mem>>) src(%arg10 : memref<128x64xf32, #tpu.memory_space<vmem>>) dst(%dma_wait3A_140 : memref<10240x64xf32, #tpu.memory_space<vmem_shared>>)
    %dma_wait3A_141 = arith.constant 74 : i32
    %dma_wait3A_142 = arith.constant 0 : i32
    %dma_wait3A_143 = tpu.memref_slice %arg8[%dma_wait3A_141, %dma_wait3A_142] : memref<80x128xi32, #tpu.memory_space<vmem>> -> memref<1x128xi32, #tpu.memory_space<vmem>>
    %dma_wait3A_144 = tpu.memref_squeeze %dma_wait3A_143 : memref<1x128xi32, #tpu.memory_space<vmem>> -> memref<128xi32, #tpu.memory_space<vmem>>
    %dma_wait3A_145 = arith.constant 0 : i32
    %dma_wait3A_146 = arith.constant 0 : i32
    %dma_wait3A_147 = tpu.memref_slice %arg33[%dma_wait3A_145, %dma_wait3A_146] : memref<10240x64xf32, #tpu.memory_space<vmem_shared>> -> memref<10240x64xf32, #tpu.memory_space<vmem_shared>>
    tpu.wait_indirect_dma semaphore(%arg27 : memref<!tpu.dma_semaphore, #tpu.memory_space<semaphore_mem>>) src(%arg11 : memref<128x64xf32, #tpu.memory_space<vmem>>) dst(%dma_wait3A_147 : memref<10240x64xf32, #tpu.memory_space<vmem_shared>>)
    %dma_wait3A_148 = arith.constant 75 : i32
    %dma_wait3A_149 = arith.constant 0 : i32
    %dma_wait3A_150 = tpu.memref_slice %arg8[%dma_wait3A_148, %dma_wait3A_149] : memref<80x128xi32, #tpu.memory_space<vmem>> -> memref<1x128xi32, #tpu.memory_space<vmem>>
    %dma_wait3A_151 = tpu.memref_squeeze %dma_wait3A_150 : memref<1x128xi32, #tpu.memory_space<vmem>> -> memref<128xi32, #tpu.memory_space<vmem>>
    %dma_wait3A_152 = arith.constant 0 : i32
    %dma_wait3A_153 = arith.constant 0 : i32
    %dma_wait3A_154 = tpu.memref_slice %arg33[%dma_wait3A_152, %dma_wait3A_153] : memref<10240x64xf32, #tpu.memory_space<vmem_shared>> -> memref<10240x64xf32, #tpu.memory_space<vmem_shared>>
    tpu.wait_indirect_dma semaphore(%arg28 : memref<!tpu.dma_semaphore, #tpu.memory_space<semaphore_mem>>) src(%arg12 : memref<128x64xf32, #tpu.memory_space<vmem>>) dst(%dma_wait3A_154 : memref<10240x64xf32, #tpu.memory_space<vmem_shared>>)
    %dma_wait3A_155 = arith.constant 76 : i32
    %dma_wait3A_156 = arith.constant 0 : i32
    %dma_wait3A_157 = tpu.memref_slice %arg8[%dma_wait3A_155, %dma_wait3A_156] : memref<80x128xi32, #tpu.memory_space<vmem>> -> memref<1x128xi32, #tpu.memory_space<vmem>>
    %dma_wait3A_158 = tpu.memref_squeeze %dma_wait3A_157 : memref<1x128xi32, #tpu.memory_space<vmem>> -> memref<128xi32, #tpu.memory_space<vmem>>
    %dma_wait3A_159 = arith.constant 0 : i32
    %dma_wait3A_160 = arith.constant 0 : i32
    %dma_wait3A_161 = tpu.memref_slice %arg33[%dma_wait3A_159, %dma_wait3A_160] : memref<10240x64xf32, #tpu.memory_space<vmem_shared>> -> memref<10240x64xf32, #tpu.memory_space<vmem_shared>>
    tpu.wait_indirect_dma semaphore(%arg29 : memref<!tpu.dma_semaphore, #tpu.memory_space<semaphore_mem>>) src(%arg13 : memref<128x64xf32, #tpu.memory_space<vmem>>) dst(%dma_wait3A_161 : memref<10240x64xf32, #tpu.memory_space<vmem_shared>>)
    %dma_wait3A_162 = arith.constant 77 : i32
    %dma_wait3A_163 = arith.constant 0 : i32
    %dma_wait3A_164 = tpu.memref_slice %arg8[%dma_wait3A_162, %dma_wait3A_163] : memref<80x128xi32, #tpu.memory_space<vmem>> -> memref<1x128xi32, #tpu.memory_space<vmem>>
    %dma_wait3A_165 = tpu.memref_squeeze %dma_wait3A_164 : memref<1x128xi32, #tpu.memory_space<vmem>> -> memref<128xi32, #tpu.memory_space<vmem>>
    %dma_wait3A_166 = arith.constant 0 : i32
    %dma_wait3A_167 = arith.constant 0 : i32
    %dma_wait3A_168 = tpu.memref_slice %arg33[%dma_wait3A_166, %dma_wait3A_167] : memref<10240x64xf32, #tpu.memory_space<vmem_shared>> -> memref<10240x64xf32, #tpu.memory_space<vmem_shared>>
    tpu.wait_indirect_dma semaphore(%arg30 : memref<!tpu.dma_semaphore, #tpu.memory_space<semaphore_mem>>) src(%arg14 : memref<128x64xf32, #tpu.memory_space<vmem>>) dst(%dma_wait3A_168 : memref<10240x64xf32, #tpu.memory_space<vmem_shared>>)
    %dma_wait3A_169 = arith.constant 78 : i32
    %dma_wait3A_170 = arith.constant 0 : i32
    %dma_wait3A_171 = tpu.memref_slice %arg8[%dma_wait3A_169, %dma_wait3A_170] : memref<80x128xi32, #tpu.memory_space<vmem>> -> memref<1x128xi32, #tpu.memory_space<vmem>>
    %dma_wait3A_172 = tpu.memref_squeeze %dma_wait3A_171 : memref<1x128xi32, #tpu.memory_space<vmem>> -> memref<128xi32, #tpu.memory_space<vmem>>
    %dma_wait3A_173 = arith.constant 0 : i32
    %dma_wait3A_174 = arith.constant 0 : i32
    %dma_wait3A_175 = tpu.memref_slice %arg33[%dma_wait3A_173, %dma_wait3A_174] : memref<10240x64xf32, #tpu.memory_space<vmem_shared>> -> memref<10240x64xf32, #tpu.memory_space<vmem_shared>>
    tpu.wait_indirect_dma semaphore(%arg31 : memref<!tpu.dma_semaphore, #tpu.memory_space<semaphore_mem>>) src(%arg15 : memref<128x64xf32, #tpu.memory_space<vmem>>) dst(%dma_wait3A_175 : memref<10240x64xf32, #tpu.memory_space<vmem_shared>>)
    %dma_wait3A_176 = arith.constant 79 : i32
    %dma_wait3A_177 = arith.constant 0 : i32
    %dma_wait3A_178 = tpu.memref_slice %arg8[%dma_wait3A_176, %dma_wait3A_177] : memref<80x128xi32, #tpu.memory_space<vmem>> -> memref<1x128xi32, #tpu.memory_space<vmem>>
    %dma_wait3A_179 = tpu.memref_squeeze %dma_wait3A_178 : memref<1x128xi32, #tpu.memory_space<vmem>> -> memref<128xi32, #tpu.memory_space<vmem>>
    %dma_wait3A_180 = arith.constant 0 : i32
    %dma_wait3A_181 = arith.constant 0 : i32
    %dma_wait3A_182 = tpu.memref_slice %arg33[%dma_wait3A_180, %dma_wait3A_181] : memref<10240x64xf32, #tpu.memory_space<vmem_shared>> -> memref<10240x64xf32, #tpu.memory_space<vmem_shared>>
    tpu.wait_indirect_dma semaphore(%arg32 : memref<!tpu.dma_semaphore, #tpu.memory_space<semaphore_mem>>) src(%arg16 : memref<128x64xf32, #tpu.memory_space<vmem>>) dst(%dma_wait3A_182 : memref<10240x64xf32, #tpu.memory_space<vmem_shared>>)
    %barrier3A_183 = arith.constant 0 : index
    tpu.barrier barrier_id(%barrier3A_183)
    "tpu.region"() ({
      %run_scoped3A_184 = tpu.sem_alloc : memref<!tpu.dma_semaphore, #tpu.memory_space<semaphore_mem>>
      %dma_start3A_185 = arith.constant 64 : i32
      %dma_start3A_186 = tpu.memref_slice %arg6[%arg0, %mul3A_2, %dma_start3A_185] : memref<2x10240x128xf32, #tpu.memory_space<hbm>> -> memref<1x640x64xf32, #tpu.memory_space<hbm>>
      %dma_start3A_187 = tpu.memref_squeeze %dma_start3A_186 : memref<1x640x64xf32, #tpu.memory_space<hbm>> -> memref<640x64xf32, #tpu.memory_space<hbm>>
      %dma_start3A_188 = arith.constant 0 : i32
      %dma_start3A_189 = tpu.memref_slice %arg33[%mul3A_2, %dma_start3A_188] : memref<10240x64xf32, #tpu.memory_space<vmem_shared>> -> memref<640x64xf32, #tpu.memory_space<vmem_shared>>
      tpu.enqueue_dma source(%dma_start3A_189 : memref<640x64xf32, #tpu.memory_space<vmem_shared>>) target(%dma_start3A_187 : memref<640x64xf32, #tpu.memory_space<hbm>>) target_semaphore(%run_scoped3A_184 : memref<!tpu.dma_semaphore, #tpu.memory_space<semaphore_mem>>)
      %dma_wait3A_190 = arith.constant 64 : i32
      %dma_wait3A_191 = tpu.memref_slice %arg6[%arg0, %mul3A_2, %dma_wait3A_190] : memref<2x10240x128xf32, #tpu.memory_space<hbm>> -> memref<1x640x64xf32, #tpu.memory_space<hbm>>
      %dma_wait3A_192 = tpu.memref_squeeze %dma_wait3A_191 : memref<1x640x64xf32, #tpu.memory_space<hbm>> -> memref<640x64xf32, #tpu.memory_space<hbm>>
      %dma_wait3A_193 = arith.constant 0 : i32
      %dma_wait3A_194 = tpu.memref_slice %arg33[%mul3A_2, %dma_wait3A_193] : memref<10240x64xf32, #tpu.memory_space<vmem_shared>> -> memref<640x64xf32, #tpu.memory_space<vmem_shared>>
      tpu.wait_dma2 semaphore(%run_scoped3A_184 : memref<!tpu.dma_semaphore, #tpu.memory_space<semaphore_mem>>) src(%dma_wait3A_194 : memref<640x64xf32, #tpu.memory_space<vmem_shared>>) dst(%dma_wait3A_192 : memref<640x64xf32, #tpu.memory_space<hbm>>)
      tpu.yield
    }) : () -> ()
    return
  }
}

module attributes {stable_mosaic.version = 14 : i64} {
  func.func @_scale_body(%arg0: i32, %arg1: memref<2x8x128xf32, #tpu.memory_space<vmem>>, %arg2: memref<1024x128xf32, #tpu.memory_space<vmem>>, %arg3: memref<8x128xf32, #tpu.memory_space<vmem>>, %arg4: memref<1024x128xf32, #tpu.memory_space<vmem>>) attributes {dimension_semantics = [#tpu.dimension_semantics<arbitrary>], iteration_bounds = array<i64: 10>, scalar_prefetch = 0 : i64, scratch_operands = 0 : i64, tpu.core_type = #tpu.core_type<tc>, window_params = [{transform_indices = @transform_0, window_bounds = array<i64: 2, 8, 128>}, {transform_indices = @transform_1, window_bounds = array<i64: 1024, 128>}, {transform_indices = @transform_2, window_bounds = array<i64: 8, 128>}, {transform_indices = @transform_3, window_bounds = array<i64: 1024, 128>}]} {
    %get3A = arith.constant 0 : index
    %get3A_0 = arith.constant 0 : index
    %get3A_1 = arith.constant 0 : index
    %get3A_2 = vector.load %arg1[%get3A, %get3A_0, %get3A_1] : memref<2x8x128xf32, #tpu.memory_space<vmem>>, vector<1x8x128xf32>
    %get3A_3 = vector.shape_cast %get3A_2 : vector<1x8x128xf32> to vector<8x128xf32>
    %get3A_4 = arith.constant 1 : index
    %get3A_5 = arith.constant 0 : index
    %get3A_6 = arith.constant 0 : index
    %get3A_7 = vector.load %arg1[%get3A_4, %get3A_5, %get3A_6] : memref<2x8x128xf32, #tpu.memory_space<vmem>>, vector<1x8x128xf32>
    %get3A_8 = vector.shape_cast %get3A_7 : vector<1x8x128xf32> to vector<8x128xf32>
    %add3A = arith.addf %get3A_3, %get3A_8 : vector<8x128xf32>
    %add3A_9 = arith.constant 1.000000e+00 : f32
    %add3A_10 = vector.broadcast %add3A_9 : f32 to vector<8x128xf32>
    %add3A_11 = arith.addf %add3A, %add3A_10 : vector<8x128xf32>
    %mul3A = arith.constant 1024 : i32
    %mul3A_12 = arith.muli %arg0, %mul3A : i32
    %iota3A = tpu.iota {dimensions = array<i32: 0>} : vector<8x128xi32>
    %mul3A_13 = arith.constant 128 : i32
    %mul3A_14 = vector.broadcast %mul3A_13 : i32 to vector<8x128xi32>
    %mul3A_15 = arith.muli %mul3A_14, %iota3A : vector<8x128xi32>
    %add3A_16 = vector.broadcast %mul3A_12 : i32 to vector<8x128xi32>
    %add3A_17 = arith.addi %add3A_16, %mul3A_15 : vector<8x128xi32>
    %iota3A_18 = tpu.iota {dimensions = array<i32: 1>} : vector<8x128xi32>
    %add3A_19 = arith.addi %add3A_17, %iota3A_18 : vector<8x128xi32>
    %lt3A = arith.constant 10000 : i32
    %lt3A_20 = vector.broadcast %lt3A : i32 to vector<8x128xi32>
    %lt3A_21 = arith.cmpi slt, %add3A_19, %lt3A_20 : vector<8x128xi32>
    %rsqrt3A = math.rsqrt %add3A_11 : vector<8x128xf32>
    %jit3A = arith.constant 0.000000e+00 : f32
    %broadcast_in_dim3A = vector.broadcast %jit3A : f32 to vector<8x128xf32>
    %select_n3A = arith.select %lt3A_21, %rsqrt3A, %broadcast_in_dim3A : vector<8x128xi1>, vector<8x128xf32>
    %swap3A = arith.constant 0 : index
    %swap3A_22 = arith.constant 0 : index
    %swap3A_23 = vector.load %arg3[%swap3A, %swap3A_22] : memref<8x128xf32, #tpu.memory_space<vmem>>, vector<8x128xf32>
    tpu.vector_store %arg3[%swap3A, %swap3A_22], %select_n3A {strides = array<i32>} : memref<8x128xf32, #tpu.memory_space<vmem>>, vector<8x128xf32>,
    %get3A_24 = arith.constant 0 : index
    %get3A_25 = arith.constant 0 : index
    %get3A_26 = vector.load %arg2[%get3A_24, %get3A_25] : memref<1024x128xf32, #tpu.memory_space<vmem>>, vector<1024x128xf32>
    %iota3A_27 = tpu.iota {dimensions = array<i32: 0>} : vector<1024x8xi32>
    %jit3A_28 = arith.constant 128 : i32
    %div3A = vector.broadcast %jit3A_28 : i32 to vector<1024x8xi32>
    %div3A_29 = arith.divsi %iota3A_27, %div3A : vector<1024x8xi32>
    %sign3A = arith.constant 0 : i32
    %sign3A_30 = vector.broadcast %sign3A : i32 to vector<1024x8xi32>
    %sign3A_31 = arith.cmpi sgt, %iota3A_27, %sign3A_30 : vector<1024x8xi32>
    %sign3A_32 = arith.extui %sign3A_31 : vector<1024x8xi1> to vector<1024x8xi32>
    %sign3A_33 = arith.constant 0 : i32
    %sign3A_34 = vector.broadcast %sign3A_33 : i32 to vector<1024x8xi32>
    %sign3A_35 = arith.cmpi slt, %iota3A_27, %sign3A_34 : vector<1024x8xi32>
    %sign3A_36 = arith.extui %sign3A_35 : vector<1024x8xi1> to vector<1024x8xi32>
    %sign3A_37 = arith.subi %sign3A_32, %sign3A_36 : vector<1024x8xi32>
    %sign3A_38 = arith.constant 0 : i32
    %sign3A_39 = arith.cmpi sgt, %jit3A_28, %sign3A_38 : i32
    %sign3A_40 = arith.extui %sign3A_39 : i1 to i32
    %sign3A_41 = arith.constant 0 : i32
    %sign3A_42 = arith.cmpi slt, %jit3A_28, %sign3A_41 : i32
    %sign3A_43 = arith.extui %sign3A_42 : i1 to i32
    %sign3A_44 = arith.subi %sign3A_40, %sign3A_43 : i32
    %ne3A = vector.broadcast %sign3A_44 : i32 to vector<1024x8xi32>
    %ne3A_45 = arith.cmpi ne, %sign3A_37, %ne3A : vector<1024x8xi32>
    %rem3A = vector.broadcast %jit3A_28 : i32 to vector<1024x8xi32>
    %rem3A_46 = arith.remsi %iota3A_27, %rem3A : vector<1024x8xi32>
    %ne3A_47 = arith.constant 0 : i32
    %ne3A_48 = vector.broadcast %ne3A_47 : i32 to vector<1024x8xi32>
    %ne3A_49 = arith.cmpi ne, %rem3A_46, %ne3A_48 : vector<1024x8xi32>
    %and3A = arith.andi %ne3A_45, %ne3A_49 : vector<1024x8xi1>
    %sub3A = arith.constant 1 : i32
    %sub3A_50 = vector.broadcast %sub3A : i32 to vector<1024x8xi32>
    %sub3A_51 = arith.subi %div3A_29, %sub3A_50 : vector<1024x8xi32>
    %select_n3A_52 = arith.select %and3A, %sub3A_51, %div3A_29 : vector<1024x8xi1>, vector<1024x8xi32>
    %iota3A_53 = tpu.iota {dimensions = array<i32: 1>} : vector<1024x8xi32>
    %eq3A = arith.cmpi eq, %select_n3A_52, %iota3A_53 : vector<1024x8xi32>
    %convert_element_type3A = arith.extui %eq3A : vector<1024x8xi1> to vector<1024x8xi32>
    %convert_element_type3A_54 = arith.sitofp %convert_element_type3A : vector<1024x8xi32> to vector<1024x8xf32>
    %dot_general3A = arith.constant dense<0.000000e+00> : vector<1024x128xf32>
    %dot_general3A_55 = tpu.matmul %convert_element_type3A_54, %select_n3A, %dot_general3A {dimension_numbers = #tpu.dot_dimension_numbers<[1], [0], [0], [1], [0, 0, 1, 1], [], []>, transpose_lhs_hint = false} : vector<1024x8xf32>, vector<8x128xf32>, vector<1024x128xf32> -> vector<1024x128xf32>
    %iota3A_56 = tpu.iota {dimensions = array<i32: 1>} : vector<1024x128xi32>
    %iota3A_57 = tpu.iota {dimensions = array<i32: 0>} : vector<1024x128xi32>
    %jit3A_58 = arith.constant 128 : i32
    %eq3A_59 = arith.constant 0 : i32
    %eq3A_60 = arith.cmpi eq, %jit3A_58, %eq3A_59 : i32
    %jit3A_61 = arith.constant 1 : i32
    %select_n3A_62 = arith.select %eq3A_60, %jit3A_61, %jit3A_58 : i32
    %rem3A_63 = vector.broadcast %select_n3A_62 : i32 to vector<1024x128xi32>
    %rem3A_64 = arith.remsi %iota3A_57, %rem3A_63 : vector<1024x128xi32>
    %ne3A_65 = arith.constant 0 : i32
    %ne3A_66 = vector.broadcast %ne3A_65 : i32 to vector<1024x128xi32>
    %ne3A_67 = arith.cmpi ne, %rem3A_64, %ne3A_66 : vector<1024x128xi32>
    %lt3A_68 = arith.constant 0 : i32
    %lt3A_69 = vector.broadcast %lt3A_68 : i32 to vector<1024x128xi32>
    %lt3A_70 = arith.cmpi slt, %rem3A_64, %lt3A_69 : vector<1024x128xi32>
    %lt3A_71 = arith.constant 0 : i32
    %lt3A_72 = arith.cmpi slt, %select_n3A_62, %lt3A_71 : i32
    %ne3A_73 = vector.broadcast %lt3A_72 : i1 to vector<1024x128xi1>
    %ne3A_74 = vector.broadcast %ne3A_73 : vector<1024x128xi1> to vector<1024x128xi1>
    %ne3A_75 = arith.xori %lt3A_70, %ne3A_74 : vector<1024x128xi1>
    %and3A_76 = arith.andi %ne3A_75, %ne3A_67 : vector<1024x128xi1>
    %add3A_77 = vector.broadcast %select_n3A_62 : i32 to vector<1024x128xi32>
    %add3A_78 = arith.addi %rem3A_64, %add3A_77 : vector<1024x128xi32>
    %select_n3A_79 = arith.select %and3A_76, %add3A_78, %rem3A_64 : vector<1024x128xi1>, vector<1024x128xi32>
    %eq3A_80 = arith.cmpi eq, %iota3A_56, %select_n3A_79 : vector<1024x128xi32>
    %jit3A_81 = arith.constant 0.000000e+00 : f32
    %broadcast_in_dim3A_82 = vector.broadcast %jit3A_81 : f32 to vector<1024x128xf32>
    %select_n3A_83 = arith.select %eq3A_80, %dot_general3A_55, %broadcast_in_dim3A_82 : vector<1024x128xi1>, vector<1024x128xf32>
    %reduce_sum3A = arith.constant dense<0.000000e+00> : vector<1024xf32>
    %reduce_sum3A_84 = vector.multi_reduction <add>, %select_n3A_83, %reduce_sum3A [1] : vector<1024x128xf32> to vector<1024xf32>
    %broadcast_in_dim3A_85 = vector.shape_cast %reduce_sum3A_84 : vector<1024xf32> to vector<1024x1xf32>
    %mul3A_86 = vector.broadcast %broadcast_in_dim3A_85 : vector<1024x1xf32> to vector<1024x128xf32>
    %mul3A_87 = arith.mulf %get3A_26, %mul3A_86 : vector<1024x128xf32>
    %swap3A_88 = arith.constant 0 : index
    %swap3A_89 = arith.constant 0 : index
    %swap3A_90 = vector.load %arg4[%swap3A_88, %swap3A_89] : memref<1024x128xf32, #tpu.memory_space<vmem>>, vector<1024x128xf32>
    tpu.vector_store %arg4[%swap3A_88, %swap3A_89], %mul3A_87 {strides = array<i32>} : memref<1024x128xf32, #tpu.memory_space<vmem>>, vector<1024x128xf32>,
    return
  }
  func.func @transform_0(%arg0: i32) -> (i32, i32, i32) {
    %c0_i32 = arith.constant 0 : i32
    %c0_i32_0 = arith.constant 0 : i32
    %c0_i32_1 = arith.constant 0 : i32
    return %c0_i32, %arg0, %c0_i32_0 : i32, i32, i32
  }
  func.func @transform_1(%arg0: i32) -> (i32, i32) {
    %c0_i32 = arith.constant 0 : i32
    %c0_i32_0 = arith.constant 0 : i32
    return %arg0, %c0_i32 : i32, i32
  }
  func.func @transform_2(%arg0: i32) -> (i32, i32) {
    %c0_i32 = arith.constant 0 : i32
    %c0_i32_0 = arith.constant 0 : i32
    return %arg0, %c0_i32 : i32, i32
  }
  func.func @transform_3(%arg0: i32) -> (i32, i32) {
    %c0_i32 = arith.constant 0 : i32
    %c0_i32_0 = arith.constant 0 : i32
    return %arg0, %c0_i32 : i32, i32
  }
}

module attributes {stable_mosaic.version = 14 : i64} {
  func.func @_mlp_body(%arg0: i32, %arg1: memref<8x128xf32, #tpu.memory_space<vmem>>, %arg2: memref<2x1024x128xf32, #tpu.memory_space<vmem>>, %arg3: memref<1024x128xf32, #tpu.memory_space<vmem>>, %arg4: memref<128x256xf32, #tpu.memory_space<vmem>>, %arg5: memref<1x256xf32, #tpu.memory_space<vmem>>, %arg6: memref<256x16xf32, #tpu.memory_space<vmem>>, %arg7: memref<1024x16xf32, #tpu.memory_space<vmem>>) attributes {dimension_semantics = [#tpu.dimension_semantics<arbitrary>], iteration_bounds = array<i64: 10>, scalar_prefetch = 0 : i64, scratch_operands = 0 : i64, tpu.core_type = #tpu.core_type<tc>, window_params = [{transform_indices = @transform_0, window_bounds = array<i64: 8, 128>}, {transform_indices = @transform_1, window_bounds = array<i64: 2, 1024, 128>}, {transform_indices = @transform_2, window_bounds = array<i64: 1024, 128>}, {pipeline_mode = #tpu.pipeline_mode<synchronous>, transform_indices = @transform_3, window_bounds = array<i64: 128, 256>}, {pipeline_mode = #tpu.pipeline_mode<synchronous>, transform_indices = @transform_4, window_bounds = array<i64: 1, 256>}, {pipeline_mode = #tpu.pipeline_mode<synchronous>, transform_indices = @transform_5, window_bounds = array<i64: 256, 16>}, {transform_indices = @transform_6, window_bounds = array<i64: 1024, 16>}]} {
    %get3A = arith.constant 0 : index
    %get3A_0 = arith.constant 0 : index
    %get3A_1 = vector.load %arg1[%get3A, %get3A_0] : memref<8x128xf32, #tpu.memory_space<vmem>>, vector<8x128xf32>
    %iota3A = tpu.iota {dimensions = array<i32: 0>} : vector<1024x8xi32>
    %jit3A = arith.constant 128 : i32
    %div3A = vector.broadcast %jit3A : i32 to vector<1024x8xi32>
    %div3A_2 = arith.divsi %iota3A, %div3A : vector<1024x8xi32>
    %sign3A = arith.constant 0 : i32
    %sign3A_3 = vector.broadcast %sign3A : i32 to vector<1024x8xi32>
    %sign3A_4 = arith.cmpi sgt, %iota3A, %sign3A_3 : vector<1024x8xi32>
    %sign3A_5 = arith.extui %sign3A_4 : vector<1024x8xi1> to vector<1024x8xi32>
    %sign3A_6 = arith.constant 0 : i32
    %sign3A_7 = vector.broadcast %sign3A_6 : i32 to vector<1024x8xi32>
    %sign3A_8 = arith.cmpi slt, %iota3A, %sign3A_7 : vector<1024x8xi32>
    %sign3A_9 = arith.extui %sign3A_8 : vector<1024x8xi1> to vector<1024x8xi32>
    %sign3A_10 = arith.subi %sign3A_5, %sign3A_9 : vector<1024x8xi32>
    %sign3A_11 = arith.constant 0 : i32
    %sign3A_12 = arith.cmpi sgt, %jit3A, %sign3A_11 : i32
    %sign3A_13 = arith.extui %sign3A_12 : i1 to i32
    %sign3A_14 = arith.constant 0 : i32
    %sign3A_15 = arith.cmpi slt, %jit3A, %sign3A_14 : i32
    %sign3A_16 = arith.extui %sign3A_15 : i1 to i32
    %sign3A_17 = arith.subi %sign3A_13, %sign3A_16 : i32
    %ne3A = vector.broadcast %sign3A_17 : i32 to vector<1024x8xi32>
    %ne3A_18 = arith.cmpi ne, %sign3A_10, %ne3A : vector<1024x8xi32>
    %rem3A = vector.broadcast %jit3A : i32 to vector<1024x8xi32>
    %rem3A_19 = arith.remsi %iota3A, %rem3A : vector<1024x8xi32>
    %ne3A_20 = arith.constant 0 : i32
    %ne3A_21 = vector.broadcast %ne3A_20 : i32 to vector<1024x8xi32>
    %ne3A_22 = arith.cmpi ne, %rem3A_19, %ne3A_21 : vector<1024x8xi32>
    %and3A = arith.andi %ne3A_18, %ne3A_22 : vector<1024x8xi1>
    %sub3A = arith.constant 1 : i32
    %sub3A_23 = vector.broadcast %sub3A : i32 to vector<1024x8xi32>
    %sub3A_24 = arith.subi %div3A_2, %sub3A_23 : vector<1024x8xi32>
    %select_n3A = arith.select %and3A, %sub3A_24, %div3A_2 : vector<1024x8xi1>, vector<1024x8xi32>
    %iota3A_25 = tpu.iota {dimensions = array<i32: 1>} : vector<1024x8xi32>
    %eq3A = arith.cmpi eq, %select_n3A, %iota3A_25 : vector<1024x8xi32>
    %convert_element_type3A = arith.extui %eq3A : vector<1024x8xi1> to vector<1024x8xi32>
    %convert_element_type3A_26 = arith.sitofp %convert_element_type3A : vector<1024x8xi32> to vector<1024x8xf32>
    %dot_general3A = arith.constant dense<0.000000e+00> : vector<1024x128xf32>
    %dot_general3A_27 = tpu.matmul %convert_element_type3A_26, %get3A_1, %dot_general3A {dimension_numbers = #tpu.dot_dimension_numbers<[1], [0], [0], [1], [0, 0, 1, 1], [], []>, transpose_lhs_hint = false} : vector<1024x8xf32>, vector<8x128xf32>, vector<1024x128xf32> -> vector<1024x128xf32>
    %iota3A_28 = tpu.iota {dimensions = array<i32: 1>} : vector<1024x128xi32>
    %iota3A_29 = tpu.iota {dimensions = array<i32: 0>} : vector<1024x128xi32>
    %jit3A_30 = arith.constant 128 : i32
    %eq3A_31 = arith.constant 0 : i32
    %eq3A_32 = arith.cmpi eq, %jit3A_30, %eq3A_31 : i32
    %jit3A_33 = arith.constant 1 : i32
    %select_n3A_34 = arith.select %eq3A_32, %jit3A_33, %jit3A_30 : i32
    %rem3A_35 = vector.broadcast %select_n3A_34 : i32 to vector<1024x128xi32>
    %rem3A_36 = arith.remsi %iota3A_29, %rem3A_35 : vector<1024x128xi32>
    %ne3A_37 = arith.constant 0 : i32
    %ne3A_38 = vector.broadcast %ne3A_37 : i32 to vector<1024x128xi32>
    %ne3A_39 = arith.cmpi ne, %rem3A_36, %ne3A_38 : vector<1024x128xi32>
    %lt3A = arith.constant 0 : i32
    %lt3A_40 = vector.broadcast %lt3A : i32 to vector<1024x128xi32>
    %lt3A_41 = arith.cmpi slt, %rem3A_36, %lt3A_40 : vector<1024x128xi32>
    %lt3A_42 = arith.constant 0 : i32
    %lt3A_43 = arith.cmpi slt, %select_n3A_34, %lt3A_42 : i32
    %ne3A_44 = vector.broadcast %lt3A_43 : i1 to vector<1024x128xi1>
    %ne3A_45 = vector.broadcast %ne3A_44 : vector<1024x128xi1> to vector<1024x128xi1>
    %ne3A_46 = arith.xori %lt3A_41, %ne3A_45 : vector<1024x128xi1>
    %and3A_47 = arith.andi %ne3A_46, %ne3A_39 : vector<1024x128xi1>
    %add3A = vector.broadcast %select_n3A_34 : i32 to vector<1024x128xi32>
    %add3A_48 = arith.addi %rem3A_36, %add3A : vector<1024x128xi32>
    %select_n3A_49 = arith.select %and3A_47, %add3A_48, %rem3A_36 : vector<1024x128xi1>, vector<1024x128xi32>
    %eq3A_50 = arith.cmpi eq, %iota3A_28, %select_n3A_49 : vector<1024x128xi32>
    %jit3A_51 = arith.constant 0.000000e+00 : f32
    %broadcast_in_dim3A = vector.broadcast %jit3A_51 : f32 to vector<1024x128xf32>
    %select_n3A_52 = arith.select %eq3A_50, %dot_general3A_27, %broadcast_in_dim3A : vector<1024x128xi1>, vector<1024x128xf32>
    %reduce_sum3A = arith.constant dense<0.000000e+00> : vector<1024xf32>
    %reduce_sum3A_53 = vector.multi_reduction <add>, %select_n3A_52, %reduce_sum3A [1] : vector<1024x128xf32> to vector<1024xf32>
    %broadcast_in_dim3A_54 = vector.shape_cast %reduce_sum3A_53 : vector<1024xf32> to vector<1024x1xf32>
    %get3A_55 = arith.constant 0 : index
    %get3A_56 = arith.constant 0 : index
    %get3A_57 = arith.constant 0 : index
    %get3A_58 = vector.load %arg2[%get3A_55, %get3A_56, %get3A_57] : memref<2x1024x128xf32, #tpu.memory_space<vmem>>, vector<1x1024x128xf32>
    %get3A_59 = vector.shape_cast %get3A_58 : vector<1x1024x128xf32> to vector<1024x128xf32>
    %get3A_60 = arith.constant 1 : index
    %get3A_61 = arith.constant 0 : index
    %get3A_62 = arith.constant 0 : index
    %get3A_63 = vector.load %arg2[%get3A_60, %get3A_61, %get3A_62] : memref<2x1024x128xf32, #tpu.memory_space<vmem>>, vector<1x1024x128xf32>
    %get3A_64 = vector.shape_cast %get3A_63 : vector<1x1024x128xf32> to vector<1024x128xf32>
    %add3A_65 = arith.addf %get3A_59, %get3A_64 : vector<1024x128xf32>
    %get3A_66 = arith.constant 0 : index
    %get3A_67 = arith.constant 0 : index
    %get3A_68 = vector.load %arg3[%get3A_66, %get3A_67] : memref<1024x128xf32, #tpu.memory_space<vmem>>, vector<1024x128xf32>
    %add3A_69 = arith.addf %add3A_65, %get3A_68 : vector<1024x128xf32>
    %mul3A = vector.broadcast %broadcast_in_dim3A_54 : vector<1024x1xf32> to vector<1024x128xf32>
    %mul3A_70 = arith.mulf %add3A_69, %mul3A : vector<1024x128xf32>
    %get3A_71 = arith.constant 0 : index
    %get3A_72 = arith.constant 0 : index
    %get3A_73 = vector.load %arg4[%get3A_71, %get3A_72] : memref<128x256xf32, #tpu.memory_space<vmem>>, vector<128x256xf32>
    %dot_general3A_74 = arith.constant dense<0.000000e+00> : vector<1024x256xf32>
    %dot_general3A_75 = tpu.matmul %mul3A_70, %get3A_73, %dot_general3A_74 {dimension_numbers = #tpu.dot_dimension_numbers<[1], [0], [0], [1], [0, 0, 1, 1], [], []>, transpose_lhs_hint = false} : vector<1024x128xf32>, vector<128x256xf32>, vector<1024x256xf32> -> vector<1024x256xf32>
    %get3A_76 = arith.constant 0 : index
    %get3A_77 = arith.constant 0 : index
    %get3A_78 = vector.load %arg5[%get3A_76, %get3A_77] : memref<1x256xf32, #tpu.memory_space<vmem>>, vector<1x256xf32>
    %add3A_79 = vector.broadcast %get3A_78 : vector<1x256xf32> to vector<1024x256xf32>
    %add3A_80 = arith.addf %dot_general3A_75, %add3A_79 : vector<1024x256xf32>
    %max3A = arith.constant 0.000000e+00 : f32
    %max3A_81 = vector.broadcast %max3A : f32 to vector<1024x256xf32>
    %max3A_82 = arith.maximumf %add3A_80, %max3A_81 : vector<1024x256xf32>
    %get3A_83 = arith.constant 0 : index
    %get3A_84 = arith.constant 0 : index
    %get3A_85 = vector.load %arg6[%get3A_83, %get3A_84] : memref<256x16xf32, #tpu.memory_space<vmem>>, vector<256x16xf32>
    %dot_general3A_86 = arith.constant dense<0.000000e+00> : vector<1024x16xf32>
    %dot_general3A_87 = tpu.matmul %max3A_82, %get3A_85, %dot_general3A_86 {dimension_numbers = #tpu.dot_dimension_numbers<[1], [0], [0], [1], [0, 0, 1, 1], [], []>, transpose_lhs_hint = false} : vector<1024x256xf32>, vector<256x16xf32>, vector<1024x16xf32> -> vector<1024x16xf32>
    %mul3A_88 = vector.broadcast %broadcast_in_dim3A_54 : vector<1024x1xf32> to vector<1024x16xf32>
    %mul3A_89 = arith.mulf %dot_general3A_87, %mul3A_88 : vector<1024x16xf32>
    %swap3A = arith.constant 0 : index
    %swap3A_90 = arith.constant 0 : index
    %swap3A_91 = vector.load %arg7[%swap3A, %swap3A_90] : memref<1024x16xf32, #tpu.memory_space<vmem>>, vector<1024x16xf32>
    tpu.vector_store %arg7[%swap3A, %swap3A_90], %mul3A_89 {strides = array<i32>} : memref<1024x16xf32, #tpu.memory_space<vmem>>, vector<1024x16xf32>,
    return
  }
  func.func @transform_0(%arg0: i32) -> (i32, i32) {
    %c0_i32 = arith.constant 0 : i32
    %c0_i32_0 = arith.constant 0 : i32
    return %arg0, %c0_i32 : i32, i32
  }
  func.func @transform_1(%arg0: i32) -> (i32, i32, i32) {
    %c0_i32 = arith.constant 0 : i32
    %c0_i32_0 = arith.constant 0 : i32
    %c0_i32_1 = arith.constant 0 : i32
    return %c0_i32, %arg0, %c0_i32_0 : i32, i32, i32
  }
  func.func @transform_2(%arg0: i32) -> (i32, i32) {
    %c0_i32 = arith.constant 0 : i32
    %c0_i32_0 = arith.constant 0 : i32
    return %arg0, %c0_i32 : i32, i32
  }
  func.func @transform_3(%arg0: i32) -> (i32, i32) {
    %c0_i32 = arith.constant 0 : i32
    %c0_i32_0 = arith.constant 0 : i32
    %c0_i32_1 = arith.constant 0 : i32
    return %c0_i32, %c0_i32_0 : i32, i32
  }
  func.func @transform_4(%arg0: i32) -> (i32, i32) {
    %c0_i32 = arith.constant 0 : i32
    %c0_i32_0 = arith.constant 0 : i32
    %c0_i32_1 = arith.constant 0 : i32
    return %c0_i32, %c0_i32_0 : i32, i32
  }
  func.func @transform_5(%arg0: i32) -> (i32, i32) {
    %c0_i32 = arith.constant 0 : i32
    %c0_i32_0 = arith.constant 0 : i32
    %c0_i32_1 = arith.constant 0 : i32
    return %c0_i32, %c0_i32_0 : i32, i32
  }
  func.func @transform_6(%arg0: i32) -> (i32, i32) {
    %c0_i32 = arith.constant 0 : i32
    %c0_i32_0 = arith.constant 0 : i32
    return %arg0, %c0_i32 : i32, i32
  }
}

module attributes {stable_mosaic.version = 14 : i64} {
  func.func @_out_body(%arg0: memref<80x128xf32, #tpu.memory_space<vmem>>, %arg1: memref<2x10240x16xf32, #tpu.memory_space<vmem>>, %arg2: memref<10240x16xf32, #tpu.memory_space<vmem>>, %arg3: memref<1x16xf32, #tpu.memory_space<vmem>>, %arg4: memref<10240x16xf32, #tpu.memory_space<vmem>>) attributes {dimension_semantics = [], scalar_prefetch = 0 : i64, scratch_operands = 0 : i64, tpu.core_type = #tpu.core_type<tc>} {
    %get3A = arith.constant 0 : index
    %get3A_0 = arith.constant 0 : index
    %get3A_1 = vector.load %arg0[%get3A, %get3A_0] : memref<80x128xf32, #tpu.memory_space<vmem>>, vector<80x128xf32>
    %iota3A = tpu.iota {dimensions = array<i32: 0>} : vector<10240x80xi32>
    %jit3A = arith.constant 128 : i32
    %div3A = vector.broadcast %jit3A : i32 to vector<10240x80xi32>
    %div3A_2 = arith.divsi %iota3A, %div3A : vector<10240x80xi32>
    %sign3A = arith.constant 0 : i32
    %sign3A_3 = vector.broadcast %sign3A : i32 to vector<10240x80xi32>
    %sign3A_4 = arith.cmpi sgt, %iota3A, %sign3A_3 : vector<10240x80xi32>
    %sign3A_5 = arith.extui %sign3A_4 : vector<10240x80xi1> to vector<10240x80xi32>
    %sign3A_6 = arith.constant 0 : i32
    %sign3A_7 = vector.broadcast %sign3A_6 : i32 to vector<10240x80xi32>
    %sign3A_8 = arith.cmpi slt, %iota3A, %sign3A_7 : vector<10240x80xi32>
    %sign3A_9 = arith.extui %sign3A_8 : vector<10240x80xi1> to vector<10240x80xi32>
    %sign3A_10 = arith.subi %sign3A_5, %sign3A_9 : vector<10240x80xi32>
    %sign3A_11 = arith.constant 0 : i32
    %sign3A_12 = arith.cmpi sgt, %jit3A, %sign3A_11 : i32
    %sign3A_13 = arith.extui %sign3A_12 : i1 to i32
    %sign3A_14 = arith.constant 0 : i32
    %sign3A_15 = arith.cmpi slt, %jit3A, %sign3A_14 : i32
    %sign3A_16 = arith.extui %sign3A_15 : i1 to i32
    %sign3A_17 = arith.subi %sign3A_13, %sign3A_16 : i32
    %ne3A = vector.broadcast %sign3A_17 : i32 to vector<10240x80xi32>
    %ne3A_18 = arith.cmpi ne, %sign3A_10, %ne3A : vector<10240x80xi32>
    %rem3A = vector.broadcast %jit3A : i32 to vector<10240x80xi32>
    %rem3A_19 = arith.remsi %iota3A, %rem3A : vector<10240x80xi32>
    %ne3A_20 = arith.constant 0 : i32
    %ne3A_21 = vector.broadcast %ne3A_20 : i32 to vector<10240x80xi32>
    %ne3A_22 = arith.cmpi ne, %rem3A_19, %ne3A_21 : vector<10240x80xi32>
    %and3A = arith.andi %ne3A_18, %ne3A_22 : vector<10240x80xi1>
    %sub3A = arith.constant 1 : i32
    %sub3A_23 = vector.broadcast %sub3A : i32 to vector<10240x80xi32>
    %sub3A_24 = arith.subi %div3A_2, %sub3A_23 : vector<10240x80xi32>
    %select_n3A = arith.select %and3A, %sub3A_24, %div3A_2 : vector<10240x80xi1>, vector<10240x80xi32>
    %iota3A_25 = tpu.iota {dimensions = array<i32: 1>} : vector<10240x80xi32>
    %eq3A = arith.cmpi eq, %select_n3A, %iota3A_25 : vector<10240x80xi32>
    %convert_element_type3A = arith.extui %eq3A : vector<10240x80xi1> to vector<10240x80xi32>
    %convert_element_type3A_26 = arith.sitofp %convert_element_type3A : vector<10240x80xi32> to vector<10240x80xf32>
    %dot_general3A = arith.constant dense<0.000000e+00> : vector<10240x128xf32>
    %dot_general3A_27 = tpu.matmul %convert_element_type3A_26, %get3A_1, %dot_general3A {dimension_numbers = #tpu.dot_dimension_numbers<[1], [0], [0], [1], [0, 0, 1, 1], [], []>, transpose_lhs_hint = false} : vector<10240x80xf32>, vector<80x128xf32>, vector<10240x128xf32> -> vector<10240x128xf32>
    %iota3A_28 = tpu.iota {dimensions = array<i32: 1>} : vector<10240x128xi32>
    %iota3A_29 = tpu.iota {dimensions = array<i32: 0>} : vector<10240x128xi32>
    %jit3A_30 = arith.constant 128 : i32
    %eq3A_31 = arith.constant 0 : i32
    %eq3A_32 = arith.cmpi eq, %jit3A_30, %eq3A_31 : i32
    %jit3A_33 = arith.constant 1 : i32
    %select_n3A_34 = arith.select %eq3A_32, %jit3A_33, %jit3A_30 : i32
    %rem3A_35 = vector.broadcast %select_n3A_34 : i32 to vector<10240x128xi32>
    %rem3A_36 = arith.remsi %iota3A_29, %rem3A_35 : vector<10240x128xi32>
    %ne3A_37 = arith.constant 0 : i32
    %ne3A_38 = vector.broadcast %ne3A_37 : i32 to vector<10240x128xi32>
    %ne3A_39 = arith.cmpi ne, %rem3A_36, %ne3A_38 : vector<10240x128xi32>
    %lt3A = arith.constant 0 : i32
    %lt3A_40 = vector.broadcast %lt3A : i32 to vector<10240x128xi32>
    %lt3A_41 = arith.cmpi slt, %rem3A_36, %lt3A_40 : vector<10240x128xi32>
    %lt3A_42 = arith.constant 0 : i32
    %lt3A_43 = arith.cmpi slt, %select_n3A_34, %lt3A_42 : i32
    %ne3A_44 = vector.broadcast %lt3A_43 : i1 to vector<10240x128xi1>
    %ne3A_45 = vector.broadcast %ne3A_44 : vector<10240x128xi1> to vector<10240x128xi1>
    %ne3A_46 = arith.xori %lt3A_41, %ne3A_45 : vector<10240x128xi1>
    %and3A_47 = arith.andi %ne3A_46, %ne3A_39 : vector<10240x128xi1>
    %add3A = vector.broadcast %select_n3A_34 : i32 to vector<10240x128xi32>
    %add3A_48 = arith.addi %rem3A_36, %add3A : vector<10240x128xi32>
    %select_n3A_49 = arith.select %and3A_47, %add3A_48, %rem3A_36 : vector<10240x128xi1>, vector<10240x128xi32>
    %eq3A_50 = arith.cmpi eq, %iota3A_28, %select_n3A_49 : vector<10240x128xi32>
    %jit3A_51 = arith.constant 0.000000e+00 : f32
    %broadcast_in_dim3A = vector.broadcast %jit3A_51 : f32 to vector<10240x128xf32>
    %select_n3A_52 = arith.select %eq3A_50, %dot_general3A_27, %broadcast_in_dim3A : vector<10240x128xi1>, vector<10240x128xf32>
    %reduce_sum3A = arith.constant dense<0.000000e+00> : vector<10240xf32>
    %reduce_sum3A_53 = vector.multi_reduction <add>, %select_n3A_52, %reduce_sum3A [1] : vector<10240x128xf32> to vector<10240xf32>
    %broadcast_in_dim3A_54 = vector.shape_cast %reduce_sum3A_53 : vector<10240xf32> to vector<10240x1xf32>
    %get3A_55 = arith.constant 0 : index
    %get3A_56 = arith.constant 0 : index
    %get3A_57 = arith.constant 0 : index
    %get3A_58 = vector.load %arg1[%get3A_55, %get3A_56, %get3A_57] : memref<2x10240x16xf32, #tpu.memory_space<vmem>>, vector<1x10240x16xf32>
    %get3A_59 = vector.shape_cast %get3A_58 : vector<1x10240x16xf32> to vector<10240x16xf32>
    %get3A_60 = arith.constant 1 : index
    %get3A_61 = arith.constant 0 : index
    %get3A_62 = arith.constant 0 : index
    %get3A_63 = vector.load %arg1[%get3A_60, %get3A_61, %get3A_62] : memref<2x10240x16xf32, #tpu.memory_space<vmem>>, vector<1x10240x16xf32>
    %get3A_64 = vector.shape_cast %get3A_63 : vector<1x10240x16xf32> to vector<10240x16xf32>
    %add3A_65 = arith.addf %get3A_59, %get3A_64 : vector<10240x16xf32>
    %get3A_66 = arith.constant 0 : index
    %get3A_67 = arith.constant 0 : index
    %get3A_68 = vector.load %arg2[%get3A_66, %get3A_67] : memref<10240x16xf32, #tpu.memory_space<vmem>>, vector<10240x16xf32>
    %add3A_69 = arith.addf %add3A_65, %get3A_68 : vector<10240x16xf32>
    %mul3A = vector.broadcast %broadcast_in_dim3A_54 : vector<10240x1xf32> to vector<10240x16xf32>
    %mul3A_70 = arith.mulf %add3A_69, %mul3A : vector<10240x16xf32>
    %get3A_71 = arith.constant 0 : index
    %get3A_72 = arith.constant 0 : index
    %get3A_73 = vector.load %arg3[%get3A_71, %get3A_72] : memref<1x16xf32, #tpu.memory_space<vmem>>, vector<1x16xf32>
    %add3A_74 = vector.broadcast %get3A_73 : vector<1x16xf32> to vector<10240x16xf32>
    %add3A_75 = arith.addf %mul3A_70, %add3A_74 : vector<10240x16xf32>
    %swap3A = arith.constant 0 : index
    %swap3A_76 = arith.constant 0 : index
    %swap3A_77 = vector.load %arg4[%swap3A, %swap3A_76] : memref<10240x16xf32, #tpu.memory_space<vmem>>, vector<10240x16xf32>
    tpu.vector_store %arg4[%swap3A, %swap3A_76], %add3A_75 {strides = array<i32>} : memref<10240x16xf32, #tpu.memory_space<vmem>>, vector<10240x16xf32>,
    return
  }
}

</mosaic_0001>

<sc_bundles>
// kernel: kernel.11.cloned.1.call-start
scs
__scs_entry_jumppad:
0x0: {  	(pc) =	sbr.rel $0x88, $3  }
0x1: {  	(tag) =	ssettag $0x0;
	lr =	simm.s32 $0x1  }
0x2: {  	[smem:$0x3F9B] =	sst lr;
	_ =	strace $0xD0000000  }
0x3: {  	_ = 	snop  }
0x4: {  	_ = 	snop  }
0x5: {  	_ = 	snop  }
0x6: {  	_ = 	snop  }
0x7: {  	_ = 	snop  }
__scs_overlays_trampoline_lowered:
0x8: {  	[smem:$0x3FAA] =	sst s0  }
0x9: {  	[smem:$0x3FAB] =	sst s1  }
0xa: {  	[smem:$0x3FAC] =	sst s2  }
0xb: {  	[smem:$0x3FAD] =	sst s3  }
0xc: {  	[smem:$0x3FAE] =	sst s4  }
0xd: {  	[smem:$0x3FAF] =	sst s5  }
0xe: {  	[smem:$0x3FB0] =	sst s6  }
0xf: {  	[smem:$0x3FB1] =	sst s7  }
0x10: {  	[smem:$0x3FB2] =	sst s8  }
0x11: {  	[smem:$0x3FB3] =	sst s9;
	s0 =	simm.s32 @!p0 $0x0  }
0x12: {  	s1 =	sld [smem:$0x3F99];
	s0 =	simm.s32 @p0 $0x1  }
0x13: {  	[smem:$0x3FB4] =	sst s0;
	s0 =	simm.s32 @!p1 $0x0  }
0x14: {  	s2 =	sld [smem:$0x3F98];
	s0 =	simm.s32 @p1 $0x1  }
0x15: {  	[smem:$0x3FB5] =	sst s0;
	s0 =	simm.s32 @!p2 $0x0  }
0x16: {  	s3 =	sld [smem:$0x3FDB];
	s0 =	simm.s32 @p2 $0x1  }
0x17: {  	s4 =	simm.s32 $0x1BF5;
	[smem:$0x3FB7] =	sst s0  }
0x18: {  	s0 =	sld [smem:$0x3F9A];
	_ =	swait.ge [sflag:s4], $0x0  }
0x19: {  	s7 =	sld [smem:$0x3F9B]  }
0x1a: {  	s8 =	sadd.s32 $0xFFFFE003, lr  }
0x1b: {  	s9 =	sadd.s32 $0xFFFFFEF7, lr;
	s5 =	simm.s32 $0xFFFFFFFF;
	p2 =	slt.u32 s8, $0xFFFFF086  }
0x1c: {  	p1 =	slt.u32 s9, $0xF7A;
	s5 =	simm.s32 @!p2 $0x0  }
0x1d: {  	s5 =	simm.s32 @p1 $0x1;
	p0 =	seq.s32 s7, s2  }
0x1e: {  	s7 =	smul.u32 @!p0 $0xF7A, s2;
	p2 =	seq.s32 @!p0 s5, $0x0  }
0x1f: {  	s9 =	smul.u32 $0xF7A, s1;
	s8 =	simm.s32 @!p0 $0x1BF5;
	p2 =	por !p2, p0  }
0x20: {  	[sflag:s8] =	ssyncset.s32 @!p0 $0xFFFFF086;
	s6 =	sadd.s32 @!p0 s3, s7;
	s7 =	simm.s32 @!p0 $0x108  }
0x21: {  	s3 =	sadd.s32 s3, s9;
	s6 =	sadd.s32 @!p0 $0x88, s6;
	s7 =	simm.s32 @p2 $0x1082  }
0x22: {  	[simem:s7], [sflag:s8] =	dma.local @!p0 [hbm:s6], $0xF7A  }
0x23: {  	s9 =	sor.u32 $0xD0000000, s2;
	s6 =	simm.s32 $0x108;
	_ =	swait.ge @!p0 [sflag:s8], $0x0  }
0x24: {  	s3 =	sadd.s32 $0x88, s3;
	s6 =	simm.s32 @!p1 $0x1082;
	[sflag:s4] =	ssyncset.s32 $0xFFFFF086  }
0x25: {  	[simem:s6], [sflag:s4] =	dma.local [hbm:s3], $0xF7A  }
0x26: {  	[smem:$0x3F9B] =	sst s1;
	(tag) =	ssettag s2;
	_ =	strace s9  }
0x27: {  	s1 =	sld [smem:$0x3FAB]  }
0x28: {  	s2 =	sld [smem:$0x3FAC]  }
0x29: {  	s4 =	sld [smem:$0x3FAE]  }
0x2a: {  	p0 =	seq.s32 s5, $0x0;
	s5 =	sld [smem:$0x3FAF]  }
0x2b: {  	s6 =	sld [smem:$0x3FB0]  }
0x2c: {  	s7 =	sld [smem:$0x3FB1]  }
0x2d: {  	s3 =	simm.s32 $0x108;
	s8 =	sld [smem:$0x3FB2]  }
0x2e: {  	s3 =	simm.s32 @!p0 $0x1082;
	s9 =	sld [smem:$0x3FB3]  }
0x2f: {  	lr =	sadd.s32 s0, s3;
	s0 =	sld [smem:$0x3FAA]  }
0x30: {  	s3 =	sld [smem:$0x3FAD]  }
0x31: {  	[smem:$0x3FB6] =	sst s10  }
0x32: {  	s10 =	sld [smem:$0x3FB4];
	_ =	sdelay $0x3  }
0x33: {  	p0 =	seq.s32 s10, $0x1;
	s10 =	sld [smem:$0x3FB6];
	_ =	sdelay $0x3  }
0x34: {  	[smem:$0x3FB6] =	sst s10  }
0x35: {  	s10 =	sld [smem:$0x3FB5];
	_ =	sdelay $0x3  }
0x36: {  	p1 =	seq.s32 s10, $0x1;
	s10 =	sld [smem:$0x3FB6];
	_ =	sdelay $0x3  }
0x37: {  	[smem:$0x3FB6] =	sst s10  }
0x38: {  	s10 =	sld [smem:$0x3FB7]  }
0x39: {  	_ = 	snop;
	(pc) =	sbr.ind lr, $3  }
0x3a: {  	_ = 	snop  }
0x3b: {  	_ = 	snop  }
0x3c: {  	p2 =	seq.s32 s10, $0x1;
	s10 =	sld [smem:$0x3FB6]  }
0x3d: {  	_ =	shalt  }
0x3e: {  	_ =	shalt  }
0x3f: {  	_ =	shalt  }
0x40: {  	_ =	shalt  }
0x41: {  	_ =	shalt  }
0x42: {  	_ =	shalt  }
0x43: {  	_ =	shalt  }
0x44: {  	_ =	shalt  }
0x45: {  	_ =	shalt  }
0x46: {  	_ =	shalt  }
0x47: {  	_ =	shalt  }
0x48: {  	_ =	shalt  }
0x49: {  	_ =	shalt  }
0x4a: {  	_ =	shalt  }
0x4b: {  	_ =	shalt  }
0x4c: {  	_ =	shalt  }
0x4d: {  	_ =	shalt  }
0x4e: {  	_ =	shalt  }
0x4f: {  	_ =	shalt  }
0x50: {  	_ =	shalt  }
0x51: {  	_ =	shalt  }
0x52: {  	_ =	shalt  }
0x53: {  	_ =	shalt  }
0x54: {  	_ =	shalt  }
0x55: {  	_ =	shalt  }
0x56: {  	_ =	shalt  }
0x57: {  	_ =	shalt  }
0x58: {  	_ =	shalt  }
0x59: {  	_ =	shalt  }
0x5a: {  	_ =	shalt  }
0x5b: {  	_ =	shalt  }
0x5c: {  	_ =	shalt  }
0x5d: {  	_ =	shalt  }
0x5e: {  	_ =	shalt  }
0x5f: {  	_ =	shalt  }
0x60: {  	_ =	shalt  }
0x61: {  	_ =	shalt  }
0x62: {  	_ =	shalt  }
0x63: {  	_ =	shalt  }
0x64: {  	_ =	shalt  }
0x65: {  	_ =	shalt  }
0x66: {  	_ =	shalt  }
0x67: {  	_ =	shalt  }
0x68: {  	_ =	shalt  }
0x69: {  	_ =	shalt  }
0x6a: {  	_ =	shalt  }
0x6b: {  	_ =	shalt  }
0x6c: {  	_ =	shalt  }
0x6d: {  	_ =	shalt  }
0x6e: {  	_ =	shalt  }
0x6f: {  	_ =	shalt  }
0x70: {  	_ =	shalt  }
0x71: {  	_ =	shalt  }
0x72: {  	_ =	shalt  }
0x73: {  	_ =	shalt  }
0x74: {  	_ =	shalt  }
0x75: {  	_ =	shalt  }
0x76: {  	_ =	shalt  }
0x77: {  	_ =	shalt  }
0x78: {  	_ =	shalt  }
0x79: {  	_ =	shalt  }
0x7a: {  	_ =	shalt  }
0x7b: {  	_ =	shalt  }
0x7c: {  	_ =	shalt  }
0x7d: {  	_ =	shalt  }
0x7e: {  	_ =	shalt  }
0x7f: {  	_ =	shalt  }
0x80: {  	_ =	shalt  }
0x81: {  	_ =	shalt  }
0x82: {  	_ =	shalt  }
0x83: {  	_ =	shalt  }
0x84: {  	_ =	shalt  }
0x85: {  	_ =	shalt  }
0x86: {  	_ =	shalt  }
0x87: {  	_ =	shalt  }
.Lfunc_end0:
.L_simem_size_0:
called_computation.1_lowered:
.L_overlay_start_0:
0x88: {  	s2 =	sld [smem:$0x3FD9]  }
0x89: {  	s3 =	sld [smem:$0x3FFE];
	_ =	sdelay $0x1  }
0x8a: {  	s1 =	srdreg.scid  }
0x8b: {  	s0 =	sand.u32 $0x1, s1  }
0x8c: {  	s16 =	sshll.u32 s0, $0xA;
	s2 =	sadd.s32 s3, s2  }
0x8d: {  	s2 =	sadd.s32 s2, s16  }
0x8e: {  	[smem:$0x3FC2] =	sst s2  }
0x8f: {  	_ = 	snop  }
0x90: {  	(tm) =	ssettm $0x1  }
0x91: {  	s17 =	sld [smem:$0x3FFB];
	_ =	sdelay $0x3  }
0x92: {  	_ =	strace s17  }
0x93: {  	s2 =	sld [smem:$0x3FFC];
	_ =	sdelay $0x3  }
0x94: {  	_ =	strace s2  }
0x95: {  	s2 =	sld [smem:$0x3FFD];
	_ =	sdelay $0x3  }
0x96: {  	_ =	strace s2  }
0x97: {  	_ =	strace $0x8FFFFFFF  }
0x98: {  	s18 =	sld [smem:$0x3FDB];
	_ =	sdelay $0x1  }
0x99: {  	s19 =	simm.s32 $_scs_section_size  }
0x9a: {  	s4 =	simm.s32 $_size__tile_overlayer_lowered;
	s5 =	simm.s32 $_tile_overlayer_lowered  }
0x9b: {  	s22 =	simm.s32 $0x1BFF;
	s21 =	sshll.u32 s5, $0x1;
	s2 =	sadd.s32 s19, s18  }
0x9c: {  	s6 =	simm.s32 $0x0;
	s20 =	sshll.u32 s4, $0x1;
	s4 =	sadd.s32 s21, s2  }
0x9d: {  	[timem:s6], [sflag:s22] =	dma.local [hbm:s4], s20  }
0x9e: {  	_ =	swait.ge [sflag:s22], s20  }
0x9f: {  	s3 =	ssub.s32 $0x0, s20;
	[sflag:s22] =	ssyncset.done $0x0  }
0xa0: {  	[sflag:s22] =	ssyncadd.s32 s3;
	_ =	sdelay $0x1  }
0xa1: {  	s23 =	simm.s32 $0x1B8B  }
0xa2: {  	_ =	swait.ge [sflag:s23], $0x1  }
0xa3: {  	[sflag:s23] =	ssyncset.done $0x0  }
0xa4: {  	s25 =	simm.s32 $0x1B8E;
	s24 =	sld [smem:$0x3FFE];
	[sflag:s23] =	ssyncadd.s32 $0xFFFFFFFF  }
0xa5: {  	s26 =	simm.s32 $execute0_lowered;
	[smem:$0x3FD2] =	sst s25  }
0xa6: {  	s4 =	sshll.u32 s26, $0x1;
	_ =	strace $0x80000049;
	[dreg:$0x1] =	wrdreg $0xFFFFFFFF  }
0xa7: {  	s28 =	simm.s32 $_size_execute0_lowered;
	s2 =	sadd.s32 s2, s4;
	[dreg:$0x0] =	wrdreg $0x0  }
0xa8: {  	s4 =	sshll.u32 s28, $0x1;
	[dreg:$0x2] =	wrdreg s2  }
0xa9: {  	[dreg:$0x3] =	wrdreg s4  }
0xaa: {  	[dreg:$0x4] =	wrdreg $0xC0  }
0xab: {  	_ =	task [dreg:s6], $0x5FFFF  }
0xac: {  	[dreg:$0x1] =	wrdreg $0xFFFFFFFF  }
0xad: {  	[dreg:$0x0] =	wrdreg $0x60  }
0xae: {  	[dreg:$0x2] =	wrdreg s24  }
0xaf: {  	[dreg:$0x3] =	wrdreg $0x150000  }
0xb0: {  	[dreg:$0x4] =	wrdreg $0x9  }
0xb1: {  	_ =	task.clear_ibuf [dreg:s6], $0x5FFFF;
	_ =	strace $0x90000049  }
0xb2: {  	s29 =	simm.s32 $0x9;
	_ =	strace $0x8000004B  }
0xb3: {  	_ =	swait.ge [sflag:s29], $0x1  }
0xb4: {  	[sflag:s29] =	ssyncadd.s32 $0xFFFFFFFF  }
0xb5: {  	_ =	strace $0x9000004B  }
0xb6: {  	_ =	sfence  }
0xb7: {  	s30 =	sld [smem:$0x0];
	_ =	sdelay $0x2  }
0xb8: {  	s31 =	sshll.u32 s1, $0xD;
	s1 =	sshrl.u32 s1, $0x2  }
0xb9: {  	s3 =	sand.u32 $0x4000, s31;
	s1 =	sadd.s32 s1, s30  }
0xba: {  	s0 =	sor.u32 s3, s0;
	s1 =	sshll.u32 s1, $0x11  }
0xbb: {  	s0 =	sor.u32 s1, s0  }
0xbc: {  	s0 =	sadd.s32 $0x8F2B, s0  }
0xbd: {  	[sflag:s0] =	ssyncadd.remote.s32 $0x1  }
0xbe: {  	_ =	sfence.sel $0xFFFF  }
0xbf: {  	[dreg:$0x0] =	wrdreg $0xFFFFFFFF;
	(pc) =	sbr.abs _section_cstart, $3  }
0xc0: {  	[dreg:$0x1] =	wrdreg $0xFFFFFFFF  }
0xc1: {  	_ =	task.clear_ibuf [dreg:s6], $0x2FFFF;
	_ =	strace $0x9FFFFFFF  }
0xc2: {  	(tm) =	ssettm $0x7FFFFFFF  }
0xc3: {  	_ =	shalt  }
tec
execute0_lowered:
.L_overlay_start_1:
0x0: {  	(tag) =	ssettag $0x1  }
0x1: {  	s0 =	srdreg.scid;
	s3 =	rddreg [dreg:$0x0]  }
0x2: {  	s9 =	stileid.u32;
	s2 =	rddreg [dreg:$0x1];
	s4 =	simm.s32 $0x0  }
0x3: {  	s13 =	simm.s32 $0x11;
	s16 =	simm.s32 $0x80;
	s17 =	simm.s32 $0x5000  }
0x4: {  	s18 =	simm.s32 $0x7000;
	s28 =	simm.s32 $0x3;
	s29 =	simm.s32 $0x11000  }
0x5: {  	s30 =	simm.s32 $0x4;
	s31 =	simm.s32 $0x13000;
	s12 =	simm.s32 $0x8  }
0x6: {  	s0 =	sand.u32 $0x1, s0;
	s1 =	sshll.u32 s9, $0x1;
	s5 =	smul.u32 $0xA000, s9  }
0x7: {  	[smem:$0x7FF] =	sst s4;
	s7 =	smul.u32 $0x14000, s9;
	s4 =	sadd.s32 $0x2B600, s3  }
0x8: {  	s26 =	sshll.u32 s9, $0x6;
	s9 =	simm.s32 $0xC;
	s1 =	sor.u32 s0, s1  }
0x9: {  	s6 =	smul.u32 $0x140000, s0;
	_ =	strace $0x8000004A;
	s0 =	ssub.s32 $0x2, s0  }
0xa: {  	s14 =	sor.u32 $0x1C11, s26;
	s26 =	simm.s32 $0xF000;
	s1 =	smul.u32 $0x2800, s1  }
0xb: {  	s8 =	sshrl.u32 s5, $0x3;
	s20 =	sshrl.u32 s0, $0x1;
	s5 =	sadd.s32 s5, s2  }
0xc: {  	s6 =	sadd.s32 s7, s6;
	s19 =	sadd.s32 s8, s3;
	s0 =	ssub.s32 s0, s20  }
0xd: {  	s15 =	sshrl.u32 s5, $0x3;
	s20 =	simm.s32 $0x9000;
	s8 =	simm.s32 $0xB  }
0xe: {  	s1 =	sshrl.u32 s1, $0x3;
	s6 =	sshrl.u32 s6, $0x3;
	s23 =	sadd.s32 $0x53600, s19  }
0xf: {  	s0 =	smax.u32 s0, $0x1;
	s1 =	sadd.s32 s1, s3;
	[dreg:$0x5] =	wrdreg s23  }
0x10: {  	s3 =	sadd.s32 s6, s3;
	[dreg:$0x9] =	wrdreg s0;
	s21 =	sadd.s32 $0x2A00, s1  }
0x11: {  	s23 =	simm.s32 $0x1;
	s22 =	sadd.s32 $0x17600, s1;
	[dreg:$0x3] =	wrdreg s21  }
.Ltmp0:
0x12: {  	s24 =	sadd.s32 $0x67600, s3;
	[dreg:$0x4] =	wrdreg s22;
	(pc) =	sbr.rel .LBB2_1-.Ltmp0, $4  }
0x13: {  	s0 =	simm.s32 $0x7;
	s1 =	sadd.s32 $0x21600, s1;
	[dreg:$0x6] =	wrdreg s24  }
0x14: {  	s25 =	sadd.s32 $0x67608, s3;
	s3 =	simm.s32 $0x0;
	[dreg:$0x7] =	wrdreg s1  }
0x15: {  	[dreg:$0x8] =	wrdreg s25;
	s22 =	simm.s32 $0xB000;
	s24 =	simm.s32 $0xD000  }
0x16: {  	s25 =	simm.s32 $0x2;
	s1 =	simm.s32 $0x5;
	s21 =	simm.s32 $0x10  }
.LBB2_7:
0x17: {  	_ =	swait.ge [sflag:s12], $0x2000  }
0x18: {  	[sflag:s12] =	ssyncset.done $0x0  }
0x19: {  	s5 =	simm.s32 $0x9;
	[sflag:s12] =	ssyncadd.s32 $0xFFFFE000  }
0x1a: {  	[spmem:s2] =	stream.indirect.scatter.add.f32 [tilespmem:s31], [sflag:$0x10], $0x40, s6, s16, $0xb8;
	[tilespmem:$0x1F000] =	vst v63  }
0x1b: {  	_ =	swait.ge [sflag:s5], $0x2000  }
0x1c: {  	[sflag:s5] =	ssyncset.done $0x0  }
0x1d: {  	s19 =	simm.s32 $0xA;
	[sflag:s5] =	ssyncadd.s32 $0xFFFFE000  }
0x1e: {  	_ =	swait.ge [sflag:s19], $0x2000  }
0x1f: {  	[sflag:s19] =	ssyncset.done $0x0  }
0x20: {  	[sflag:s19] =	ssyncadd.s32 $0xFFFFE000  }
0x21: {  	_ =	swait.ge [sflag:s8], $0x2000  }
0x22: {  	[sflag:s8] =	ssyncset.done $0x0  }
0x23: {  	[sflag:s8] =	ssyncadd.s32 $0xFFFFE000  }
0x24: {  	_ =	swait.ge [sflag:s9], $0x2000  }
0x25: {  	[sflag:s9] =	ssyncset.done $0x0  }
0x26: {  	s6 =	simm.s32 $0xD;
	[sflag:s9] =	ssyncadd.s32 $0xFFFFE000  }
0x27: {  	_ =	swait.ge [sflag:s6], $0x2000  }
0x28: {  	[sflag:s6] =	ssyncset.done $0x0  }
0x29: {  	s7 =	simm.s32 $0xE;
	[sflag:s6] =	ssyncadd.s32 $0xFFFFE000  }
0x2a: {  	_ =	swait.ge [sflag:s7], $0x2000  }
0x2b: {  	[sflag:s7] =	ssyncset.done $0x0  }
0x2c: {  	s10 =	simm.s32 $0xF;
	[sflag:s7] =	ssyncadd.s32 $0xFFFFE000  }
0x2d: {  	_ =	swait.ge [sflag:s10], $0x2000  }
0x2e: {  	[sflag:s10] =	ssyncset.done $0x0  }
0x2f: {  	[sflag:s10] =	ssyncadd.s32 $0xFFFFE000  }
0x30: {  	_ =	swait.ge [sflag:s21], $0x2000  }
0x31: {  	[sflag:s21] =	ssyncset.done $0x0  }
0x32: {  	[sflag:s21] =	ssyncadd.s32 $0xFFFFE000  }
0x33: {  	[bflag:$0x0] =	sbarrier.arrive $0xFFFF  }
0x34: {  	s11 =	rddreg [dreg:$0x8]  }
0x35: {  	[hbm:s11@s21], [sflag:s14] =	dma.strided [spmem:s15@s12], $0x1400, s23, $0x8   }
0x36: {  	_ =	swait.ge [sflag:s13], $0x1400  }
0x37: {  	s3 =	sadd.s32 $0x1, s3;
	s19 =	rddreg [dreg:$0x9]  }
0x38: {  	p0 =	sne.s32 s3, s19  }
.Ltmp1:
0x39: {  	_ = 	snop;
	(pc) =	sbr.rel @!p0 .LBB2_8-.Ltmp1, $3  }
0x3a: {  	_ =	sdelay $0x1  }
0x3b: {  	[sflag:s13] =	ssyncset.done $0x0  }
0x3c: {  	[sflag:s13] =	ssyncadd.s32 $0xFFFFEC00  }
.LBB2_1:
0x3d: {  	s5 =	simm.s32 $0x0;
	s6 =	rddreg [dreg:$0x3];
	s7 =	simm.s32 $0x2800  }
0x3e: {  	[tilespmem:s7], [sflag:$0x11] =	stream.linear.gather [hbm4b:s6+s5], $0x2800, $0x38;
	[tilespmem:$0x1F000] =	vst v63  }
0x3f: {  	_ =	swait.ge [sflag:s13], $0x2800  }
0x40: {  	[sflag:s13] =	ssyncset.done $0x0  }
0x41: {  	s7 =	rddreg [dreg:$0x4];
	[sflag:s13] =	ssyncadd.s32 $0xFFFFD800  }
0x42: {  	[tilespmem:s5], [sflag:$0x11] =	stream.linear.gather [hbm4b:s7+s5], $0x2800, $0x38;
	[tilespmem:$0x1F000] =	vst v63  }
0x43: {  	_ =	swait.ge [sflag:s13], $0x2800  }
0x44: {  	[sflag:s13] =	ssyncset.done $0x0  }
0x45: {  	s10 =	rddreg [dreg:$0x5];
	[sflag:s13] =	ssyncadd.s32 $0xFFFFD800  }
0x46: {  	[spmem:s15], [sflag:s14] =	dma.local [hbm:s10], $0x1400  }
0x47: {  	_ =	swait.ge [sflag:s13], $0x1400  }
0x48: {  	[sflag:s13] =	ssyncset.done $0x0  }
0x49: {  	[sflag:s13] =	ssyncadd.s32 $0xFFFFEC00  }
0x4a: {  	[bflag:$0x0] =	sbarrier.arrive $0xFFFF  }
0x4b: {  	[tilespmem:s17], [sflag:$0x1] =	stream.indirect.gather [hbm4b:s4+s16], $0x40, s5, s16, $0xb8;
	[tilespmem:$0x1F000] =	vst v63  }
0x4c: {  	_ = 	snop  }
0x4d: {  	[tilespmem:s18], [sflag:$0x2] =	stream.indirect.gather [hbm4b:s4+s16], $0x40, s16, s16, $0xb8;
	[tilespmem:$0x1F000] =	vst v63  }
0x4e: {  	s11 =	simm.s32 $0x100  }
0x4f: {  	[tilespmem:s20], [sflag:$0x3] =	stream.indirect.gather [hbm4b:s4+s16], $0x40, s11, s16, $0xb8;
	[tilespmem:$0x1F000] =	vst v63  }
0x50: {  	s19 =	simm.s32 $0x180;
	s7 =	simm.s32 $0x0  }
0x51: {  	[tilespmem:s22], [sflag:$0x4] =	stream.indirect.gather [hbm4b:s4+s16], $0x40, s19, s16, $0xb8;
	[tilespmem:$0x1F000] =	vst v63  }
.LBB2_2:
0x52: {  	_ =	swait.ge [sflag:s23], $0x2000  }
0x53: {  	s5 =	sshra.s32 s7, $0x2;
	[sflag:s23] =	ssyncset.done $0x0  }
0x54: {  	p0 =	seq.s32 s7, $0x0;
	s6 =	sadd.s32 $0x2800, s5;
	[sflag:s23] =	ssyncadd.s32 $0xFFFFE000  }
0x55: {  	[spmem:s2] =	stream.indirect.scatter.add.f32 [tilespmem:s17], [sflag:$0x9], $0x40, s6, s16, $0xb8;
	[tilespmem:$0x1F000] =	vst v63  }
0x56: {  	s6 =	simm.s32 @!p0 $0xD  }
0x57: {  	_ =	swait.ge @!p0 [sflag:s6], $0x2000  }
0x58: {  	[sflag:s6] =	ssyncset.done @!p0 $0x0  }
0x59: {  	s10 =	sadd.s32 $0x200, s5;
	[sflag:s6] =	ssyncadd.s32 @!p0 $0xFFFFE000  }
0x5a: {  	[tilespmem:s24], [sflag:$0x5] =	stream.indirect.gather [hbm4b:s4+s16], $0x40, s10, s16, $0xb8;
	[tilespmem:$0x1F000] =	vst v63  }
0x5b: {  	_ =	swait.ge [sflag:s25], $0x2000  }
0x5c: {  	[sflag:s25] =	ssyncset.done $0x0  }
0x5d: {  	s11 =	sadd.s32 $0x2880, s5;
	s6 =	simm.s32 @!p0 $0xE;
	[sflag:s25] =	ssyncadd.s32 $0xFFFFE000  }
0x5e: {  	[spmem:s2] =	stream.indirect.scatter.add.f32 [tilespmem:s18], [sflag:$0xA], $0x40, s11, s16, $0xb8;
	[tilespmem:$0x1F000] =	vst v63  }
0x5f: {  	_ =	swait.ge @!p0 [sflag:s6], $0x2000  }
0x60: {  	[sflag:s6] =	ssyncset.done @!p0 $0x0  }
0x61: {  	s19 =	sadd.s32 $0x280, s5;
	[sflag:s6] =	ssyncadd.s32 @!p0 $0xFFFFE000  }
0x62: {  	[tilespmem:s26], [sflag:$0x6] =	stream.indirect.gather [hbm4b:s4+s16], $0x40, s19, s16, $0xb8;
	[tilespmem:$0x1F000] =	vst v63  }
0x63: {  	_ =	swait.ge [sflag:s28], $0x2000  }
0x64: {  	[sflag:s28] =	ssyncset.done $0x0  }
0x65: {  	s10 =	sadd.s32 $0x2900, s5;
	s6 =	simm.s32 @!p0 $0xF;
	[sflag:s28] =	ssyncadd.s32 $0xFFFFE000  }
0x66: {  	[spmem:s2] =	stream.indirect.scatter.add.f32 [tilespmem:s20], [sflag:$0xB], $0x40, s10, s16, $0xb8;
	[tilespmem:$0x1F000] =	vst v63  }
0x67: {  	_ =	swait.ge @!p0 [sflag:s6], $0x2000  }
0x68: {  	[sflag:s6] =	ssyncset.done @!p0 $0x0  }
0x69: {  	s11 =	sadd.s32 $0x300, s5;
	[sflag:s6] =	ssyncadd.s32 @!p0 $0xFFFFE000  }
0x6a: {  	[tilespmem:s29], [sflag:$0x7] =	stream.indirect.gather [hbm4b:s4+s16], $0x40, s11, s16, $0xb8;
	[tilespmem:$0x1F000] =	vst v63  }
0x6b: {  	_ =	swait.ge [sflag:s30], $0x2000  }
0x6c: {  	[sflag:s30] =	ssyncset.done $0x0  }
0x6d: {  	s19 =	sadd.s32 $0x2980, s5;
	s6 =	simm.s32 @!p0 $0x10;
	[sflag:s30] =	ssyncadd.s32 $0xFFFFE000  }
0x6e: {  	[spmem:s2] =	stream.indirect.scatter.add.f32 [tilespmem:s22], [sflag:$0xC], $0x40, s19, s16, $0xb8;
	[tilespmem:$0x1F000] =	vst v63  }
0x6f: {  	_ =	swait.ge @!p0 [sflag:s6], $0x2000  }
0x70: {  	[sflag:s6] =	ssyncset.done @!p0 $0x0  }
0x71: {  	s10 =	sadd.s32 $0x380, s5;
	[sflag:s6] =	ssyncadd.s32 @!p0 $0xFFFFE000  }
0x72: {  	[tilespmem:s31], [sflag:$0x8] =	stream.indirect.gather [hbm4b:s4+s16], $0x40, s10, s16, $0xb8;
	[tilespmem:$0x1F000] =	vst v63  }
0x73: {  	_ =	swait.ge [sflag:s1], $0x2000  }
0x74: {  	p0 =	seq.s32 s7, $0x9000;
	[sflag:s1] =	ssyncset.done $0x0  }
0x75: {  	s11 =	sadd.s32 $0x2A00, s5;
	s6 =	simm.s32 @p0 $0x6;
	[sflag:s1] =	ssyncadd.s32 $0xFFFFE000  }
0x76: {  	[spmem:s2] =	stream.indirect.scatter.add.f32 [tilespmem:s24], [sflag:$0xD], $0x40, s11, s16, $0xb8;
	[tilespmem:$0x1F000] =	vst v63  }
0x77: {  	_ =	swait.ge @p0 [sflag:s6], $0x2000  }
0x78: {  	[sflag:s6] =	ssyncset.done @p0 $0x0  }
0x79: {  	[sflag:s6] =	ssyncadd.s32 @p0 $0xFFFFE000;
	s6 =	sshra.s32 @p0 s7, $0x2  }
0x7a: {  	s10 =	simm.s32 @p0 $0x80;
	s11 =	simm.s32 @p0 $0xF000;
	s6 =	sadd.s32 @p0 $0x2A80, s6  }
0x7b: {  	[spmem:s2] =	stream.indirect.scatter.add.f32 @p0 [tilespmem:s11], [sflag:$0xE], $0x40, s6, s10, $0xb8;
	[tilespmem:$0x1F000] =	vst v63  }
0x7c: {  	s6 =	simm.s32 @!p0 $0x9  }
0x7d: {  	_ =	swait.ge @!p0 [sflag:s6], $0x2000  }
0x7e: {  	[sflag:s6] =	ssyncset.done @!p0 $0x0  }
0x7f: {  	[sflag:s6] =	ssyncadd.s32 @!p0 $0xFFFFE000;
	s6 =	sshra.s32 @!p0 s7, $0x2  }
0x80: {  	s19 =	simm.s32 @!p0 $0x5000;
	s11 =	simm.s32 @!p0 $0x80;
	s10 =	sadd.s32 @!p0 $0x400, s6  }
0x81: {  	[tilespmem:s19], [sflag:$0x1] =	stream.indirect.gather @!p0 [hbm4b:s4+s11], $0x40, s10, s11, $0xb8;
	[tilespmem:$0x1F000] =	vst v63  }
0x82: {  	s10 =	simm.s32 @!p0 $0x6  }
0x83: {  	_ =	swait.ge @!p0 [sflag:s10], $0x2000  }
0x84: {  	[sflag:s10] =	ssyncset.done @!p0 $0x0  }
0x85: {  	s19 =	simm.s32 @!p0 $0xF000;
	[sflag:s10] =	ssyncadd.s32 @!p0 $0xFFFFE000;
	s10 =	sadd.s32 @!p0 $0x2A80, s6  }
0x86: {  	[spmem:s2] =	stream.indirect.scatter.add.f32 @!p0 [tilespmem:s19], [sflag:$0xE], $0x40, s10, s11, $0xb8;
	[tilespmem:$0x1F000] =	vst v63  }
0x87: {  	s10 =	simm.s32 @!p0 $0xA  }
0x88: {  	_ =	swait.ge @!p0 [sflag:s10], $0x2000  }
0x89: {  	[sflag:s10] =	ssyncset.done @!p0 $0x0  }
0x8a: {  	s6 =	sadd.s32 @!p0 $0x480, s6;
	[sflag:s10] =	ssyncadd.s32 @!p0 $0xFFFFE000;
	s10 =	simm.s32 @!p0 $0x7000  }
0x8b: {  	[tilespmem:s10], [sflag:$0x2] =	stream.indirect.gather @!p0 [hbm4b:s4+s11], $0x40, s6, s11, $0xb8;
	[tilespmem:$0x1F000] =	vst v63  }
.Ltmp2:
0x8c: {  	_ = 	snop;
	(pc) =	sbr.rel @p0 .LBB2_4-.Ltmp2, $4  }
0x8d: {  	_ =	swait.ge [sflag:s0], $0x2000  }
0x8e: {  	[sflag:s0] =	ssyncset.done $0x0  }
0x8f: {  	s19 =	sadd.s32 $0x2B00, s5;
	s6 =	sadd.s32 $0x2B80, s5;
	[sflag:s0] =	ssyncadd.s32 $0xFFFFE000  }
0x90: {  	[spmem:s2] =	stream.indirect.scatter.add.f32 [tilespmem:s29], [sflag:$0xF], $0x40, s19, s16, $0xb8;
	[tilespmem:$0x1F000] =	vst v63  }
0x91: {  	_ =	swait.ge [sflag:s8], $0x2000  }
0x92: {  	[sflag:s8] =	ssyncset.done $0x0  }
0x93: {  	s10 =	sadd.s32 $0x500, s5;
	[sflag:s8] =	ssyncadd.s32 $0xFFFFE000  }
0x94: {  	[tilespmem:s20], [sflag:$0x3] =	stream.indirect.gather [hbm4b:s4+s16], $0x40, s10, s16, $0xb8;
	[tilespmem:$0x1F000] =	vst v63  }
0x95: {  	_ =	swait.ge [sflag:s12], $0x2000  }
0x96: {  	[sflag:s12] =	ssyncset.done $0x0  }
0x97: {  	[sflag:s12] =	ssyncadd.s32 $0xFFFFE000  }
0x98: {  	[spmem:s2] =	stream.indirect.scatter.add.f32 [tilespmem:s31], [sflag:$0x10], $0x40, s6, s16, $0xb8;
	[tilespmem:$0x1F000] =	vst v63  }
.Ltmp3:
0x99: {  	_ = 	snop;
	(pc) =	sbr.rel .LBB2_2-.Ltmp3, $4  }
0x9a: {  	_ =	swait.ge [sflag:s9], $0x2000  }
0x9b: {  	[sflag:s9] =	ssyncset.done $0x0  }
0x9c: {  	s19 =	sadd.s32 $0x580, s5;
	s7 =	sadd.s32 $0x1000, s7;
	[sflag:s9] =	ssyncadd.s32 $0xFFFFE000  }
0x9d: {  	[tilespmem:s22], [sflag:$0x4] =	stream.indirect.gather [hbm4b:s4+s16], $0x40, s19, s16, $0xb8;
	[tilespmem:$0x1F000] =	vst v63  }
.LBB2_4:
0x9e: {  	_ =	swait.ge [sflag:s12], $0x2000  }
0x9f: {  	[sflag:s12] =	ssyncset.done $0x0  }
0xa0: {  	s5 =	simm.s32 $0x9;
	[sflag:s12] =	ssyncadd.s32 $0xFFFFE000  }
0xa1: {  	[spmem:s2] =	stream.indirect.scatter.add.f32 [tilespmem:s31], [sflag:$0x10], $0x40, s6, s16, $0xb8;
	[tilespmem:$0x1F000] =	vst v63  }
0xa2: {  	_ =	swait.ge [sflag:s5], $0x2000  }
0xa3: {  	[sflag:s5] =	ssyncset.done $0x0  }
0xa4: {  	s6 =	simm.s32 $0xA;
	[sflag:s5] =	ssyncadd.s32 $0xFFFFE000  }
0xa5: {  	_ =	swait.ge [sflag:s6], $0x2000  }
0xa6: {  	[sflag:s6] =	ssyncset.done $0x0  }
0xa7: {  	[sflag:s6] =	ssyncadd.s32 $0xFFFFE000  }
0xa8: {  	_ =	swait.ge [sflag:s8], $0x2000  }
0xa9: {  	[sflag:s8] =	ssyncset.done $0x0  }
0xaa: {  	[sflag:s8] =	ssyncadd.s32 $0xFFFFE000  }
0xab: {  	_ =	swait.ge [sflag:s9], $0x2000  }
0xac: {  	[sflag:s9] =	ssyncset.done $0x0  }
0xad: {  	s7 =	simm.s32 $0xD;
	[sflag:s9] =	ssyncadd.s32 $0xFFFFE000  }
0xae: {  	_ =	swait.ge [sflag:s7], $0x2000  }
0xaf: {  	[sflag:s7] =	ssyncset.done $0x0  }
0xb0: {  	s10 =	simm.s32 $0xE;
	[sflag:s7] =	ssyncadd.s32 $0xFFFFE000  }
0xb1: {  	_ =	swait.ge [sflag:s10], $0x2000  }
0xb2: {  	[sflag:s10] =	ssyncset.done $0x0  }
0xb3: {  	s11 =	simm.s32 $0xF;
	[sflag:s10] =	ssyncadd.s32 $0xFFFFE000  }
0xb4: {  	_ =	swait.ge [sflag:s11], $0x2000  }
0xb5: {  	[sflag:s11] =	ssyncset.done $0x0  }
0xb6: {  	[sflag:s11] =	ssyncadd.s32 $0xFFFFE000  }
0xb7: {  	_ =	swait.ge [sflag:s21], $0x2000  }
0xb8: {  	[sflag:s21] =	ssyncset.done $0x0  }
0xb9: {  	[sflag:s21] =	ssyncadd.s32 $0xFFFFE000  }
0xba: {  	[bflag:$0x0] =	sbarrier.arrive $0xFFFF  }
0xbb: {  	s19 =	rddreg [dreg:$0x6]  }
0xbc: {  	[hbm:s19@s21], [sflag:s14] =	dma.strided [spmem:s15@s12], $0x1400, s23, $0x8   }
0xbd: {  	_ =	swait.ge [sflag:s13], $0x1400  }
0xbe: {  	[sflag:s13] =	ssyncset.done $0x0  }
0xbf: {  	s7 =	simm.s32 $0x0;
	s6 =	rddreg [dreg:$0x7];
	[sflag:s13] =	ssyncadd.s32 $0xFFFFEC00  }
0xc0: {  	[tilespmem:s7], [sflag:$0x11] =	stream.linear.gather [hbm4b:s6+s7], $0x2800, $0x38;
	[tilespmem:$0x1F000] =	vst v63  }
0xc1: {  	_ =	swait.ge [sflag:s13], $0x2800  }
0xc2: {  	[sflag:s13] =	ssyncset.done $0x0  }
0xc3: {  	s10 =	rddreg [dreg:$0x5];
	[sflag:s13] =	ssyncadd.s32 $0xFFFFD800  }
0xc4: {  	[spmem:s15], [sflag:s14] =	dma.local [hbm:s10], $0x1400  }
0xc5: {  	_ =	swait.ge [sflag:s13], $0x1400  }
0xc6: {  	[sflag:s13] =	ssyncset.done $0x0  }
0xc7: {  	[sflag:s13] =	ssyncadd.s32 $0xFFFFEC00  }
0xc8: {  	[bflag:$0x0] =	sbarrier.arrive $0xFFFF  }
0xc9: {  	[tilespmem:s17], [sflag:$0x1] =	stream.indirect.gather [hbm4b:s4+s16], $0x40, s7, s16, $0xb8;
	[tilespmem:$0x1F000] =	vst v63  }
0xca: {  	_ = 	snop  }
0xcb: {  	[tilespmem:s18], [sflag:$0x2] =	stream.indirect.gather [hbm4b:s4+s16], $0x40, s16, s16, $0xb8;
	[tilespmem:$0x1F000] =	vst v63  }
0xcc: {  	s11 =	simm.s32 $0x100  }
0xcd: {  	[tilespmem:s20], [sflag:$0x3] =	stream.indirect.gather [hbm4b:s4+s16], $0x40, s11, s16, $0xb8;
	[tilespmem:$0x1F000] =	vst v63  }
0xce: {  	s19 =	simm.s32 $0x180  }
0xcf: {  	[tilespmem:s22], [sflag:$0x4] =	stream.indirect.gather [hbm4b:s4+s16], $0x40, s19, s16, $0xb8;
	[tilespmem:$0x1F000] =	vst v63  }
.LBB2_5:
0xd0: {  	_ =	swait.ge [sflag:s23], $0x2000  }
0xd1: {  	s5 =	sshra.s32 s7, $0x2;
	[sflag:s23] =	ssyncset.done $0x0  }
0xd2: {  	p0 =	seq.s32 s7, $0x0;
	s6 =	sadd.s32 $0x2800, s5;
	[sflag:s23] =	ssyncadd.s32 $0xFFFFE000  }
0xd3: {  	[spmem:s2] =	stream.indirect.scatter.add.f32 [tilespmem:s17], [sflag:$0x9], $0x40, s6, s16, $0xb8;
	[tilespmem:$0x1F000] =	vst v63  }
0xd4: {  	s6 =	simm.s32 @!p0 $0xD  }
0xd5: {  	_ =	swait.ge @!p0 [sflag:s6], $0x2000  }
0xd6: {  	[sflag:s6] =	ssyncset.done @!p0 $0x0  }
0xd7: {  	s10 =	sadd.s32 $0x200, s5;
	[sflag:s6] =	ssyncadd.s32 @!p0 $0xFFFFE000  }
0xd8: {  	[tilespmem:s24], [sflag:$0x5] =	stream.indirect.gather [hbm4b:s4+s16], $0x40, s10, s16, $0xb8;
	[tilespmem:$0x1F000] =	vst v63  }
0xd9: {  	_ =	swait.ge [sflag:s25], $0x2000  }
0xda: {  	[sflag:s25] =	ssyncset.done $0x0  }
0xdb: {  	s11 =	sadd.s32 $0x2880, s5;
	s6 =	simm.s32 @!p0 $0xE;
	[sflag:s25] =	ssyncadd.s32 $0xFFFFE000  }
0xdc: {  	[spmem:s2] =	stream.indirect.scatter.add.f32 [tilespmem:s18], [sflag:$0xA], $0x40, s11, s16, $0xb8;
	[tilespmem:$0x1F000] =	vst v63  }
0xdd: {  	_ =	swait.ge @!p0 [sflag:s6], $0x2000  }
0xde: {  	[sflag:s6] =	ssyncset.done @!p0 $0x0  }
0xdf: {  	s19 =	sadd.s32 $0x280, s5;
	[sflag:s6] =	ssyncadd.s32 @!p0 $0xFFFFE000  }
0xe0: {  	[tilespmem:s26], [sflag:$0x6] =	stream.indirect.gather [hbm4b:s4+s16], $0x40, s19, s16, $0xb8;
	[tilespmem:$0x1F000] =	vst v63  }
0xe1: {  	_ =	swait.ge [sflag:s28], $0x2000  }
0xe2: {  	[sflag:s28] =	ssyncset.done $0x0  }
0xe3: {  	s10 =	sadd.s32 $0x2900, s5;
	s6 =	simm.s32 @!p0 $0xF;
	[sflag:s28] =	ssyncadd.s32 $0xFFFFE000  }
0xe4: {  	[spmem:s2] =	stream.indirect.scatter.add.f32 [tilespmem:s20], [sflag:$0xB], $0x40, s10, s16, $0xb8;
	[tilespmem:$0x1F000] =	vst v63  }
0xe5: {  	_ =	swait.ge @!p0 [sflag:s6], $0x2000  }
0xe6: {  	[sflag:s6] =	ssyncset.done @!p0 $0x0  }
0xe7: {  	s11 =	sadd.s32 $0x300, s5;
	[sflag:s6] =	ssyncadd.s32 @!p0 $0xFFFFE000  }
0xe8: {  	[tilespmem:s29], [sflag:$0x7] =	stream.indirect.gather [hbm4b:s4+s16], $0x40, s11, s16, $0xb8;
	[tilespmem:$0x1F000] =	vst v63  }
0xe9: {  	_ =	swait.ge [sflag:s30], $0x2000  }
0xea: {  	[sflag:s30] =	ssyncset.done $0x0  }
0xeb: {  	s19 =	sadd.s32 $0x2980, s5;
	s6 =	simm.s32 @!p0 $0x10;
	[sflag:s30] =	ssyncadd.s32 $0xFFFFE000  }
0xec: {  	[spmem:s2] =	stream.indirect.scatter.add.f32 [tilespmem:s22], [sflag:$0xC], $0x40, s19, s16, $0xb8;
	[tilespmem:$0x1F000] =	vst v63  }
0xed: {  	_ =	swait.ge @!p0 [sflag:s6], $0x2000  }
0xee: {  	[sflag:s6] =	ssyncset.done @!p0 $0x0  }
0xef: {  	s10 =	sadd.s32 $0x380, s5;
	[sflag:s6] =	ssyncadd.s32 @!p0 $0xFFFFE000  }
0xf0: {  	[tilespmem:s31], [sflag:$0x8] =	stream.indirect.gather [hbm4b:s4+s16], $0x40, s10, s16, $0xb8;
	[tilespmem:$0x1F000] =	vst v63  }
0xf1: {  	_ =	swait.ge [sflag:s1], $0x2000  }
0xf2: {  	p0 =	seq.s32 s7, $0x9000;
	[sflag:s1] =	ssyncset.done $0x0  }
0xf3: {  	s11 =	sadd.s32 $0x2A00, s5;
	s6 =	simm.s32 @p0 $0x6;
	[sflag:s1] =	ssyncadd.s32 $0xFFFFE000  }
0xf4: {  	[spmem:s2] =	stream.indirect.scatter.add.f32 [tilespmem:s24], [sflag:$0xD], $0x40, s11, s16, $0xb8;
	[tilespmem:$0x1F000] =	vst v63  }
0xf5: {  	_ =	swait.ge @p0 [sflag:s6], $0x2000  }
0xf6: {  	[sflag:s6] =	ssyncset.done @p0 $0x0  }
0xf7: {  	[sflag:s6] =	ssyncadd.s32 @p0 $0xFFFFE000;
	s6 =	sshra.s32 @p0 s7, $0x2  }
0xf8: {  	s10 =	simm.s32 @p0 $0x80;
	s11 =	simm.s32 @p0 $0xF000;
	s6 =	sadd.s32 @p0 $0x2A80, s6  }
0xf9: {  	[spmem:s2] =	stream.indirect.scatter.add.f32 @p0 [tilespmem:s11], [sflag:$0xE], $0x40, s6, s10, $0xb8;
	[tilespmem:$0x1F000] =	vst v63  }
0xfa: {  	s6 =	simm.s32 @!p0 $0x9  }
0xfb: {  	_ =	swait.ge @!p0 [sflag:s6], $0x2000  }
0xfc: {  	[sflag:s6] =	ssyncset.done @!p0 $0x0  }
0xfd: {  	[sflag:s6] =	ssyncadd.s32 @!p0 $0xFFFFE000;
	s6 =	sshra.s32 @!p0 s7, $0x2  }
0xfe: {  	s19 =	simm.s32 @!p0 $0x5000;
	s11 =	simm.s32 @!p0 $0x80;
	s10 =	sadd.s32 @!p0 $0x400, s6  }
0xff: {  	[tilespmem:s19], [sflag:$0x1] =	stream.indirect.gather @!p0 [hbm4b:s4+s11], $0x40, s10, s11, $0xb8;
	[tilespmem:$0x1F000] =	vst v63  }
0x100: {  	s10 =	simm.s32 @!p0 $0x6  }
0x101: {  	_ =	swait.ge @!p0 [sflag:s10], $0x2000  }
0x102: {  	[sflag:s10] =	ssyncset.done @!p0 $0x0  }
0x103: {  	s19 =	simm.s32 @!p0 $0xF000;
	[sflag:s10] =	ssyncadd.s32 @!p0 $0xFFFFE000;
	s10 =	sadd.s32 @!p0 $0x2A80, s6  }
0x104: {  	[spmem:s2] =	stream.indirect.scatter.add.f32 @!p0 [tilespmem:s19], [sflag:$0xE], $0x40, s10, s11, $0xb8;
	[tilespmem:$0x1F000] =	vst v63  }
0x105: {  	s10 =	simm.s32 @!p0 $0xA  }
0x106: {  	_ =	swait.ge @!p0 [sflag:s10], $0x2000  }
0x107: {  	[sflag:s10] =	ssyncset.done @!p0 $0x0  }
0x108: {  	s6 =	sadd.s32 @!p0 $0x480, s6;
	[sflag:s10] =	ssyncadd.s32 @!p0 $0xFFFFE000;
	s10 =	simm.s32 @!p0 $0x7000  }
0x109: {  	[tilespmem:s10], [sflag:$0x2] =	stream.indirect.gather @!p0 [hbm4b:s4+s11], $0x40, s6, s11, $0xb8;
	[tilespmem:$0x1F000] =	vst v63  }
.Ltmp4:
0x10a: {  	_ = 	snop;
	(pc) =	sbr.rel @p0 .LBB2_7-.Ltmp4, $4  }
0x10b: {  	_ =	swait.ge [sflag:s0], $0x2000  }
0x10c: {  	[sflag:s0] =	ssyncset.done $0x0  }
0x10d: {  	s19 =	sadd.s32 $0x2B00, s5;
	s6 =	sadd.s32 $0x2B80, s5;
	[sflag:s0] =	ssyncadd.s32 $0xFFFFE000  }
0x10e: {  	[spmem:s2] =	stream.indirect.scatter.add.f32 [tilespmem:s29], [sflag:$0xF], $0x40, s19, s16, $0xb8;
	[tilespmem:$0x1F000] =	vst v63  }
0x10f: {  	_ =	swait.ge [sflag:s8], $0x2000  }
0x110: {  	[sflag:s8] =	ssyncset.done $0x0  }
0x111: {  	s10 =	sadd.s32 $0x500, s5;
	[sflag:s8] =	ssyncadd.s32 $0xFFFFE000  }
0x112: {  	[tilespmem:s20], [sflag:$0x3] =	stream.indirect.gather [hbm4b:s4+s16], $0x40, s10, s16, $0xb8;
	[tilespmem:$0x1F000] =	vst v63  }
0x113: {  	_ =	swait.ge [sflag:s12], $0x2000  }
0x114: {  	[sflag:s12] =	ssyncset.done $0x0  }
0x115: {  	[sflag:s12] =	ssyncadd.s32 $0xFFFFE000  }
0x116: {  	[spmem:s2] =	stream.indirect.scatter.add.f32 [tilespmem:s31], [sflag:$0x10], $0x40, s6, s16, $0xb8;
	[tilespmem:$0x1F000] =	vst v63  }
.Ltmp5:
0x117: {  	_ = 	snop;
	(pc) =	sbr.rel .LBB2_5-.Ltmp5, $4  }
0x118: {  	_ =	swait.ge [sflag:s9], $0x2000  }
0x119: {  	[sflag:s9] =	ssyncset.done $0x0  }
0x11a: {  	s19 =	sadd.s32 $0x580, s5;
	s7 =	sadd.s32 $0x1000, s7;
	[sflag:s9] =	ssyncadd.s32 $0xFFFFE000  }
0x11b: {  	[tilespmem:s22], [sflag:$0x4] =	stream.indirect.gather [hbm4b:s4+s16], $0x40, s19, s16, $0xb8;
	[tilespmem:$0x1F000] =	vst v63  }
.LBB2_8:
0x11c: {  	_ =	sfence.sel $0x180000  }
0x11d: {  	[bflag:$0x0] =	sbarrier.arrive $0xFFFF  }
0x11e: {  	_ =	strace $0x9000004A  }
0x11f: {  	s0 =	stileid.u32;
	[bflag:$0x2] =	sbarrier.arrive $0xFFFF  }
0x120: {  	p0 =	sne.s32 s0, $0x0;
	s0 =	rddreg [dreg:$0x2]  }
0x121: {  	s0 =	sadd.s32 @!p0 $0x100000, s0  }
0x122: {  	[sflag:s0] =	ssyncadd.tile.s32 @!p0 $0x1;
	_ =	shalt  }
.Lfunc_end2:
_tile_overlayer_lowered:
.L_overlay_start_2:
0x123: {  	(tag) =	ssettag $0x2  }
0x124: {  	s0 =	rddreg [dreg:$0x0];
	s2 =	stileid.u32  }
0x125: {  	s1 =	rddreg [dreg:$0x1];
	p0 =	sne.s32 s2, $0x0  }
0x126: {  	s3 =	rddreg [dreg:$0x2];
	[bflag:$0x3] =	sbarrier.arrive $0xFFFF;
	s2 =	simm.s32 @!p0 $0x1C11  }
0x127: {  	[timem:s3], [sflag:s2] =	dma.local @!p0 [hbm:s0], s1  }
0x128: {  	s0 =	simm.s32 @!p0 $0x11  }
0x129: {  	_ =	swait.ge @!p0 [sflag:s0], s1  }
0x12a: {  	s1 =	ssub.s32 @!p0 $0x0, s1;
	[sflag:s0] =	ssyncset.done @!p0 $0x0  }
0x12b: {  	[sflag:s0] =	ssyncadd.s32 @!p0 s1  }
0x12c: {  	[bflag:$0x3] =	sbarrier.arrive $0xFFFF  }
0x12d: {  	_ =	shalt  }

// kernel: kernel.14.cloned.1.call-start
scs
__scs_entry_jumppad:
0x0: {  	(pc) =	sbr.rel $0x88, $3  }
0x1: {  	(tag) =	ssettag $0x0;
	lr =	simm.s32 $0x1  }
0x2: {  	[smem:$0x3F9B] =	sst lr;
	_ =	strace $0xD0000000  }
0x3: {  	_ = 	snop  }
0x4: {  	_ = 	snop  }
0x5: {  	_ = 	snop  }
0x6: {  	_ = 	snop  }
0x7: {  	_ = 	snop  }
__scs_overlays_trampoline_lowered:
0x8: {  	[smem:$0x3FAA] =	sst s0  }
0x9: {  	[smem:$0x3FAB] =	sst s1  }
0xa: {  	[smem:$0x3FAC] =	sst s2  }
0xb: {  	[smem:$0x3FAD] =	sst s3  }
0xc: {  	[smem:$0x3FAE] =	sst s4  }
0xd: {  	[smem:$0x3FAF] =	sst s5  }
0xe: {  	[smem:$0x3FB0] =	sst s6  }
0xf: {  	[smem:$0x3FB1] =	sst s7  }
0x10: {  	[smem:$0x3FB2] =	sst s8  }
0x11: {  	[smem:$0x3FB3] =	sst s9;
	s0 =	simm.s32 @!p0 $0x0  }
0x12: {  	s1 =	sld [smem:$0x3F99];
	s0 =	simm.s32 @p0 $0x1  }
0x13: {  	[smem:$0x3FB4] =	sst s0;
	s0 =	simm.s32 @!p1 $0x0  }
0x14: {  	s2 =	sld [smem:$0x3F98];
	s0 =	simm.s32 @p1 $0x1  }
0x15: {  	[smem:$0x3FB5] =	sst s0;
	s0 =	simm.s32 @!p2 $0x0  }
0x16: {  	s3 =	sld [smem:$0x3FDB];
	s0 =	simm.s32 @p2 $0x1  }
0x17: {  	s4 =	simm.s32 $0x1BF5;
	[smem:$0x3FB7] =	sst s0  }
0x18: {  	s0 =	sld [smem:$0x3F9A];
	_ =	swait.ge [sflag:s4], $0x0  }
0x19: {  	s7 =	sld [smem:$0x3F9B]  }
0x1a: {  	s8 =	sadd.s32 $0xFFFFE003, lr  }
0x1b: {  	s9 =	sadd.s32 $0xFFFFFEF7, lr;
	s5 =	simm.s32 $0xFFFFFFFF;
	p2 =	slt.u32 s8, $0xFFFFF086  }
0x1c: {  	p1 =	slt.u32 s9, $0xF7A;
	s5 =	simm.s32 @!p2 $0x0  }
0x1d: {  	s5 =	simm.s32 @p1 $0x1;
	p0 =	seq.s32 s7, s2  }
0x1e: {  	s7 =	smul.u32 @!p0 $0xF7A, s2;
	p2 =	seq.s32 @!p0 s5, $0x0  }
0x1f: {  	s9 =	smul.u32 $0xF7A, s1;
	s8 =	simm.s32 @!p0 $0x1BF5;
	p2 =	por !p2, p0  }
0x20: {  	[sflag:s8] =	ssyncset.s32 @!p0 $0xFFFFF086;
	s6 =	sadd.s32 @!p0 s3, s7;
	s7 =	simm.s32 @!p0 $0x108  }
0x21: {  	s3 =	sadd.s32 s3, s9;
	s6 =	sadd.s32 @!p0 $0x88, s6;
	s7 =	simm.s32 @p2 $0x1082  }
0x22: {  	[simem:s7], [sflag:s8] =	dma.local @!p0 [hbm:s6], $0xF7A  }
0x23: {  	s9 =	sor.u32 $0xD0000000, s2;
	s6 =	simm.s32 $0x108;
	_ =	swait.ge @!p0 [sflag:s8], $0x0  }
0x24: {  	s3 =	sadd.s32 $0x88, s3;
	s6 =	simm.s32 @!p1 $0x1082;
	[sflag:s4] =	ssyncset.s32 $0xFFFFF086  }
0x25: {  	[simem:s6], [sflag:s4] =	dma.local [hbm:s3], $0xF7A  }
0x26: {  	[smem:$0x3F9B] =	sst s1;
	(tag) =	ssettag s2;
	_ =	strace s9  }
0x27: {  	s1 =	sld [smem:$0x3FAB]  }
0x28: {  	s2 =	sld [smem:$0x3FAC]  }
0x29: {  	s4 =	sld [smem:$0x3FAE]  }
0x2a: {  	p0 =	seq.s32 s5, $0x0;
	s5 =	sld [smem:$0x3FAF]  }
0x2b: {  	s6 =	sld [smem:$0x3FB0]  }
0x2c: {  	s7 =	sld [smem:$0x3FB1]  }
0x2d: {  	s3 =	simm.s32 $0x108;
	s8 =	sld [smem:$0x3FB2]  }
0x2e: {  	s3 =	simm.s32 @!p0 $0x1082;
	s9 =	sld [smem:$0x3FB3]  }
0x2f: {  	lr =	sadd.s32 s0, s3;
	s0 =	sld [smem:$0x3FAA]  }
0x30: {  	s3 =	sld [smem:$0x3FAD]  }
0x31: {  	[smem:$0x3FB6] =	sst s10  }
0x32: {  	s10 =	sld [smem:$0x3FB4];
	_ =	sdelay $0x3  }
0x33: {  	p0 =	seq.s32 s10, $0x1;
	s10 =	sld [smem:$0x3FB6];
	_ =	sdelay $0x3  }
0x34: {  	[smem:$0x3FB6] =	sst s10  }
0x35: {  	s10 =	sld [smem:$0x3FB5];
	_ =	sdelay $0x3  }
0x36: {  	p1 =	seq.s32 s10, $0x1;
	s10 =	sld [smem:$0x3FB6];
	_ =	sdelay $0x3  }
0x37: {  	[smem:$0x3FB6] =	sst s10  }
0x38: {  	s10 =	sld [smem:$0x3FB7]  }
0x39: {  	_ = 	snop;
	(pc) =	sbr.ind lr, $3  }
0x3a: {  	_ = 	snop  }
0x3b: {  	_ = 	snop  }
0x3c: {  	p2 =	seq.s32 s10, $0x1;
	s10 =	sld [smem:$0x3FB6]  }
0x3d: {  	_ =	shalt  }
0x3e: {  	_ =	shalt  }
0x3f: {  	_ =	shalt  }
0x40: {  	_ =	shalt  }
0x41: {  	_ =	shalt  }
0x42: {  	_ =	shalt  }
0x43: {  	_ =	shalt  }
0x44: {  	_ =	shalt  }
0x45: {  	_ =	shalt  }
0x46: {  	_ =	shalt  }
0x47: {  	_ =	shalt  }
0x48: {  	_ =	shalt  }
0x49: {  	_ =	shalt  }
0x4a: {  	_ =	shalt  }
0x4b: {  	_ =	shalt  }
0x4c: {  	_ =	shalt  }
0x4d: {  	_ =	shalt  }
0x4e: {  	_ =	shalt  }
0x4f: {  	_ =	shalt  }
0x50: {  	_ =	shalt  }
0x51: {  	_ =	shalt  }
0x52: {  	_ =	shalt  }
0x53: {  	_ =	shalt  }
0x54: {  	_ =	shalt  }
0x55: {  	_ =	shalt  }
0x56: {  	_ =	shalt  }
0x57: {  	_ =	shalt  }
0x58: {  	_ =	shalt  }
0x59: {  	_ =	shalt  }
0x5a: {  	_ =	shalt  }
0x5b: {  	_ =	shalt  }
0x5c: {  	_ =	shalt  }
0x5d: {  	_ =	shalt  }
0x5e: {  	_ =	shalt  }
0x5f: {  	_ =	shalt  }
0x60: {  	_ =	shalt  }
0x61: {  	_ =	shalt  }
0x62: {  	_ =	shalt  }
0x63: {  	_ =	shalt  }
0x64: {  	_ =	shalt  }
0x65: {  	_ =	shalt  }
0x66: {  	_ =	shalt  }
0x67: {  	_ =	shalt  }
0x68: {  	_ =	shalt  }
0x69: {  	_ =	shalt  }
0x6a: {  	_ =	shalt  }
0x6b: {  	_ =	shalt  }
0x6c: {  	_ =	shalt  }
0x6d: {  	_ =	shalt  }
0x6e: {  	_ =	shalt  }
0x6f: {  	_ =	shalt  }
0x70: {  	_ =	shalt  }
0x71: {  	_ =	shalt  }
0x72: {  	_ =	shalt  }
0x73: {  	_ =	shalt  }
0x74: {  	_ =	shalt  }
0x75: {  	_ =	shalt  }
0x76: {  	_ =	shalt  }
0x77: {  	_ =	shalt  }
0x78: {  	_ =	shalt  }
0x79: {  	_ =	shalt  }
0x7a: {  	_ =	shalt  }
0x7b: {  	_ =	shalt  }
0x7c: {  	_ =	shalt  }
0x7d: {  	_ =	shalt  }
0x7e: {  	_ =	shalt  }
0x7f: {  	_ =	shalt  }
0x80: {  	_ =	shalt  }
0x81: {  	_ =	shalt  }
0x82: {  	_ =	shalt  }
0x83: {  	_ =	shalt  }
0x84: {  	_ =	shalt  }
0x85: {  	_ =	shalt  }
0x86: {  	_ =	shalt  }
0x87: {  	_ =	shalt  }
.Lfunc_end0:
.L_simem_size_0:
called_computation.2_lowered:
.L_overlay_start_0:
0x88: {  	s2 =	sld [smem:$0x3FD9]  }
0x89: {  	s3 =	sld [smem:$0x3FFE];
	_ =	sdelay $0x1  }
0x8a: {  	s1 =	srdreg.scid  }
0x8b: {  	s0 =	sand.u32 $0x1, s1  }
0x8c: {  	s16 =	sshll.u32 s0, $0xA;
	s2 =	sadd.s32 s3, s2  }
0x8d: {  	s2 =	sadd.s32 s2, s16  }
0x8e: {  	[smem:$0x3FC2] =	sst s2  }
0x8f: {  	_ = 	snop  }
0x90: {  	(tm) =	ssettm $0x1  }
0x91: {  	s17 =	sld [smem:$0x3FFB];
	_ =	sdelay $0x3  }
0x92: {  	_ =	strace s17  }
0x93: {  	s2 =	sld [smem:$0x3FFC];
	_ =	sdelay $0x3  }
0x94: {  	_ =	strace s2  }
0x95: {  	s2 =	sld [smem:$0x3FFD];
	_ =	sdelay $0x3  }
0x96: {  	_ =	strace s2  }
0x97: {  	_ =	strace $0x8FFFFFFF  }
0x98: {  	s18 =	sld [smem:$0x3FDB];
	_ =	sdelay $0x1  }
0x99: {  	s19 =	simm.s32 $_scs_section_size  }
0x9a: {  	s4 =	simm.s32 $_size__tile_overlayer_lowered;
	s5 =	simm.s32 $_tile_overlayer_lowered  }
0x9b: {  	s22 =	simm.s32 $0x1BFF;
	s21 =	sshll.u32 s5, $0x1;
	s2 =	sadd.s32 s19, s18  }
0x9c: {  	s6 =	simm.s32 $0x0;
	s20 =	sshll.u32 s4, $0x1;
	s4 =	sadd.s32 s21, s2  }
0x9d: {  	[timem:s6], [sflag:s22] =	dma.local [hbm:s4], s20  }
0x9e: {  	_ =	swait.ge [sflag:s22], s20  }
0x9f: {  	s3 =	ssub.s32 $0x0, s20;
	[sflag:s22] =	ssyncset.done $0x0  }
0xa0: {  	[sflag:s22] =	ssyncadd.s32 s3;
	_ =	sdelay $0x1  }
0xa1: {  	s23 =	simm.s32 $0x1B8B  }
0xa2: {  	_ =	swait.ge [sflag:s23], $0x1  }
0xa3: {  	[sflag:s23] =	ssyncset.done $0x0  }
0xa4: {  	s25 =	simm.s32 $0x1B8E;
	s24 =	sld [smem:$0x3FFE];
	[sflag:s23] =	ssyncadd.s32 $0xFFFFFFFF  }
0xa5: {  	s26 =	simm.s32 $execute0_lowered;
	[smem:$0x3FD2] =	sst s25  }
0xa6: {  	s4 =	sshll.u32 s26, $0x1;
	_ =	strace $0x8000004C;
	[dreg:$0x1] =	wrdreg $0xFFFFFFFF  }
0xa7: {  	s28 =	simm.s32 $_size_execute0_lowered;
	s2 =	sadd.s32 s2, s4;
	[dreg:$0x0] =	wrdreg $0x0  }
0xa8: {  	s4 =	sshll.u32 s28, $0x1;
	[dreg:$0x2] =	wrdreg s2  }
0xa9: {  	[dreg:$0x3] =	wrdreg s4  }
0xaa: {  	[dreg:$0x4] =	wrdreg $0xC0  }
0xab: {  	_ =	task [dreg:s6], $0x5FFFF  }
0xac: {  	[dreg:$0x1] =	wrdreg $0xFFFFFFFF  }
0xad: {  	[dreg:$0x0] =	wrdreg $0x60  }
0xae: {  	[dreg:$0x2] =	wrdreg s24  }
0xaf: {  	[dreg:$0x3] =	wrdreg $0x90000  }
0xb0: {  	[dreg:$0x4] =	wrdreg $0x9  }
0xb1: {  	_ =	task.clear_ibuf [dreg:s6], $0x5FFFF;
	_ =	strace $0x9000004C  }
0xb2: {  	s29 =	simm.s32 $0x9;
	_ =	strace $0x8000004E  }
0xb3: {  	_ =	swait.ge [sflag:s29], $0x1  }
0xb4: {  	[sflag:s29] =	ssyncadd.s32 $0xFFFFFFFF  }
0xb5: {  	_ =	strace $0x9000004E  }
0xb6: {  	_ =	sfence  }
0xb7: {  	s30 =	sld [smem:$0x0];
	_ =	sdelay $0x2  }
0xb8: {  	s31 =	sshll.u32 s1, $0xD;
	s1 =	sshrl.u32 s1, $0x2  }
0xb9: {  	s3 =	sand.u32 $0x4000, s31;
	s1 =	sadd.s32 s1, s30  }
0xba: {  	s0 =	sor.u32 s3, s0;
	s1 =	sshll.u32 s1, $0x11  }
0xbb: {  	s0 =	sor.u32 s1, s0  }
0xbc: {  	s0 =	sadd.s32 $0x8F2B, s0  }
0xbd: {  	[sflag:s0] =	ssyncadd.remote.s32 $0x1  }
0xbe: {  	_ =	sfence.sel $0xFFFF  }
0xbf: {  	[dreg:$0x0] =	wrdreg $0xFFFFFFFF;
	(pc) =	sbr.abs _section_cstart, $3  }
0xc0: {  	[dreg:$0x1] =	wrdreg $0xFFFFFFFF  }
0xc1: {  	_ =	task.clear_ibuf [dreg:s6], $0x2FFFF;
	_ =	strace $0x9FFFFFFF  }
0xc2: {  	(tm) =	ssettm $0x7FFFFFFF  }
0xc3: {  	_ =	shalt  }
tec
execute0_lowered:
.L_overlay_start_1:
0x0: {  	(tag) =	ssettag $0x1  }
0x1: {  	s0 =	srdreg.scid;
	s3 =	rddreg [dreg:$0x0]  }
0x2: {  	s8 =	stileid.u32;
	s2 =	rddreg [dreg:$0x1];
	s4 =	simm.s32 $0x0  }
0x3: {  	s11 =	simm.s32 $0x11;
	s14 =	simm.s32 $0x80;
	s15 =	simm.s32 $0x5000  }
0x4: {  	s16 =	simm.s32 $0x5800;
	s18 =	simm.s32 $0x6000;
	s20 =	simm.s32 $0x6800  }
0x5: {  	s21 =	simm.s32 $0x1;
	s28 =	simm.s32 $0x4;
	s29 =	simm.s32 $0x8800  }
0x6: {  	s30 =	simm.s32 $0x5;
	s31 =	simm.s32 $0x7;
	s17 =	simm.s32 $0xB  }
0x7: {  	s19 =	simm.s32 $0xC;
	s9 =	simm.s32 $0x0;
	s0 =	sand.u32 $0x1, s0  }
0x8: {  	s1 =	sshll.u32 s8, $0x1;
	s5 =	smul.u32 $0x2800, s8;
	[smem:$0x7FF] =	sst s4  }
0x9: {  	s4 =	sadd.s32 $0x16A00, s3;
	s26 =	sshll.u32 s8, $0x6;
	s8 =	simm.s32 $0x10  }
0xa: {  	s1 =	sor.u32 s0, s1;
	s6 =	smul.u32 $0x28000, s0;
	_ =	strace $0x8000004D  }
0xb: {  	s0 =	ssub.s32 $0x2, s0;
	s12 =	sor.u32 $0x1C11, s26;
	s26 =	simm.s32 $0x8000  }
0xc: {  	s1 =	smul.u32 $0x500, s1;
	s7 =	sshrl.u32 s5, $0x3;
	s22 =	sshrl.u32 s0, $0x1  }
0xd: {  	s24 =	sadd.s32 s5, s2;
	s6 =	sadd.s32 s5, s6;
	s7 =	sadd.s32 s7, s3  }
0xe: {  	s0 =	ssub.s32 s0, s22;
	s13 =	sshrl.u32 s24, $0x3;
	s22 =	simm.s32 $0x7000  }
0xf: {  	s24 =	simm.s32 $0x7800;
	s1 =	sadd.s32 s1, s3;
	s25 =	sadd.s32 $0x1BA00, s7  }
.Ltmp0:
0x10: {  	s0 =	smax.u32 s0, $0x1;
	[dreg:$0x5] =	wrdreg s25;
	(pc) =	sbr.rel .LBB2_1-.Ltmp0, $4  }
0x11: {  	s6 =	sshrl.u32 s6, $0x3;
	s23 =	sadd.s32 $0x2A00, s1;
	[dreg:$0x7] =	wrdreg s0  }
0x12: {  	s3 =	sadd.s32 s6, s3;
	s1 =	sadd.s32 $0xCA00, s1;
	[dreg:$0x3] =	wrdreg s23  }
0x13: {  	s25 =	simm.s32 $0x3;
	[dreg:$0x4] =	wrdreg s1;
	s3 =	sadd.s32 $0x20A00, s3  }
0x14: {  	s23 =	simm.s32 $0x2;
	s1 =	simm.s32 $0x8;
	[dreg:$0x6] =	wrdreg s3  }
.LBB2_4:
0x15: {  	_ =	swait.ge [sflag:s1], $0x800  }
0x16: {  	[sflag:s1] =	ssyncset.done $0x0  }
0x17: {  	s0 =	simm.s32 $0x9;
	[sflag:s1] =	ssyncadd.s32 $0xFFFFF800  }
0x18: {  	[spmem:s2] =	stream.indirect.scatter.add.f32 [tilespmem:s29], [sflag:$0x10], $0x10, s10, s14, $0xb8;
	[tilespmem:$0xB800] =	vst v63  }
0x19: {  	_ =	swait.ge [sflag:s0], $0x800  }
0x1a: {  	[sflag:s0] =	ssyncset.done $0x0  }
0x1b: {  	s10 =	simm.s32 $0xA;
	[sflag:s0] =	ssyncadd.s32 $0xFFFFF800  }
0x1c: {  	_ =	swait.ge [sflag:s10], $0x800  }
0x1d: {  	[sflag:s10] =	ssyncset.done $0x0  }
0x1e: {  	[sflag:s10] =	ssyncadd.s32 $0xFFFFF800  }
0x1f: {  	_ =	swait.ge [sflag:s17], $0x800  }
0x20: {  	[sflag:s17] =	ssyncset.done $0x0  }
0x21: {  	[sflag:s17] =	ssyncadd.s32 $0xFFFFF800  }
0x22: {  	_ =	swait.ge [sflag:s19], $0x800  }
0x23: {  	[sflag:s19] =	ssyncset.done $0x0  }
0x24: {  	s3 =	simm.s32 $0xD;
	[sflag:s19] =	ssyncadd.s32 $0xFFFFF800  }
0x25: {  	_ =	swait.ge [sflag:s3], $0x800  }
0x26: {  	[sflag:s3] =	ssyncset.done $0x0  }
0x27: {  	s5 =	simm.s32 $0xE;
	[sflag:s3] =	ssyncadd.s32 $0xFFFFF800  }
0x28: {  	_ =	swait.ge [sflag:s5], $0x800  }
0x29: {  	[sflag:s5] =	ssyncset.done $0x0  }
0x2a: {  	s6 =	simm.s32 $0xF;
	[sflag:s5] =	ssyncadd.s32 $0xFFFFF800  }
0x2b: {  	_ =	swait.ge [sflag:s6], $0x800  }
0x2c: {  	[sflag:s6] =	ssyncset.done $0x0  }
0x2d: {  	[sflag:s6] =	ssyncadd.s32 $0xFFFFF800  }
0x2e: {  	_ =	swait.ge [sflag:s8], $0x800  }
0x2f: {  	[sflag:s8] =	ssyncset.done $0x0  }
0x30: {  	[sflag:s8] =	ssyncadd.s32 $0xFFFFF800  }
0x31: {  	[bflag:$0x0] =	sbarrier.arrive $0xFFFF  }
0x32: {  	s7 =	rddreg [dreg:$0x6]  }
0x33: {  	[hbm:s7], [sflag:s12] =	dma.local [spmem:s13], $0x500  }
0x34: {  	_ =	swait.ge [sflag:s11], $0x500  }
0x35: {  	s9 =	sadd.s32 $0x1, s9;
	s10 =	rddreg [dreg:$0x7]  }
0x36: {  	p0 =	sne.s32 s9, s10  }
.Ltmp1:
0x37: {  	_ = 	snop;
	(pc) =	sbr.rel @!p0 .LBB2_5-.Ltmp1, $3  }
0x38: {  	_ =	sdelay $0x1  }
0x39: {  	[sflag:s11] =	ssyncset.done $0x0  }
0x3a: {  	[sflag:s11] =	ssyncadd.s32 $0xFFFFFB00  }
.LBB2_1:
0x3b: {  	s0 =	simm.s32 $0x0;
	s3 =	rddreg [dreg:$0x3];
	s5 =	simm.s32 $0x2800  }
0x3c: {  	[tilespmem:s5], [sflag:$0x11] =	stream.linear.gather [hbm4b:s3+s0], $0x2800, $0x38;
	[tilespmem:$0xB800] =	vst v63  }
0x3d: {  	_ =	swait.ge [sflag:s11], $0x2800  }
0x3e: {  	[sflag:s11] =	ssyncset.done $0x0  }
0x3f: {  	s5 =	rddreg [dreg:$0x4];
	[sflag:s11] =	ssyncadd.s32 $0xFFFFD800  }
0x40: {  	[tilespmem:s0], [sflag:$0x11] =	stream.linear.gather [hbm4b:s5+s0], $0x2800, $0x38;
	[tilespmem:$0xB800] =	vst v63  }
0x41: {  	_ =	swait.ge [sflag:s11], $0x2800  }
0x42: {  	[sflag:s11] =	ssyncset.done $0x0  }
0x43: {  	s6 =	rddreg [dreg:$0x5];
	[sflag:s11] =	ssyncadd.s32 $0xFFFFD800  }
0x44: {  	[spmem:s13], [sflag:s12] =	dma.local [hbm:s6], $0x500  }
0x45: {  	_ =	swait.ge [sflag:s11], $0x500  }
0x46: {  	[sflag:s11] =	ssyncset.done $0x0  }
0x47: {  	[sflag:s11] =	ssyncadd.s32 $0xFFFFFB00  }
0x48: {  	[bflag:$0x0] =	sbarrier.arrive $0xFFFF  }
0x49: {  	[tilespmem:s15], [sflag:$0x1] =	stream.indirect.gather [hbm4b:s4+s14], $0x10, s0, s14, $0xb8;
	[tilespmem:$0xB800] =	vst v63  }
0x4a: {  	_ = 	snop  }
0x4b: {  	[tilespmem:s16], [sflag:$0x2] =	stream.indirect.gather [hbm4b:s4+s14], $0x10, s14, s14, $0xb8;
	[tilespmem:$0xB800] =	vst v63  }
0x4c: {  	s7 =	simm.s32 $0x100  }
0x4d: {  	[tilespmem:s18], [sflag:$0x3] =	stream.indirect.gather [hbm4b:s4+s14], $0x10, s7, s14, $0xb8;
	[tilespmem:$0xB800] =	vst v63  }
0x4e: {  	s10 =	simm.s32 $0x180;
	s3 =	simm.s32 $0x0  }
0x4f: {  	[tilespmem:s20], [sflag:$0x4] =	stream.indirect.gather [hbm4b:s4+s14], $0x10, s10, s14, $0xb8;
	[tilespmem:$0xB800] =	vst v63  }
.LBB2_2:
0x50: {  	_ =	swait.ge [sflag:s21], $0x800  }
0x51: {  	s0 =	sshra.s32 s3, $0x2;
	[sflag:s21] =	ssyncset.done $0x0  }
0x52: {  	p0 =	seq.s32 s3, $0x0;
	s10 =	sadd.s32 $0x2800, s0;
	[sflag:s21] =	ssyncadd.s32 $0xFFFFF800  }
0x53: {  	[spmem:s2] =	stream.indirect.scatter.add.f32 [tilespmem:s15], [sflag:$0x9], $0x10, s10, s14, $0xb8;
	[tilespmem:$0xB800] =	vst v63  }
0x54: {  	s10 =	simm.s32 @!p0 $0xD  }
0x55: {  	_ =	swait.ge @!p0 [sflag:s10], $0x800  }
0x56: {  	[sflag:s10] =	ssyncset.done @!p0 $0x0  }
0x57: {  	s6 =	sadd.s32 $0x200, s0;
	[sflag:s10] =	ssyncadd.s32 @!p0 $0xFFFFF800  }
0x58: {  	[tilespmem:s22], [sflag:$0x5] =	stream.indirect.gather [hbm4b:s4+s14], $0x10, s6, s14, $0xb8;
	[tilespmem:$0xB800] =	vst v63  }
0x59: {  	_ =	swait.ge [sflag:s23], $0x800  }
0x5a: {  	[sflag:s23] =	ssyncset.done $0x0  }
0x5b: {  	s7 =	sadd.s32 $0x2880, s0;
	s10 =	simm.s32 @!p0 $0xE;
	[sflag:s23] =	ssyncadd.s32 $0xFFFFF800  }
0x5c: {  	[spmem:s2] =	stream.indirect.scatter.add.f32 [tilespmem:s16], [sflag:$0xA], $0x10, s7, s14, $0xb8;
	[tilespmem:$0xB800] =	vst v63  }
0x5d: {  	_ =	swait.ge @!p0 [sflag:s10], $0x800  }
0x5e: {  	[sflag:s10] =	ssyncset.done @!p0 $0x0  }
0x5f: {  	s5 =	sadd.s32 $0x280, s0;
	[sflag:s10] =	ssyncadd.s32 @!p0 $0xFFFFF800  }
0x60: {  	[tilespmem:s24], [sflag:$0x6] =	stream.indirect.gather [hbm4b:s4+s14], $0x10, s5, s14, $0xb8;
	[tilespmem:$0xB800] =	vst v63  }
0x61: {  	_ =	swait.ge [sflag:s25], $0x800  }
0x62: {  	[sflag:s25] =	ssyncset.done $0x0  }
0x63: {  	s6 =	sadd.s32 $0x2900, s0;
	s10 =	simm.s32 @!p0 $0xF;
	[sflag:s25] =	ssyncadd.s32 $0xFFFFF800  }
0x64: {  	[spmem:s2] =	stream.indirect.scatter.add.f32 [tilespmem:s18], [sflag:$0xB], $0x10, s6, s14, $0xb8;
	[tilespmem:$0xB800] =	vst v63  }
0x65: {  	_ =	swait.ge @!p0 [sflag:s10], $0x800  }
0x66: {  	[sflag:s10] =	ssyncset.done @!p0 $0x0  }
0x67: {  	s7 =	sadd.s32 $0x300, s0;
	[sflag:s10] =	ssyncadd.s32 @!p0 $0xFFFFF800  }
0x68: {  	[tilespmem:s26], [sflag:$0x7] =	stream.indirect.gather [hbm4b:s4+s14], $0x10, s7, s14, $0xb8;
	[tilespmem:$0xB800] =	vst v63  }
0x69: {  	_ =	swait.ge [sflag:s28], $0x800  }
0x6a: {  	[sflag:s28] =	ssyncset.done $0x0  }
0x6b: {  	s5 =	sadd.s32 $0x2980, s0;
	s10 =	simm.s32 @!p0 $0x10;
	[sflag:s28] =	ssyncadd.s32 $0xFFFFF800  }
0x6c: {  	[spmem:s2] =	stream.indirect.scatter.add.f32 [tilespmem:s20], [sflag:$0xC], $0x10, s5, s14, $0xb8;
	[tilespmem:$0xB800] =	vst v63  }
0x6d: {  	_ =	swait.ge @!p0 [sflag:s10], $0x800  }
0x6e: {  	[sflag:s10] =	ssyncset.done @!p0 $0x0  }
0x6f: {  	s6 =	sadd.s32 $0x380, s0;
	[sflag:s10] =	ssyncadd.s32 @!p0 $0xFFFFF800  }
0x70: {  	[tilespmem:s29], [sflag:$0x8] =	stream.indirect.gather [hbm4b:s4+s14], $0x10, s6, s14, $0xb8;
	[tilespmem:$0xB800] =	vst v63  }
0x71: {  	_ =	swait.ge [sflag:s30], $0x800  }
0x72: {  	p0 =	seq.s32 s3, $0x9000;
	[sflag:s30] =	ssyncset.done $0x0  }
0x73: {  	s7 =	sadd.s32 $0x2A00, s0;
	s10 =	simm.s32 @p0 $0x6;
	[sflag:s30] =	ssyncadd.s32 $0xFFFFF800  }
0x74: {  	[spmem:s2] =	stream.indirect.scatter.add.f32 [tilespmem:s22], [sflag:$0xD], $0x10, s7, s14, $0xb8;
	[tilespmem:$0xB800] =	vst v63  }
0x75: {  	_ =	swait.ge @p0 [sflag:s10], $0x800  }
0x76: {  	[sflag:s10] =	ssyncset.done @p0 $0x0  }
0x77: {  	[sflag:s10] =	ssyncadd.s32 @p0 $0xFFFFF800;
	s10 =	sshra.s32 @p0 s3, $0x2  }
0x78: {  	s5 =	simm.s32 @p0 $0x80;
	s6 =	simm.s32 @p0 $0x7800;
	s10 =	sadd.s32 @p0 $0x2A80, s10  }
0x79: {  	[spmem:s2] =	stream.indirect.scatter.add.f32 @p0 [tilespmem:s6], [sflag:$0xE], $0x10, s10, s5, $0xb8;
	[tilespmem:$0xB800] =	vst v63  }
0x7a: {  	s5 =	simm.s32 @!p0 $0x9  }
0x7b: {  	_ =	swait.ge @!p0 [sflag:s5], $0x800  }
0x7c: {  	[sflag:s5] =	ssyncset.done @!p0 $0x0  }
0x7d: {  	[sflag:s5] =	ssyncadd.s32 @!p0 $0xFFFFF800;
	s5 =	sshra.s32 @!p0 s3, $0x2  }
0x7e: {  	s7 =	simm.s32 @!p0 $0x5000;
	s10 =	simm.s32 @!p0 $0x80;
	s6 =	sadd.s32 @!p0 $0x400, s5  }
0x7f: {  	[tilespmem:s7], [sflag:$0x1] =	stream.indirect.gather @!p0 [hbm4b:s4+s10], $0x10, s6, s10, $0xb8;
	[tilespmem:$0xB800] =	vst v63  }
0x80: {  	s6 =	simm.s32 @!p0 $0x6  }
0x81: {  	_ =	swait.ge @!p0 [sflag:s6], $0x800  }
0x82: {  	[sflag:s6] =	ssyncset.done @!p0 $0x0  }
0x83: {  	s7 =	simm.s32 @!p0 $0x7800;
	[sflag:s6] =	ssyncadd.s32 @!p0 $0xFFFFF800;
	s6 =	sadd.s32 @!p0 $0x2A80, s5  }
0x84: {  	[spmem:s2] =	stream.indirect.scatter.add.f32 @!p0 [tilespmem:s7], [sflag:$0xE], $0x10, s6, s10, $0xb8;
	[tilespmem:$0xB800] =	vst v63  }
0x85: {  	s6 =	simm.s32 @!p0 $0xA  }
0x86: {  	_ =	swait.ge @!p0 [sflag:s6], $0x800  }
0x87: {  	[sflag:s6] =	ssyncset.done @!p0 $0x0  }
0x88: {  	s5 =	sadd.s32 @!p0 $0x480, s5;
	[sflag:s6] =	ssyncadd.s32 @!p0 $0xFFFFF800;
	s6 =	simm.s32 @!p0 $0x5800  }
0x89: {  	[tilespmem:s6], [sflag:$0x2] =	stream.indirect.gather @!p0 [hbm4b:s4+s10], $0x10, s5, s10, $0xb8;
	[tilespmem:$0xB800] =	vst v63  }
.Ltmp2:
0x8a: {  	_ =	swait.ge [sflag:s31], $0x800;
	(pc) =	sbr.rel @p0 .LBB2_4-.Ltmp2, $4  }
0x8b: {  	[sflag:s31] =	ssyncset.done $0x0  }
0x8c: {  	s10 =	sadd.s32 $0x2B00, s0;
	[sflag:s31] =	ssyncadd.s32 $0xFFFFF800  }
0x8d: {  	[spmem:s2] =	stream.indirect.scatter.add.f32 [tilespmem:s26], [sflag:$0xF], $0x10, s10, s14, $0xb8;
	[tilespmem:$0xB800] =	vst v63  }
0x8e: {  	s10 =	sadd.s32 $0x2B80, s0  }
0x8f: {  	_ =	swait.ge [sflag:s17], $0x800  }
0x90: {  	[sflag:s17] =	ssyncset.done $0x0  }
0x91: {  	s5 =	sadd.s32 $0x500, s0;
	[sflag:s17] =	ssyncadd.s32 $0xFFFFF800  }
0x92: {  	[tilespmem:s18], [sflag:$0x3] =	stream.indirect.gather [hbm4b:s4+s14], $0x10, s5, s14, $0xb8;
	[tilespmem:$0xB800] =	vst v63  }
0x93: {  	_ =	swait.ge [sflag:s1], $0x800  }
0x94: {  	[sflag:s1] =	ssyncset.done $0x0  }
0x95: {  	[sflag:s1] =	ssyncadd.s32 $0xFFFFF800  }
0x96: {  	[spmem:s2] =	stream.indirect.scatter.add.f32 [tilespmem:s29], [sflag:$0x10], $0x10, s10, s14, $0xb8;
	[tilespmem:$0xB800] =	vst v63  }
.Ltmp3:
0x97: {  	_ = 	snop;
	(pc) =	sbr.rel .LBB2_2-.Ltmp3, $4  }
0x98: {  	_ =	swait.ge [sflag:s19], $0x800  }
0x99: {  	[sflag:s19] =	ssyncset.done $0x0  }
0x9a: {  	s3 =	sadd.s32 $0x1000, s3;
	s10 =	sadd.s32 $0x580, s0;
	[sflag:s19] =	ssyncadd.s32 $0xFFFFF800  }
0x9b: {  	[tilespmem:s20], [sflag:$0x4] =	stream.indirect.gather [hbm4b:s4+s14], $0x10, s10, s14, $0xb8;
	[tilespmem:$0xB800] =	vst v63  }
.LBB2_5:
0x9c: {  	_ =	sfence.sel $0x180000  }
0x9d: {  	[bflag:$0x0] =	sbarrier.arrive $0xFFFF  }
0x9e: {  	_ =	strace $0x9000004D  }
0x9f: {  	s0 =	stileid.u32;
	[bflag:$0x2] =	sbarrier.arrive $0xFFFF  }
0xa0: {  	p0 =	sne.s32 s0, $0x0;
	s0 =	rddreg [dreg:$0x2]  }
0xa1: {  	s0 =	sadd.s32 @!p0 $0x100000, s0  }
0xa2: {  	[sflag:s0] =	ssyncadd.tile.s32 @!p0 $0x1;
	_ =	shalt  }
.Lfunc_end2:
_tile_overlayer_lowered:
.L_overlay_start_2:
0xa3: {  	(tag) =	ssettag $0x2  }
0xa4: {  	s0 =	rddreg [dreg:$0x0];
	s2 =	stileid.u32  }
0xa5: {  	s1 =	rddreg [dreg:$0x1];
	p0 =	sne.s32 s2, $0x0  }
0xa6: {  	s3 =	rddreg [dreg:$0x2];
	[bflag:$0x3] =	sbarrier.arrive $0xFFFF;
	s2 =	simm.s32 @!p0 $0x1C11  }
0xa7: {  	[timem:s3], [sflag:s2] =	dma.local @!p0 [hbm:s0], s1  }
0xa8: {  	s0 =	simm.s32 @!p0 $0x11  }
0xa9: {  	_ =	swait.ge @!p0 [sflag:s0], s1  }
0xaa: {  	s1 =	ssub.s32 @!p0 $0x0, s1;
	[sflag:s0] =	ssyncset.done @!p0 $0x0  }
0xab: {  	[sflag:s0] =	ssyncadd.s32 @!p0 s1  }
0xac: {  	[bflag:$0x3] =	sbarrier.arrive $0xFFFF  }
0xad: {  	_ =	shalt  }

// kernel: kernel.8.cloned.1.call-start
scs
__scs_entry_jumppad:
0x0: {  	(pc) =	sbr.rel $0x88, $3  }
0x1: {  	(tag) =	ssettag $0x0;
	lr =	simm.s32 $0x1  }
0x2: {  	[smem:$0x3F9B] =	sst lr;
	_ =	strace $0xD0000000  }
0x3: {  	_ = 	snop  }
0x4: {  	_ = 	snop  }
0x5: {  	_ = 	snop  }
0x6: {  	_ = 	snop  }
0x7: {  	_ = 	snop  }
__scs_overlays_trampoline_lowered:
0x8: {  	[smem:$0x3FAA] =	sst s0  }
0x9: {  	[smem:$0x3FAB] =	sst s1  }
0xa: {  	[smem:$0x3FAC] =	sst s2  }
0xb: {  	[smem:$0x3FAD] =	sst s3  }
0xc: {  	[smem:$0x3FAE] =	sst s4  }
0xd: {  	[smem:$0x3FAF] =	sst s5  }
0xe: {  	[smem:$0x3FB0] =	sst s6  }
0xf: {  	[smem:$0x3FB1] =	sst s7  }
0x10: {  	[smem:$0x3FB2] =	sst s8  }
0x11: {  	[smem:$0x3FB3] =	sst s9;
	s0 =	simm.s32 @!p0 $0x0  }
0x12: {  	s1 =	sld [smem:$0x3F99];
	s0 =	simm.s32 @p0 $0x1  }
0x13: {  	[smem:$0x3FB4] =	sst s0;
	s0 =	simm.s32 @!p1 $0x0  }
0x14: {  	s2 =	sld [smem:$0x3F98];
	s0 =	simm.s32 @p1 $0x1  }
0x15: {  	[smem:$0x3FB5] =	sst s0;
	s0 =	simm.s32 @!p2 $0x0  }
0x16: {  	s3 =	sld [smem:$0x3FDB];
	s0 =	simm.s32 @p2 $0x1  }
0x17: {  	s4 =	simm.s32 $0x1BF5;
	[smem:$0x3FB7] =	sst s0  }
0x18: {  	s0 =	sld [smem:$0x3F9A];
	_ =	swait.ge [sflag:s4], $0x0  }
0x19: {  	s7 =	sld [smem:$0x3F9B]  }
0x1a: {  	s8 =	sadd.s32 $0xFFFFE003, lr  }
0x1b: {  	s9 =	sadd.s32 $0xFFFFFEF7, lr;
	s5 =	simm.s32 $0xFFFFFFFF;
	p2 =	slt.u32 s8, $0xFFFFF086  }
0x1c: {  	p1 =	slt.u32 s9, $0xF7A;
	s5 =	simm.s32 @!p2 $0x0  }
0x1d: {  	s5 =	simm.s32 @p1 $0x1;
	p0 =	seq.s32 s7, s2  }
0x1e: {  	s7 =	smul.u32 @!p0 $0xF7A, s2;
	p2 =	seq.s32 @!p0 s5, $0x0  }
0x1f: {  	s9 =	smul.u32 $0xF7A, s1;
	s8 =	simm.s32 @!p0 $0x1BF5;
	p2 =	por !p2, p0  }
0x20: {  	[sflag:s8] =	ssyncset.s32 @!p0 $0xFFFFF086;
	s6 =	sadd.s32 @!p0 s3, s7;
	s7 =	simm.s32 @!p0 $0x108  }
0x21: {  	s3 =	sadd.s32 s3, s9;
	s6 =	sadd.s32 @!p0 $0x88, s6;
	s7 =	simm.s32 @p2 $0x1082  }
0x22: {  	[simem:s7], [sflag:s8] =	dma.local @!p0 [hbm:s6], $0xF7A  }
0x23: {  	s9 =	sor.u32 $0xD0000000, s2;
	s6 =	simm.s32 $0x108;
	_ =	swait.ge @!p0 [sflag:s8], $0x0  }
0x24: {  	s3 =	sadd.s32 $0x88, s3;
	s6 =	simm.s32 @!p1 $0x1082;
	[sflag:s4] =	ssyncset.s32 $0xFFFFF086  }
0x25: {  	[simem:s6], [sflag:s4] =	dma.local [hbm:s3], $0xF7A  }
0x26: {  	[smem:$0x3F9B] =	sst s1;
	(tag) =	ssettag s2;
	_ =	strace s9  }
0x27: {  	s1 =	sld [smem:$0x3FAB]  }
0x28: {  	s2 =	sld [smem:$0x3FAC]  }
0x29: {  	s4 =	sld [smem:$0x3FAE]  }
0x2a: {  	p0 =	seq.s32 s5, $0x0;
	s5 =	sld [smem:$0x3FAF]  }
0x2b: {  	s6 =	sld [smem:$0x3FB0]  }
0x2c: {  	s7 =	sld [smem:$0x3FB1]  }
0x2d: {  	s3 =	simm.s32 $0x108;
	s8 =	sld [smem:$0x3FB2]  }
0x2e: {  	s3 =	simm.s32 @!p0 $0x1082;
	s9 =	sld [smem:$0x3FB3]  }
0x2f: {  	lr =	sadd.s32 s0, s3;
	s0 =	sld [smem:$0x3FAA]  }
0x30: {  	s3 =	sld [smem:$0x3FAD]  }
0x31: {  	[smem:$0x3FB6] =	sst s10  }
0x32: {  	s10 =	sld [smem:$0x3FB4];
	_ =	sdelay $0x3  }
0x33: {  	p0 =	seq.s32 s10, $0x1;
	s10 =	sld [smem:$0x3FB6];
	_ =	sdelay $0x3  }
0x34: {  	[smem:$0x3FB6] =	sst s10  }
0x35: {  	s10 =	sld [smem:$0x3FB5];
	_ =	sdelay $0x3  }
0x36: {  	p1 =	seq.s32 s10, $0x1;
	s10 =	sld [smem:$0x3FB6];
	_ =	sdelay $0x3  }
0x37: {  	[smem:$0x3FB6] =	sst s10  }
0x38: {  	s10 =	sld [smem:$0x3FB7]  }
0x39: {  	_ = 	snop;
	(pc) =	sbr.ind lr, $3  }
0x3a: {  	_ = 	snop  }
0x3b: {  	_ = 	snop  }
0x3c: {  	p2 =	seq.s32 s10, $0x1;
	s10 =	sld [smem:$0x3FB6]  }
0x3d: {  	_ =	shalt  }
0x3e: {  	_ =	shalt  }
0x3f: {  	_ =	shalt  }
0x40: {  	_ =	shalt  }
0x41: {  	_ =	shalt  }
0x42: {  	_ =	shalt  }
0x43: {  	_ =	shalt  }
0x44: {  	_ =	shalt  }
0x45: {  	_ =	shalt  }
0x46: {  	_ =	shalt  }
0x47: {  	_ =	shalt  }
0x48: {  	_ =	shalt  }
0x49: {  	_ =	shalt  }
0x4a: {  	_ =	shalt  }
0x4b: {  	_ =	shalt  }
0x4c: {  	_ =	shalt  }
0x4d: {  	_ =	shalt  }
0x4e: {  	_ =	shalt  }
0x4f: {  	_ =	shalt  }
0x50: {  	_ =	shalt  }
0x51: {  	_ =	shalt  }
0x52: {  	_ =	shalt  }
0x53: {  	_ =	shalt  }
0x54: {  	_ =	shalt  }
0x55: {  	_ =	shalt  }
0x56: {  	_ =	shalt  }
0x57: {  	_ =	shalt  }
0x58: {  	_ =	shalt  }
0x59: {  	_ =	shalt  }
0x5a: {  	_ =	shalt  }
0x5b: {  	_ =	shalt  }
0x5c: {  	_ =	shalt  }
0x5d: {  	_ =	shalt  }
0x5e: {  	_ =	shalt  }
0x5f: {  	_ =	shalt  }
0x60: {  	_ =	shalt  }
0x61: {  	_ =	shalt  }
0x62: {  	_ =	shalt  }
0x63: {  	_ =	shalt  }
0x64: {  	_ =	shalt  }
0x65: {  	_ =	shalt  }
0x66: {  	_ =	shalt  }
0x67: {  	_ =	shalt  }
0x68: {  	_ =	shalt  }
0x69: {  	_ =	shalt  }
0x6a: {  	_ =	shalt  }
0x6b: {  	_ =	shalt  }
0x6c: {  	_ =	shalt  }
0x6d: {  	_ =	shalt  }
0x6e: {  	_ =	shalt  }
0x6f: {  	_ =	shalt  }
0x70: {  	_ =	shalt  }
0x71: {  	_ =	shalt  }
0x72: {  	_ =	shalt  }
0x73: {  	_ =	shalt  }
0x74: {  	_ =	shalt  }
0x75: {  	_ =	shalt  }
0x76: {  	_ =	shalt  }
0x77: {  	_ =	shalt  }
0x78: {  	_ =	shalt  }
0x79: {  	_ =	shalt  }
0x7a: {  	_ =	shalt  }
0x7b: {  	_ =	shalt  }
0x7c: {  	_ =	shalt  }
0x7d: {  	_ =	shalt  }
0x7e: {  	_ =	shalt  }
0x7f: {  	_ =	shalt  }
0x80: {  	_ =	shalt  }
0x81: {  	_ =	shalt  }
0x82: {  	_ =	shalt  }
0x83: {  	_ =	shalt  }
0x84: {  	_ =	shalt  }
0x85: {  	_ =	shalt  }
0x86: {  	_ =	shalt  }
0x87: {  	_ =	shalt  }
.Lfunc_end0:
.L_simem_size_0:
called_computation_lowered:
.L_overlay_start_0:
0x88: {  	s2 =	sld [smem:$0x3FD9]  }
0x89: {  	s3 =	sld [smem:$0x3FFE];
	_ =	sdelay $0x1  }
0x8a: {  	s1 =	srdreg.scid  }
0x8b: {  	s0 =	sand.u32 $0x1, s1  }
0x8c: {  	s17 =	sshll.u32 s0, $0xA;
	s2 =	sadd.s32 s3, s2  }
0x8d: {  	s2 =	sadd.s32 s2, s17  }
0x8e: {  	[smem:$0x3FC2] =	sst s2  }
0x8f: {  	_ = 	snop  }
0x90: {  	s2 =	sld [smem:$0x3FD0];
	(tm) =	ssettm $0x1  }
0x91: {  	s18 =	sld [smem:$0x3FFB];
	_ =	sdelay $0x3  }
0x92: {  	_ =	strace s18  }
0x93: {  	s3 =	sld [smem:$0x3FFC];
	_ =	sdelay $0x3  }
0x94: {  	_ =	strace s3  }
0x95: {  	s3 =	sld [smem:$0x3FFD];
	_ =	sdelay $0x3  }
0x96: {  	_ =	strace s3  }
0x97: {  	_ =	strace $0x8FFFFFFF  }
0x98: {  	s19 =	sld [smem:$0x3FDB];
	_ =	sdelay $0x1  }
0x99: {  	s4 =	simm.s32 $_scs_section_size  }
0x9a: {  	s5 =	simm.s32 $_size__tile_overlayer_lowered;
	s6 =	simm.s32 $_tile_overlayer_lowered  }
0x9b: {  	s22 =	simm.s32 $0x1BFF;
	s21 =	sshll.u32 s6, $0x1;
	s3 =	sadd.s32 s4, s19  }
0x9c: {  	s7 =	simm.s32 $0x0;
	s20 =	sshll.u32 s5, $0x1;
	s5 =	sadd.s32 s21, s3  }
0x9d: {  	[timem:s7], [sflag:s22] =	dma.local [hbm:s5], s20  }
0x9e: {  	_ =	swait.ge [sflag:s22], s20  }
0x9f: {  	s4 =	ssub.s32 $0x0, s20;
	[sflag:s22] =	ssyncset.done $0x0  }
0xa0: {  	[sflag:s22] =	ssyncadd.s32 s4;
	_ =	sdelay $0x1  }
0xa1: {  	s23 =	simm.s32 $0x1B8B  }
0xa2: {  	_ =	swait.ge [sflag:s23], $0x1  }
0xa3: {  	[sflag:s23] =	ssyncset.done $0x0  }
0xa4: {  	s25 =	simm.s32 $0x1B8E;
	s24 =	sld [smem:$0x3FFE];
	[sflag:s23] =	ssyncadd.s32 $0xFFFFFFFF  }
0xa5: {  	s26 =	simm.s32 $execute0_lowered;
	[smem:$0x3FD2] =	sst s25  }
0xa6: {  	s5 =	sshll.u32 s26, $0x1;
	_ =	strace $0x80000046;
	[dreg:$0x1] =	wrdreg $0xFFFFFFFF  }
0xa7: {  	s28 =	simm.s32 $_size_execute0_lowered;
	s3 =	sadd.s32 s3, s5;
	[dreg:$0x0] =	wrdreg $0x0  }
0xa8: {  	s5 =	sshll.u32 s28, $0x1;
	[dreg:$0x2] =	wrdreg s3  }
0xa9: {  	[dreg:$0x3] =	wrdreg s5  }
0xaa: {  	[dreg:$0x4] =	wrdreg $0xC0  }
0xab: {  	_ =	task [dreg:s7], $0x5FFFF  }
0xac: {  	[dreg:$0x1] =	wrdreg $0xFFFFFFFF  }
0xad: {  	[dreg:$0x0] =	wrdreg $0x60  }
0xae: {  	[dreg:$0x2] =	wrdreg s24  }
0xaf: {  	[dreg:$0x3] =	wrdreg s2  }
0xb0: {  	[dreg:$0x4] =	wrdreg $0x42800  }
0xb1: {  	[dreg:$0x5] =	wrdreg $0x9  }
0xb2: {  	_ =	task.clear_ibuf [dreg:s7], $0x6FFFF;
	_ =	strace $0x90000046  }
0xb3: {  	s29 =	simm.s32 $0x9;
	_ =	strace $0x80000048  }
0xb4: {  	_ =	swait.ge [sflag:s29], $0x1  }
0xb5: {  	[sflag:s29] =	ssyncadd.s32 $0xFFFFFFFF  }
0xb6: {  	_ =	strace $0x90000048  }
0xb7: {  	_ =	sfence  }
0xb8: {  	s30 =	sld [smem:$0x0];
	_ =	sdelay $0x2  }
0xb9: {  	s31 =	sshll.u32 s1, $0xD;
	s1 =	sshrl.u32 s1, $0x2  }
0xba: {  	s3 =	sand.u32 $0x4000, s31;
	s1 =	sadd.s32 s1, s30  }
0xbb: {  	s0 =	sor.u32 s3, s0;
	s1 =	sshll.u32 s1, $0x11  }
0xbc: {  	s0 =	sor.u32 s1, s0  }
0xbd: {  	s0 =	sadd.s32 $0x8F2B, s0  }
0xbe: {  	[sflag:s0] =	ssyncadd.remote.s32 $0x1  }
0xbf: {  	_ =	sfence.sel $0xFFFF  }
0xc0: {  	[dreg:$0x0] =	wrdreg $0xFFFFFFFF;
	(pc) =	sbr.abs _section_cstart, $3  }
0xc1: {  	[dreg:$0x1] =	wrdreg $0xFFFFFFFF  }
0xc2: {  	_ =	task.clear_ibuf [dreg:s7], $0x2FFFF;
	_ =	strace $0x9FFFFFFF  }
0xc3: {  	(tm) =	ssettm $0x7FFFFFFF  }
tec
execute0_lowered:
.L_overlay_start_1:
0x0: {  	(tag) =	ssettag $0x1  }
0x1: {  	s5 =	rddreg [dreg:$0x0];
	v0 =	vlaneseq.u32  }
0x2: {  	s1 =	srdreg.scid;
	s6 =	rddreg [dreg:$0x1];
	v0 =	vmul.u32 $0x8, v0  }
0x3: {  	s0 =	stileid.u32;
	s2 =	rddreg [dreg:$0x2];
	s3 =	simm.s32 $0x0  }
0x4: {  	s14 =	simm.s32 $0x80;
	s15 =	simm.s32 $0x100;
	s16 =	simm.s32 $0x180;
	v1 =	vor.u32 $0x80, v0;
	v2 =	vor.u32 $0x100, v0;
	v3 =	vor.u32 $0x180, v0  }
0x5: {  	s17 =	simm.s32 $0x1;
	s18 =	simm.s32 $0x2;
	s19 =	simm.s32 $0x3;
	v4 =	vor.u32 $0x200, v0;
	v5 =	vor.u32 $0x280, v0;
	v6 =	vor.u32 $0x300, v0  }
0x6: {  	s20 =	simm.s32 $0x4;
	s21 =	simm.s32 $0x2C00;
	s22 =	simm.s32 $0x4000;
	v7 =	vor.u32 $0x380, v0;
	v8 =	vor.u32 $0x400, v0;
	v9 =	vor.u32 $0x480, v0  }
0x7: {  	s23 =	simm.s32 $0x0;
	s4 =	sand.u32 $0x1, s1;
	s9 =	smul.u32 $0x280, s0;
	v10 =	vor.u32 $0x500, v0;
	v11 =	vor.u32 $0x580, v0;
	v12 =	vor.u32 $0x600, v0  }
0x8: {  	s25 =	sshll.u32 s0, $0x1;
	[smem:$0x7FF] =	sst s3;
	s11 =	smul.u32 $0x1400, s0;
	v13 =	vor.u32 $0x680, v0;
	v14 =	vor.u32 $0x700, v0;
	v15 =	vor.u32 $0x780, v0  }
0x9: {  	s31 =	sshll.u32 s0, $0x6;
	s1 =	sor.u32 s4, s25;
	s8 =	smul.u32 $0x2800, s4;
	v16 =	vor.u32 $0x800, v0;
	v17 =	vor.u32 $0x880, v0;
	v18 =	vor.u32 $0x900, v0  }
0xa: {  	s28 =	ssub.s32 $0x2, s4;
	s4 =	sadd.s32 $0x16A00, s5;
	s7 =	smul.u32 $0x500, s1;
	v19 =	vor.u32 $0x980, v0;
	v20 =	vor.u32 $0xA00, v0;
	v21 =	vor.u32 $0xA80, v0  }
0xb: {  	s1 =	rddreg [dreg:$0x3];
	_ =	strace $0x80000047;
	s29 =	sshrl.u32 s28, $0x1;
	v22 =	vor.u32 $0xB00, v0;
	v23 =	vor.u32 $0xB80, v0;
	v24 =	vor.u32 $0xC00, v0  }
0xc: {  	s30 =	sshrl.u32 s11, $0x3;
	v25 =	vor.u32 $0xC80, v0;
	v26 =	vor.u32 $0xD00, v0;
	v27 =	vor.u32 $0xD80, v0;
	s26 =	sadd.s32 s9, s8;
	s13 =	ssub.s32 s28, s29  }
0xd: {  	v28 =	vor.u32 $0xE00, v0;
	v29 =	vor.u32 $0xE80, v0;
	v30 =	vor.u32 $0xF00, v0;
	s6 =	sadd.s32 s6, s30;
	s10 =	sadd.s32 s7, s5;
	s7 =	sshrl.u32 s26, $0x3  }
0xe: {  	v31 =	vor.u32 $0xF80, v0;
	v32 =	vor.u32 $0x1000, v0;
	v33 =	vor.u32 $0x1080, v0;
	s12 =	sadd.s32 s7, s5;
	s5 =	sadd.s32 s11, s2;
	s7 =	sor.u32 $0x1C05, s31  }
0xf: {  	v34 =	vor.u32 $0x1100, v0;
	v35 =	vor.u32 $0x1180, v0;
	v36 =	vor.u32 $0x1200, v0;
	s8 =	sadd.s32 $0x2A00, s10;
	s10 =	smax.u32 s13, $0x1;
	s13 =	simm.s32 $0x2800  }
0x10: {  	v37 =	vor.u32 $0x1280, v0;
	v38 =	vor.u32 $0x1300, v0;
	v39 =	vor.u32 $0x1380, v0;
	s9 =	sadd.s32 $0x16C00, s12;
	s11 =	sshrl.u32 s5, $0x3;
	s12 =	simm.s32 $0x5  }
.LBB2_1:
0x11: {  	[spmem:s11], [sflag:s7] =	dma.local [hbm:s6], $0x280  }
0x12: {  	_ =	swait.ge [sflag:s12], $0x280  }
0x13: {  	[sflag:s12] =	ssyncset.done $0x0  }
0x14: {  	[sflag:s12] =	ssyncadd.s32 $0xFFFFFD80  }
0x15: {  	[tilespmem:s3], [sflag:$0x5] =	stream.linear.gather [hbm4b:s8+s3], $0x2800, $0x38;
	[tilespmem:$0x5680] =	vst v63  }
0x16: {  	_ =	swait.ge [sflag:s12], $0x2800  }
0x17: {  	[sflag:s12] =	ssyncset.done $0x0  }
0x18: {  	[sflag:s12] =	ssyncadd.s32 $0xFFFFD800  }
0x19: {  	[tilespmem:s13], [sflag:$0x5] =	stream.linear.gather [hbm4b:s4+s3], $0x400, $0x38;
	[tilespmem:$0x5680] =	vst v63  }
0x1a: {  	_ =	swait.ge [sflag:s12], $0x400  }
0x1b: {  	[sflag:s12] =	ssyncset.done $0x0  }
0x1c: {  	[sflag:s12] =	ssyncadd.s32 $0xFFFFFC00  }
0x1d: {  	[bflag:$0x0] =	sbarrier.arrive $0xFFFF  }
0x1e: {  	[spmem:s2] =	stream.indirect.scatter.add.f32 [tilespmem:s13], [sflag:$0x1], $0x8, s3, s14, $0xb8;
	[tilespmem:$0x5680] =	vst v63  }
0x1f: {  	_ = 	snop  }
0x20: {  	[spmem:s2] =	stream.indirect.scatter.add.f32 [tilespmem:s13], [sflag:$0x2], $0x8, s14, s14, $0xb8;
	[tilespmem:$0x5680] =	vst v63  }
0x21: {  	_ = 	snop  }
0x22: {  	[spmem:s2] =	stream.indirect.scatter.add.f32 [tilespmem:s13], [sflag:$0x3], $0x8, s15, s14, $0xb8;
	[tilespmem:$0x5680] =	vst v63  }
0x23: {  	_ = 	snop  }
0x24: {  	[spmem:s2] =	stream.indirect.scatter.add.f32 [tilespmem:s13], [sflag:$0x4], $0x8, s16, s14, $0xb8;
	[tilespmem:$0x5680] =	vst v63  }
0x25: {  	_ =	swait.ge [sflag:s17], $0x400  }
0x26: {  	[sflag:s17] =	ssyncset.done $0x0  }
0x27: {  	s24 =	simm.s32 $0x200;
	[sflag:s17] =	ssyncadd.s32 $0xFFFFFC00  }
0x28: {  	[spmem:s2] =	stream.indirect.scatter.add.f32 [tilespmem:s13], [sflag:$0x1], $0x8, s24, s14, $0xb8;
	[tilespmem:$0x5680] =	vst v63  }
0x29: {  	_ =	swait.ge [sflag:s18], $0x400  }
0x2a: {  	[sflag:s18] =	ssyncset.done $0x0  }
0x2b: {  	s30 =	simm.s32 $0x280;
	[sflag:s18] =	ssyncadd.s32 $0xFFFFFC00  }
0x2c: {  	[spmem:s2] =	stream.indirect.scatter.add.f32 [tilespmem:s13], [sflag:$0x2], $0x8, s30, s14, $0xb8;
	[tilespmem:$0x5680] =	vst v63  }
0x2d: {  	_ =	swait.ge [sflag:s19], $0x400  }
0x2e: {  	[sflag:s19] =	ssyncset.done $0x0  }
0x2f: {  	s31 =	simm.s32 $0x300;
	[sflag:s19] =	ssyncadd.s32 $0xFFFFFC00  }
0x30: {  	[spmem:s2] =	stream.indirect.scatter.add.f32 [tilespmem:s13], [sflag:$0x3], $0x8, s31, s14, $0xb8;
	[tilespmem:$0x5680] =	vst v63  }
0x31: {  	_ =	swait.ge [sflag:s20], $0x400  }
0x32: {  	[sflag:s20] =	ssyncset.done $0x0  }
0x33: {  	s25 =	simm.s32 $0x380;
	s24 =	simm.s32 $0xFFFF7000;
	[sflag:s20] =	ssyncadd.s32 $0xFFFFFC00  }
.LBB2_2:
0x34: {  	[spmem:s2] =	stream.indirect.scatter.add.f32 [tilespmem:s13], [sflag:$0x4], $0x8, s25, s14, $0xb8;
	[tilespmem:$0x5680] =	vst v63  }
0x35: {  	s25 =	smov.u32 s24  }
0x36: {  	p0 =	sne.s32 s24, $0xFFFFF800;
	s24 =	sadd.s32 $0x800, s24;
	_ =	swait.ge [sflag:s17], $0x400  }
0x37: {  	s25 =	sshra.s32 s25, $0x2;
	[sflag:s17] =	ssyncset.done $0x0  }
0x38: {  	s26 =	sadd.s32 $0x2800, s25;
	[sflag:s17] =	ssyncadd.s32 $0xFFFFFC00  }
0x39: {  	[spmem:s2] =	stream.indirect.scatter.add.f32 [tilespmem:s13], [sflag:$0x1], $0x8, s26, s14, $0xb8;
	[tilespmem:$0x5680] =	vst v63  }
0x3a: {  	_ =	swait.ge [sflag:s18], $0x400  }
0x3b: {  	[sflag:s18] =	ssyncset.done $0x0  }
0x3c: {  	s26 =	sadd.s32 $0x2880, s25;
	[sflag:s18] =	ssyncadd.s32 $0xFFFFFC00  }
0x3d: {  	[spmem:s2] =	stream.indirect.scatter.add.f32 [tilespmem:s13], [sflag:$0x2], $0x8, s26, s14, $0xb8;
	[tilespmem:$0x5680] =	vst v63  }
0x3e: {  	_ =	swait.ge [sflag:s19], $0x400  }
0x3f: {  	[sflag:s19] =	ssyncset.done $0x0  }
.Ltmp0:
0x40: {  	s26 =	sadd.s32 $0x2900, s25;
	[sflag:s19] =	ssyncadd.s32 $0xFFFFFC00;
	(pc) =	sbr.rel @p0 .LBB2_2-.Ltmp0, $4  }
0x41: {  	[spmem:s2] =	stream.indirect.scatter.add.f32 [tilespmem:s13], [sflag:$0x3], $0x8, s26, s14, $0xb8;
	[tilespmem:$0x5680] =	vst v63  }
0x42: {  	_ =	swait.ge [sflag:s20], $0x400  }
0x43: {  	[sflag:s20] =	ssyncset.done $0x0  }
0x44: {  	s25 =	sadd.s32 $0x2980, s25;
	[sflag:s20] =	ssyncadd.s32 $0xFFFFFC00  }
0x45: {  	[spmem:s2] =	stream.indirect.scatter.add.f32 [tilespmem:s13], [sflag:$0x4], $0x8, s25, s14, $0xb8;
	[tilespmem:$0x5680] =	vst v63  }
0x46: {  	_ =	swait.ge [sflag:s17], $0x400  }
0x47: {  	[sflag:s17] =	ssyncset.done $0x0  }
0x48: {  	[sflag:s17] =	ssyncadd.s32 $0xFFFFFC00  }
0x49: {  	_ =	swait.ge [sflag:s18], $0x400  }
0x4a: {  	[sflag:s18] =	ssyncset.done $0x0  }
0x4b: {  	[sflag:s18] =	ssyncadd.s32 $0xFFFFFC00  }
0x4c: {  	_ =	swait.ge [sflag:s19], $0x400  }
0x4d: {  	[sflag:s19] =	ssyncset.done $0x0  }
0x4e: {  	[sflag:s19] =	ssyncadd.s32 $0xFFFFFC00  }
0x4f: {  	_ =	swait.ge [sflag:s20], $0x400  }
0x50: {  	[sflag:s20] =	ssyncset.done $0x0  }
0x51: {  	[sflag:s20] =	ssyncadd.s32 $0xFFFFFC00  }
0x52: {  	[bflag:$0x0] =	sbarrier.arrive $0xFFFF  }
0x53: {  	[tilespmem:s21], [sflag:$0x5] =	stream.linear.gather [spmem:s5], $0x1400, $0x38;
	[tilespmem:$0x5680] =	vst v63  }
0x54: {  	_ =	swait.ge [sflag:s12], $0x1400  }
0x55: {  	[sflag:s12] =	ssyncset.done $0x0  }
0x56: {  	[sflag:s12] =	ssyncadd.s32 $0xFFFFEC00  }
0x57: {  	v40 =	vld.idx.msk [tilespmem:v0+s21+$0x0], $0xffff;
	_ =	sdelay $0x4  }
0x58: {  	[tilespmem:$0x4000] =	vst v40  }
0x59: {  	v40 =	vld.idx.msk [tilespmem:v1+s21+$0x0], $0xffff;
	_ =	sdelay $0x4  }
0x5a: {  	[tilespmem:$0x4010] =	vst v40  }
0x5b: {  	v40 =	vld.idx.msk [tilespmem:v2+s21+$0x0], $0xffff;
	_ =	sdelay $0x4  }
0x5c: {  	[tilespmem:$0x4020] =	vst v40  }
0x5d: {  	v40 =	vld.idx.msk [tilespmem:v3+s21+$0x0], $0xffff;
	_ =	sdelay $0x4  }
0x5e: {  	[tilespmem:$0x4030] =	vst v40  }
0x5f: {  	v40 =	vld.idx.msk [tilespmem:v4+s21+$0x0], $0xffff;
	_ =	sdelay $0x4  }
0x60: {  	[tilespmem:$0x4040] =	vst v40  }
0x61: {  	v40 =	vld.idx.msk [tilespmem:v5+s21+$0x0], $0xffff;
	_ =	sdelay $0x4  }
0x62: {  	[tilespmem:$0x4050] =	vst v40  }
0x63: {  	v40 =	vld.idx.msk [tilespmem:v6+s21+$0x0], $0xffff;
	_ =	sdelay $0x4  }
0x64: {  	[tilespmem:$0x4060] =	vst v40  }
0x65: {  	v40 =	vld.idx.msk [tilespmem:v7+s21+$0x0], $0xffff;
	_ =	sdelay $0x4  }
0x66: {  	[tilespmem:$0x4070] =	vst v40  }
0x67: {  	v40 =	vld.idx.msk [tilespmem:v8+s21+$0x0], $0xffff;
	_ =	sdelay $0x4  }
0x68: {  	[tilespmem:$0x4080] =	vst v40  }
0x69: {  	v40 =	vld.idx.msk [tilespmem:v9+s21+$0x0], $0xffff;
	_ =	sdelay $0x4  }
0x6a: {  	[tilespmem:$0x4090] =	vst v40  }
0x6b: {  	v40 =	vld.idx.msk [tilespmem:v10+s21+$0x0], $0xffff;
	_ =	sdelay $0x4  }
0x6c: {  	[tilespmem:$0x40A0] =	vst v40  }
0x6d: {  	v40 =	vld.idx.msk [tilespmem:v11+s21+$0x0], $0xffff;
	_ =	sdelay $0x4  }
0x6e: {  	[tilespmem:$0x40B0] =	vst v40  }
0x6f: {  	v40 =	vld.idx.msk [tilespmem:v12+s21+$0x0], $0xffff;
	_ =	sdelay $0x4  }
0x70: {  	[tilespmem:$0x40C0] =	vst v40  }
0x71: {  	v40 =	vld.idx.msk [tilespmem:v13+s21+$0x0], $0xffff;
	_ =	sdelay $0x4  }
0x72: {  	[tilespmem:$0x40D0] =	vst v40  }
0x73: {  	v40 =	vld.idx.msk [tilespmem:v14+s21+$0x0], $0xffff;
	_ =	sdelay $0x4  }
0x74: {  	[tilespmem:$0x40E0] =	vst v40  }
0x75: {  	v40 =	vld.idx.msk [tilespmem:v15+s21+$0x0], $0xffff;
	_ =	sdelay $0x4  }
0x76: {  	[tilespmem:$0x40F0] =	vst v40  }
0x77: {  	v40 =	vld.idx.msk [tilespmem:v16+s21+$0x0], $0xffff;
	_ =	sdelay $0x4  }
0x78: {  	[tilespmem:$0x4100] =	vst v40  }
0x79: {  	v40 =	vld.idx.msk [tilespmem:v17+s21+$0x0], $0xffff;
	_ =	sdelay $0x4  }
0x7a: {  	[tilespmem:$0x4110] =	vst v40  }
0x7b: {  	v40 =	vld.idx.msk [tilespmem:v18+s21+$0x0], $0xffff;
	_ =	sdelay $0x4  }
0x7c: {  	[tilespmem:$0x4120] =	vst v40  }
0x7d: {  	v40 =	vld.idx.msk [tilespmem:v19+s21+$0x0], $0xffff;
	_ =	sdelay $0x4  }
0x7e: {  	[tilespmem:$0x4130] =	vst v40  }
0x7f: {  	v40 =	vld.idx.msk [tilespmem:v20+s21+$0x0], $0xffff;
	_ =	sdelay $0x4  }
0x80: {  	[tilespmem:$0x4140] =	vst v40  }
0x81: {  	v40 =	vld.idx.msk [tilespmem:v21+s21+$0x0], $0xffff;
	_ =	sdelay $0x4  }
0x82: {  	[tilespmem:$0x4150] =	vst v40  }
0x83: {  	v40 =	vld.idx.msk [tilespmem:v22+s21+$0x0], $0xffff;
	_ =	sdelay $0x4  }
0x84: {  	[tilespmem:$0x4160] =	vst v40  }
0x85: {  	v40 =	vld.idx.msk [tilespmem:v23+s21+$0x0], $0xffff;
	_ =	sdelay $0x4  }
0x86: {  	[tilespmem:$0x4170] =	vst v40  }
0x87: {  	v40 =	vld.idx.msk [tilespmem:v24+s21+$0x0], $0xffff;
	_ =	sdelay $0x4  }
0x88: {  	[tilespmem:$0x4180] =	vst v40  }
0x89: {  	v40 =	vld.idx.msk [tilespmem:v25+s21+$0x0], $0xffff;
	_ =	sdelay $0x4  }
0x8a: {  	[tilespmem:$0x4190] =	vst v40  }
0x8b: {  	v40 =	vld.idx.msk [tilespmem:v26+s21+$0x0], $0xffff;
	_ =	sdelay $0x4  }
0x8c: {  	[tilespmem:$0x41A0] =	vst v40  }
0x8d: {  	v40 =	vld.idx.msk [tilespmem:v27+s21+$0x0], $0xffff;
	_ =	sdelay $0x4  }
0x8e: {  	[tilespmem:$0x41B0] =	vst v40  }
0x8f: {  	v40 =	vld.idx.msk [tilespmem:v28+s21+$0x0], $0xffff;
	_ =	sdelay $0x4  }
0x90: {  	[tilespmem:$0x41C0] =	vst v40  }
0x91: {  	v40 =	vld.idx.msk [tilespmem:v29+s21+$0x0], $0xffff;
	_ =	sdelay $0x4  }
0x92: {  	[tilespmem:$0x41D0] =	vst v40  }
0x93: {  	v40 =	vld.idx.msk [tilespmem:v30+s21+$0x0], $0xffff;
	_ =	sdelay $0x4  }
0x94: {  	[tilespmem:$0x41E0] =	vst v40  }
0x95: {  	v40 =	vld.idx.msk [tilespmem:v31+s21+$0x0], $0xffff;
	_ =	sdelay $0x4  }
0x96: {  	[tilespmem:$0x41F0] =	vst v40  }
0x97: {  	v40 =	vld.idx.msk [tilespmem:v32+s21+$0x0], $0xffff;
	_ =	sdelay $0x4  }
0x98: {  	[tilespmem:$0x4200] =	vst v40  }
0x99: {  	v40 =	vld.idx.msk [tilespmem:v33+s21+$0x0], $0xffff;
	_ =	sdelay $0x4  }
0x9a: {  	[tilespmem:$0x4210] =	vst v40  }
0x9b: {  	v40 =	vld.idx.msk [tilespmem:v34+s21+$0x0], $0xffff;
	_ =	sdelay $0x4  }
0x9c: {  	[tilespmem:$0x4220] =	vst v40  }
0x9d: {  	v40 =	vld.idx.msk [tilespmem:v35+s21+$0x0], $0xffff;
	_ =	sdelay $0x4  }
0x9e: {  	[tilespmem:$0x4230] =	vst v40  }
0x9f: {  	v40 =	vld.idx.msk [tilespmem:v36+s21+$0x0], $0xffff;
	_ =	sdelay $0x4  }
0xa0: {  	[tilespmem:$0x4240] =	vst v40  }
0xa1: {  	v40 =	vld.idx.msk [tilespmem:v37+s21+$0x0], $0xffff;
	_ =	sdelay $0x4  }
0xa2: {  	[tilespmem:$0x4250] =	vst v40  }
0xa3: {  	v40 =	vld.idx.msk [tilespmem:v38+s21+$0x0], $0xffff;
	_ =	sdelay $0x4  }
0xa4: {  	[tilespmem:$0x4260] =	vst v40  }
0xa5: {  	v40 =	vld.idx.msk [tilespmem:v39+s21+$0x0], $0xffff;
	_ =	sdelay $0x2  }
0xa6: {  	s23 =	sadd.s32 $0x1, s23  }
0xa7: {  	p0 =	sne.s32 s23, s10  }
.Ltmp1:
0xa8: {  	[tilespmem:$0x4270] =	vst v40;
	(pc) =	sbr.rel @p0 .LBB2_1-.Ltmp1, $4  }
0xa9: {  	[hbm4b:s9+s3] =	stream.linear.scatter [tilespmem:s22], [sflag:$0x5], $0x280, $0x38;
	[tilespmem:$0x5680] =	vst v63  }
0xaa: {  	_ =	swait.ge [sflag:s12], $0x280  }
0xab: {  	[sflag:s12] =	ssyncset.done $0x0  }
0xac: {  	[sflag:s12] =	ssyncadd.s32 $0xFFFFFD80  }
0xad: {  	_ =	sfence.sel $0x180000  }
0xae: {  	[bflag:$0x0] =	sbarrier.arrive $0xFFFF  }
0xaf: {  	p0 =	sne.s32 s0, $0x0;
	_ =	strace $0x90000047  }
0xb0: {  	s0 =	sadd.s32 @!p0 $0x100000, s1;
	[bflag:$0x2] =	sbarrier.arrive $0xFFFF  }
0xb1: {  	[sflag:s0] =	ssyncadd.tile.s32 @!p0 $0x1;
	_ =	shalt  }
.Lfunc_end2:
_tile_overlayer_lowered:
.L_overlay_start_2:
0xb2: {  	(tag) =	ssettag $0x2  }
0xb3: {  	s0 =	rddreg [dreg:$0x0];
	s2 =	stileid.u32  }
0xb4: {  	s1 =	rddreg [dreg:$0x1];
	p0 =	sne.s32 s2, $0x0  }
0xb5: {  	s3 =	rddreg [dreg:$0x2];
	[bflag:$0x3] =	sbarrier.arrive $0xFFFF;
	s2 =	simm.s32 @!p0 $0x1C05  }
0xb6: {  	[timem:s3], [sflag:s2] =	dma.local @!p0 [hbm:s0], s1  }
0xb7: {  	s0 =	simm.s32 @!p0 $0x5  }
0xb8: {  	_ =	swait.ge @!p0 [sflag:s0], s1  }
0xb9: {  	s1 =	ssub.s32 @!p0 $0x0, s1;
	[sflag:s0] =	ssyncset.done @!p0 $0x0  }
0xba: {  	[sflag:s0] =	ssyncadd.s32 @!p0 s1  }
0xbb: {  	[bflag:$0x3] =	sbarrier.arrive $0xFFFF  }
0xbc: {  	_ =	shalt  }

</sc_bundles>
